<compile_context>
chip_gen: v7x
topology: tpu7x:2x2x1
jax: 0.10.2.dev20260603
libtpu: 0.0.44.dev20260713+nightly
codegen_flags: <defaults>
</compile_context>

<pallas_src>
import functools

import jax
import jax.numpy as jnp
from jax import lax
from jax.experimental import pallas as pl
from jax.experimental.pallas import tpu as pltpu
from jax.experimental.pallas import tpu_sc as plsc

NC = 2
NS = 16
NW = NC * NS
L = 16
CH = 128


def _ceil_to(a: int, m: int) -> int:
    return (a + m - 1) // m * m


def _deg_kernel(N, Np, EPW):
    mesh = plsc.VectorSubcoreMesh(core_axis_name="c", subcore_axis_name="s")

    @functools.partial(
        pl.kernel,
        out_type=jax.ShapeDtypeStruct((NW, Np), jnp.float32),
        mesh=mesh,
        scratch_types=[
            pltpu.VMEM((EPW,), jnp.int32),
            pltpu.VMEM((Np,), jnp.float32),
        ],
        compiler_params=pltpu.CompilerParams(needs_layout_passes=False),
    )
    def deg_k(dst_hbm, out_hbm, dstv, degv):
        cid = lax.axis_index("c")
        sid = lax.axis_index("s")
        wid = sid * NC + cid
        pltpu.sync_copy(dst_hbm.at[wid], dstv)
        zl = jnp.zeros((L,), jnp.float32)

        def zbody(j, carry):
            for i in range(8):
                degv[pl.ds((j * 8 + i) * L, L)] = zl
            return carry

        lax.fori_loop(0, Np // (8 * L), zbody, 0)
        ones = jnp.ones((L,), jnp.float32)

        def body(j, carry):
            for i in range(8):
                idx = dstv[pl.ds((j * 8 + i) * L, L)]
                plsc.addupdate_scatter(degv, [idx], ones)
            return carry

        lax.fori_loop(0, EPW // (8 * L), body, 0)
        pltpu.sync_copy(degv, out_hbm.at[wid])

    return deg_k


def _scatter_kernel(N, OUT, Np, NJ, G):
    mesh = plsc.VectorSubcoreMesh(core_axis_name="c", subcore_axis_name="s")
    rpt = Np // NS
    NG = NJ // G

    @functools.partial(
        pl.kernel,
        out_type=jax.ShapeDtypeStruct((NC, Np, OUT), jnp.float32),
        mesh=mesh,
        scratch_types=[
            pltpu.VMEM((NJ, CH), jnp.int32),
            pltpu.VMEM((NJ, CH), jnp.int32),
            pltpu.VMEM((2, G, CH, OUT), jnp.float32),
            pltpu.VMEM((rpt, OUT), jnp.float32),
            pltpu.VMEM_SHARED((Np, OUT), jnp.float32),
            pltpu.VMEM_SHARED((Np, OUT), jnp.float32),
            pltpu.SemaphoreType.DMA,
            pltpu.SemaphoreType.DMA,
        ],
        compiler_params=pltpu.CompilerParams(use_tc_tiling_on_sc=False),
    )
    def sc2(g_hbm, src_hbm, dst_hbm, out_hbm, srcv, dstv, rows, zbuf, acc,
            g_sp, gsem, ssem):
        cid = lax.axis_index("c")
        sid = lax.axis_index("s")
        wid = sid * NC + cid
        pltpu.sync_copy(src_hbm.at[wid], srcv)
        pltpu.sync_copy(dst_hbm.at[wid], dstv)
        zrow = jnp.zeros((OUT,), jnp.float32)

        def zbody(j, carry):
            for i in range(8):
                zbuf[j * 8 + i, :] = zrow
            return carry

        lax.fori_loop(0, rpt // 8, zbody, 0)
        pltpu.sync_copy(zbuf, acc.at[pl.ds(sid * rpt, rpt)])
        pltpu.sync_copy(
            g_hbm.at[pl.ds(sid * rpt, rpt)], g_sp.at[pl.ds(sid * rpt, rpt)]
        )
        plsc.subcore_barrier()

        def _fire_gathers(n, bank):
            for i in range(G):
                j = n * G + i
                pltpu.async_copy(g_sp.at[srcv.at[j]], rows.at[bank, i], gsem)

        def _fire_scatters(n, bank):
            for i in range(G):
                j = n * G + i
                pltpu.async_copy(
                    rows.at[bank, i], acc.at[dstv.at[j]], ssem, add=True
                )

        def _drain(sem, k):
            for _ in range(k):
                pltpu.make_async_copy(
                    g_hbm.at[srcv.at[0]], rows.at[0, 0], sem
                ).wait()

        for n in range(2):
            _fire_gathers(n, n)
            _drain(gsem, G)
            _fire_scatters(n, n)

        def body(n, carry):
            bank = n % 2
            _drain(ssem, G)
            _fire_gathers(n, bank)
            _drain(gsem, G)
            _fire_scatters(n, bank)
            return carry

        lax.fori_loop(2, NG, body, 0)
        _drain(ssem, 2 * G)
        plsc.subcore_barrier()
        pltpu.sync_copy(
            acc.at[pl.ds(sid * rpt, rpt)], out_hbm.at[cid, pl.ds(sid * rpt, rpt)]
        )

    return sc2


def _tc_prep(N, IN, OUT):
    def body(x_ref, w_ref, degp_ref, g_ref, dinv_ref):
        h = lax.dot_general(
            x_ref[...], w_ref[...], (((1,), (1,)), ((), ())),
            preferred_element_type=jnp.float32,
        )
        deg = jnp.sum(degp_ref[:, :N], axis=0) + 1.0
        dinv = lax.rsqrt(deg)
        g_ref[...] = h * dinv[:, None]
        dinv_ref[...] = dinv

    return pl.pallas_call(
        body,
        out_shape=[
            jax.ShapeDtypeStruct((N, OUT), jnp.float32),
            jax.ShapeDtypeStruct((N,), jnp.float32),
        ],
    )


def _tc_final(N, OUT):
    def body(accp_ref, g_ref, dinv_ref, b_ref, o_ref):
        s = jnp.sum(accp_ref[:, :N, :], axis=0) + g_ref[...]
        o_ref[...] = jnp.maximum(
            s * dinv_ref[...][:, None] + b_ref[...][None, :], 0.0
        )

    return pl.pallas_call(
        body, out_shape=jax.ShapeDtypeStruct((N, OUT), jnp.float32)
    )


def kernel(x, edge_index, W, b):
    N, IN = x.shape
    OUT = W.shape[0]
    E = edge_index.shape[1]

    G = 16
    NJ = _ceil_to(-(-E // (NW * CH)), 2 * G)
    EPW = NJ * CH
    Epad = NW * EPW
    Np = _ceil_to(N + 1, 8 * NS)

    padn = Epad - E
    src = jnp.concatenate(
        [edge_index[0], jnp.zeros((padn,), jnp.int32)]
    )
    dst = jnp.concatenate(
        [edge_index[1], jnp.full((padn,), N, jnp.int32)]
    )
    src3 = src.reshape(NW, NJ, CH)
    dst3 = dst.reshape(NW, NJ, CH)
    dst2 = dst.reshape(NW, EPW)

    degP = _deg_kernel(N, Np, EPW)(dst2)
    g, dinv = _tc_prep(N, IN, OUT)(x, W, degP)
    accP = _scatter_kernel(N, OUT, Np, NJ, G)(g, src3, dst3)
    return _tc_final(N, OUT)(accP, g, dinv, b)

# --- scband reference (transcript-rebuilt; emitter-appended) ---
"""Pipeline reference for scband-gnn-18562848653544 (READ-ONLY COPY).

The authoritative reference and input builder live on the scoring server;
editing this copy changes nothing except your own understanding.
"""

import jax, jax.numpy as jnp
import numpy as np

N = 10000
E = 320000
IN_DIM = 128
OUT_DIM = 16


def setup_inputs(seed: int = 0) -> dict:
    key = jax.random.key(seed)
    k1, k2, k3 = jax.random.split(key, 3)
    x = jax.random.normal(k1, (N, IN_DIM), dtype=jnp.float32)
    edge_index = jax.random.randint(k2, (2, E), 0, N, dtype=jnp.int32)
    # GCNConv params: lin = Linear(IN_DIM, OUT_DIM, bias=False), separate bias param
    W = jax.random.normal(k3, (OUT_DIM, IN_DIM), dtype=jnp.float32) * 0.05
    b = jnp.zeros((OUT_DIM,), dtype=jnp.float32)
    return {"x": x, "edge_index": edge_index, "W": W, "b": b}


def reference(x, edge_index, W, b):
    # GCNConv (PyG semantics): linear transform, then symmetric-normalized
    # propagation with self-loops, then bias; followed by relu (module forward).
    h = x @ W.T  # [N, OUT_DIM]
    loop = jnp.arange(N, dtype=edge_index.dtype)
    src = jnp.concatenate([edge_index[0], loop])  # message sources
    dst = jnp.concatenate([edge_index[1], loop])  # aggregation targets
    ew = jnp.ones(src.shape[0], dtype=x.dtype)
    deg = jnp.zeros((N,), dtype=x.dtype).at[dst].add(ew)
    dinv = jnp.where(deg > 0, jax.lax.rsqrt(deg), 0.0)
    norm = dinv[src] * dinv[dst]  # [E + N]
    msg = h[src] * norm[:, None]  # gather (memory-bound)
    out = jnp.zeros((N, OUT_DIM), dtype=x.dtype).at[dst].add(msg)  # scatter-add
    out = out + b
    return jax.nn.relu(out)

if __name__ == "__main__":
    import jax
    _d = setup_inputs()
    print(jax.jit(kernel)(*tuple(_d.values())))

</pallas_src>

<mosaic_0001>
#map = affine_map<(d0, d1) -> (0, 0)>
#map1 = affine_map<(d0, d1) -> (0, 0, 0)>
module attributes {stable_mosaic.version = 14 : i64} {
  func.func @sc2(%arg0: i32, %arg1: i32, %arg2: memref<10000x16xf32, #tpu.memory_space<hbm>>, %arg3: memref<32x96x128xi32, #tpu.memory_space<hbm>>, %arg4: memref<32x96x128xi32, #tpu.memory_space<hbm>>, %arg5: memref<2x10112x16xf32, #tpu.memory_space<hbm>>, %arg6: memref<96x128xi32, #tpu.memory_space<vmem>>, %arg7: memref<96x128xi32, #tpu.memory_space<vmem>>, %arg8: memref<2x16x128x16xf32, #tpu.memory_space<vmem>>, %arg9: memref<632x16xf32, #tpu.memory_space<vmem>>, %arg10: memref<10112x16xf32, #tpu.memory_space<vmem_shared>>, %arg11: memref<10112x16xf32, #tpu.memory_space<vmem_shared>>, %arg12: memref<!tpu.dma_semaphore, #tpu.memory_space<semaphore_mem>>, %arg13: memref<!tpu.dma_semaphore, #tpu.memory_space<semaphore_mem>>) attributes {dimension_semantics = [#tpu.dimension_semantics<core_parallel>, #tpu.dimension_semantics<subcore_parallel>], iteration_bounds = array<i64: 2, 16>, scalar_prefetch = 0 : i64, scratch_operands = 8 : i64, tpu.core_type = #tpu.core_type<sc_vector_subcore>, window_params = [{transform_indices = #map}, {transform_indices = #map1}, {transform_indices = #map1}, {transform_indices = #map1}]} {
    %mul3A = arith.constant 2 : i32
    %mul3A_0 = arith.muli %arg1, %mul3A : i32
    %add3A = arith.addi %mul3A_0, %arg0 : i32
    "tpu.region"() ({
      %run_scoped3A = tpu.sem_alloc : memref<!tpu.dma_semaphore, #tpu.memory_space<semaphore_mem>>
      %dma_start3A_1686 = arith.constant 0 : i32
      %dma_start3A_1687 = arith.constant 0 : i32
      %dma_start3A_1688 = tpu.memref_slice %arg3[%add3A, %dma_start3A_1686, %dma_start3A_1687] : memref<32x96x128xi32, #tpu.memory_space<hbm>> -> memref<1x96x128xi32, #tpu.memory_space<hbm>>
      %dma_start3A_1689 = tpu.memref_squeeze %dma_start3A_1688 : memref<1x96x128xi32, #tpu.memory_space<hbm>> -> memref<96x128xi32, #tpu.memory_space<hbm>>
      %dma_start3A_1690 = arith.constant 0 : i32
      %dma_start3A_1691 = arith.constant 0 : i32
      %dma_start3A_1692 = tpu.memref_slice %arg3[%add3A, %dma_start3A_1690, %dma_start3A_1691] : memref<32x96x128xi32, #tpu.memory_space<hbm>> -> memref<1x96x128xi32, #tpu.memory_space<hbm>>
      %dma_start3A_1693 = tpu.memref_squeeze %dma_start3A_1692 : memref<1x96x128xi32, #tpu.memory_space<hbm>> -> memref<96x128xi32, #tpu.memory_space<hbm>>
      tpu.enqueue_dma source(%dma_start3A_1693 : memref<96x128xi32, #tpu.memory_space<hbm>>) target(%arg6 : memref<96x128xi32, #tpu.memory_space<vmem>>) target_semaphore(%run_scoped3A : memref<!tpu.dma_semaphore, #tpu.memory_space<semaphore_mem>>)
      %dma_wait3A_1694 = arith.constant 0 : i32
      %dma_wait3A_1695 = arith.constant 0 : i32
      %dma_wait3A_1696 = tpu.memref_slice %arg3[%add3A, %dma_wait3A_1694, %dma_wait3A_1695] : memref<32x96x128xi32, #tpu.memory_space<hbm>> -> memref<1x96x128xi32, #tpu.memory_space<hbm>>
      %dma_wait3A_1697 = tpu.memref_squeeze %dma_wait3A_1696 : memref<1x96x128xi32, #tpu.memory_space<hbm>> -> memref<96x128xi32, #tpu.memory_space<hbm>>
      %dma_wait3A_1698 = arith.constant 0 : i32
      %dma_wait3A_1699 = arith.constant 0 : i32
      %dma_wait3A_1700 = tpu.memref_slice %arg3[%add3A, %dma_wait3A_1698, %dma_wait3A_1699] : memref<32x96x128xi32, #tpu.memory_space<hbm>> -> memref<1x96x128xi32, #tpu.memory_space<hbm>>
      %dma_wait3A_1701 = tpu.memref_squeeze %dma_wait3A_1700 : memref<1x96x128xi32, #tpu.memory_space<hbm>> -> memref<96x128xi32, #tpu.memory_space<hbm>>
      tpu.wait_dma2 semaphore(%run_scoped3A : memref<!tpu.dma_semaphore, #tpu.memory_space<semaphore_mem>>) src(%dma_wait3A_1701 : memref<96x128xi32, #tpu.memory_space<hbm>>) dst(%arg6 : memref<96x128xi32, #tpu.memory_space<vmem>>)
      tpu.yield
    }) : () -> ()
    "tpu.region"() ({
      %run_scoped3A = tpu.sem_alloc : memref<!tpu.dma_semaphore, #tpu.memory_space<semaphore_mem>>
      %dma_start3A_1686 = arith.constant 0 : i32
      %dma_start3A_1687 = arith.constant 0 : i32
      %dma_start3A_1688 = tpu.memref_slice %arg4[%add3A, %dma_start3A_1686, %dma_start3A_1687] : memref<32x96x128xi32, #tpu.memory_space<hbm>> -> memref<1x96x128xi32, #tpu.memory_space<hbm>>
      %dma_start3A_1689 = tpu.memref_squeeze %dma_start3A_1688 : memref<1x96x128xi32, #tpu.memory_space<hbm>> -> memref<96x128xi32, #tpu.memory_space<hbm>>
      %dma_start3A_1690 = arith.constant 0 : i32
      %dma_start3A_1691 = arith.constant 0 : i32
      %dma_start3A_1692 = tpu.memref_slice %arg4[%add3A, %dma_start3A_1690, %dma_start3A_1691] : memref<32x96x128xi32, #tpu.memory_space<hbm>> -> memref<1x96x128xi32, #tpu.memory_space<hbm>>
      %dma_start3A_1693 = tpu.memref_squeeze %dma_start3A_1692 : memref<1x96x128xi32, #tpu.memory_space<hbm>> -> memref<96x128xi32, #tpu.memory_space<hbm>>
      tpu.enqueue_dma source(%dma_start3A_1693 : memref<96x128xi32, #tpu.memory_space<hbm>>) target(%arg7 : memref<96x128xi32, #tpu.memory_space<vmem>>) target_semaphore(%run_scoped3A : memref<!tpu.dma_semaphore, #tpu.memory_space<semaphore_mem>>)
      %dma_wait3A_1694 = arith.constant 0 : i32
      %dma_wait3A_1695 = arith.constant 0 : i32
      %dma_wait3A_1696 = tpu.memref_slice %arg4[%add3A, %dma_wait3A_1694, %dma_wait3A_1695] : memref<32x96x128xi32, #tpu.memory_space<hbm>> -> memref<1x96x128xi32, #tpu.memory_space<hbm>>
      %dma_wait3A_1697 = tpu.memref_squeeze %dma_wait3A_1696 : memref<1x96x128xi32, #tpu.memory_space<hbm>> -> memref<96x128xi32, #tpu.memory_space<hbm>>
      %dma_wait3A_1698 = arith.constant 0 : i32
      %dma_wait3A_1699 = arith.constant 0 : i32
      %dma_wait3A_1700 = tpu.memref_slice %arg4[%add3A, %dma_wait3A_1698, %dma_wait3A_1699] : memref<32x96x128xi32, #tpu.memory_space<hbm>> -> memref<1x96x128xi32, #tpu.memory_space<hbm>>
      %dma_wait3A_1701 = tpu.memref_squeeze %dma_wait3A_1700 : memref<1x96x128xi32, #tpu.memory_space<hbm>> -> memref<96x128xi32, #tpu.memory_space<hbm>>
      tpu.wait_dma2 semaphore(%run_scoped3A : memref<!tpu.dma_semaphore, #tpu.memory_space<semaphore_mem>>) src(%dma_wait3A_1701 : memref<96x128xi32, #tpu.memory_space<hbm>>) dst(%arg7 : memref<96x128xi32, #tpu.memory_space<vmem>>)
      tpu.yield
    }) : () -> ()
    %broadcast_in_dim3A = arith.constant 0.000000e+00 : f32
    %broadcast_in_dim3A_1 = vector.broadcast %broadcast_in_dim3A : f32 to vector<16xf32>
    %scan3A = arith.constant 0 : i32
    %scan3A_2 = arith.constant 0 : i32
    %scan3A_3 = arith.constant 79 : i32
    %scan3A_4 = arith.addi %scan3A_2, %scan3A_3 : i32
    %scan3A_5 = arith.constant 1 : i32
    scf.for %scan3A_1686 = %scan3A_2 to %scan3A_4 step %scan3A_5  : i32 {
      %mul3A_1687 = arith.constant 8 : i32
      %mul3A_1688 = arith.muli %scan3A_1686, %mul3A_1687 : i32
      %add3A_1689 = arith.constant 0 : i32
      %add3A_1690 = arith.addi %mul3A_1688, %add3A_1689 : i32
      %swap3A = arith.index_cast %add3A_1690 : i32 to index
      %swap3A_1691 = arith.constant 0 : index
      %swap3A_1692 = tpu.vector_load %arg9[%swap3A, %swap3A_1691] {strides = array<i32>} : memref<632x16xf32, #tpu.memory_space<vmem>>, vector<1x16xf32>,
      %swap3A_1693 = vector.shape_cast %swap3A_1692 : vector<1x16xf32> to vector<16xf32>
      %swap3A_1694 = vector.shape_cast %broadcast_in_dim3A_1 : vector<16xf32> to vector<1x16xf32>
      tpu.vector_store %arg9[%swap3A, %swap3A_1691], %swap3A_1694 {strides = array<i32>} : memref<632x16xf32, #tpu.memory_space<vmem>>, vector<1x16xf32>,
      %mul3A_1695 = arith.constant 8 : i32
      %mul3A_1696 = arith.muli %scan3A_1686, %mul3A_1695 : i32
      %add3A_1697 = arith.constant 1 : i32
      %add3A_1698 = arith.addi %mul3A_1696, %add3A_1697 : i32
      %swap3A_1699 = arith.index_cast %add3A_1698 : i32 to index
      %swap3A_1700 = arith.constant 0 : index
      %swap3A_1701 = tpu.vector_load %arg9[%swap3A_1699, %swap3A_1700] {strides = array<i32>} : memref<632x16xf32, #tpu.memory_space<vmem>>, vector<1x16xf32>,
      %swap3A_1702 = vector.shape_cast %swap3A_1701 : vector<1x16xf32> to vector<16xf32>
      %swap3A_1703 = vector.shape_cast %broadcast_in_dim3A_1 : vector<16xf32> to vector<1x16xf32>
      tpu.vector_store %arg9[%swap3A_1699, %swap3A_1700], %swap3A_1703 {strides = array<i32>} : memref<632x16xf32, #tpu.memory_space<vmem>>, vector<1x16xf32>,
      %mul3A_1704 = arith.constant 8 : i32
      %mul3A_1705 = arith.muli %scan3A_1686, %mul3A_1704 : i32
      %add3A_1706 = arith.constant 2 : i32
      %add3A_1707 = arith.addi %mul3A_1705, %add3A_1706 : i32
      %swap3A_1708 = arith.index_cast %add3A_1707 : i32 to index
      %swap3A_1709 = arith.constant 0 : index
      %swap3A_1710 = tpu.vector_load %arg9[%swap3A_1708, %swap3A_1709] {strides = array<i32>} : memref<632x16xf32, #tpu.memory_space<vmem>>, vector<1x16xf32>,
      %swap3A_1711 = vector.shape_cast %swap3A_1710 : vector<1x16xf32> to vector<16xf32>
      %swap3A_1712 = vector.shape_cast %broadcast_in_dim3A_1 : vector<16xf32> to vector<1x16xf32>
      tpu.vector_store %arg9[%swap3A_1708, %swap3A_1709], %swap3A_1712 {strides = array<i32>} : memref<632x16xf32, #tpu.memory_space<vmem>>, vector<1x16xf32>,
      %mul3A_1713 = arith.constant 8 : i32
      %mul3A_1714 = arith.muli %scan3A_1686, %mul3A_1713 : i32
      %add3A_1715 = arith.constant 3 : i32
      %add3A_1716 = arith.addi %mul3A_1714, %add3A_1715 : i32
      %swap3A_1717 = arith.index_cast %add3A_1716 : i32 to index
      %swap3A_1718 = arith.constant 0 : index
      %swap3A_1719 = tpu.vector_load %arg9[%swap3A_1717, %swap3A_1718] {strides = array<i32>} : memref<632x16xf32, #tpu.memory_space<vmem>>, vector<1x16xf32>,
      %swap3A_1720 = vector.shape_cast %swap3A_1719 : vector<1x16xf32> to vector<16xf32>
      %swap3A_1721 = vector.shape_cast %broadcast_in_dim3A_1 : vector<16xf32> to vector<1x16xf32>
      tpu.vector_store %arg9[%swap3A_1717, %swap3A_1718], %swap3A_1721 {strides = array<i32>} : memref<632x16xf32, #tpu.memory_space<vmem>>, vector<1x16xf32>,
      %mul3A_1722 = arith.constant 8 : i32
      %mul3A_1723 = arith.muli %scan3A_1686, %mul3A_1722 : i32
      %add3A_1724 = arith.constant 4 : i32
      %add3A_1725 = arith.addi %mul3A_1723, %add3A_1724 : i32
      %swap3A_1726 = arith.index_cast %add3A_1725 : i32 to index
      %swap3A_1727 = arith.constant 0 : index
      %swap3A_1728 = tpu.vector_load %arg9[%swap3A_1726, %swap3A_1727] {strides = array<i32>} : memref<632x16xf32, #tpu.memory_space<vmem>>, vector<1x16xf32>,
      %swap3A_1729 = vector.shape_cast %swap3A_1728 : vector<1x16xf32> to vector<16xf32>
      %swap3A_1730 = vector.shape_cast %broadcast_in_dim3A_1 : vector<16xf32> to vector<1x16xf32>
      tpu.vector_store %arg9[%swap3A_1726, %swap3A_1727], %swap3A_1730 {strides = array<i32>} : memref<632x16xf32, #tpu.memory_space<vmem>>, vector<1x16xf32>,
      %mul3A_1731 = arith.constant 8 : i32
      %mul3A_1732 = arith.muli %scan3A_1686, %mul3A_1731 : i32
      %add3A_1733 = arith.constant 5 : i32
      %add3A_1734 = arith.addi %mul3A_1732, %add3A_1733 : i32
      %swap3A_1735 = arith.index_cast %add3A_1734 : i32 to index
      %swap3A_1736 = arith.constant 0 : index
      %swap3A_1737 = tpu.vector_load %arg9[%swap3A_1735, %swap3A_1736] {strides = array<i32>} : memref<632x16xf32, #tpu.memory_space<vmem>>, vector<1x16xf32>,
      %swap3A_1738 = vector.shape_cast %swap3A_1737 : vector<1x16xf32> to vector<16xf32>
      %swap3A_1739 = vector.shape_cast %broadcast_in_dim3A_1 : vector<16xf32> to vector<1x16xf32>
      tpu.vector_store %arg9[%swap3A_1735, %swap3A_1736], %swap3A_1739 {strides = array<i32>} : memref<632x16xf32, #tpu.memory_space<vmem>>, vector<1x16xf32>,
      %mul3A_1740 = arith.constant 8 : i32
      %mul3A_1741 = arith.muli %scan3A_1686, %mul3A_1740 : i32
      %add3A_1742 = arith.constant 6 : i32
      %add3A_1743 = arith.addi %mul3A_1741, %add3A_1742 : i32
      %swap3A_1744 = arith.index_cast %add3A_1743 : i32 to index
      %swap3A_1745 = arith.constant 0 : index
      %swap3A_1746 = tpu.vector_load %arg9[%swap3A_1744, %swap3A_1745] {strides = array<i32>} : memref<632x16xf32, #tpu.memory_space<vmem>>, vector<1x16xf32>,
      %swap3A_1747 = vector.shape_cast %swap3A_1746 : vector<1x16xf32> to vector<16xf32>
      %swap3A_1748 = vector.shape_cast %broadcast_in_dim3A_1 : vector<16xf32> to vector<1x16xf32>
      tpu.vector_store %arg9[%swap3A_1744, %swap3A_1745], %swap3A_1748 {strides = array<i32>} : memref<632x16xf32, #tpu.memory_space<vmem>>, vector<1x16xf32>,
      %mul3A_1749 = arith.constant 8 : i32
      %mul3A_1750 = arith.muli %scan3A_1686, %mul3A_1749 : i32
      %add3A_1751 = arith.constant 7 : i32
      %add3A_1752 = arith.addi %mul3A_1750, %add3A_1751 : i32
      %swap3A_1753 = arith.index_cast %add3A_1752 : i32 to index
      %swap3A_1754 = arith.constant 0 : index
      %swap3A_1755 = tpu.vector_load %arg9[%swap3A_1753, %swap3A_1754] {strides = array<i32>} : memref<632x16xf32, #tpu.memory_space<vmem>>, vector<1x16xf32>,
      %swap3A_1756 = vector.shape_cast %swap3A_1755 : vector<1x16xf32> to vector<16xf32>
      %swap3A_1757 = vector.shape_cast %broadcast_in_dim3A_1 : vector<16xf32> to vector<1x16xf32>
      tpu.vector_store %arg9[%swap3A_1753, %swap3A_1754], %swap3A_1757 {strides = array<i32>} : memref<632x16xf32, #tpu.memory_space<vmem>>, vector<1x16xf32>,
    }
    %scan3A_6 = arith.constant 79 : i32
    %mul3A_7 = arith.constant 632 : i32
    %mul3A_8 = arith.muli %arg1, %mul3A_7 : i32
    "tpu.region"() ({
      %run_scoped3A = tpu.sem_alloc : memref<!tpu.dma_semaphore, #tpu.memory_space<semaphore_mem>>
      %dma_start3A_1686 = arith.constant 0 : i32
      %dma_start3A_1687 = tpu.memref_slice %arg10[%mul3A_8, %dma_start3A_1686] : memref<10112x16xf32, #tpu.memory_space<vmem_shared>> -> memref<632x16xf32, #tpu.memory_space<vmem_shared>>
      %dma_start3A_1688 = arith.constant 0 : i32
      %dma_start3A_1689 = tpu.memref_slice %arg10[%mul3A_8, %dma_start3A_1688] : memref<10112x16xf32, #tpu.memory_space<vmem_shared>> -> memref<632x16xf32, #tpu.memory_space<vmem_shared>>
      tpu.enqueue_dma source(%arg9 : memref<632x16xf32, #tpu.memory_space<vmem>>) target(%dma_start3A_1689 : memref<632x16xf32, #tpu.memory_space<vmem_shared>>) target_semaphore(%run_scoped3A : memref<!tpu.dma_semaphore, #tpu.memory_space<semaphore_mem>>)
      %dma_wait3A_1690 = arith.constant 0 : i32
      %dma_wait3A_1691 = tpu.memref_slice %arg10[%mul3A_8, %dma_wait3A_1690] : memref<10112x16xf32, #tpu.memory_space<vmem_shared>> -> memref<632x16xf32, #tpu.memory_space<vmem_shared>>
      %dma_wait3A_1692 = arith.constant 0 : i32
      %dma_wait3A_1693 = tpu.memref_slice %arg10[%mul3A_8, %dma_wait3A_1692] : memref<10112x16xf32, #tpu.memory_space<vmem_shared>> -> memref<632x16xf32, #tpu.memory_space<vmem_shared>>
      tpu.wait_dma2 semaphore(%run_scoped3A : memref<!tpu.dma_semaphore, #tpu.memory_space<semaphore_mem>>) src(%arg9 : memref<632x16xf32, #tpu.memory_space<vmem>>) dst(%dma_wait3A_1693 : memref<632x16xf32, #tpu.memory_space<vmem_shared>>)
      tpu.yield
    }) : () -> ()
    %mul3A_9 = arith.constant 632 : i32
    %mul3A_10 = arith.muli %arg1, %mul3A_9 : i32
    %mul3A_11 = arith.constant 632 : i32
    %mul3A_12 = arith.muli %arg1, %mul3A_11 : i32
    "tpu.region"() ({
      %run_scoped3A = tpu.sem_alloc : memref<!tpu.dma_semaphore, #tpu.memory_space<semaphore_mem>>
      %dma_start3A_1686 = arith.constant 0 : i32
      %dma_start3A_1687 = tpu.memref_slice %arg11[%mul3A_12, %dma_start3A_1686] : memref<10112x16xf32, #tpu.memory_space<vmem_shared>> -> memref<632x16xf32, #tpu.memory_space<vmem_shared>>
      %dma_start3A_1688 = arith.constant 0 : i32
      %dma_start3A_1689 = tpu.memref_slice %arg2[%mul3A_10, %dma_start3A_1688] : memref<10000x16xf32, #tpu.memory_space<hbm>> -> memref<632x16xf32, #tpu.memory_space<hbm>>
      tpu.enqueue_dma source(%dma_start3A_1689 : memref<632x16xf32, #tpu.memory_space<hbm>>) target(%dma_start3A_1687 : memref<632x16xf32, #tpu.memory_space<vmem_shared>>) target_semaphore(%run_scoped3A : memref<!tpu.dma_semaphore, #tpu.memory_space<semaphore_mem>>)
      %dma_wait3A_1690 = arith.constant 0 : i32
      %dma_wait3A_1691 = tpu.memref_slice %arg11[%mul3A_12, %dma_wait3A_1690] : memref<10112x16xf32, #tpu.memory_space<vmem_shared>> -> memref<632x16xf32, #tpu.memory_space<vmem_shared>>
      %dma_wait3A_1692 = arith.constant 0 : i32
      %dma_wait3A_1693 = tpu.memref_slice %arg2[%mul3A_10, %dma_wait3A_1692] : memref<10000x16xf32, #tpu.memory_space<hbm>> -> memref<632x16xf32, #tpu.memory_space<hbm>>
      tpu.wait_dma2 semaphore(%run_scoped3A : memref<!tpu.dma_semaphore, #tpu.memory_space<semaphore_mem>>) src(%dma_wait3A_1693 : memref<632x16xf32, #tpu.memory_space<hbm>>) dst(%dma_wait3A_1691 : memref<632x16xf32, #tpu.memory_space<vmem_shared>>)
      tpu.yield
    }) : () -> ()
    %barrier3A = arith.constant 0 : index
    tpu.barrier barrier_id(%barrier3A)
    %dma_start3A = arith.constant 0 : i32
    %dma_start3A_13 = arith.constant 0 : i32
    %dma_start3A_14 = arith.constant 0 : i32
    %dma_start3A_15 = arith.constant 0 : i32
    %dma_start3A_16 = arith.constant 0 : i32
    %dma_start3A_17 = tpu.memref_slice %arg8[%dma_start3A_13, %dma_start3A_14, %dma_start3A_15, %dma_start3A_16] : memref<2x16x128x16xf32, #tpu.memory_space<vmem>> -> memref<1x1x128x16xf32, #tpu.memory_space<vmem>>
    %dma_start3A_18 = tpu.memref_squeeze %dma_start3A_17 : memref<1x1x128x16xf32, #tpu.memory_space<vmem>> -> memref<128x16xf32, #tpu.memory_space<vmem>>
    %dma_start3A_19 = arith.constant 0 : i32
    %dma_start3A_20 = tpu.memref_slice %arg6[%dma_start3A, %dma_start3A_19] : memref<96x128xi32, #tpu.memory_space<vmem>> -> memref<1x128xi32, #tpu.memory_space<vmem>>
    %dma_start3A_21 = tpu.memref_squeeze %dma_start3A_20 : memref<1x128xi32, #tpu.memory_space<vmem>> -> memref<128xi32, #tpu.memory_space<vmem>>
    %dma_start3A_22 = arith.constant 0 : i32
    %dma_start3A_23 = arith.constant 0 : i32
    %dma_start3A_24 = tpu.memref_slice %arg11[%dma_start3A_22, %dma_start3A_23] : memref<10112x16xf32, #tpu.memory_space<vmem_shared>> -> memref<10112x16xf32, #tpu.memory_space<vmem_shared>>
    tpu.enqueue_indirect_dma source(%dma_start3A_24 : memref<10112x16xf32, #tpu.memory_space<vmem_shared>>) target(%dma_start3A_18 : memref<128x16xf32, #tpu.memory_space<vmem>>) offsets(%dma_start3A_21 : memref<128xi32, #tpu.memory_space<vmem>>) semaphore(%arg12 : memref<!tpu.dma_semaphore, #tpu.memory_space<semaphore_mem>>)
    %dma_start3A_25 = arith.constant 1 : i32
    %dma_start3A_26 = arith.constant 0 : i32
    %dma_start3A_27 = arith.constant 1 : i32
    %dma_start3A_28 = arith.constant 0 : i32
    %dma_start3A_29 = arith.constant 0 : i32
    %dma_start3A_30 = tpu.memref_slice %arg8[%dma_start3A_26, %dma_start3A_27, %dma_start3A_28, %dma_start3A_29] : memref<2x16x128x16xf32, #tpu.memory_space<vmem>> -> memref<1x1x128x16xf32, #tpu.memory_space<vmem>>
    %dma_start3A_31 = tpu.memref_squeeze %dma_start3A_30 : memref<1x1x128x16xf32, #tpu.memory_space<vmem>> -> memref<128x16xf32, #tpu.memory_space<vmem>>
    %dma_start3A_32 = arith.constant 0 : i32
    %dma_start3A_33 = tpu.memref_slice %arg6[%dma_start3A_25, %dma_start3A_32] : memref<96x128xi32, #tpu.memory_space<vmem>> -> memref<1x128xi32, #tpu.memory_space<vmem>>
    %dma_start3A_34 = tpu.memref_squeeze %dma_start3A_33 : memref<1x128xi32, #tpu.memory_space<vmem>> -> memref<128xi32, #tpu.memory_space<vmem>>
    %dma_start3A_35 = arith.constant 0 : i32
    %dma_start3A_36 = arith.constant 0 : i32
    %dma_start3A_37 = tpu.memref_slice %arg11[%dma_start3A_35, %dma_start3A_36] : memref<10112x16xf32, #tpu.memory_space<vmem_shared>> -> memref<10112x16xf32, #tpu.memory_space<vmem_shared>>
    tpu.enqueue_indirect_dma source(%dma_start3A_37 : memref<10112x16xf32, #tpu.memory_space<vmem_shared>>) target(%dma_start3A_31 : memref<128x16xf32, #tpu.memory_space<vmem>>) offsets(%dma_start3A_34 : memref<128xi32, #tpu.memory_space<vmem>>) semaphore(%arg12 : memref<!tpu.dma_semaphore, #tpu.memory_space<semaphore_mem>>)
    %dma_start3A_38 = arith.constant 2 : i32
    %dma_start3A_39 = arith.constant 0 : i32
    %dma_start3A_40 = arith.constant 2 : i32
    %dma_start3A_41 = arith.constant 0 : i32
    %dma_start3A_42 = arith.constant 0 : i32
    %dma_start3A_43 = tpu.memref_slice %arg8[%dma_start3A_39, %dma_start3A_40, %dma_start3A_41, %dma_start3A_42] : memref<2x16x128x16xf32, #tpu.memory_space<vmem>> -> memref<1x1x128x16xf32, #tpu.memory_space<vmem>>
    %dma_start3A_44 = tpu.memref_squeeze %dma_start3A_43 : memref<1x1x128x16xf32, #tpu.memory_space<vmem>> -> memref<128x16xf32, #tpu.memory_space<vmem>>
    %dma_start3A_45 = arith.constant 0 : i32
    %dma_start3A_46 = tpu.memref_slice %arg6[%dma_start3A_38, %dma_start3A_45] : memref<96x128xi32, #tpu.memory_space<vmem>> -> memref<1x128xi32, #tpu.memory_space<vmem>>
    %dma_start3A_47 = tpu.memref_squeeze %dma_start3A_46 : memref<1x128xi32, #tpu.memory_space<vmem>> -> memref<128xi32, #tpu.memory_space<vmem>>
    %dma_start3A_48 = arith.constant 0 : i32
    %dma_start3A_49 = arith.constant 0 : i32
    %dma_start3A_50 = tpu.memref_slice %arg11[%dma_start3A_48, %dma_start3A_49] : memref<10112x16xf32, #tpu.memory_space<vmem_shared>> -> memref<10112x16xf32, #tpu.memory_space<vmem_shared>>
    tpu.enqueue_indirect_dma source(%dma_start3A_50 : memref<10112x16xf32, #tpu.memory_space<vmem_shared>>) target(%dma_start3A_44 : memref<128x16xf32, #tpu.memory_space<vmem>>) offsets(%dma_start3A_47 : memref<128xi32, #tpu.memory_space<vmem>>) semaphore(%arg12 : memref<!tpu.dma_semaphore, #tpu.memory_space<semaphore_mem>>)
    %dma_start3A_51 = arith.constant 3 : i32
    %dma_start3A_52 = arith.constant 0 : i32
    %dma_start3A_53 = arith.constant 3 : i32
    %dma_start3A_54 = arith.constant 0 : i32
    %dma_start3A_55 = arith.constant 0 : i32
    %dma_start3A_56 = tpu.memref_slice %arg8[%dma_start3A_52, %dma_start3A_53, %dma_start3A_54, %dma_start3A_55] : memref<2x16x128x16xf32, #tpu.memory_space<vmem>> -> memref<1x1x128x16xf32, #tpu.memory_space<vmem>>
    %dma_start3A_57 = tpu.memref_squeeze %dma_start3A_56 : memref<1x1x128x16xf32, #tpu.memory_space<vmem>> -> memref<128x16xf32, #tpu.memory_space<vmem>>
    %dma_start3A_58 = arith.constant 0 : i32
    %dma_start3A_59 = tpu.memref_slice %arg6[%dma_start3A_51, %dma_start3A_58] : memref<96x128xi32, #tpu.memory_space<vmem>> -> memref<1x128xi32, #tpu.memory_space<vmem>>
    %dma_start3A_60 = tpu.memref_squeeze %dma_start3A_59 : memref<1x128xi32, #tpu.memory_space<vmem>> -> memref<128xi32, #tpu.memory_space<vmem>>
    %dma_start3A_61 = arith.constant 0 : i32
    %dma_start3A_62 = arith.constant 0 : i32
    %dma_start3A_63 = tpu.memref_slice %arg11[%dma_start3A_61, %dma_start3A_62] : memref<10112x16xf32, #tpu.memory_space<vmem_shared>> -> memref<10112x16xf32, #tpu.memory_space<vmem_shared>>
    tpu.enqueue_indirect_dma source(%dma_start3A_63 : memref<10112x16xf32, #tpu.memory_space<vmem_shared>>) target(%dma_start3A_57 : memref<128x16xf32, #tpu.memory_space<vmem>>) offsets(%dma_start3A_60 : memref<128xi32, #tpu.memory_space<vmem>>) semaphore(%arg12 : memref<!tpu.dma_semaphore, #tpu.memory_space<semaphore_mem>>)
    %dma_start3A_64 = arith.constant 4 : i32
    %dma_start3A_65 = arith.constant 0 : i32
    %dma_start3A_66 = arith.constant 4 : i32
    %dma_start3A_67 = arith.constant 0 : i32
    %dma_start3A_68 = arith.constant 0 : i32
    %dma_start3A_69 = tpu.memref_slice %arg8[%dma_start3A_65, %dma_start3A_66, %dma_start3A_67, %dma_start3A_68] : memref<2x16x128x16xf32, #tpu.memory_space<vmem>> -> memref<1x1x128x16xf32, #tpu.memory_space<vmem>>
    %dma_start3A_70 = tpu.memref_squeeze %dma_start3A_69 : memref<1x1x128x16xf32, #tpu.memory_space<vmem>> -> memref<128x16xf32, #tpu.memory_space<vmem>>
    %dma_start3A_71 = arith.constant 0 : i32
    %dma_start3A_72 = tpu.memref_slice %arg6[%dma_start3A_64, %dma_start3A_71] : memref<96x128xi32, #tpu.memory_space<vmem>> -> memref<1x128xi32, #tpu.memory_space<vmem>>
    %dma_start3A_73 = tpu.memref_squeeze %dma_start3A_72 : memref<1x128xi32, #tpu.memory_space<vmem>> -> memref<128xi32, #tpu.memory_space<vmem>>
    %dma_start3A_74 = arith.constant 0 : i32
    %dma_start3A_75 = arith.constant 0 : i32
    %dma_start3A_76 = tpu.memref_slice %arg11[%dma_start3A_74, %dma_start3A_75] : memref<10112x16xf32, #tpu.memory_space<vmem_shared>> -> memref<10112x16xf32, #tpu.memory_space<vmem_shared>>
    tpu.enqueue_indirect_dma source(%dma_start3A_76 : memref<10112x16xf32, #tpu.memory_space<vmem_shared>>) target(%dma_start3A_70 : memref<128x16xf32, #tpu.memory_space<vmem>>) offsets(%dma_start3A_73 : memref<128xi32, #tpu.memory_space<vmem>>) semaphore(%arg12 : memref<!tpu.dma_semaphore, #tpu.memory_space<semaphore_mem>>)
    %dma_start3A_77 = arith.constant 5 : i32
    %dma_start3A_78 = arith.constant 0 : i32
    %dma_start3A_79 = arith.constant 5 : i32
    %dma_start3A_80 = arith.constant 0 : i32
    %dma_start3A_81 = arith.constant 0 : i32
    %dma_start3A_82 = tpu.memref_slice %arg8[%dma_start3A_78, %dma_start3A_79, %dma_start3A_80, %dma_start3A_81] : memref<2x16x128x16xf32, #tpu.memory_space<vmem>> -> memref<1x1x128x16xf32, #tpu.memory_space<vmem>>
    %dma_start3A_83 = tpu.memref_squeeze %dma_start3A_82 : memref<1x1x128x16xf32, #tpu.memory_space<vmem>> -> memref<128x16xf32, #tpu.memory_space<vmem>>
    %dma_start3A_84 = arith.constant 0 : i32
    %dma_start3A_85 = tpu.memref_slice %arg6[%dma_start3A_77, %dma_start3A_84] : memref<96x128xi32, #tpu.memory_space<vmem>> -> memref<1x128xi32, #tpu.memory_space<vmem>>
    %dma_start3A_86 = tpu.memref_squeeze %dma_start3A_85 : memref<1x128xi32, #tpu.memory_space<vmem>> -> memref<128xi32, #tpu.memory_space<vmem>>
    %dma_start3A_87 = arith.constant 0 : i32
    %dma_start3A_88 = arith.constant 0 : i32
    %dma_start3A_89 = tpu.memref_slice %arg11[%dma_start3A_87, %dma_start3A_88] : memref<10112x16xf32, #tpu.memory_space<vmem_shared>> -> memref<10112x16xf32, #tpu.memory_space<vmem_shared>>
    tpu.enqueue_indirect_dma source(%dma_start3A_89 : memref<10112x16xf32, #tpu.memory_space<vmem_shared>>) target(%dma_start3A_83 : memref<128x16xf32, #tpu.memory_space<vmem>>) offsets(%dma_start3A_86 : memref<128xi32, #tpu.memory_space<vmem>>) semaphore(%arg12 : memref<!tpu.dma_semaphore, #tpu.memory_space<semaphore_mem>>)
    %dma_start3A_90 = arith.constant 6 : i32
    %dma_start3A_91 = arith.constant 0 : i32
    %dma_start3A_92 = arith.constant 6 : i32
    %dma_start3A_93 = arith.constant 0 : i32
    %dma_start3A_94 = arith.constant 0 : i32
    %dma_start3A_95 = tpu.memref_slice %arg8[%dma_start3A_91, %dma_start3A_92, %dma_start3A_93, %dma_start3A_94] : memref<2x16x128x16xf32, #tpu.memory_space<vmem>> -> memref<1x1x128x16xf32, #tpu.memory_space<vmem>>
    %dma_start3A_96 = tpu.memref_squeeze %dma_start3A_95 : memref<1x1x128x16xf32, #tpu.memory_space<vmem>> -> memref<128x16xf32, #tpu.memory_space<vmem>>
    %dma_start3A_97 = arith.constant 0 : i32
    %dma_start3A_98 = tpu.memref_slice %arg6[%dma_start3A_90, %dma_start3A_97] : memref<96x128xi32, #tpu.memory_space<vmem>> -> memref<1x128xi32, #tpu.memory_space<vmem>>
    %dma_start3A_99 = tpu.memref_squeeze %dma_start3A_98 : memref<1x128xi32, #tpu.memory_space<vmem>> -> memref<128xi32, #tpu.memory_space<vmem>>
    %dma_start3A_100 = arith.constant 0 : i32
    %dma_start3A_101 = arith.constant 0 : i32
    %dma_start3A_102 = tpu.memref_slice %arg11[%dma_start3A_100, %dma_start3A_101] : memref<10112x16xf32, #tpu.memory_space<vmem_shared>> -> memref<10112x16xf32, #tpu.memory_space<vmem_shared>>
    tpu.enqueue_indirect_dma source(%dma_start3A_102 : memref<10112x16xf32, #tpu.memory_space<vmem_shared>>) target(%dma_start3A_96 : memref<128x16xf32, #tpu.memory_space<vmem>>) offsets(%dma_start3A_99 : memref<128xi32, #tpu.memory_space<vmem>>) semaphore(%arg12 : memref<!tpu.dma_semaphore, #tpu.memory_space<semaphore_mem>>)
    %dma_start3A_103 = arith.constant 7 : i32
    %dma_start3A_104 = arith.constant 0 : i32
    %dma_start3A_105 = arith.constant 7 : i32
    %dma_start3A_106 = arith.constant 0 : i32
    %dma_start3A_107 = arith.constant 0 : i32
    %dma_start3A_108 = tpu.memref_slice %arg8[%dma_start3A_104, %dma_start3A_105, %dma_start3A_106, %dma_start3A_107] : memref<2x16x128x16xf32, #tpu.memory_space<vmem>> -> memref<1x1x128x16xf32, #tpu.memory_space<vmem>>
    %dma_start3A_109 = tpu.memref_squeeze %dma_start3A_108 : memref<1x1x128x16xf32, #tpu.memory_space<vmem>> -> memref<128x16xf32, #tpu.memory_space<vmem>>
    %dma_start3A_110 = arith.constant 0 : i32
    %dma_start3A_111 = tpu.memref_slice %arg6[%dma_start3A_103, %dma_start3A_110] : memref<96x128xi32, #tpu.memory_space<vmem>> -> memref<1x128xi32, #tpu.memory_space<vmem>>
    %dma_start3A_112 = tpu.memref_squeeze %dma_start3A_111 : memref<1x128xi32, #tpu.memory_space<vmem>> -> memref<128xi32, #tpu.memory_space<vmem>>
    %dma_start3A_113 = arith.constant 0 : i32
    %dma_start3A_114 = arith.constant 0 : i32
    %dma_start3A_115 = tpu.memref_slice %arg11[%dma_start3A_113, %dma_start3A_114] : memref<10112x16xf32, #tpu.memory_space<vmem_shared>> -> memref<10112x16xf32, #tpu.memory_space<vmem_shared>>
    tpu.enqueue_indirect_dma source(%dma_start3A_115 : memref<10112x16xf32, #tpu.memory_space<vmem_shared>>) target(%dma_start3A_109 : memref<128x16xf32, #tpu.memory_space<vmem>>) offsets(%dma_start3A_112 : memref<128xi32, #tpu.memory_space<vmem>>) semaphore(%arg12 : memref<!tpu.dma_semaphore, #tpu.memory_space<semaphore_mem>>)
    %dma_start3A_116 = arith.constant 8 : i32
    %dma_start3A_117 = arith.constant 0 : i32
    %dma_start3A_118 = arith.constant 8 : i32
    %dma_start3A_119 = arith.constant 0 : i32
    %dma_start3A_120 = arith.constant 0 : i32
    %dma_start3A_121 = tpu.memref_slice %arg8[%dma_start3A_117, %dma_start3A_118, %dma_start3A_119, %dma_start3A_120] : memref<2x16x128x16xf32, #tpu.memory_space<vmem>> -> memref<1x1x128x16xf32, #tpu.memory_space<vmem>>
    %dma_start3A_122 = tpu.memref_squeeze %dma_start3A_121 : memref<1x1x128x16xf32, #tpu.memory_space<vmem>> -> memref<128x16xf32, #tpu.memory_space<vmem>>
    %dma_start3A_123 = arith.constant 0 : i32
    %dma_start3A_124 = tpu.memref_slice %arg6[%dma_start3A_116, %dma_start3A_123] : memref<96x128xi32, #tpu.memory_space<vmem>> -> memref<1x128xi32, #tpu.memory_space<vmem>>
    %dma_start3A_125 = tpu.memref_squeeze %dma_start3A_124 : memref<1x128xi32, #tpu.memory_space<vmem>> -> memref<128xi32, #tpu.memory_space<vmem>>
    %dma_start3A_126 = arith.constant 0 : i32
    %dma_start3A_127 = arith.constant 0 : i32
    %dma_start3A_128 = tpu.memref_slice %arg11[%dma_start3A_126, %dma_start3A_127] : memref<10112x16xf32, #tpu.memory_space<vmem_shared>> -> memref<10112x16xf32, #tpu.memory_space<vmem_shared>>
    tpu.enqueue_indirect_dma source(%dma_start3A_128 : memref<10112x16xf32, #tpu.memory_space<vmem_shared>>) target(%dma_start3A_122 : memref<128x16xf32, #tpu.memory_space<vmem>>) offsets(%dma_start3A_125 : memref<128xi32, #tpu.memory_space<vmem>>) semaphore(%arg12 : memref<!tpu.dma_semaphore, #tpu.memory_space<semaphore_mem>>)
    %dma_start3A_129 = arith.constant 9 : i32
    %dma_start3A_130 = arith.constant 0 : i32
    %dma_start3A_131 = arith.constant 9 : i32
    %dma_start3A_132 = arith.constant 0 : i32
    %dma_start3A_133 = arith.constant 0 : i32
    %dma_start3A_134 = tpu.memref_slice %arg8[%dma_start3A_130, %dma_start3A_131, %dma_start3A_132, %dma_start3A_133] : memref<2x16x128x16xf32, #tpu.memory_space<vmem>> -> memref<1x1x128x16xf32, #tpu.memory_space<vmem>>
    %dma_start3A_135 = tpu.memref_squeeze %dma_start3A_134 : memref<1x1x128x16xf32, #tpu.memory_space<vmem>> -> memref<128x16xf32, #tpu.memory_space<vmem>>
    %dma_start3A_136 = arith.constant 0 : i32
    %dma_start3A_137 = tpu.memref_slice %arg6[%dma_start3A_129, %dma_start3A_136] : memref<96x128xi32, #tpu.memory_space<vmem>> -> memref<1x128xi32, #tpu.memory_space<vmem>>
    %dma_start3A_138 = tpu.memref_squeeze %dma_start3A_137 : memref<1x128xi32, #tpu.memory_space<vmem>> -> memref<128xi32, #tpu.memory_space<vmem>>
    %dma_start3A_139 = arith.constant 0 : i32
    %dma_start3A_140 = arith.constant 0 : i32
    %dma_start3A_141 = tpu.memref_slice %arg11[%dma_start3A_139, %dma_start3A_140] : memref<10112x16xf32, #tpu.memory_space<vmem_shared>> -> memref<10112x16xf32, #tpu.memory_space<vmem_shared>>
    tpu.enqueue_indirect_dma source(%dma_start3A_141 : memref<10112x16xf32, #tpu.memory_space<vmem_shared>>) target(%dma_start3A_135 : memref<128x16xf32, #tpu.memory_space<vmem>>) offsets(%dma_start3A_138 : memref<128xi32, #tpu.memory_space<vmem>>) semaphore(%arg12 : memref<!tpu.dma_semaphore, #tpu.memory_space<semaphore_mem>>)
    %dma_start3A_142 = arith.constant 10 : i32
    %dma_start3A_143 = arith.constant 0 : i32
    %dma_start3A_144 = arith.constant 10 : i32
    %dma_start3A_145 = arith.constant 0 : i32
    %dma_start3A_146 = arith.constant 0 : i32
    %dma_start3A_147 = tpu.memref_slice %arg8[%dma_start3A_143, %dma_start3A_144, %dma_start3A_145, %dma_start3A_146] : memref<2x16x128x16xf32, #tpu.memory_space<vmem>> -> memref<1x1x128x16xf32, #tpu.memory_space<vmem>>
    %dma_start3A_148 = tpu.memref_squeeze %dma_start3A_147 : memref<1x1x128x16xf32, #tpu.memory_space<vmem>> -> memref<128x16xf32, #tpu.memory_space<vmem>>
    %dma_start3A_149 = arith.constant 0 : i32
    %dma_start3A_150 = tpu.memref_slice %arg6[%dma_start3A_142, %dma_start3A_149] : memref<96x128xi32, #tpu.memory_space<vmem>> -> memref<1x128xi32, #tpu.memory_space<vmem>>
    %dma_start3A_151 = tpu.memref_squeeze %dma_start3A_150 : memref<1x128xi32, #tpu.memory_space<vmem>> -> memref<128xi32, #tpu.memory_space<vmem>>
    %dma_start3A_152 = arith.constant 0 : i32
    %dma_start3A_153 = arith.constant 0 : i32
    %dma_start3A_154 = tpu.memref_slice %arg11[%dma_start3A_152, %dma_start3A_153] : memref<10112x16xf32, #tpu.memory_space<vmem_shared>> -> memref<10112x16xf32, #tpu.memory_space<vmem_shared>>
    tpu.enqueue_indirect_dma source(%dma_start3A_154 : memref<10112x16xf32, #tpu.memory_space<vmem_shared>>) target(%dma_start3A_148 : memref<128x16xf32, #tpu.memory_space<vmem>>) offsets(%dma_start3A_151 : memref<128xi32, #tpu.memory_space<vmem>>) semaphore(%arg12 : memref<!tpu.dma_semaphore, #tpu.memory_space<semaphore_mem>>)
    %dma_start3A_155 = arith.constant 11 : i32
    %dma_start3A_156 = arith.constant 0 : i32
    %dma_start3A_157 = arith.constant 11 : i32
    %dma_start3A_158 = arith.constant 0 : i32
    %dma_start3A_159 = arith.constant 0 : i32
    %dma_start3A_160 = tpu.memref_slice %arg8[%dma_start3A_156, %dma_start3A_157, %dma_start3A_158, %dma_start3A_159] : memref<2x16x128x16xf32, #tpu.memory_space<vmem>> -> memref<1x1x128x16xf32, #tpu.memory_space<vmem>>
    %dma_start3A_161 = tpu.memref_squeeze %dma_start3A_160 : memref<1x1x128x16xf32, #tpu.memory_space<vmem>> -> memref<128x16xf32, #tpu.memory_space<vmem>>
    %dma_start3A_162 = arith.constant 0 : i32
    %dma_start3A_163 = tpu.memref_slice %arg6[%dma_start3A_155, %dma_start3A_162] : memref<96x128xi32, #tpu.memory_space<vmem>> -> memref<1x128xi32, #tpu.memory_space<vmem>>
    %dma_start3A_164 = tpu.memref_squeeze %dma_start3A_163 : memref<1x128xi32, #tpu.memory_space<vmem>> -> memref<128xi32, #tpu.memory_space<vmem>>
    %dma_start3A_165 = arith.constant 0 : i32
    %dma_start3A_166 = arith.constant 0 : i32
    %dma_start3A_167 = tpu.memref_slice %arg11[%dma_start3A_165, %dma_start3A_166] : memref<10112x16xf32, #tpu.memory_space<vmem_shared>> -> memref<10112x16xf32, #tpu.memory_space<vmem_shared>>
    tpu.enqueue_indirect_dma source(%dma_start3A_167 : memref<10112x16xf32, #tpu.memory_space<vmem_shared>>) target(%dma_start3A_161 : memref<128x16xf32, #tpu.memory_space<vmem>>) offsets(%dma_start3A_164 : memref<128xi32, #tpu.memory_space<vmem>>) semaphore(%arg12 : memref<!tpu.dma_semaphore, #tpu.memory_space<semaphore_mem>>)
    %dma_start3A_168 = arith.constant 12 : i32
    %dma_start3A_169 = arith.constant 0 : i32
    %dma_start3A_170 = arith.constant 12 : i32
    %dma_start3A_171 = arith.constant 0 : i32
    %dma_start3A_172 = arith.constant 0 : i32
    %dma_start3A_173 = tpu.memref_slice %arg8[%dma_start3A_169, %dma_start3A_170, %dma_start3A_171, %dma_start3A_172] : memref<2x16x128x16xf32, #tpu.memory_space<vmem>> -> memref<1x1x128x16xf32, #tpu.memory_space<vmem>>
    %dma_start3A_174 = tpu.memref_squeeze %dma_start3A_173 : memref<1x1x128x16xf32, #tpu.memory_space<vmem>> -> memref<128x16xf32, #tpu.memory_space<vmem>>
    %dma_start3A_175 = arith.constant 0 : i32
    %dma_start3A_176 = tpu.memref_slice %arg6[%dma_start3A_168, %dma_start3A_175] : memref<96x128xi32, #tpu.memory_space<vmem>> -> memref<1x128xi32, #tpu.memory_space<vmem>>
    %dma_start3A_177 = tpu.memref_squeeze %dma_start3A_176 : memref<1x128xi32, #tpu.memory_space<vmem>> -> memref<128xi32, #tpu.memory_space<vmem>>
    %dma_start3A_178 = arith.constant 0 : i32
    %dma_start3A_179 = arith.constant 0 : i32
    %dma_start3A_180 = tpu.memref_slice %arg11[%dma_start3A_178, %dma_start3A_179] : memref<10112x16xf32, #tpu.memory_space<vmem_shared>> -> memref<10112x16xf32, #tpu.memory_space<vmem_shared>>
    tpu.enqueue_indirect_dma source(%dma_start3A_180 : memref<10112x16xf32, #tpu.memory_space<vmem_shared>>) target(%dma_start3A_174 : memref<128x16xf32, #tpu.memory_space<vmem>>) offsets(%dma_start3A_177 : memref<128xi32, #tpu.memory_space<vmem>>) semaphore(%arg12 : memref<!tpu.dma_semaphore, #tpu.memory_space<semaphore_mem>>)
    %dma_start3A_181 = arith.constant 13 : i32
    %dma_start3A_182 = arith.constant 0 : i32
    %dma_start3A_183 = arith.constant 13 : i32
    %dma_start3A_184 = arith.constant 0 : i32
    %dma_start3A_185 = arith.constant 0 : i32
    %dma_start3A_186 = tpu.memref_slice %arg8[%dma_start3A_182, %dma_start3A_183, %dma_start3A_184, %dma_start3A_185] : memref<2x16x128x16xf32, #tpu.memory_space<vmem>> -> memref<1x1x128x16xf32, #tpu.memory_space<vmem>>
    %dma_start3A_187 = tpu.memref_squeeze %dma_start3A_186 : memref<1x1x128x16xf32, #tpu.memory_space<vmem>> -> memref<128x16xf32, #tpu.memory_space<vmem>>
    %dma_start3A_188 = arith.constant 0 : i32
    %dma_start3A_189 = tpu.memref_slice %arg6[%dma_start3A_181, %dma_start3A_188] : memref<96x128xi32, #tpu.memory_space<vmem>> -> memref<1x128xi32, #tpu.memory_space<vmem>>
    %dma_start3A_190 = tpu.memref_squeeze %dma_start3A_189 : memref<1x128xi32, #tpu.memory_space<vmem>> -> memref<128xi32, #tpu.memory_space<vmem>>
    %dma_start3A_191 = arith.constant 0 : i32
    %dma_start3A_192 = arith.constant 0 : i32
    %dma_start3A_193 = tpu.memref_slice %arg11[%dma_start3A_191, %dma_start3A_192] : memref<10112x16xf32, #tpu.memory_space<vmem_shared>> -> memref<10112x16xf32, #tpu.memory_space<vmem_shared>>
    tpu.enqueue_indirect_dma source(%dma_start3A_193 : memref<10112x16xf32, #tpu.memory_space<vmem_shared>>) target(%dma_start3A_187 : memref<128x16xf32, #tpu.memory_space<vmem>>) offsets(%dma_start3A_190 : memref<128xi32, #tpu.memory_space<vmem>>) semaphore(%arg12 : memref<!tpu.dma_semaphore, #tpu.memory_space<semaphore_mem>>)
    %dma_start3A_194 = arith.constant 14 : i32
    %dma_start3A_195 = arith.constant 0 : i32
    %dma_start3A_196 = arith.constant 14 : i32
    %dma_start3A_197 = arith.constant 0 : i32
    %dma_start3A_198 = arith.constant 0 : i32
    %dma_start3A_199 = tpu.memref_slice %arg8[%dma_start3A_195, %dma_start3A_196, %dma_start3A_197, %dma_start3A_198] : memref<2x16x128x16xf32, #tpu.memory_space<vmem>> -> memref<1x1x128x16xf32, #tpu.memory_space<vmem>>
    %dma_start3A_200 = tpu.memref_squeeze %dma_start3A_199 : memref<1x1x128x16xf32, #tpu.memory_space<vmem>> -> memref<128x16xf32, #tpu.memory_space<vmem>>
    %dma_start3A_201 = arith.constant 0 : i32
    %dma_start3A_202 = tpu.memref_slice %arg6[%dma_start3A_194, %dma_start3A_201] : memref<96x128xi32, #tpu.memory_space<vmem>> -> memref<1x128xi32, #tpu.memory_space<vmem>>
    %dma_start3A_203 = tpu.memref_squeeze %dma_start3A_202 : memref<1x128xi32, #tpu.memory_space<vmem>> -> memref<128xi32, #tpu.memory_space<vmem>>
    %dma_start3A_204 = arith.constant 0 : i32
    %dma_start3A_205 = arith.constant 0 : i32
    %dma_start3A_206 = tpu.memref_slice %arg11[%dma_start3A_204, %dma_start3A_205] : memref<10112x16xf32, #tpu.memory_space<vmem_shared>> -> memref<10112x16xf32, #tpu.memory_space<vmem_shared>>
    tpu.enqueue_indirect_dma source(%dma_start3A_206 : memref<10112x16xf32, #tpu.memory_space<vmem_shared>>) target(%dma_start3A_200 : memref<128x16xf32, #tpu.memory_space<vmem>>) offsets(%dma_start3A_203 : memref<128xi32, #tpu.memory_space<vmem>>) semaphore(%arg12 : memref<!tpu.dma_semaphore, #tpu.memory_space<semaphore_mem>>)
    %dma_start3A_207 = arith.constant 15 : i32
    %dma_start3A_208 = arith.constant 0 : i32
    %dma_start3A_209 = arith.constant 15 : i32
    %dma_start3A_210 = arith.constant 0 : i32
    %dma_start3A_211 = arith.constant 0 : i32
    %dma_start3A_212 = tpu.memref_slice %arg8[%dma_start3A_208, %dma_start3A_209, %dma_start3A_210, %dma_start3A_211] : memref<2x16x128x16xf32, #tpu.memory_space<vmem>> -> memref<1x1x128x16xf32, #tpu.memory_space<vmem>>
    %dma_start3A_213 = tpu.memref_squeeze %dma_start3A_212 : memref<1x1x128x16xf32, #tpu.memory_space<vmem>> -> memref<128x16xf32, #tpu.memory_space<vmem>>
    %dma_start3A_214 = arith.constant 0 : i32
    %dma_start3A_215 = tpu.memref_slice %arg6[%dma_start3A_207, %dma_start3A_214] : memref<96x128xi32, #tpu.memory_space<vmem>> -> memref<1x128xi32, #tpu.memory_space<vmem>>
    %dma_start3A_216 = tpu.memref_squeeze %dma_start3A_215 : memref<1x128xi32, #tpu.memory_space<vmem>> -> memref<128xi32, #tpu.memory_space<vmem>>
    %dma_start3A_217 = arith.constant 0 : i32
    %dma_start3A_218 = arith.constant 0 : i32
    %dma_start3A_219 = tpu.memref_slice %arg11[%dma_start3A_217, %dma_start3A_218] : memref<10112x16xf32, #tpu.memory_space<vmem_shared>> -> memref<10112x16xf32, #tpu.memory_space<vmem_shared>>
    tpu.enqueue_indirect_dma source(%dma_start3A_219 : memref<10112x16xf32, #tpu.memory_space<vmem_shared>>) target(%dma_start3A_213 : memref<128x16xf32, #tpu.memory_space<vmem>>) offsets(%dma_start3A_216 : memref<128xi32, #tpu.memory_space<vmem>>) semaphore(%arg12 : memref<!tpu.dma_semaphore, #tpu.memory_space<semaphore_mem>>)
    %dma_wait3A = arith.constant 0 : i32
    %dma_wait3A_220 = arith.constant 0 : i32
    %dma_wait3A_221 = arith.constant 0 : i32
    %dma_wait3A_222 = arith.constant 0 : i32
    %dma_wait3A_223 = arith.constant 0 : i32
    %dma_wait3A_224 = tpu.memref_slice %arg8[%dma_wait3A_220, %dma_wait3A_221, %dma_wait3A_222, %dma_wait3A_223] : memref<2x16x128x16xf32, #tpu.memory_space<vmem>> -> memref<1x1x128x16xf32, #tpu.memory_space<vmem>>
    %dma_wait3A_225 = tpu.memref_squeeze %dma_wait3A_224 : memref<1x1x128x16xf32, #tpu.memory_space<vmem>> -> memref<128x16xf32, #tpu.memory_space<vmem>>
    %dma_wait3A_226 = arith.constant 0 : i32
    %dma_wait3A_227 = tpu.memref_slice %arg6[%dma_wait3A, %dma_wait3A_226] : memref<96x128xi32, #tpu.memory_space<vmem>> -> memref<1x128xi32, #tpu.memory_space<vmem>>
    %dma_wait3A_228 = tpu.memref_squeeze %dma_wait3A_227 : memref<1x128xi32, #tpu.memory_space<vmem>> -> memref<128xi32, #tpu.memory_space<vmem>>
    %dma_wait3A_229 = arith.constant 0 : i32
    %dma_wait3A_230 = arith.constant 0 : i32
    %dma_wait3A_231 = tpu.memref_slice %arg2[%dma_wait3A_229, %dma_wait3A_230] : memref<10000x16xf32, #tpu.memory_space<hbm>> -> memref<10000x16xf32, #tpu.memory_space<hbm>>
    tpu.wait_indirect_dma semaphore(%arg12 : memref<!tpu.dma_semaphore, #tpu.memory_space<semaphore_mem>>) src(%dma_wait3A_231 : memref<10000x16xf32, #tpu.memory_space<hbm>>) dst(%dma_wait3A_225 : memref<128x16xf32, #tpu.memory_space<vmem>>)
    %dma_wait3A_232 = arith.constant 0 : i32
    %dma_wait3A_233 = arith.constant 0 : i32
    %dma_wait3A_234 = arith.constant 0 : i32
    %dma_wait3A_235 = arith.constant 0 : i32
    %dma_wait3A_236 = arith.constant 0 : i32
    %dma_wait3A_237 = tpu.memref_slice %arg8[%dma_wait3A_233, %dma_wait3A_234, %dma_wait3A_235, %dma_wait3A_236] : memref<2x16x128x16xf32, #tpu.memory_space<vmem>> -> memref<1x1x128x16xf32, #tpu.memory_space<vmem>>
    %dma_wait3A_238 = tpu.memref_squeeze %dma_wait3A_237 : memref<1x1x128x16xf32, #tpu.memory_space<vmem>> -> memref<128x16xf32, #tpu.memory_space<vmem>>
    %dma_wait3A_239 = arith.constant 0 : i32
    %dma_wait3A_240 = tpu.memref_slice %arg6[%dma_wait3A_232, %dma_wait3A_239] : memref<96x128xi32, #tpu.memory_space<vmem>> -> memref<1x128xi32, #tpu.memory_space<vmem>>
    %dma_wait3A_241 = tpu.memref_squeeze %dma_wait3A_240 : memref<1x128xi32, #tpu.memory_space<vmem>> -> memref<128xi32, #tpu.memory_space<vmem>>
    %dma_wait3A_242 = arith.constant 0 : i32
    %dma_wait3A_243 = arith.constant 0 : i32
    %dma_wait3A_244 = tpu.memref_slice %arg2[%dma_wait3A_242, %dma_wait3A_243] : memref<10000x16xf32, #tpu.memory_space<hbm>> -> memref<10000x16xf32, #tpu.memory_space<hbm>>
    tpu.wait_indirect_dma semaphore(%arg12 : memref<!tpu.dma_semaphore, #tpu.memory_space<semaphore_mem>>) src(%dma_wait3A_244 : memref<10000x16xf32, #tpu.memory_space<hbm>>) dst(%dma_wait3A_238 : memref<128x16xf32, #tpu.memory_space<vmem>>)
    %dma_wait3A_245 = arith.constant 0 : i32
    %dma_wait3A_246 = arith.constant 0 : i32
    %dma_wait3A_247 = arith.constant 0 : i32
    %dma_wait3A_248 = arith.constant 0 : i32
    %dma_wait3A_249 = arith.constant 0 : i32
    %dma_wait3A_250 = tpu.memref_slice %arg8[%dma_wait3A_246, %dma_wait3A_247, %dma_wait3A_248, %dma_wait3A_249] : memref<2x16x128x16xf32, #tpu.memory_space<vmem>> -> memref<1x1x128x16xf32, #tpu.memory_space<vmem>>
    %dma_wait3A_251 = tpu.memref_squeeze %dma_wait3A_250 : memref<1x1x128x16xf32, #tpu.memory_space<vmem>> -> memref<128x16xf32, #tpu.memory_space<vmem>>
    %dma_wait3A_252 = arith.constant 0 : i32
    %dma_wait3A_253 = tpu.memref_slice %arg6[%dma_wait3A_245, %dma_wait3A_252] : memref<96x128xi32, #tpu.memory_space<vmem>> -> memref<1x128xi32, #tpu.memory_space<vmem>>
    %dma_wait3A_254 = tpu.memref_squeeze %dma_wait3A_253 : memref<1x128xi32, #tpu.memory_space<vmem>> -> memref<128xi32, #tpu.memory_space<vmem>>
    %dma_wait3A_255 = arith.constant 0 : i32
    %dma_wait3A_256 = arith.constant 0 : i32
    %dma_wait3A_257 = tpu.memref_slice %arg2[%dma_wait3A_255, %dma_wait3A_256] : memref<10000x16xf32, #tpu.memory_space<hbm>> -> memref<10000x16xf32, #tpu.memory_space<hbm>>
    tpu.wait_indirect_dma semaphore(%arg12 : memref<!tpu.dma_semaphore, #tpu.memory_space<semaphore_mem>>) src(%dma_wait3A_257 : memref<10000x16xf32, #tpu.memory_space<hbm>>) dst(%dma_wait3A_251 : memref<128x16xf32, #tpu.memory_space<vmem>>)
    %dma_wait3A_258 = arith.constant 0 : i32
    %dma_wait3A_259 = arith.constant 0 : i32
    %dma_wait3A_260 = arith.constant 0 : i32
    %dma_wait3A_261 = arith.constant 0 : i32
    %dma_wait3A_262 = arith.constant 0 : i32
    %dma_wait3A_263 = tpu.memref_slice %arg8[%dma_wait3A_259, %dma_wait3A_260, %dma_wait3A_261, %dma_wait3A_262] : memref<2x16x128x16xf32, #tpu.memory_space<vmem>> -> memref<1x1x128x16xf32, #tpu.memory_space<vmem>>
    %dma_wait3A_264 = tpu.memref_squeeze %dma_wait3A_263 : memref<1x1x128x16xf32, #tpu.memory_space<vmem>> -> memref<128x16xf32, #tpu.memory_space<vmem>>
    %dma_wait3A_265 = arith.constant 0 : i32
    %dma_wait3A_266 = tpu.memref_slice %arg6[%dma_wait3A_258, %dma_wait3A_265] : memref<96x128xi32, #tpu.memory_space<vmem>> -> memref<1x128xi32, #tpu.memory_space<vmem>>
    %dma_wait3A_267 = tpu.memref_squeeze %dma_wait3A_266 : memref<1x128xi32, #tpu.memory_space<vmem>> -> memref<128xi32, #tpu.memory_space<vmem>>
    %dma_wait3A_268 = arith.constant 0 : i32
    %dma_wait3A_269 = arith.constant 0 : i32
    %dma_wait3A_270 = tpu.memref_slice %arg2[%dma_wait3A_268, %dma_wait3A_269] : memref<10000x16xf32, #tpu.memory_space<hbm>> -> memref<10000x16xf32, #tpu.memory_space<hbm>>
    tpu.wait_indirect_dma semaphore(%arg12 : memref<!tpu.dma_semaphore, #tpu.memory_space<semaphore_mem>>) src(%dma_wait3A_270 : memref<10000x16xf32, #tpu.memory_space<hbm>>) dst(%dma_wait3A_264 : memref<128x16xf32, #tpu.memory_space<vmem>>)
    %dma_wait3A_271 = arith.constant 0 : i32
    %dma_wait3A_272 = arith.constant 0 : i32
    %dma_wait3A_273 = arith.constant 0 : i32
    %dma_wait3A_274 = arith.constant 0 : i32
    %dma_wait3A_275 = arith.constant 0 : i32
    %dma_wait3A_276 = tpu.memref_slice %arg8[%dma_wait3A_272, %dma_wait3A_273, %dma_wait3A_274, %dma_wait3A_275] : memref<2x16x128x16xf32, #tpu.memory_space<vmem>> -> memref<1x1x128x16xf32, #tpu.memory_space<vmem>>
    %dma_wait3A_277 = tpu.memref_squeeze %dma_wait3A_276 : memref<1x1x128x16xf32, #tpu.memory_space<vmem>> -> memref<128x16xf32, #tpu.memory_space<vmem>>
    %dma_wait3A_278 = arith.constant 0 : i32
    %dma_wait3A_279 = tpu.memref_slice %arg6[%dma_wait3A_271, %dma_wait3A_278] : memref<96x128xi32, #tpu.memory_space<vmem>> -> memref<1x128xi32, #tpu.memory_space<vmem>>
    %dma_wait3A_280 = tpu.memref_squeeze %dma_wait3A_279 : memref<1x128xi32, #tpu.memory_space<vmem>> -> memref<128xi32, #tpu.memory_space<vmem>>
    %dma_wait3A_281 = arith.constant 0 : i32
    %dma_wait3A_282 = arith.constant 0 : i32
    %dma_wait3A_283 = tpu.memref_slice %arg2[%dma_wait3A_281, %dma_wait3A_282] : memref<10000x16xf32, #tpu.memory_space<hbm>> -> memref<10000x16xf32, #tpu.memory_space<hbm>>
    tpu.wait_indirect_dma semaphore(%arg12 : memref<!tpu.dma_semaphore, #tpu.memory_space<semaphore_mem>>) src(%dma_wait3A_283 : memref<10000x16xf32, #tpu.memory_space<hbm>>) dst(%dma_wait3A_277 : memref<128x16xf32, #tpu.memory_space<vmem>>)
    %dma_wait3A_284 = arith.constant 0 : i32
    %dma_wait3A_285 = arith.constant 0 : i32
    %dma_wait3A_286 = arith.constant 0 : i32
    %dma_wait3A_287 = arith.constant 0 : i32
    %dma_wait3A_288 = arith.constant 0 : i32
    %dma_wait3A_289 = tpu.memref_slice %arg8[%dma_wait3A_285, %dma_wait3A_286, %dma_wait3A_287, %dma_wait3A_288] : memref<2x16x128x16xf32, #tpu.memory_space<vmem>> -> memref<1x1x128x16xf32, #tpu.memory_space<vmem>>
    %dma_wait3A_290 = tpu.memref_squeeze %dma_wait3A_289 : memref<1x1x128x16xf32, #tpu.memory_space<vmem>> -> memref<128x16xf32, #tpu.memory_space<vmem>>
    %dma_wait3A_291 = arith.constant 0 : i32
    %dma_wait3A_292 = tpu.memref_slice %arg6[%dma_wait3A_284, %dma_wait3A_291] : memref<96x128xi32, #tpu.memory_space<vmem>> -> memref<1x128xi32, #tpu.memory_space<vmem>>
    %dma_wait3A_293 = tpu.memref_squeeze %dma_wait3A_292 : memref<1x128xi32, #tpu.memory_space<vmem>> -> memref<128xi32, #tpu.memory_space<vmem>>
    %dma_wait3A_294 = arith.constant 0 : i32
    %dma_wait3A_295 = arith.constant 0 : i32
    %dma_wait3A_296 = tpu.memref_slice %arg2[%dma_wait3A_294, %dma_wait3A_295] : memref<10000x16xf32, #tpu.memory_space<hbm>> -> memref<10000x16xf32, #tpu.memory_space<hbm>>
    tpu.wait_indirect_dma semaphore(%arg12 : memref<!tpu.dma_semaphore, #tpu.memory_space<semaphore_mem>>) src(%dma_wait3A_296 : memref<10000x16xf32, #tpu.memory_space<hbm>>) dst(%dma_wait3A_290 : memref<128x16xf32, #tpu.memory_space<vmem>>)
    %dma_wait3A_297 = arith.constant 0 : i32
    %dma_wait3A_298 = arith.constant 0 : i32
    %dma_wait3A_299 = arith.constant 0 : i32
    %dma_wait3A_300 = arith.constant 0 : i32
    %dma_wait3A_301 = arith.constant 0 : i32
    %dma_wait3A_302 = tpu.memref_slice %arg8[%dma_wait3A_298, %dma_wait3A_299, %dma_wait3A_300, %dma_wait3A_301] : memref<2x16x128x16xf32, #tpu.memory_space<vmem>> -> memref<1x1x128x16xf32, #tpu.memory_space<vmem>>
    %dma_wait3A_303 = tpu.memref_squeeze %dma_wait3A_302 : memref<1x1x128x16xf32, #tpu.memory_space<vmem>> -> memref<128x16xf32, #tpu.memory_space<vmem>>
    %dma_wait3A_304 = arith.constant 0 : i32
    %dma_wait3A_305 = tpu.memref_slice %arg6[%dma_wait3A_297, %dma_wait3A_304] : memref<96x128xi32, #tpu.memory_space<vmem>> -> memref<1x128xi32, #tpu.memory_space<vmem>>
    %dma_wait3A_306 = tpu.memref_squeeze %dma_wait3A_305 : memref<1x128xi32, #tpu.memory_space<vmem>> -> memref<128xi32, #tpu.memory_space<vmem>>
    %dma_wait3A_307 = arith.constant 0 : i32
    %dma_wait3A_308 = arith.constant 0 : i32
    %dma_wait3A_309 = tpu.memref_slice %arg2[%dma_wait3A_307, %dma_wait3A_308] : memref<10000x16xf32, #tpu.memory_space<hbm>> -> memref<10000x16xf32, #tpu.memory_space<hbm>>
    tpu.wait_indirect_dma semaphore(%arg12 : memref<!tpu.dma_semaphore, #tpu.memory_space<semaphore_mem>>) src(%dma_wait3A_309 : memref<10000x16xf32, #tpu.memory_space<hbm>>) dst(%dma_wait3A_303 : memref<128x16xf32, #tpu.memory_space<vmem>>)
    %dma_wait3A_310 = arith.constant 0 : i32
    %dma_wait3A_311 = arith.constant 0 : i32
    %dma_wait3A_312 = arith.constant 0 : i32
    %dma_wait3A_313 = arith.constant 0 : i32
    %dma_wait3A_314 = arith.constant 0 : i32
    %dma_wait3A_315 = tpu.memref_slice %arg8[%dma_wait3A_311, %dma_wait3A_312, %dma_wait3A_313, %dma_wait3A_314] : memref<2x16x128x16xf32, #tpu.memory_space<vmem>> -> memref<1x1x128x16xf32, #tpu.memory_space<vmem>>
    %dma_wait3A_316 = tpu.memref_squeeze %dma_wait3A_315 : memref<1x1x128x16xf32, #tpu.memory_space<vmem>> -> memref<128x16xf32, #tpu.memory_space<vmem>>
    %dma_wait3A_317 = arith.constant 0 : i32
    %dma_wait3A_318 = tpu.memref_slice %arg6[%dma_wait3A_310, %dma_wait3A_317] : memref<96x128xi32, #tpu.memory_space<vmem>> -> memref<1x128xi32, #tpu.memory_space<vmem>>
    %dma_wait3A_319 = tpu.memref_squeeze %dma_wait3A_318 : memref<1x128xi32, #tpu.memory_space<vmem>> -> memref<128xi32, #tpu.memory_space<vmem>>
    %dma_wait3A_320 = arith.constant 0 : i32
    %dma_wait3A_321 = arith.constant 0 : i32
    %dma_wait3A_322 = tpu.memref_slice %arg2[%dma_wait3A_320, %dma_wait3A_321] : memref<10000x16xf32, #tpu.memory_space<hbm>> -> memref<10000x16xf32, #tpu.memory_space<hbm>>
    tpu.wait_indirect_dma semaphore(%arg12 : memref<!tpu.dma_semaphore, #tpu.memory_space<semaphore_mem>>) src(%dma_wait3A_322 : memref<10000x16xf32, #tpu.memory_space<hbm>>) dst(%dma_wait3A_316 : memref<128x16xf32, #tpu.memory_space<vmem>>)
    %dma_wait3A_323 = arith.constant 0 : i32
    %dma_wait3A_324 = arith.constant 0 : i32
    %dma_wait3A_325 = arith.constant 0 : i32
    %dma_wait3A_326 = arith.constant 0 : i32
    %dma_wait3A_327 = arith.constant 0 : i32
    %dma_wait3A_328 = tpu.memref_slice %arg8[%dma_wait3A_324, %dma_wait3A_325, %dma_wait3A_326, %dma_wait3A_327] : memref<2x16x128x16xf32, #tpu.memory_space<vmem>> -> memref<1x1x128x16xf32, #tpu.memory_space<vmem>>
    %dma_wait3A_329 = tpu.memref_squeeze %dma_wait3A_328 : memref<1x1x128x16xf32, #tpu.memory_space<vmem>> -> memref<128x16xf32, #tpu.memory_space<vmem>>
    %dma_wait3A_330 = arith.constant 0 : i32
    %dma_wait3A_331 = tpu.memref_slice %arg6[%dma_wait3A_323, %dma_wait3A_330] : memref<96x128xi32, #tpu.memory_space<vmem>> -> memref<1x128xi32, #tpu.memory_space<vmem>>
    %dma_wait3A_332 = tpu.memref_squeeze %dma_wait3A_331 : memref<1x128xi32, #tpu.memory_space<vmem>> -> memref<128xi32, #tpu.memory_space<vmem>>
    %dma_wait3A_333 = arith.constant 0 : i32
    %dma_wait3A_334 = arith.constant 0 : i32
    %dma_wait3A_335 = tpu.memref_slice %arg2[%dma_wait3A_333, %dma_wait3A_334] : memref<10000x16xf32, #tpu.memory_space<hbm>> -> memref<10000x16xf32, #tpu.memory_space<hbm>>
    tpu.wait_indirect_dma semaphore(%arg12 : memref<!tpu.dma_semaphore, #tpu.memory_space<semaphore_mem>>) src(%dma_wait3A_335 : memref<10000x16xf32, #tpu.memory_space<hbm>>) dst(%dma_wait3A_329 : memref<128x16xf32, #tpu.memory_space<vmem>>)
    %dma_wait3A_336 = arith.constant 0 : i32
    %dma_wait3A_337 = arith.constant 0 : i32
    %dma_wait3A_338 = arith.constant 0 : i32
    %dma_wait3A_339 = arith.constant 0 : i32
    %dma_wait3A_340 = arith.constant 0 : i32
    %dma_wait3A_341 = tpu.memref_slice %arg8[%dma_wait3A_337, %dma_wait3A_338, %dma_wait3A_339, %dma_wait3A_340] : memref<2x16x128x16xf32, #tpu.memory_space<vmem>> -> memref<1x1x128x16xf32, #tpu.memory_space<vmem>>
    %dma_wait3A_342 = tpu.memref_squeeze %dma_wait3A_341 : memref<1x1x128x16xf32, #tpu.memory_space<vmem>> -> memref<128x16xf32, #tpu.memory_space<vmem>>
    %dma_wait3A_343 = arith.constant 0 : i32
    %dma_wait3A_344 = tpu.memref_slice %arg6[%dma_wait3A_336, %dma_wait3A_343] : memref<96x128xi32, #tpu.memory_space<vmem>> -> memref<1x128xi32, #tpu.memory_space<vmem>>
    %dma_wait3A_345 = tpu.memref_squeeze %dma_wait3A_344 : memref<1x128xi32, #tpu.memory_space<vmem>> -> memref<128xi32, #tpu.memory_space<vmem>>
    %dma_wait3A_346 = arith.constant 0 : i32
    %dma_wait3A_347 = arith.constant 0 : i32
    %dma_wait3A_348 = tpu.memref_slice %arg2[%dma_wait3A_346, %dma_wait3A_347] : memref<10000x16xf32, #tpu.memory_space<hbm>> -> memref<10000x16xf32, #tpu.memory_space<hbm>>
    tpu.wait_indirect_dma semaphore(%arg12 : memref<!tpu.dma_semaphore, #tpu.memory_space<semaphore_mem>>) src(%dma_wait3A_348 : memref<10000x16xf32, #tpu.memory_space<hbm>>) dst(%dma_wait3A_342 : memref<128x16xf32, #tpu.memory_space<vmem>>)
    %dma_wait3A_349 = arith.constant 0 : i32
    %dma_wait3A_350 = arith.constant 0 : i32
    %dma_wait3A_351 = arith.constant 0 : i32
    %dma_wait3A_352 = arith.constant 0 : i32
    %dma_wait3A_353 = arith.constant 0 : i32
    %dma_wait3A_354 = tpu.memref_slice %arg8[%dma_wait3A_350, %dma_wait3A_351, %dma_wait3A_352, %dma_wait3A_353] : memref<2x16x128x16xf32, #tpu.memory_space<vmem>> -> memref<1x1x128x16xf32, #tpu.memory_space<vmem>>
    %dma_wait3A_355 = tpu.memref_squeeze %dma_wait3A_354 : memref<1x1x128x16xf32, #tpu.memory_space<vmem>> -> memref<128x16xf32, #tpu.memory_space<vmem>>
    %dma_wait3A_356 = arith.constant 0 : i32
    %dma_wait3A_357 = tpu.memref_slice %arg6[%dma_wait3A_349, %dma_wait3A_356] : memref<96x128xi32, #tpu.memory_space<vmem>> -> memref<1x128xi32, #tpu.memory_space<vmem>>
    %dma_wait3A_358 = tpu.memref_squeeze %dma_wait3A_357 : memref<1x128xi32, #tpu.memory_space<vmem>> -> memref<128xi32, #tpu.memory_space<vmem>>
    %dma_wait3A_359 = arith.constant 0 : i32
    %dma_wait3A_360 = arith.constant 0 : i32
    %dma_wait3A_361 = tpu.memref_slice %arg2[%dma_wait3A_359, %dma_wait3A_360] : memref<10000x16xf32, #tpu.memory_space<hbm>> -> memref<10000x16xf32, #tpu.memory_space<hbm>>
    tpu.wait_indirect_dma semaphore(%arg12 : memref<!tpu.dma_semaphore, #tpu.memory_space<semaphore_mem>>) src(%dma_wait3A_361 : memref<10000x16xf32, #tpu.memory_space<hbm>>) dst(%dma_wait3A_355 : memref<128x16xf32, #tpu.memory_space<vmem>>)
    %dma_wait3A_362 = arith.constant 0 : i32
    %dma_wait3A_363 = arith.constant 0 : i32
    %dma_wait3A_364 = arith.constant 0 : i32
    %dma_wait3A_365 = arith.constant 0 : i32
    %dma_wait3A_366 = arith.constant 0 : i32
    %dma_wait3A_367 = tpu.memref_slice %arg8[%dma_wait3A_363, %dma_wait3A_364, %dma_wait3A_365, %dma_wait3A_366] : memref<2x16x128x16xf32, #tpu.memory_space<vmem>> -> memref<1x1x128x16xf32, #tpu.memory_space<vmem>>
    %dma_wait3A_368 = tpu.memref_squeeze %dma_wait3A_367 : memref<1x1x128x16xf32, #tpu.memory_space<vmem>> -> memref<128x16xf32, #tpu.memory_space<vmem>>
    %dma_wait3A_369 = arith.constant 0 : i32
    %dma_wait3A_370 = tpu.memref_slice %arg6[%dma_wait3A_362, %dma_wait3A_369] : memref<96x128xi32, #tpu.memory_space<vmem>> -> memref<1x128xi32, #tpu.memory_space<vmem>>
    %dma_wait3A_371 = tpu.memref_squeeze %dma_wait3A_370 : memref<1x128xi32, #tpu.memory_space<vmem>> -> memref<128xi32, #tpu.memory_space<vmem>>
    %dma_wait3A_372 = arith.constant 0 : i32
    %dma_wait3A_373 = arith.constant 0 : i32
    %dma_wait3A_374 = tpu.memref_slice %arg2[%dma_wait3A_372, %dma_wait3A_373] : memref<10000x16xf32, #tpu.memory_space<hbm>> -> memref<10000x16xf32, #tpu.memory_space<hbm>>
    tpu.wait_indirect_dma semaphore(%arg12 : memref<!tpu.dma_semaphore, #tpu.memory_space<semaphore_mem>>) src(%dma_wait3A_374 : memref<10000x16xf32, #tpu.memory_space<hbm>>) dst(%dma_wait3A_368 : memref<128x16xf32, #tpu.memory_space<vmem>>)
    %dma_wait3A_375 = arith.constant 0 : i32
    %dma_wait3A_376 = arith.constant 0 : i32
    %dma_wait3A_377 = arith.constant 0 : i32
    %dma_wait3A_378 = arith.constant 0 : i32
    %dma_wait3A_379 = arith.constant 0 : i32
    %dma_wait3A_380 = tpu.memref_slice %arg8[%dma_wait3A_376, %dma_wait3A_377, %dma_wait3A_378, %dma_wait3A_379] : memref<2x16x128x16xf32, #tpu.memory_space<vmem>> -> memref<1x1x128x16xf32, #tpu.memory_space<vmem>>
    %dma_wait3A_381 = tpu.memref_squeeze %dma_wait3A_380 : memref<1x1x128x16xf32, #tpu.memory_space<vmem>> -> memref<128x16xf32, #tpu.memory_space<vmem>>
    %dma_wait3A_382 = arith.constant 0 : i32
    %dma_wait3A_383 = tpu.memref_slice %arg6[%dma_wait3A_375, %dma_wait3A_382] : memref<96x128xi32, #tpu.memory_space<vmem>> -> memref<1x128xi32, #tpu.memory_space<vmem>>
    %dma_wait3A_384 = tpu.memref_squeeze %dma_wait3A_383 : memref<1x128xi32, #tpu.memory_space<vmem>> -> memref<128xi32, #tpu.memory_space<vmem>>
    %dma_wait3A_385 = arith.constant 0 : i32
    %dma_wait3A_386 = arith.constant 0 : i32
    %dma_wait3A_387 = tpu.memref_slice %arg2[%dma_wait3A_385, %dma_wait3A_386] : memref<10000x16xf32, #tpu.memory_space<hbm>> -> memref<10000x16xf32, #tpu.memory_space<hbm>>
    tpu.wait_indirect_dma semaphore(%arg12 : memref<!tpu.dma_semaphore, #tpu.memory_space<semaphore_mem>>) src(%dma_wait3A_387 : memref<10000x16xf32, #tpu.memory_space<hbm>>) dst(%dma_wait3A_381 : memref<128x16xf32, #tpu.memory_space<vmem>>)
    %dma_wait3A_388 = arith.constant 0 : i32
    %dma_wait3A_389 = arith.constant 0 : i32
    %dma_wait3A_390 = arith.constant 0 : i32
    %dma_wait3A_391 = arith.constant 0 : i32
    %dma_wait3A_392 = arith.constant 0 : i32
    %dma_wait3A_393 = tpu.memref_slice %arg8[%dma_wait3A_389, %dma_wait3A_390, %dma_wait3A_391, %dma_wait3A_392] : memref<2x16x128x16xf32, #tpu.memory_space<vmem>> -> memref<1x1x128x16xf32, #tpu.memory_space<vmem>>
    %dma_wait3A_394 = tpu.memref_squeeze %dma_wait3A_393 : memref<1x1x128x16xf32, #tpu.memory_space<vmem>> -> memref<128x16xf32, #tpu.memory_space<vmem>>
    %dma_wait3A_395 = arith.constant 0 : i32
    %dma_wait3A_396 = tpu.memref_slice %arg6[%dma_wait3A_388, %dma_wait3A_395] : memref<96x128xi32, #tpu.memory_space<vmem>> -> memref<1x128xi32, #tpu.memory_space<vmem>>
    %dma_wait3A_397 = tpu.memref_squeeze %dma_wait3A_396 : memref<1x128xi32, #tpu.memory_space<vmem>> -> memref<128xi32, #tpu.memory_space<vmem>>
    %dma_wait3A_398 = arith.constant 0 : i32
    %dma_wait3A_399 = arith.constant 0 : i32
    %dma_wait3A_400 = tpu.memref_slice %arg2[%dma_wait3A_398, %dma_wait3A_399] : memref<10000x16xf32, #tpu.memory_space<hbm>> -> memref<10000x16xf32, #tpu.memory_space<hbm>>
    tpu.wait_indirect_dma semaphore(%arg12 : memref<!tpu.dma_semaphore, #tpu.memory_space<semaphore_mem>>) src(%dma_wait3A_400 : memref<10000x16xf32, #tpu.memory_space<hbm>>) dst(%dma_wait3A_394 : memref<128x16xf32, #tpu.memory_space<vmem>>)
    %dma_wait3A_401 = arith.constant 0 : i32
    %dma_wait3A_402 = arith.constant 0 : i32
    %dma_wait3A_403 = arith.constant 0 : i32
    %dma_wait3A_404 = arith.constant 0 : i32
    %dma_wait3A_405 = arith.constant 0 : i32
    %dma_wait3A_406 = tpu.memref_slice %arg8[%dma_wait3A_402, %dma_wait3A_403, %dma_wait3A_404, %dma_wait3A_405] : memref<2x16x128x16xf32, #tpu.memory_space<vmem>> -> memref<1x1x128x16xf32, #tpu.memory_space<vmem>>
    %dma_wait3A_407 = tpu.memref_squeeze %dma_wait3A_406 : memref<1x1x128x16xf32, #tpu.memory_space<vmem>> -> memref<128x16xf32, #tpu.memory_space<vmem>>
    %dma_wait3A_408 = arith.constant 0 : i32
    %dma_wait3A_409 = tpu.memref_slice %arg6[%dma_wait3A_401, %dma_wait3A_408] : memref<96x128xi32, #tpu.memory_space<vmem>> -> memref<1x128xi32, #tpu.memory_space<vmem>>
    %dma_wait3A_410 = tpu.memref_squeeze %dma_wait3A_409 : memref<1x128xi32, #tpu.memory_space<vmem>> -> memref<128xi32, #tpu.memory_space<vmem>>
    %dma_wait3A_411 = arith.constant 0 : i32
    %dma_wait3A_412 = arith.constant 0 : i32
    %dma_wait3A_413 = tpu.memref_slice %arg2[%dma_wait3A_411, %dma_wait3A_412] : memref<10000x16xf32, #tpu.memory_space<hbm>> -> memref<10000x16xf32, #tpu.memory_space<hbm>>
    tpu.wait_indirect_dma semaphore(%arg12 : memref<!tpu.dma_semaphore, #tpu.memory_space<semaphore_mem>>) src(%dma_wait3A_413 : memref<10000x16xf32, #tpu.memory_space<hbm>>) dst(%dma_wait3A_407 : memref<128x16xf32, #tpu.memory_space<vmem>>)
    %dma_wait3A_414 = arith.constant 0 : i32
    %dma_wait3A_415 = arith.constant 0 : i32
    %dma_wait3A_416 = arith.constant 0 : i32
    %dma_wait3A_417 = arith.constant 0 : i32
    %dma_wait3A_418 = arith.constant 0 : i32
    %dma_wait3A_419 = tpu.memref_slice %arg8[%dma_wait3A_415, %dma_wait3A_416, %dma_wait3A_417, %dma_wait3A_418] : memref<2x16x128x16xf32, #tpu.memory_space<vmem>> -> memref<1x1x128x16xf32, #tpu.memory_space<vmem>>
    %dma_wait3A_420 = tpu.memref_squeeze %dma_wait3A_419 : memref<1x1x128x16xf32, #tpu.memory_space<vmem>> -> memref<128x16xf32, #tpu.memory_space<vmem>>
    %dma_wait3A_421 = arith.constant 0 : i32
    %dma_wait3A_422 = tpu.memref_slice %arg6[%dma_wait3A_414, %dma_wait3A_421] : memref<96x128xi32, #tpu.memory_space<vmem>> -> memref<1x128xi32, #tpu.memory_space<vmem>>
    %dma_wait3A_423 = tpu.memref_squeeze %dma_wait3A_422 : memref<1x128xi32, #tpu.memory_space<vmem>> -> memref<128xi32, #tpu.memory_space<vmem>>
    %dma_wait3A_424 = arith.constant 0 : i32
    %dma_wait3A_425 = arith.constant 0 : i32
    %dma_wait3A_426 = tpu.memref_slice %arg2[%dma_wait3A_424, %dma_wait3A_425] : memref<10000x16xf32, #tpu.memory_space<hbm>> -> memref<10000x16xf32, #tpu.memory_space<hbm>>
    tpu.wait_indirect_dma semaphore(%arg12 : memref<!tpu.dma_semaphore, #tpu.memory_space<semaphore_mem>>) src(%dma_wait3A_426 : memref<10000x16xf32, #tpu.memory_space<hbm>>) dst(%dma_wait3A_420 : memref<128x16xf32, #tpu.memory_space<vmem>>)
    %dma_start3A_427 = arith.constant 0 : i32
    %dma_start3A_428 = arith.constant 0 : i32
    %dma_start3A_429 = arith.constant 0 : i32
    %dma_start3A_430 = arith.constant 0 : i32
    %dma_start3A_431 = arith.constant 0 : i32
    %dma_start3A_432 = tpu.memref_slice %arg8[%dma_start3A_427, %dma_start3A_428, %dma_start3A_430, %dma_start3A_431] : memref<2x16x128x16xf32, #tpu.memory_space<vmem>> -> memref<1x1x128x16xf32, #tpu.memory_space<vmem>>
    %dma_start3A_433 = tpu.memref_squeeze %dma_start3A_432 : memref<1x1x128x16xf32, #tpu.memory_space<vmem>> -> memref<128x16xf32, #tpu.memory_space<vmem>>
    %dma_start3A_434 = arith.constant 0 : i32
    %dma_start3A_435 = tpu.memref_slice %arg7[%dma_start3A_429, %dma_start3A_434] : memref<96x128xi32, #tpu.memory_space<vmem>> -> memref<1x128xi32, #tpu.memory_space<vmem>>
    %dma_start3A_436 = tpu.memref_squeeze %dma_start3A_435 : memref<1x128xi32, #tpu.memory_space<vmem>> -> memref<128xi32, #tpu.memory_space<vmem>>
    %dma_start3A_437 = arith.constant 0 : i32
    %dma_start3A_438 = arith.constant 0 : i32
    %dma_start3A_439 = tpu.memref_slice %arg10[%dma_start3A_437, %dma_start3A_438] : memref<10112x16xf32, #tpu.memory_space<vmem_shared>> -> memref<10112x16xf32, #tpu.memory_space<vmem_shared>>
    tpu.enqueue_indirect_dma source(%dma_start3A_433 : memref<128x16xf32, #tpu.memory_space<vmem>>) target(%dma_start3A_439 : memref<10112x16xf32, #tpu.memory_space<vmem_shared>>) offsets(%dma_start3A_436 : memref<128xi32, #tpu.memory_space<vmem>>) semaphore(%arg13 : memref<!tpu.dma_semaphore, #tpu.memory_space<semaphore_mem>>) {add = true}
    %dma_start3A_440 = arith.constant 0 : i32
    %dma_start3A_441 = arith.constant 1 : i32
    %dma_start3A_442 = arith.constant 1 : i32
    %dma_start3A_443 = arith.constant 0 : i32
    %dma_start3A_444 = arith.constant 0 : i32
    %dma_start3A_445 = tpu.memref_slice %arg8[%dma_start3A_440, %dma_start3A_441, %dma_start3A_443, %dma_start3A_444] : memref<2x16x128x16xf32, #tpu.memory_space<vmem>> -> memref<1x1x128x16xf32, #tpu.memory_space<vmem>>
    %dma_start3A_446 = tpu.memref_squeeze %dma_start3A_445 : memref<1x1x128x16xf32, #tpu.memory_space<vmem>> -> memref<128x16xf32, #tpu.memory_space<vmem>>
    %dma_start3A_447 = arith.constant 0 : i32
    %dma_start3A_448 = tpu.memref_slice %arg7[%dma_start3A_442, %dma_start3A_447] : memref<96x128xi32, #tpu.memory_space<vmem>> -> memref<1x128xi32, #tpu.memory_space<vmem>>
    %dma_start3A_449 = tpu.memref_squeeze %dma_start3A_448 : memref<1x128xi32, #tpu.memory_space<vmem>> -> memref<128xi32, #tpu.memory_space<vmem>>
    %dma_start3A_450 = arith.constant 0 : i32
    %dma_start3A_451 = arith.constant 0 : i32
    %dma_start3A_452 = tpu.memref_slice %arg10[%dma_start3A_450, %dma_start3A_451] : memref<10112x16xf32, #tpu.memory_space<vmem_shared>> -> memref<10112x16xf32, #tpu.memory_space<vmem_shared>>
    tpu.enqueue_indirect_dma source(%dma_start3A_446 : memref<128x16xf32, #tpu.memory_space<vmem>>) target(%dma_start3A_452 : memref<10112x16xf32, #tpu.memory_space<vmem_shared>>) offsets(%dma_start3A_449 : memref<128xi32, #tpu.memory_space<vmem>>) semaphore(%arg13 : memref<!tpu.dma_semaphore, #tpu.memory_space<semaphore_mem>>) {add = true}
    %dma_start3A_453 = arith.constant 0 : i32
    %dma_start3A_454 = arith.constant 2 : i32
    %dma_start3A_455 = arith.constant 2 : i32
    %dma_start3A_456 = arith.constant 0 : i32
    %dma_start3A_457 = arith.constant 0 : i32
    %dma_start3A_458 = tpu.memref_slice %arg8[%dma_start3A_453, %dma_start3A_454, %dma_start3A_456, %dma_start3A_457] : memref<2x16x128x16xf32, #tpu.memory_space<vmem>> -> memref<1x1x128x16xf32, #tpu.memory_space<vmem>>
    %dma_start3A_459 = tpu.memref_squeeze %dma_start3A_458 : memref<1x1x128x16xf32, #tpu.memory_space<vmem>> -> memref<128x16xf32, #tpu.memory_space<vmem>>
    %dma_start3A_460 = arith.constant 0 : i32
    %dma_start3A_461 = tpu.memref_slice %arg7[%dma_start3A_455, %dma_start3A_460] : memref<96x128xi32, #tpu.memory_space<vmem>> -> memref<1x128xi32, #tpu.memory_space<vmem>>
    %dma_start3A_462 = tpu.memref_squeeze %dma_start3A_461 : memref<1x128xi32, #tpu.memory_space<vmem>> -> memref<128xi32, #tpu.memory_space<vmem>>
    %dma_start3A_463 = arith.constant 0 : i32
    %dma_start3A_464 = arith.constant 0 : i32
    %dma_start3A_465 = tpu.memref_slice %arg10[%dma_start3A_463, %dma_start3A_464] : memref<10112x16xf32, #tpu.memory_space<vmem_shared>> -> memref<10112x16xf32, #tpu.memory_space<vmem_shared>>
    tpu.enqueue_indirect_dma source(%dma_start3A_459 : memref<128x16xf32, #tpu.memory_space<vmem>>) target(%dma_start3A_465 : memref<10112x16xf32, #tpu.memory_space<vmem_shared>>) offsets(%dma_start3A_462 : memref<128xi32, #tpu.memory_space<vmem>>) semaphore(%arg13 : memref<!tpu.dma_semaphore, #tpu.memory_space<semaphore_mem>>) {add = true}
    %dma_start3A_466 = arith.constant 0 : i32
    %dma_start3A_467 = arith.constant 3 : i32
    %dma_start3A_468 = arith.constant 3 : i32
    %dma_start3A_469 = arith.constant 0 : i32
    %dma_start3A_470 = arith.constant 0 : i32
    %dma_start3A_471 = tpu.memref_slice %arg8[%dma_start3A_466, %dma_start3A_467, %dma_start3A_469, %dma_start3A_470] : memref<2x16x128x16xf32, #tpu.memory_space<vmem>> -> memref<1x1x128x16xf32, #tpu.memory_space<vmem>>
    %dma_start3A_472 = tpu.memref_squeeze %dma_start3A_471 : memref<1x1x128x16xf32, #tpu.memory_space<vmem>> -> memref<128x16xf32, #tpu.memory_space<vmem>>
    %dma_start3A_473 = arith.constant 0 : i32
    %dma_start3A_474 = tpu.memref_slice %arg7[%dma_start3A_468, %dma_start3A_473] : memref<96x128xi32, #tpu.memory_space<vmem>> -> memref<1x128xi32, #tpu.memory_space<vmem>>
    %dma_start3A_475 = tpu.memref_squeeze %dma_start3A_474 : memref<1x128xi32, #tpu.memory_space<vmem>> -> memref<128xi32, #tpu.memory_space<vmem>>
    %dma_start3A_476 = arith.constant 0 : i32
    %dma_start3A_477 = arith.constant 0 : i32
    %dma_start3A_478 = tpu.memref_slice %arg10[%dma_start3A_476, %dma_start3A_477] : memref<10112x16xf32, #tpu.memory_space<vmem_shared>> -> memref<10112x16xf32, #tpu.memory_space<vmem_shared>>
    tpu.enqueue_indirect_dma source(%dma_start3A_472 : memref<128x16xf32, #tpu.memory_space<vmem>>) target(%dma_start3A_478 : memref<10112x16xf32, #tpu.memory_space<vmem_shared>>) offsets(%dma_start3A_475 : memref<128xi32, #tpu.memory_space<vmem>>) semaphore(%arg13 : memref<!tpu.dma_semaphore, #tpu.memory_space<semaphore_mem>>) {add = true}
    %dma_start3A_479 = arith.constant 0 : i32
    %dma_start3A_480 = arith.constant 4 : i32
    %dma_start3A_481 = arith.constant 4 : i32
    %dma_start3A_482 = arith.constant 0 : i32
    %dma_start3A_483 = arith.constant 0 : i32
    %dma_start3A_484 = tpu.memref_slice %arg8[%dma_start3A_479, %dma_start3A_480, %dma_start3A_482, %dma_start3A_483] : memref<2x16x128x16xf32, #tpu.memory_space<vmem>> -> memref<1x1x128x16xf32, #tpu.memory_space<vmem>>
    %dma_start3A_485 = tpu.memref_squeeze %dma_start3A_484 : memref<1x1x128x16xf32, #tpu.memory_space<vmem>> -> memref<128x16xf32, #tpu.memory_space<vmem>>
    %dma_start3A_486 = arith.constant 0 : i32
    %dma_start3A_487 = tpu.memref_slice %arg7[%dma_start3A_481, %dma_start3A_486] : memref<96x128xi32, #tpu.memory_space<vmem>> -> memref<1x128xi32, #tpu.memory_space<vmem>>
    %dma_start3A_488 = tpu.memref_squeeze %dma_start3A_487 : memref<1x128xi32, #tpu.memory_space<vmem>> -> memref<128xi32, #tpu.memory_space<vmem>>
    %dma_start3A_489 = arith.constant 0 : i32
    %dma_start3A_490 = arith.constant 0 : i32
    %dma_start3A_491 = tpu.memref_slice %arg10[%dma_start3A_489, %dma_start3A_490] : memref<10112x16xf32, #tpu.memory_space<vmem_shared>> -> memref<10112x16xf32, #tpu.memory_space<vmem_shared>>
    tpu.enqueue_indirect_dma source(%dma_start3A_485 : memref<128x16xf32, #tpu.memory_space<vmem>>) target(%dma_start3A_491 : memref<10112x16xf32, #tpu.memory_space<vmem_shared>>) offsets(%dma_start3A_488 : memref<128xi32, #tpu.memory_space<vmem>>) semaphore(%arg13 : memref<!tpu.dma_semaphore, #tpu.memory_space<semaphore_mem>>) {add = true}
    %dma_start3A_492 = arith.constant 0 : i32
    %dma_start3A_493 = arith.constant 5 : i32
    %dma_start3A_494 = arith.constant 5 : i32
    %dma_start3A_495 = arith.constant 0 : i32
    %dma_start3A_496 = arith.constant 0 : i32
    %dma_start3A_497 = tpu.memref_slice %arg8[%dma_start3A_492, %dma_start3A_493, %dma_start3A_495, %dma_start3A_496] : memref<2x16x128x16xf32, #tpu.memory_space<vmem>> -> memref<1x1x128x16xf32, #tpu.memory_space<vmem>>
    %dma_start3A_498 = tpu.memref_squeeze %dma_start3A_497 : memref<1x1x128x16xf32, #tpu.memory_space<vmem>> -> memref<128x16xf32, #tpu.memory_space<vmem>>
    %dma_start3A_499 = arith.constant 0 : i32
    %dma_start3A_500 = tpu.memref_slice %arg7[%dma_start3A_494, %dma_start3A_499] : memref<96x128xi32, #tpu.memory_space<vmem>> -> memref<1x128xi32, #tpu.memory_space<vmem>>
    %dma_start3A_501 = tpu.memref_squeeze %dma_start3A_500 : memref<1x128xi32, #tpu.memory_space<vmem>> -> memref<128xi32, #tpu.memory_space<vmem>>
    %dma_start3A_502 = arith.constant 0 : i32
    %dma_start3A_503 = arith.constant 0 : i32
    %dma_start3A_504 = tpu.memref_slice %arg10[%dma_start3A_502, %dma_start3A_503] : memref<10112x16xf32, #tpu.memory_space<vmem_shared>> -> memref<10112x16xf32, #tpu.memory_space<vmem_shared>>
    tpu.enqueue_indirect_dma source(%dma_start3A_498 : memref<128x16xf32, #tpu.memory_space<vmem>>) target(%dma_start3A_504 : memref<10112x16xf32, #tpu.memory_space<vmem_shared>>) offsets(%dma_start3A_501 : memref<128xi32, #tpu.memory_space<vmem>>) semaphore(%arg13 : memref<!tpu.dma_semaphore, #tpu.memory_space<semaphore_mem>>) {add = true}
    %dma_start3A_505 = arith.constant 0 : i32
    %dma_start3A_506 = arith.constant 6 : i32
    %dma_start3A_507 = arith.constant 6 : i32
    %dma_start3A_508 = arith.constant 0 : i32
    %dma_start3A_509 = arith.constant 0 : i32
    %dma_start3A_510 = tpu.memref_slice %arg8[%dma_start3A_505, %dma_start3A_506, %dma_start3A_508, %dma_start3A_509] : memref<2x16x128x16xf32, #tpu.memory_space<vmem>> -> memref<1x1x128x16xf32, #tpu.memory_space<vmem>>
    %dma_start3A_511 = tpu.memref_squeeze %dma_start3A_510 : memref<1x1x128x16xf32, #tpu.memory_space<vmem>> -> memref<128x16xf32, #tpu.memory_space<vmem>>
    %dma_start3A_512 = arith.constant 0 : i32
    %dma_start3A_513 = tpu.memref_slice %arg7[%dma_start3A_507, %dma_start3A_512] : memref<96x128xi32, #tpu.memory_space<vmem>> -> memref<1x128xi32, #tpu.memory_space<vmem>>
    %dma_start3A_514 = tpu.memref_squeeze %dma_start3A_513 : memref<1x128xi32, #tpu.memory_space<vmem>> -> memref<128xi32, #tpu.memory_space<vmem>>
    %dma_start3A_515 = arith.constant 0 : i32
    %dma_start3A_516 = arith.constant 0 : i32
    %dma_start3A_517 = tpu.memref_slice %arg10[%dma_start3A_515, %dma_start3A_516] : memref<10112x16xf32, #tpu.memory_space<vmem_shared>> -> memref<10112x16xf32, #tpu.memory_space<vmem_shared>>
    tpu.enqueue_indirect_dma source(%dma_start3A_511 : memref<128x16xf32, #tpu.memory_space<vmem>>) target(%dma_start3A_517 : memref<10112x16xf32, #tpu.memory_space<vmem_shared>>) offsets(%dma_start3A_514 : memref<128xi32, #tpu.memory_space<vmem>>) semaphore(%arg13 : memref<!tpu.dma_semaphore, #tpu.memory_space<semaphore_mem>>) {add = true}
    %dma_start3A_518 = arith.constant 0 : i32
    %dma_start3A_519 = arith.constant 7 : i32
    %dma_start3A_520 = arith.constant 7 : i32
    %dma_start3A_521 = arith.constant 0 : i32
    %dma_start3A_522 = arith.constant 0 : i32
    %dma_start3A_523 = tpu.memref_slice %arg8[%dma_start3A_518, %dma_start3A_519, %dma_start3A_521, %dma_start3A_522] : memref<2x16x128x16xf32, #tpu.memory_space<vmem>> -> memref<1x1x128x16xf32, #tpu.memory_space<vmem>>
    %dma_start3A_524 = tpu.memref_squeeze %dma_start3A_523 : memref<1x1x128x16xf32, #tpu.memory_space<vmem>> -> memref<128x16xf32, #tpu.memory_space<vmem>>
    %dma_start3A_525 = arith.constant 0 : i32
    %dma_start3A_526 = tpu.memref_slice %arg7[%dma_start3A_520, %dma_start3A_525] : memref<96x128xi32, #tpu.memory_space<vmem>> -> memref<1x128xi32, #tpu.memory_space<vmem>>
    %dma_start3A_527 = tpu.memref_squeeze %dma_start3A_526 : memref<1x128xi32, #tpu.memory_space<vmem>> -> memref<128xi32, #tpu.memory_space<vmem>>
    %dma_start3A_528 = arith.constant 0 : i32
    %dma_start3A_529 = arith.constant 0 : i32
    %dma_start3A_530 = tpu.memref_slice %arg10[%dma_start3A_528, %dma_start3A_529] : memref<10112x16xf32, #tpu.memory_space<vmem_shared>> -> memref<10112x16xf32, #tpu.memory_space<vmem_shared>>
    tpu.enqueue_indirect_dma source(%dma_start3A_524 : memref<128x16xf32, #tpu.memory_space<vmem>>) target(%dma_start3A_530 : memref<10112x16xf32, #tpu.memory_space<vmem_shared>>) offsets(%dma_start3A_527 : memref<128xi32, #tpu.memory_space<vmem>>) semaphore(%arg13 : memref<!tpu.dma_semaphore, #tpu.memory_space<semaphore_mem>>) {add = true}
    %dma_start3A_531 = arith.constant 0 : i32
    %dma_start3A_532 = arith.constant 8 : i32
    %dma_start3A_533 = arith.constant 8 : i32
    %dma_start3A_534 = arith.constant 0 : i32
    %dma_start3A_535 = arith.constant 0 : i32
    %dma_start3A_536 = tpu.memref_slice %arg8[%dma_start3A_531, %dma_start3A_532, %dma_start3A_534, %dma_start3A_535] : memref<2x16x128x16xf32, #tpu.memory_space<vmem>> -> memref<1x1x128x16xf32, #tpu.memory_space<vmem>>
    %dma_start3A_537 = tpu.memref_squeeze %dma_start3A_536 : memref<1x1x128x16xf32, #tpu.memory_space<vmem>> -> memref<128x16xf32, #tpu.memory_space<vmem>>
    %dma_start3A_538 = arith.constant 0 : i32
    %dma_start3A_539 = tpu.memref_slice %arg7[%dma_start3A_533, %dma_start3A_538] : memref<96x128xi32, #tpu.memory_space<vmem>> -> memref<1x128xi32, #tpu.memory_space<vmem>>
    %dma_start3A_540 = tpu.memref_squeeze %dma_start3A_539 : memref<1x128xi32, #tpu.memory_space<vmem>> -> memref<128xi32, #tpu.memory_space<vmem>>
    %dma_start3A_541 = arith.constant 0 : i32
    %dma_start3A_542 = arith.constant 0 : i32
    %dma_start3A_543 = tpu.memref_slice %arg10[%dma_start3A_541, %dma_start3A_542] : memref<10112x16xf32, #tpu.memory_space<vmem_shared>> -> memref<10112x16xf32, #tpu.memory_space<vmem_shared>>
    tpu.enqueue_indirect_dma source(%dma_start3A_537 : memref<128x16xf32, #tpu.memory_space<vmem>>) target(%dma_start3A_543 : memref<10112x16xf32, #tpu.memory_space<vmem_shared>>) offsets(%dma_start3A_540 : memref<128xi32, #tpu.memory_space<vmem>>) semaphore(%arg13 : memref<!tpu.dma_semaphore, #tpu.memory_space<semaphore_mem>>) {add = true}
    %dma_start3A_544 = arith.constant 0 : i32
    %dma_start3A_545 = arith.constant 9 : i32
    %dma_start3A_546 = arith.constant 9 : i32
    %dma_start3A_547 = arith.constant 0 : i32
    %dma_start3A_548 = arith.constant 0 : i32
    %dma_start3A_549 = tpu.memref_slice %arg8[%dma_start3A_544, %dma_start3A_545, %dma_start3A_547, %dma_start3A_548] : memref<2x16x128x16xf32, #tpu.memory_space<vmem>> -> memref<1x1x128x16xf32, #tpu.memory_space<vmem>>
    %dma_start3A_550 = tpu.memref_squeeze %dma_start3A_549 : memref<1x1x128x16xf32, #tpu.memory_space<vmem>> -> memref<128x16xf32, #tpu.memory_space<vmem>>
    %dma_start3A_551 = arith.constant 0 : i32
    %dma_start3A_552 = tpu.memref_slice %arg7[%dma_start3A_546, %dma_start3A_551] : memref<96x128xi32, #tpu.memory_space<vmem>> -> memref<1x128xi32, #tpu.memory_space<vmem>>
    %dma_start3A_553 = tpu.memref_squeeze %dma_start3A_552 : memref<1x128xi32, #tpu.memory_space<vmem>> -> memref<128xi32, #tpu.memory_space<vmem>>
    %dma_start3A_554 = arith.constant 0 : i32
    %dma_start3A_555 = arith.constant 0 : i32
    %dma_start3A_556 = tpu.memref_slice %arg10[%dma_start3A_554, %dma_start3A_555] : memref<10112x16xf32, #tpu.memory_space<vmem_shared>> -> memref<10112x16xf32, #tpu.memory_space<vmem_shared>>
    tpu.enqueue_indirect_dma source(%dma_start3A_550 : memref<128x16xf32, #tpu.memory_space<vmem>>) target(%dma_start3A_556 : memref<10112x16xf32, #tpu.memory_space<vmem_shared>>) offsets(%dma_start3A_553 : memref<128xi32, #tpu.memory_space<vmem>>) semaphore(%arg13 : memref<!tpu.dma_semaphore, #tpu.memory_space<semaphore_mem>>) {add = true}
    %dma_start3A_557 = arith.constant 0 : i32
    %dma_start3A_558 = arith.constant 10 : i32
    %dma_start3A_559 = arith.constant 10 : i32
    %dma_start3A_560 = arith.constant 0 : i32
    %dma_start3A_561 = arith.constant 0 : i32
    %dma_start3A_562 = tpu.memref_slice %arg8[%dma_start3A_557, %dma_start3A_558, %dma_start3A_560, %dma_start3A_561] : memref<2x16x128x16xf32, #tpu.memory_space<vmem>> -> memref<1x1x128x16xf32, #tpu.memory_space<vmem>>
    %dma_start3A_563 = tpu.memref_squeeze %dma_start3A_562 : memref<1x1x128x16xf32, #tpu.memory_space<vmem>> -> memref<128x16xf32, #tpu.memory_space<vmem>>
    %dma_start3A_564 = arith.constant 0 : i32
    %dma_start3A_565 = tpu.memref_slice %arg7[%dma_start3A_559, %dma_start3A_564] : memref<96x128xi32, #tpu.memory_space<vmem>> -> memref<1x128xi32, #tpu.memory_space<vmem>>
    %dma_start3A_566 = tpu.memref_squeeze %dma_start3A_565 : memref<1x128xi32, #tpu.memory_space<vmem>> -> memref<128xi32, #tpu.memory_space<vmem>>
    %dma_start3A_567 = arith.constant 0 : i32
    %dma_start3A_568 = arith.constant 0 : i32
    %dma_start3A_569 = tpu.memref_slice %arg10[%dma_start3A_567, %dma_start3A_568] : memref<10112x16xf32, #tpu.memory_space<vmem_shared>> -> memref<10112x16xf32, #tpu.memory_space<vmem_shared>>
    tpu.enqueue_indirect_dma source(%dma_start3A_563 : memref<128x16xf32, #tpu.memory_space<vmem>>) target(%dma_start3A_569 : memref<10112x16xf32, #tpu.memory_space<vmem_shared>>) offsets(%dma_start3A_566 : memref<128xi32, #tpu.memory_space<vmem>>) semaphore(%arg13 : memref<!tpu.dma_semaphore, #tpu.memory_space<semaphore_mem>>) {add = true}
    %dma_start3A_570 = arith.constant 0 : i32
    %dma_start3A_571 = arith.constant 11 : i32
    %dma_start3A_572 = arith.constant 11 : i32
    %dma_start3A_573 = arith.constant 0 : i32
    %dma_start3A_574 = arith.constant 0 : i32
    %dma_start3A_575 = tpu.memref_slice %arg8[%dma_start3A_570, %dma_start3A_571, %dma_start3A_573, %dma_start3A_574] : memref<2x16x128x16xf32, #tpu.memory_space<vmem>> -> memref<1x1x128x16xf32, #tpu.memory_space<vmem>>
    %dma_start3A_576 = tpu.memref_squeeze %dma_start3A_575 : memref<1x1x128x16xf32, #tpu.memory_space<vmem>> -> memref<128x16xf32, #tpu.memory_space<vmem>>
    %dma_start3A_577 = arith.constant 0 : i32
    %dma_start3A_578 = tpu.memref_slice %arg7[%dma_start3A_572, %dma_start3A_577] : memref<96x128xi32, #tpu.memory_space<vmem>> -> memref<1x128xi32, #tpu.memory_space<vmem>>
    %dma_start3A_579 = tpu.memref_squeeze %dma_start3A_578 : memref<1x128xi32, #tpu.memory_space<vmem>> -> memref<128xi32, #tpu.memory_space<vmem>>
    %dma_start3A_580 = arith.constant 0 : i32
    %dma_start3A_581 = arith.constant 0 : i32
    %dma_start3A_582 = tpu.memref_slice %arg10[%dma_start3A_580, %dma_start3A_581] : memref<10112x16xf32, #tpu.memory_space<vmem_shared>> -> memref<10112x16xf32, #tpu.memory_space<vmem_shared>>
    tpu.enqueue_indirect_dma source(%dma_start3A_576 : memref<128x16xf32, #tpu.memory_space<vmem>>) target(%dma_start3A_582 : memref<10112x16xf32, #tpu.memory_space<vmem_shared>>) offsets(%dma_start3A_579 : memref<128xi32, #tpu.memory_space<vmem>>) semaphore(%arg13 : memref<!tpu.dma_semaphore, #tpu.memory_space<semaphore_mem>>) {add = true}
    %dma_start3A_583 = arith.constant 0 : i32
    %dma_start3A_584 = arith.constant 12 : i32
    %dma_start3A_585 = arith.constant 12 : i32
    %dma_start3A_586 = arith.constant 0 : i32
    %dma_start3A_587 = arith.constant 0 : i32
    %dma_start3A_588 = tpu.memref_slice %arg8[%dma_start3A_583, %dma_start3A_584, %dma_start3A_586, %dma_start3A_587] : memref<2x16x128x16xf32, #tpu.memory_space<vmem>> -> memref<1x1x128x16xf32, #tpu.memory_space<vmem>>
    %dma_start3A_589 = tpu.memref_squeeze %dma_start3A_588 : memref<1x1x128x16xf32, #tpu.memory_space<vmem>> -> memref<128x16xf32, #tpu.memory_space<vmem>>
    %dma_start3A_590 = arith.constant 0 : i32
    %dma_start3A_591 = tpu.memref_slice %arg7[%dma_start3A_585, %dma_start3A_590] : memref<96x128xi32, #tpu.memory_space<vmem>> -> memref<1x128xi32, #tpu.memory_space<vmem>>
    %dma_start3A_592 = tpu.memref_squeeze %dma_start3A_591 : memref<1x128xi32, #tpu.memory_space<vmem>> -> memref<128xi32, #tpu.memory_space<vmem>>
    %dma_start3A_593 = arith.constant 0 : i32
    %dma_start3A_594 = arith.constant 0 : i32
    %dma_start3A_595 = tpu.memref_slice %arg10[%dma_start3A_593, %dma_start3A_594] : memref<10112x16xf32, #tpu.memory_space<vmem_shared>> -> memref<10112x16xf32, #tpu.memory_space<vmem_shared>>
    tpu.enqueue_indirect_dma source(%dma_start3A_589 : memref<128x16xf32, #tpu.memory_space<vmem>>) target(%dma_start3A_595 : memref<10112x16xf32, #tpu.memory_space<vmem_shared>>) offsets(%dma_start3A_592 : memref<128xi32, #tpu.memory_space<vmem>>) semaphore(%arg13 : memref<!tpu.dma_semaphore, #tpu.memory_space<semaphore_mem>>) {add = true}
    %dma_start3A_596 = arith.constant 0 : i32
    %dma_start3A_597 = arith.constant 13 : i32
    %dma_start3A_598 = arith.constant 13 : i32
    %dma_start3A_599 = arith.constant 0 : i32
    %dma_start3A_600 = arith.constant 0 : i32
    %dma_start3A_601 = tpu.memref_slice %arg8[%dma_start3A_596, %dma_start3A_597, %dma_start3A_599, %dma_start3A_600] : memref<2x16x128x16xf32, #tpu.memory_space<vmem>> -> memref<1x1x128x16xf32, #tpu.memory_space<vmem>>
    %dma_start3A_602 = tpu.memref_squeeze %dma_start3A_601 : memref<1x1x128x16xf32, #tpu.memory_space<vmem>> -> memref<128x16xf32, #tpu.memory_space<vmem>>
    %dma_start3A_603 = arith.constant 0 : i32
    %dma_start3A_604 = tpu.memref_slice %arg7[%dma_start3A_598, %dma_start3A_603] : memref<96x128xi32, #tpu.memory_space<vmem>> -> memref<1x128xi32, #tpu.memory_space<vmem>>
    %dma_start3A_605 = tpu.memref_squeeze %dma_start3A_604 : memref<1x128xi32, #tpu.memory_space<vmem>> -> memref<128xi32, #tpu.memory_space<vmem>>
    %dma_start3A_606 = arith.constant 0 : i32
    %dma_start3A_607 = arith.constant 0 : i32
    %dma_start3A_608 = tpu.memref_slice %arg10[%dma_start3A_606, %dma_start3A_607] : memref<10112x16xf32, #tpu.memory_space<vmem_shared>> -> memref<10112x16xf32, #tpu.memory_space<vmem_shared>>
    tpu.enqueue_indirect_dma source(%dma_start3A_602 : memref<128x16xf32, #tpu.memory_space<vmem>>) target(%dma_start3A_608 : memref<10112x16xf32, #tpu.memory_space<vmem_shared>>) offsets(%dma_start3A_605 : memref<128xi32, #tpu.memory_space<vmem>>) semaphore(%arg13 : memref<!tpu.dma_semaphore, #tpu.memory_space<semaphore_mem>>) {add = true}
    %dma_start3A_609 = arith.constant 0 : i32
    %dma_start3A_610 = arith.constant 14 : i32
    %dma_start3A_611 = arith.constant 14 : i32
    %dma_start3A_612 = arith.constant 0 : i32
    %dma_start3A_613 = arith.constant 0 : i32
    %dma_start3A_614 = tpu.memref_slice %arg8[%dma_start3A_609, %dma_start3A_610, %dma_start3A_612, %dma_start3A_613] : memref<2x16x128x16xf32, #tpu.memory_space<vmem>> -> memref<1x1x128x16xf32, #tpu.memory_space<vmem>>
    %dma_start3A_615 = tpu.memref_squeeze %dma_start3A_614 : memref<1x1x128x16xf32, #tpu.memory_space<vmem>> -> memref<128x16xf32, #tpu.memory_space<vmem>>
    %dma_start3A_616 = arith.constant 0 : i32
    %dma_start3A_617 = tpu.memref_slice %arg7[%dma_start3A_611, %dma_start3A_616] : memref<96x128xi32, #tpu.memory_space<vmem>> -> memref<1x128xi32, #tpu.memory_space<vmem>>
    %dma_start3A_618 = tpu.memref_squeeze %dma_start3A_617 : memref<1x128xi32, #tpu.memory_space<vmem>> -> memref<128xi32, #tpu.memory_space<vmem>>
    %dma_start3A_619 = arith.constant 0 : i32
    %dma_start3A_620 = arith.constant 0 : i32
    %dma_start3A_621 = tpu.memref_slice %arg10[%dma_start3A_619, %dma_start3A_620] : memref<10112x16xf32, #tpu.memory_space<vmem_shared>> -> memref<10112x16xf32, #tpu.memory_space<vmem_shared>>
    tpu.enqueue_indirect_dma source(%dma_start3A_615 : memref<128x16xf32, #tpu.memory_space<vmem>>) target(%dma_start3A_621 : memref<10112x16xf32, #tpu.memory_space<vmem_shared>>) offsets(%dma_start3A_618 : memref<128xi32, #tpu.memory_space<vmem>>) semaphore(%arg13 : memref<!tpu.dma_semaphore, #tpu.memory_space<semaphore_mem>>) {add = true}
    %dma_start3A_622 = arith.constant 0 : i32
    %dma_start3A_623 = arith.constant 15 : i32
    %dma_start3A_624 = arith.constant 15 : i32
    %dma_start3A_625 = arith.constant 0 : i32
    %dma_start3A_626 = arith.constant 0 : i32
    %dma_start3A_627 = tpu.memref_slice %arg8[%dma_start3A_622, %dma_start3A_623, %dma_start3A_625, %dma_start3A_626] : memref<2x16x128x16xf32, #tpu.memory_space<vmem>> -> memref<1x1x128x16xf32, #tpu.memory_space<vmem>>
    %dma_start3A_628 = tpu.memref_squeeze %dma_start3A_627 : memref<1x1x128x16xf32, #tpu.memory_space<vmem>> -> memref<128x16xf32, #tpu.memory_space<vmem>>
    %dma_start3A_629 = arith.constant 0 : i32
    %dma_start3A_630 = tpu.memref_slice %arg7[%dma_start3A_624, %dma_start3A_629] : memref<96x128xi32, #tpu.memory_space<vmem>> -> memref<1x128xi32, #tpu.memory_space<vmem>>
    %dma_start3A_631 = tpu.memref_squeeze %dma_start3A_630 : memref<1x128xi32, #tpu.memory_space<vmem>> -> memref<128xi32, #tpu.memory_space<vmem>>
    %dma_start3A_632 = arith.constant 0 : i32
    %dma_start3A_633 = arith.constant 0 : i32
    %dma_start3A_634 = tpu.memref_slice %arg10[%dma_start3A_632, %dma_start3A_633] : memref<10112x16xf32, #tpu.memory_space<vmem_shared>> -> memref<10112x16xf32, #tpu.memory_space<vmem_shared>>
    tpu.enqueue_indirect_dma source(%dma_start3A_628 : memref<128x16xf32, #tpu.memory_space<vmem>>) target(%dma_start3A_634 : memref<10112x16xf32, #tpu.memory_space<vmem_shared>>) offsets(%dma_start3A_631 : memref<128xi32, #tpu.memory_space<vmem>>) semaphore(%arg13 : memref<!tpu.dma_semaphore, #tpu.memory_space<semaphore_mem>>) {add = true}
    %dma_start3A_635 = arith.constant 16 : i32
    %dma_start3A_636 = arith.constant 1 : i32
    %dma_start3A_637 = arith.constant 0 : i32
    %dma_start3A_638 = arith.constant 0 : i32
    %dma_start3A_639 = arith.constant 0 : i32
    %dma_start3A_640 = tpu.memref_slice %arg8[%dma_start3A_636, %dma_start3A_637, %dma_start3A_638, %dma_start3A_639] : memref<2x16x128x16xf32, #tpu.memory_space<vmem>> -> memref<1x1x128x16xf32, #tpu.memory_space<vmem>>
    %dma_start3A_641 = tpu.memref_squeeze %dma_start3A_640 : memref<1x1x128x16xf32, #tpu.memory_space<vmem>> -> memref<128x16xf32, #tpu.memory_space<vmem>>
    %dma_start3A_642 = arith.constant 0 : i32
    %dma_start3A_643 = tpu.memref_slice %arg6[%dma_start3A_635, %dma_start3A_642] : memref<96x128xi32, #tpu.memory_space<vmem>> -> memref<1x128xi32, #tpu.memory_space<vmem>>
    %dma_start3A_644 = tpu.memref_squeeze %dma_start3A_643 : memref<1x128xi32, #tpu.memory_space<vmem>> -> memref<128xi32, #tpu.memory_space<vmem>>
    %dma_start3A_645 = arith.constant 0 : i32
    %dma_start3A_646 = arith.constant 0 : i32
    %dma_start3A_647 = tpu.memref_slice %arg11[%dma_start3A_645, %dma_start3A_646] : memref<10112x16xf32, #tpu.memory_space<vmem_shared>> -> memref<10112x16xf32, #tpu.memory_space<vmem_shared>>
    tpu.enqueue_indirect_dma source(%dma_start3A_647 : memref<10112x16xf32, #tpu.memory_space<vmem_shared>>) target(%dma_start3A_641 : memref<128x16xf32, #tpu.memory_space<vmem>>) offsets(%dma_start3A_644 : memref<128xi32, #tpu.memory_space<vmem>>) semaphore(%arg12 : memref<!tpu.dma_semaphore, #tpu.memory_space<semaphore_mem>>)
    %dma_start3A_648 = arith.constant 17 : i32
    %dma_start3A_649 = arith.constant 1 : i32
    %dma_start3A_650 = arith.constant 1 : i32
    %dma_start3A_651 = arith.constant 0 : i32
    %dma_start3A_652 = arith.constant 0 : i32
    %dma_start3A_653 = tpu.memref_slice %arg8[%dma_start3A_649, %dma_start3A_650, %dma_start3A_651, %dma_start3A_652] : memref<2x16x128x16xf32, #tpu.memory_space<vmem>> -> memref<1x1x128x16xf32, #tpu.memory_space<vmem>>
    %dma_start3A_654 = tpu.memref_squeeze %dma_start3A_653 : memref<1x1x128x16xf32, #tpu.memory_space<vmem>> -> memref<128x16xf32, #tpu.memory_space<vmem>>
    %dma_start3A_655 = arith.constant 0 : i32
    %dma_start3A_656 = tpu.memref_slice %arg6[%dma_start3A_648, %dma_start3A_655] : memref<96x128xi32, #tpu.memory_space<vmem>> -> memref<1x128xi32, #tpu.memory_space<vmem>>
    %dma_start3A_657 = tpu.memref_squeeze %dma_start3A_656 : memref<1x128xi32, #tpu.memory_space<vmem>> -> memref<128xi32, #tpu.memory_space<vmem>>
    %dma_start3A_658 = arith.constant 0 : i32
    %dma_start3A_659 = arith.constant 0 : i32
    %dma_start3A_660 = tpu.memref_slice %arg11[%dma_start3A_658, %dma_start3A_659] : memref<10112x16xf32, #tpu.memory_space<vmem_shared>> -> memref<10112x16xf32, #tpu.memory_space<vmem_shared>>
    tpu.enqueue_indirect_dma source(%dma_start3A_660 : memref<10112x16xf32, #tpu.memory_space<vmem_shared>>) target(%dma_start3A_654 : memref<128x16xf32, #tpu.memory_space<vmem>>) offsets(%dma_start3A_657 : memref<128xi32, #tpu.memory_space<vmem>>) semaphore(%arg12 : memref<!tpu.dma_semaphore, #tpu.memory_space<semaphore_mem>>)
    %dma_start3A_661 = arith.constant 18 : i32
    %dma_start3A_662 = arith.constant 1 : i32
    %dma_start3A_663 = arith.constant 2 : i32
    %dma_start3A_664 = arith.constant 0 : i32
    %dma_start3A_665 = arith.constant 0 : i32
    %dma_start3A_666 = tpu.memref_slice %arg8[%dma_start3A_662, %dma_start3A_663, %dma_start3A_664, %dma_start3A_665] : memref<2x16x128x16xf32, #tpu.memory_space<vmem>> -> memref<1x1x128x16xf32, #tpu.memory_space<vmem>>
    %dma_start3A_667 = tpu.memref_squeeze %dma_start3A_666 : memref<1x1x128x16xf32, #tpu.memory_space<vmem>> -> memref<128x16xf32, #tpu.memory_space<vmem>>
    %dma_start3A_668 = arith.constant 0 : i32
    %dma_start3A_669 = tpu.memref_slice %arg6[%dma_start3A_661, %dma_start3A_668] : memref<96x128xi32, #tpu.memory_space<vmem>> -> memref<1x128xi32, #tpu.memory_space<vmem>>
    %dma_start3A_670 = tpu.memref_squeeze %dma_start3A_669 : memref<1x128xi32, #tpu.memory_space<vmem>> -> memref<128xi32, #tpu.memory_space<vmem>>
    %dma_start3A_671 = arith.constant 0 : i32
    %dma_start3A_672 = arith.constant 0 : i32
    %dma_start3A_673 = tpu.memref_slice %arg11[%dma_start3A_671, %dma_start3A_672] : memref<10112x16xf32, #tpu.memory_space<vmem_shared>> -> memref<10112x16xf32, #tpu.memory_space<vmem_shared>>
    tpu.enqueue_indirect_dma source(%dma_start3A_673 : memref<10112x16xf32, #tpu.memory_space<vmem_shared>>) target(%dma_start3A_667 : memref<128x16xf32, #tpu.memory_space<vmem>>) offsets(%dma_start3A_670 : memref<128xi32, #tpu.memory_space<vmem>>) semaphore(%arg12 : memref<!tpu.dma_semaphore, #tpu.memory_space<semaphore_mem>>)
    %dma_start3A_674 = arith.constant 19 : i32
    %dma_start3A_675 = arith.constant 1 : i32
    %dma_start3A_676 = arith.constant 3 : i32
    %dma_start3A_677 = arith.constant 0 : i32
    %dma_start3A_678 = arith.constant 0 : i32
    %dma_start3A_679 = tpu.memref_slice %arg8[%dma_start3A_675, %dma_start3A_676, %dma_start3A_677, %dma_start3A_678] : memref<2x16x128x16xf32, #tpu.memory_space<vmem>> -> memref<1x1x128x16xf32, #tpu.memory_space<vmem>>
    %dma_start3A_680 = tpu.memref_squeeze %dma_start3A_679 : memref<1x1x128x16xf32, #tpu.memory_space<vmem>> -> memref<128x16xf32, #tpu.memory_space<vmem>>
    %dma_start3A_681 = arith.constant 0 : i32
    %dma_start3A_682 = tpu.memref_slice %arg6[%dma_start3A_674, %dma_start3A_681] : memref<96x128xi32, #tpu.memory_space<vmem>> -> memref<1x128xi32, #tpu.memory_space<vmem>>
    %dma_start3A_683 = tpu.memref_squeeze %dma_start3A_682 : memref<1x128xi32, #tpu.memory_space<vmem>> -> memref<128xi32, #tpu.memory_space<vmem>>
    %dma_start3A_684 = arith.constant 0 : i32
    %dma_start3A_685 = arith.constant 0 : i32
    %dma_start3A_686 = tpu.memref_slice %arg11[%dma_start3A_684, %dma_start3A_685] : memref<10112x16xf32, #tpu.memory_space<vmem_shared>> -> memref<10112x16xf32, #tpu.memory_space<vmem_shared>>
    tpu.enqueue_indirect_dma source(%dma_start3A_686 : memref<10112x16xf32, #tpu.memory_space<vmem_shared>>) target(%dma_start3A_680 : memref<128x16xf32, #tpu.memory_space<vmem>>) offsets(%dma_start3A_683 : memref<128xi32, #tpu.memory_space<vmem>>) semaphore(%arg12 : memref<!tpu.dma_semaphore, #tpu.memory_space<semaphore_mem>>)
    %dma_start3A_687 = arith.constant 20 : i32
    %dma_start3A_688 = arith.constant 1 : i32
    %dma_start3A_689 = arith.constant 4 : i32
    %dma_start3A_690 = arith.constant 0 : i32
    %dma_start3A_691 = arith.constant 0 : i32
    %dma_start3A_692 = tpu.memref_slice %arg8[%dma_start3A_688, %dma_start3A_689, %dma_start3A_690, %dma_start3A_691] : memref<2x16x128x16xf32, #tpu.memory_space<vmem>> -> memref<1x1x128x16xf32, #tpu.memory_space<vmem>>
    %dma_start3A_693 = tpu.memref_squeeze %dma_start3A_692 : memref<1x1x128x16xf32, #tpu.memory_space<vmem>> -> memref<128x16xf32, #tpu.memory_space<vmem>>
    %dma_start3A_694 = arith.constant 0 : i32
    %dma_start3A_695 = tpu.memref_slice %arg6[%dma_start3A_687, %dma_start3A_694] : memref<96x128xi32, #tpu.memory_space<vmem>> -> memref<1x128xi32, #tpu.memory_space<vmem>>
    %dma_start3A_696 = tpu.memref_squeeze %dma_start3A_695 : memref<1x128xi32, #tpu.memory_space<vmem>> -> memref<128xi32, #tpu.memory_space<vmem>>
    %dma_start3A_697 = arith.constant 0 : i32
    %dma_start3A_698 = arith.constant 0 : i32
    %dma_start3A_699 = tpu.memref_slice %arg11[%dma_start3A_697, %dma_start3A_698] : memref<10112x16xf32, #tpu.memory_space<vmem_shared>> -> memref<10112x16xf32, #tpu.memory_space<vmem_shared>>
    tpu.enqueue_indirect_dma source(%dma_start3A_699 : memref<10112x16xf32, #tpu.memory_space<vmem_shared>>) target(%dma_start3A_693 : memref<128x16xf32, #tpu.memory_space<vmem>>) offsets(%dma_start3A_696 : memref<128xi32, #tpu.memory_space<vmem>>) semaphore(%arg12 : memref<!tpu.dma_semaphore, #tpu.memory_space<semaphore_mem>>)
    %dma_start3A_700 = arith.constant 21 : i32
    %dma_start3A_701 = arith.constant 1 : i32
    %dma_start3A_702 = arith.constant 5 : i32
    %dma_start3A_703 = arith.constant 0 : i32
    %dma_start3A_704 = arith.constant 0 : i32
    %dma_start3A_705 = tpu.memref_slice %arg8[%dma_start3A_701, %dma_start3A_702, %dma_start3A_703, %dma_start3A_704] : memref<2x16x128x16xf32, #tpu.memory_space<vmem>> -> memref<1x1x128x16xf32, #tpu.memory_space<vmem>>
    %dma_start3A_706 = tpu.memref_squeeze %dma_start3A_705 : memref<1x1x128x16xf32, #tpu.memory_space<vmem>> -> memref<128x16xf32, #tpu.memory_space<vmem>>
    %dma_start3A_707 = arith.constant 0 : i32
    %dma_start3A_708 = tpu.memref_slice %arg6[%dma_start3A_700, %dma_start3A_707] : memref<96x128xi32, #tpu.memory_space<vmem>> -> memref<1x128xi32, #tpu.memory_space<vmem>>
    %dma_start3A_709 = tpu.memref_squeeze %dma_start3A_708 : memref<1x128xi32, #tpu.memory_space<vmem>> -> memref<128xi32, #tpu.memory_space<vmem>>
    %dma_start3A_710 = arith.constant 0 : i32
    %dma_start3A_711 = arith.constant 0 : i32
    %dma_start3A_712 = tpu.memref_slice %arg11[%dma_start3A_710, %dma_start3A_711] : memref<10112x16xf32, #tpu.memory_space<vmem_shared>> -> memref<10112x16xf32, #tpu.memory_space<vmem_shared>>
    tpu.enqueue_indirect_dma source(%dma_start3A_712 : memref<10112x16xf32, #tpu.memory_space<vmem_shared>>) target(%dma_start3A_706 : memref<128x16xf32, #tpu.memory_space<vmem>>) offsets(%dma_start3A_709 : memref<128xi32, #tpu.memory_space<vmem>>) semaphore(%arg12 : memref<!tpu.dma_semaphore, #tpu.memory_space<semaphore_mem>>)
    %dma_start3A_713 = arith.constant 22 : i32
    %dma_start3A_714 = arith.constant 1 : i32
    %dma_start3A_715 = arith.constant 6 : i32
    %dma_start3A_716 = arith.constant 0 : i32
    %dma_start3A_717 = arith.constant 0 : i32
    %dma_start3A_718 = tpu.memref_slice %arg8[%dma_start3A_714, %dma_start3A_715, %dma_start3A_716, %dma_start3A_717] : memref<2x16x128x16xf32, #tpu.memory_space<vmem>> -> memref<1x1x128x16xf32, #tpu.memory_space<vmem>>
    %dma_start3A_719 = tpu.memref_squeeze %dma_start3A_718 : memref<1x1x128x16xf32, #tpu.memory_space<vmem>> -> memref<128x16xf32, #tpu.memory_space<vmem>>
    %dma_start3A_720 = arith.constant 0 : i32
    %dma_start3A_721 = tpu.memref_slice %arg6[%dma_start3A_713, %dma_start3A_720] : memref<96x128xi32, #tpu.memory_space<vmem>> -> memref<1x128xi32, #tpu.memory_space<vmem>>
    %dma_start3A_722 = tpu.memref_squeeze %dma_start3A_721 : memref<1x128xi32, #tpu.memory_space<vmem>> -> memref<128xi32, #tpu.memory_space<vmem>>
    %dma_start3A_723 = arith.constant 0 : i32
    %dma_start3A_724 = arith.constant 0 : i32
    %dma_start3A_725 = tpu.memref_slice %arg11[%dma_start3A_723, %dma_start3A_724] : memref<10112x16xf32, #tpu.memory_space<vmem_shared>> -> memref<10112x16xf32, #tpu.memory_space<vmem_shared>>
    tpu.enqueue_indirect_dma source(%dma_start3A_725 : memref<10112x16xf32, #tpu.memory_space<vmem_shared>>) target(%dma_start3A_719 : memref<128x16xf32, #tpu.memory_space<vmem>>) offsets(%dma_start3A_722 : memref<128xi32, #tpu.memory_space<vmem>>) semaphore(%arg12 : memref<!tpu.dma_semaphore, #tpu.memory_space<semaphore_mem>>)
    %dma_start3A_726 = arith.constant 23 : i32
    %dma_start3A_727 = arith.constant 1 : i32
    %dma_start3A_728 = arith.constant 7 : i32
    %dma_start3A_729 = arith.constant 0 : i32
    %dma_start3A_730 = arith.constant 0 : i32
    %dma_start3A_731 = tpu.memref_slice %arg8[%dma_start3A_727, %dma_start3A_728, %dma_start3A_729, %dma_start3A_730] : memref<2x16x128x16xf32, #tpu.memory_space<vmem>> -> memref<1x1x128x16xf32, #tpu.memory_space<vmem>>
    %dma_start3A_732 = tpu.memref_squeeze %dma_start3A_731 : memref<1x1x128x16xf32, #tpu.memory_space<vmem>> -> memref<128x16xf32, #tpu.memory_space<vmem>>
    %dma_start3A_733 = arith.constant 0 : i32
    %dma_start3A_734 = tpu.memref_slice %arg6[%dma_start3A_726, %dma_start3A_733] : memref<96x128xi32, #tpu.memory_space<vmem>> -> memref<1x128xi32, #tpu.memory_space<vmem>>
    %dma_start3A_735 = tpu.memref_squeeze %dma_start3A_734 : memref<1x128xi32, #tpu.memory_space<vmem>> -> memref<128xi32, #tpu.memory_space<vmem>>
    %dma_start3A_736 = arith.constant 0 : i32
    %dma_start3A_737 = arith.constant 0 : i32
    %dma_start3A_738 = tpu.memref_slice %arg11[%dma_start3A_736, %dma_start3A_737] : memref<10112x16xf32, #tpu.memory_space<vmem_shared>> -> memref<10112x16xf32, #tpu.memory_space<vmem_shared>>
    tpu.enqueue_indirect_dma source(%dma_start3A_738 : memref<10112x16xf32, #tpu.memory_space<vmem_shared>>) target(%dma_start3A_732 : memref<128x16xf32, #tpu.memory_space<vmem>>) offsets(%dma_start3A_735 : memref<128xi32, #tpu.memory_space<vmem>>) semaphore(%arg12 : memref<!tpu.dma_semaphore, #tpu.memory_space<semaphore_mem>>)
    %dma_start3A_739 = arith.constant 24 : i32
    %dma_start3A_740 = arith.constant 1 : i32
    %dma_start3A_741 = arith.constant 8 : i32
    %dma_start3A_742 = arith.constant 0 : i32
    %dma_start3A_743 = arith.constant 0 : i32
    %dma_start3A_744 = tpu.memref_slice %arg8[%dma_start3A_740, %dma_start3A_741, %dma_start3A_742, %dma_start3A_743] : memref<2x16x128x16xf32, #tpu.memory_space<vmem>> -> memref<1x1x128x16xf32, #tpu.memory_space<vmem>>
    %dma_start3A_745 = tpu.memref_squeeze %dma_start3A_744 : memref<1x1x128x16xf32, #tpu.memory_space<vmem>> -> memref<128x16xf32, #tpu.memory_space<vmem>>
    %dma_start3A_746 = arith.constant 0 : i32
    %dma_start3A_747 = tpu.memref_slice %arg6[%dma_start3A_739, %dma_start3A_746] : memref<96x128xi32, #tpu.memory_space<vmem>> -> memref<1x128xi32, #tpu.memory_space<vmem>>
    %dma_start3A_748 = tpu.memref_squeeze %dma_start3A_747 : memref<1x128xi32, #tpu.memory_space<vmem>> -> memref<128xi32, #tpu.memory_space<vmem>>
    %dma_start3A_749 = arith.constant 0 : i32
    %dma_start3A_750 = arith.constant 0 : i32
    %dma_start3A_751 = tpu.memref_slice %arg11[%dma_start3A_749, %dma_start3A_750] : memref<10112x16xf32, #tpu.memory_space<vmem_shared>> -> memref<10112x16xf32, #tpu.memory_space<vmem_shared>>
    tpu.enqueue_indirect_dma source(%dma_start3A_751 : memref<10112x16xf32, #tpu.memory_space<vmem_shared>>) target(%dma_start3A_745 : memref<128x16xf32, #tpu.memory_space<vmem>>) offsets(%dma_start3A_748 : memref<128xi32, #tpu.memory_space<vmem>>) semaphore(%arg12 : memref<!tpu.dma_semaphore, #tpu.memory_space<semaphore_mem>>)
    %dma_start3A_752 = arith.constant 25 : i32
    %dma_start3A_753 = arith.constant 1 : i32
    %dma_start3A_754 = arith.constant 9 : i32
    %dma_start3A_755 = arith.constant 0 : i32
    %dma_start3A_756 = arith.constant 0 : i32
    %dma_start3A_757 = tpu.memref_slice %arg8[%dma_start3A_753, %dma_start3A_754, %dma_start3A_755, %dma_start3A_756] : memref<2x16x128x16xf32, #tpu.memory_space<vmem>> -> memref<1x1x128x16xf32, #tpu.memory_space<vmem>>
    %dma_start3A_758 = tpu.memref_squeeze %dma_start3A_757 : memref<1x1x128x16xf32, #tpu.memory_space<vmem>> -> memref<128x16xf32, #tpu.memory_space<vmem>>
    %dma_start3A_759 = arith.constant 0 : i32
    %dma_start3A_760 = tpu.memref_slice %arg6[%dma_start3A_752, %dma_start3A_759] : memref<96x128xi32, #tpu.memory_space<vmem>> -> memref<1x128xi32, #tpu.memory_space<vmem>>
    %dma_start3A_761 = tpu.memref_squeeze %dma_start3A_760 : memref<1x128xi32, #tpu.memory_space<vmem>> -> memref<128xi32, #tpu.memory_space<vmem>>
    %dma_start3A_762 = arith.constant 0 : i32
    %dma_start3A_763 = arith.constant 0 : i32
    %dma_start3A_764 = tpu.memref_slice %arg11[%dma_start3A_762, %dma_start3A_763] : memref<10112x16xf32, #tpu.memory_space<vmem_shared>> -> memref<10112x16xf32, #tpu.memory_space<vmem_shared>>
    tpu.enqueue_indirect_dma source(%dma_start3A_764 : memref<10112x16xf32, #tpu.memory_space<vmem_shared>>) target(%dma_start3A_758 : memref<128x16xf32, #tpu.memory_space<vmem>>) offsets(%dma_start3A_761 : memref<128xi32, #tpu.memory_space<vmem>>) semaphore(%arg12 : memref<!tpu.dma_semaphore, #tpu.memory_space<semaphore_mem>>)
    %dma_start3A_765 = arith.constant 26 : i32
    %dma_start3A_766 = arith.constant 1 : i32
    %dma_start3A_767 = arith.constant 10 : i32
    %dma_start3A_768 = arith.constant 0 : i32
    %dma_start3A_769 = arith.constant 0 : i32
    %dma_start3A_770 = tpu.memref_slice %arg8[%dma_start3A_766, %dma_start3A_767, %dma_start3A_768, %dma_start3A_769] : memref<2x16x128x16xf32, #tpu.memory_space<vmem>> -> memref<1x1x128x16xf32, #tpu.memory_space<vmem>>
    %dma_start3A_771 = tpu.memref_squeeze %dma_start3A_770 : memref<1x1x128x16xf32, #tpu.memory_space<vmem>> -> memref<128x16xf32, #tpu.memory_space<vmem>>
    %dma_start3A_772 = arith.constant 0 : i32
    %dma_start3A_773 = tpu.memref_slice %arg6[%dma_start3A_765, %dma_start3A_772] : memref<96x128xi32, #tpu.memory_space<vmem>> -> memref<1x128xi32, #tpu.memory_space<vmem>>
    %dma_start3A_774 = tpu.memref_squeeze %dma_start3A_773 : memref<1x128xi32, #tpu.memory_space<vmem>> -> memref<128xi32, #tpu.memory_space<vmem>>
    %dma_start3A_775 = arith.constant 0 : i32
    %dma_start3A_776 = arith.constant 0 : i32
    %dma_start3A_777 = tpu.memref_slice %arg11[%dma_start3A_775, %dma_start3A_776] : memref<10112x16xf32, #tpu.memory_space<vmem_shared>> -> memref<10112x16xf32, #tpu.memory_space<vmem_shared>>
    tpu.enqueue_indirect_dma source(%dma_start3A_777 : memref<10112x16xf32, #tpu.memory_space<vmem_shared>>) target(%dma_start3A_771 : memref<128x16xf32, #tpu.memory_space<vmem>>) offsets(%dma_start3A_774 : memref<128xi32, #tpu.memory_space<vmem>>) semaphore(%arg12 : memref<!tpu.dma_semaphore, #tpu.memory_space<semaphore_mem>>)
    %dma_start3A_778 = arith.constant 27 : i32
    %dma_start3A_779 = arith.constant 1 : i32
    %dma_start3A_780 = arith.constant 11 : i32
    %dma_start3A_781 = arith.constant 0 : i32
    %dma_start3A_782 = arith.constant 0 : i32
    %dma_start3A_783 = tpu.memref_slice %arg8[%dma_start3A_779, %dma_start3A_780, %dma_start3A_781, %dma_start3A_782] : memref<2x16x128x16xf32, #tpu.memory_space<vmem>> -> memref<1x1x128x16xf32, #tpu.memory_space<vmem>>
    %dma_start3A_784 = tpu.memref_squeeze %dma_start3A_783 : memref<1x1x128x16xf32, #tpu.memory_space<vmem>> -> memref<128x16xf32, #tpu.memory_space<vmem>>
    %dma_start3A_785 = arith.constant 0 : i32
    %dma_start3A_786 = tpu.memref_slice %arg6[%dma_start3A_778, %dma_start3A_785] : memref<96x128xi32, #tpu.memory_space<vmem>> -> memref<1x128xi32, #tpu.memory_space<vmem>>
    %dma_start3A_787 = tpu.memref_squeeze %dma_start3A_786 : memref<1x128xi32, #tpu.memory_space<vmem>> -> memref<128xi32, #tpu.memory_space<vmem>>
    %dma_start3A_788 = arith.constant 0 : i32
    %dma_start3A_789 = arith.constant 0 : i32
    %dma_start3A_790 = tpu.memref_slice %arg11[%dma_start3A_788, %dma_start3A_789] : memref<10112x16xf32, #tpu.memory_space<vmem_shared>> -> memref<10112x16xf32, #tpu.memory_space<vmem_shared>>
    tpu.enqueue_indirect_dma source(%dma_start3A_790 : memref<10112x16xf32, #tpu.memory_space<vmem_shared>>) target(%dma_start3A_784 : memref<128x16xf32, #tpu.memory_space<vmem>>) offsets(%dma_start3A_787 : memref<128xi32, #tpu.memory_space<vmem>>) semaphore(%arg12 : memref<!tpu.dma_semaphore, #tpu.memory_space<semaphore_mem>>)
    %dma_start3A_791 = arith.constant 28 : i32
    %dma_start3A_792 = arith.constant 1 : i32
    %dma_start3A_793 = arith.constant 12 : i32
    %dma_start3A_794 = arith.constant 0 : i32
    %dma_start3A_795 = arith.constant 0 : i32
    %dma_start3A_796 = tpu.memref_slice %arg8[%dma_start3A_792, %dma_start3A_793, %dma_start3A_794, %dma_start3A_795] : memref<2x16x128x16xf32, #tpu.memory_space<vmem>> -> memref<1x1x128x16xf32, #tpu.memory_space<vmem>>
    %dma_start3A_797 = tpu.memref_squeeze %dma_start3A_796 : memref<1x1x128x16xf32, #tpu.memory_space<vmem>> -> memref<128x16xf32, #tpu.memory_space<vmem>>
    %dma_start3A_798 = arith.constant 0 : i32
    %dma_start3A_799 = tpu.memref_slice %arg6[%dma_start3A_791, %dma_start3A_798] : memref<96x128xi32, #tpu.memory_space<vmem>> -> memref<1x128xi32, #tpu.memory_space<vmem>>
    %dma_start3A_800 = tpu.memref_squeeze %dma_start3A_799 : memref<1x128xi32, #tpu.memory_space<vmem>> -> memref<128xi32, #tpu.memory_space<vmem>>
    %dma_start3A_801 = arith.constant 0 : i32
    %dma_start3A_802 = arith.constant 0 : i32
    %dma_start3A_803 = tpu.memref_slice %arg11[%dma_start3A_801, %dma_start3A_802] : memref<10112x16xf32, #tpu.memory_space<vmem_shared>> -> memref<10112x16xf32, #tpu.memory_space<vmem_shared>>
    tpu.enqueue_indirect_dma source(%dma_start3A_803 : memref<10112x16xf32, #tpu.memory_space<vmem_shared>>) target(%dma_start3A_797 : memref<128x16xf32, #tpu.memory_space<vmem>>) offsets(%dma_start3A_800 : memref<128xi32, #tpu.memory_space<vmem>>) semaphore(%arg12 : memref<!tpu.dma_semaphore, #tpu.memory_space<semaphore_mem>>)
    %dma_start3A_804 = arith.constant 29 : i32
    %dma_start3A_805 = arith.constant 1 : i32
    %dma_start3A_806 = arith.constant 13 : i32
    %dma_start3A_807 = arith.constant 0 : i32
    %dma_start3A_808 = arith.constant 0 : i32
    %dma_start3A_809 = tpu.memref_slice %arg8[%dma_start3A_805, %dma_start3A_806, %dma_start3A_807, %dma_start3A_808] : memref<2x16x128x16xf32, #tpu.memory_space<vmem>> -> memref<1x1x128x16xf32, #tpu.memory_space<vmem>>
    %dma_start3A_810 = tpu.memref_squeeze %dma_start3A_809 : memref<1x1x128x16xf32, #tpu.memory_space<vmem>> -> memref<128x16xf32, #tpu.memory_space<vmem>>
    %dma_start3A_811 = arith.constant 0 : i32
    %dma_start3A_812 = tpu.memref_slice %arg6[%dma_start3A_804, %dma_start3A_811] : memref<96x128xi32, #tpu.memory_space<vmem>> -> memref<1x128xi32, #tpu.memory_space<vmem>>
    %dma_start3A_813 = tpu.memref_squeeze %dma_start3A_812 : memref<1x128xi32, #tpu.memory_space<vmem>> -> memref<128xi32, #tpu.memory_space<vmem>>
    %dma_start3A_814 = arith.constant 0 : i32
    %dma_start3A_815 = arith.constant 0 : i32
    %dma_start3A_816 = tpu.memref_slice %arg11[%dma_start3A_814, %dma_start3A_815] : memref<10112x16xf32, #tpu.memory_space<vmem_shared>> -> memref<10112x16xf32, #tpu.memory_space<vmem_shared>>
    tpu.enqueue_indirect_dma source(%dma_start3A_816 : memref<10112x16xf32, #tpu.memory_space<vmem_shared>>) target(%dma_start3A_810 : memref<128x16xf32, #tpu.memory_space<vmem>>) offsets(%dma_start3A_813 : memref<128xi32, #tpu.memory_space<vmem>>) semaphore(%arg12 : memref<!tpu.dma_semaphore, #tpu.memory_space<semaphore_mem>>)
    %dma_start3A_817 = arith.constant 30 : i32
    %dma_start3A_818 = arith.constant 1 : i32
    %dma_start3A_819 = arith.constant 14 : i32
    %dma_start3A_820 = arith.constant 0 : i32
    %dma_start3A_821 = arith.constant 0 : i32
    %dma_start3A_822 = tpu.memref_slice %arg8[%dma_start3A_818, %dma_start3A_819, %dma_start3A_820, %dma_start3A_821] : memref<2x16x128x16xf32, #tpu.memory_space<vmem>> -> memref<1x1x128x16xf32, #tpu.memory_space<vmem>>
    %dma_start3A_823 = tpu.memref_squeeze %dma_start3A_822 : memref<1x1x128x16xf32, #tpu.memory_space<vmem>> -> memref<128x16xf32, #tpu.memory_space<vmem>>
    %dma_start3A_824 = arith.constant 0 : i32
    %dma_start3A_825 = tpu.memref_slice %arg6[%dma_start3A_817, %dma_start3A_824] : memref<96x128xi32, #tpu.memory_space<vmem>> -> memref<1x128xi32, #tpu.memory_space<vmem>>
    %dma_start3A_826 = tpu.memref_squeeze %dma_start3A_825 : memref<1x128xi32, #tpu.memory_space<vmem>> -> memref<128xi32, #tpu.memory_space<vmem>>
    %dma_start3A_827 = arith.constant 0 : i32
    %dma_start3A_828 = arith.constant 0 : i32
    %dma_start3A_829 = tpu.memref_slice %arg11[%dma_start3A_827, %dma_start3A_828] : memref<10112x16xf32, #tpu.memory_space<vmem_shared>> -> memref<10112x16xf32, #tpu.memory_space<vmem_shared>>
    tpu.enqueue_indirect_dma source(%dma_start3A_829 : memref<10112x16xf32, #tpu.memory_space<vmem_shared>>) target(%dma_start3A_823 : memref<128x16xf32, #tpu.memory_space<vmem>>) offsets(%dma_start3A_826 : memref<128xi32, #tpu.memory_space<vmem>>) semaphore(%arg12 : memref<!tpu.dma_semaphore, #tpu.memory_space<semaphore_mem>>)
    %dma_start3A_830 = arith.constant 31 : i32
    %dma_start3A_831 = arith.constant 1 : i32
    %dma_start3A_832 = arith.constant 15 : i32
    %dma_start3A_833 = arith.constant 0 : i32
    %dma_start3A_834 = arith.constant 0 : i32
    %dma_start3A_835 = tpu.memref_slice %arg8[%dma_start3A_831, %dma_start3A_832, %dma_start3A_833, %dma_start3A_834] : memref<2x16x128x16xf32, #tpu.memory_space<vmem>> -> memref<1x1x128x16xf32, #tpu.memory_space<vmem>>
    %dma_start3A_836 = tpu.memref_squeeze %dma_start3A_835 : memref<1x1x128x16xf32, #tpu.memory_space<vmem>> -> memref<128x16xf32, #tpu.memory_space<vmem>>
    %dma_start3A_837 = arith.constant 0 : i32
    %dma_start3A_838 = tpu.memref_slice %arg6[%dma_start3A_830, %dma_start3A_837] : memref<96x128xi32, #tpu.memory_space<vmem>> -> memref<1x128xi32, #tpu.memory_space<vmem>>
    %dma_start3A_839 = tpu.memref_squeeze %dma_start3A_838 : memref<1x128xi32, #tpu.memory_space<vmem>> -> memref<128xi32, #tpu.memory_space<vmem>>
    %dma_start3A_840 = arith.constant 0 : i32
    %dma_start3A_841 = arith.constant 0 : i32
    %dma_start3A_842 = tpu.memref_slice %arg11[%dma_start3A_840, %dma_start3A_841] : memref<10112x16xf32, #tpu.memory_space<vmem_shared>> -> memref<10112x16xf32, #tpu.memory_space<vmem_shared>>
    tpu.enqueue_indirect_dma source(%dma_start3A_842 : memref<10112x16xf32, #tpu.memory_space<vmem_shared>>) target(%dma_start3A_836 : memref<128x16xf32, #tpu.memory_space<vmem>>) offsets(%dma_start3A_839 : memref<128xi32, #tpu.memory_space<vmem>>) semaphore(%arg12 : memref<!tpu.dma_semaphore, #tpu.memory_space<semaphore_mem>>)
    %dma_wait3A_843 = arith.constant 0 : i32
    %dma_wait3A_844 = arith.constant 0 : i32
    %dma_wait3A_845 = arith.constant 0 : i32
    %dma_wait3A_846 = arith.constant 0 : i32
    %dma_wait3A_847 = arith.constant 0 : i32
    %dma_wait3A_848 = tpu.memref_slice %arg8[%dma_wait3A_844, %dma_wait3A_845, %dma_wait3A_846, %dma_wait3A_847] : memref<2x16x128x16xf32, #tpu.memory_space<vmem>> -> memref<1x1x128x16xf32, #tpu.memory_space<vmem>>
    %dma_wait3A_849 = tpu.memref_squeeze %dma_wait3A_848 : memref<1x1x128x16xf32, #tpu.memory_space<vmem>> -> memref<128x16xf32, #tpu.memory_space<vmem>>
    %dma_wait3A_850 = arith.constant 0 : i32
    %dma_wait3A_851 = tpu.memref_slice %arg6[%dma_wait3A_843, %dma_wait3A_850] : memref<96x128xi32, #tpu.memory_space<vmem>> -> memref<1x128xi32, #tpu.memory_space<vmem>>
    %dma_wait3A_852 = tpu.memref_squeeze %dma_wait3A_851 : memref<1x128xi32, #tpu.memory_space<vmem>> -> memref<128xi32, #tpu.memory_space<vmem>>
    %dma_wait3A_853 = arith.constant 0 : i32
    %dma_wait3A_854 = arith.constant 0 : i32
    %dma_wait3A_855 = tpu.memref_slice %arg2[%dma_wait3A_853, %dma_wait3A_854] : memref<10000x16xf32, #tpu.memory_space<hbm>> -> memref<10000x16xf32, #tpu.memory_space<hbm>>
    tpu.wait_indirect_dma semaphore(%arg12 : memref<!tpu.dma_semaphore, #tpu.memory_space<semaphore_mem>>) src(%dma_wait3A_855 : memref<10000x16xf32, #tpu.memory_space<hbm>>) dst(%dma_wait3A_849 : memref<128x16xf32, #tpu.memory_space<vmem>>)
    %dma_wait3A_856 = arith.constant 0 : i32
    %dma_wait3A_857 = arith.constant 0 : i32
    %dma_wait3A_858 = arith.constant 0 : i32
    %dma_wait3A_859 = arith.constant 0 : i32
    %dma_wait3A_860 = arith.constant 0 : i32
    %dma_wait3A_861 = tpu.memref_slice %arg8[%dma_wait3A_857, %dma_wait3A_858, %dma_wait3A_859, %dma_wait3A_860] : memref<2x16x128x16xf32, #tpu.memory_space<vmem>> -> memref<1x1x128x16xf32, #tpu.memory_space<vmem>>
    %dma_wait3A_862 = tpu.memref_squeeze %dma_wait3A_861 : memref<1x1x128x16xf32, #tpu.memory_space<vmem>> -> memref<128x16xf32, #tpu.memory_space<vmem>>
    %dma_wait3A_863 = arith.constant 0 : i32
    %dma_wait3A_864 = tpu.memref_slice %arg6[%dma_wait3A_856, %dma_wait3A_863] : memref<96x128xi32, #tpu.memory_space<vmem>> -> memref<1x128xi32, #tpu.memory_space<vmem>>
    %dma_wait3A_865 = tpu.memref_squeeze %dma_wait3A_864 : memref<1x128xi32, #tpu.memory_space<vmem>> -> memref<128xi32, #tpu.memory_space<vmem>>
    %dma_wait3A_866 = arith.constant 0 : i32
    %dma_wait3A_867 = arith.constant 0 : i32
    %dma_wait3A_868 = tpu.memref_slice %arg2[%dma_wait3A_866, %dma_wait3A_867] : memref<10000x16xf32, #tpu.memory_space<hbm>> -> memref<10000x16xf32, #tpu.memory_space<hbm>>
    tpu.wait_indirect_dma semaphore(%arg12 : memref<!tpu.dma_semaphore, #tpu.memory_space<semaphore_mem>>) src(%dma_wait3A_868 : memref<10000x16xf32, #tpu.memory_space<hbm>>) dst(%dma_wait3A_862 : memref<128x16xf32, #tpu.memory_space<vmem>>)
    %dma_wait3A_869 = arith.constant 0 : i32
    %dma_wait3A_870 = arith.constant 0 : i32
    %dma_wait3A_871 = arith.constant 0 : i32
    %dma_wait3A_872 = arith.constant 0 : i32
    %dma_wait3A_873 = arith.constant 0 : i32
    %dma_wait3A_874 = tpu.memref_slice %arg8[%dma_wait3A_870, %dma_wait3A_871, %dma_wait3A_872, %dma_wait3A_873] : memref<2x16x128x16xf32, #tpu.memory_space<vmem>> -> memref<1x1x128x16xf32, #tpu.memory_space<vmem>>
    %dma_wait3A_875 = tpu.memref_squeeze %dma_wait3A_874 : memref<1x1x128x16xf32, #tpu.memory_space<vmem>> -> memref<128x16xf32, #tpu.memory_space<vmem>>
    %dma_wait3A_876 = arith.constant 0 : i32
    %dma_wait3A_877 = tpu.memref_slice %arg6[%dma_wait3A_869, %dma_wait3A_876] : memref<96x128xi32, #tpu.memory_space<vmem>> -> memref<1x128xi32, #tpu.memory_space<vmem>>
    %dma_wait3A_878 = tpu.memref_squeeze %dma_wait3A_877 : memref<1x128xi32, #tpu.memory_space<vmem>> -> memref<128xi32, #tpu.memory_space<vmem>>
    %dma_wait3A_879 = arith.constant 0 : i32
    %dma_wait3A_880 = arith.constant 0 : i32
    %dma_wait3A_881 = tpu.memref_slice %arg2[%dma_wait3A_879, %dma_wait3A_880] : memref<10000x16xf32, #tpu.memory_space<hbm>> -> memref<10000x16xf32, #tpu.memory_space<hbm>>
    tpu.wait_indirect_dma semaphore(%arg12 : memref<!tpu.dma_semaphore, #tpu.memory_space<semaphore_mem>>) src(%dma_wait3A_881 : memref<10000x16xf32, #tpu.memory_space<hbm>>) dst(%dma_wait3A_875 : memref<128x16xf32, #tpu.memory_space<vmem>>)
    %dma_wait3A_882 = arith.constant 0 : i32
    %dma_wait3A_883 = arith.constant 0 : i32
    %dma_wait3A_884 = arith.constant 0 : i32
    %dma_wait3A_885 = arith.constant 0 : i32
    %dma_wait3A_886 = arith.constant 0 : i32
    %dma_wait3A_887 = tpu.memref_slice %arg8[%dma_wait3A_883, %dma_wait3A_884, %dma_wait3A_885, %dma_wait3A_886] : memref<2x16x128x16xf32, #tpu.memory_space<vmem>> -> memref<1x1x128x16xf32, #tpu.memory_space<vmem>>
    %dma_wait3A_888 = tpu.memref_squeeze %dma_wait3A_887 : memref<1x1x128x16xf32, #tpu.memory_space<vmem>> -> memref<128x16xf32, #tpu.memory_space<vmem>>
    %dma_wait3A_889 = arith.constant 0 : i32
    %dma_wait3A_890 = tpu.memref_slice %arg6[%dma_wait3A_882, %dma_wait3A_889] : memref<96x128xi32, #tpu.memory_space<vmem>> -> memref<1x128xi32, #tpu.memory_space<vmem>>
    %dma_wait3A_891 = tpu.memref_squeeze %dma_wait3A_890 : memref<1x128xi32, #tpu.memory_space<vmem>> -> memref<128xi32, #tpu.memory_space<vmem>>
    %dma_wait3A_892 = arith.constant 0 : i32
    %dma_wait3A_893 = arith.constant 0 : i32
    %dma_wait3A_894 = tpu.memref_slice %arg2[%dma_wait3A_892, %dma_wait3A_893] : memref<10000x16xf32, #tpu.memory_space<hbm>> -> memref<10000x16xf32, #tpu.memory_space<hbm>>
    tpu.wait_indirect_dma semaphore(%arg12 : memref<!tpu.dma_semaphore, #tpu.memory_space<semaphore_mem>>) src(%dma_wait3A_894 : memref<10000x16xf32, #tpu.memory_space<hbm>>) dst(%dma_wait3A_888 : memref<128x16xf32, #tpu.memory_space<vmem>>)
    %dma_wait3A_895 = arith.constant 0 : i32
    %dma_wait3A_896 = arith.constant 0 : i32
    %dma_wait3A_897 = arith.constant 0 : i32
    %dma_wait3A_898 = arith.constant 0 : i32
    %dma_wait3A_899 = arith.constant 0 : i32
    %dma_wait3A_900 = tpu.memref_slice %arg8[%dma_wait3A_896, %dma_wait3A_897, %dma_wait3A_898, %dma_wait3A_899] : memref<2x16x128x16xf32, #tpu.memory_space<vmem>> -> memref<1x1x128x16xf32, #tpu.memory_space<vmem>>
    %dma_wait3A_901 = tpu.memref_squeeze %dma_wait3A_900 : memref<1x1x128x16xf32, #tpu.memory_space<vmem>> -> memref<128x16xf32, #tpu.memory_space<vmem>>
    %dma_wait3A_902 = arith.constant 0 : i32
    %dma_wait3A_903 = tpu.memref_slice %arg6[%dma_wait3A_895, %dma_wait3A_902] : memref<96x128xi32, #tpu.memory_space<vmem>> -> memref<1x128xi32, #tpu.memory_space<vmem>>
    %dma_wait3A_904 = tpu.memref_squeeze %dma_wait3A_903 : memref<1x128xi32, #tpu.memory_space<vmem>> -> memref<128xi32, #tpu.memory_space<vmem>>
    %dma_wait3A_905 = arith.constant 0 : i32
    %dma_wait3A_906 = arith.constant 0 : i32
    %dma_wait3A_907 = tpu.memref_slice %arg2[%dma_wait3A_905, %dma_wait3A_906] : memref<10000x16xf32, #tpu.memory_space<hbm>> -> memref<10000x16xf32, #tpu.memory_space<hbm>>
    tpu.wait_indirect_dma semaphore(%arg12 : memref<!tpu.dma_semaphore, #tpu.memory_space<semaphore_mem>>) src(%dma_wait3A_907 : memref<10000x16xf32, #tpu.memory_space<hbm>>) dst(%dma_wait3A_901 : memref<128x16xf32, #tpu.memory_space<vmem>>)
    %dma_wait3A_908 = arith.constant 0 : i32
    %dma_wait3A_909 = arith.constant 0 : i32
    %dma_wait3A_910 = arith.constant 0 : i32
    %dma_wait3A_911 = arith.constant 0 : i32
    %dma_wait3A_912 = arith.constant 0 : i32
    %dma_wait3A_913 = tpu.memref_slice %arg8[%dma_wait3A_909, %dma_wait3A_910, %dma_wait3A_911, %dma_wait3A_912] : memref<2x16x128x16xf32, #tpu.memory_space<vmem>> -> memref<1x1x128x16xf32, #tpu.memory_space<vmem>>
    %dma_wait3A_914 = tpu.memref_squeeze %dma_wait3A_913 : memref<1x1x128x16xf32, #tpu.memory_space<vmem>> -> memref<128x16xf32, #tpu.memory_space<vmem>>
    %dma_wait3A_915 = arith.constant 0 : i32
    %dma_wait3A_916 = tpu.memref_slice %arg6[%dma_wait3A_908, %dma_wait3A_915] : memref<96x128xi32, #tpu.memory_space<vmem>> -> memref<1x128xi32, #tpu.memory_space<vmem>>
    %dma_wait3A_917 = tpu.memref_squeeze %dma_wait3A_916 : memref<1x128xi32, #tpu.memory_space<vmem>> -> memref<128xi32, #tpu.memory_space<vmem>>
    %dma_wait3A_918 = arith.constant 0 : i32
    %dma_wait3A_919 = arith.constant 0 : i32
    %dma_wait3A_920 = tpu.memref_slice %arg2[%dma_wait3A_918, %dma_wait3A_919] : memref<10000x16xf32, #tpu.memory_space<hbm>> -> memref<10000x16xf32, #tpu.memory_space<hbm>>
    tpu.wait_indirect_dma semaphore(%arg12 : memref<!tpu.dma_semaphore, #tpu.memory_space<semaphore_mem>>) src(%dma_wait3A_920 : memref<10000x16xf32, #tpu.memory_space<hbm>>) dst(%dma_wait3A_914 : memref<128x16xf32, #tpu.memory_space<vmem>>)
    %dma_wait3A_921 = arith.constant 0 : i32
    %dma_wait3A_922 = arith.constant 0 : i32
    %dma_wait3A_923 = arith.constant 0 : i32
    %dma_wait3A_924 = arith.constant 0 : i32
    %dma_wait3A_925 = arith.constant 0 : i32
    %dma_wait3A_926 = tpu.memref_slice %arg8[%dma_wait3A_922, %dma_wait3A_923, %dma_wait3A_924, %dma_wait3A_925] : memref<2x16x128x16xf32, #tpu.memory_space<vmem>> -> memref<1x1x128x16xf32, #tpu.memory_space<vmem>>
    %dma_wait3A_927 = tpu.memref_squeeze %dma_wait3A_926 : memref<1x1x128x16xf32, #tpu.memory_space<vmem>> -> memref<128x16xf32, #tpu.memory_space<vmem>>
    %dma_wait3A_928 = arith.constant 0 : i32
    %dma_wait3A_929 = tpu.memref_slice %arg6[%dma_wait3A_921, %dma_wait3A_928] : memref<96x128xi32, #tpu.memory_space<vmem>> -> memref<1x128xi32, #tpu.memory_space<vmem>>
    %dma_wait3A_930 = tpu.memref_squeeze %dma_wait3A_929 : memref<1x128xi32, #tpu.memory_space<vmem>> -> memref<128xi32, #tpu.memory_space<vmem>>
    %dma_wait3A_931 = arith.constant 0 : i32
    %dma_wait3A_932 = arith.constant 0 : i32
    %dma_wait3A_933 = tpu.memref_slice %arg2[%dma_wait3A_931, %dma_wait3A_932] : memref<10000x16xf32, #tpu.memory_space<hbm>> -> memref<10000x16xf32, #tpu.memory_space<hbm>>
    tpu.wait_indirect_dma semaphore(%arg12 : memref<!tpu.dma_semaphore, #tpu.memory_space<semaphore_mem>>) src(%dma_wait3A_933 : memref<10000x16xf32, #tpu.memory_space<hbm>>) dst(%dma_wait3A_927 : memref<128x16xf32, #tpu.memory_space<vmem>>)
    %dma_wait3A_934 = arith.constant 0 : i32
    %dma_wait3A_935 = arith.constant 0 : i32
    %dma_wait3A_936 = arith.constant 0 : i32
    %dma_wait3A_937 = arith.constant 0 : i32
    %dma_wait3A_938 = arith.constant 0 : i32
    %dma_wait3A_939 = tpu.memref_slice %arg8[%dma_wait3A_935, %dma_wait3A_936, %dma_wait3A_937, %dma_wait3A_938] : memref<2x16x128x16xf32, #tpu.memory_space<vmem>> -> memref<1x1x128x16xf32, #tpu.memory_space<vmem>>
    %dma_wait3A_940 = tpu.memref_squeeze %dma_wait3A_939 : memref<1x1x128x16xf32, #tpu.memory_space<vmem>> -> memref<128x16xf32, #tpu.memory_space<vmem>>
    %dma_wait3A_941 = arith.constant 0 : i32
    %dma_wait3A_942 = tpu.memref_slice %arg6[%dma_wait3A_934, %dma_wait3A_941] : memref<96x128xi32, #tpu.memory_space<vmem>> -> memref<1x128xi32, #tpu.memory_space<vmem>>
    %dma_wait3A_943 = tpu.memref_squeeze %dma_wait3A_942 : memref<1x128xi32, #tpu.memory_space<vmem>> -> memref<128xi32, #tpu.memory_space<vmem>>
    %dma_wait3A_944 = arith.constant 0 : i32
    %dma_wait3A_945 = arith.constant 0 : i32
    %dma_wait3A_946 = tpu.memref_slice %arg2[%dma_wait3A_944, %dma_wait3A_945] : memref<10000x16xf32, #tpu.memory_space<hbm>> -> memref<10000x16xf32, #tpu.memory_space<hbm>>
    tpu.wait_indirect_dma semaphore(%arg12 : memref<!tpu.dma_semaphore, #tpu.memory_space<semaphore_mem>>) src(%dma_wait3A_946 : memref<10000x16xf32, #tpu.memory_space<hbm>>) dst(%dma_wait3A_940 : memref<128x16xf32, #tpu.memory_space<vmem>>)
    %dma_wait3A_947 = arith.constant 0 : i32
    %dma_wait3A_948 = arith.constant 0 : i32
    %dma_wait3A_949 = arith.constant 0 : i32
    %dma_wait3A_950 = arith.constant 0 : i32
    %dma_wait3A_951 = arith.constant 0 : i32
    %dma_wait3A_952 = tpu.memref_slice %arg8[%dma_wait3A_948, %dma_wait3A_949, %dma_wait3A_950, %dma_wait3A_951] : memref<2x16x128x16xf32, #tpu.memory_space<vmem>> -> memref<1x1x128x16xf32, #tpu.memory_space<vmem>>
    %dma_wait3A_953 = tpu.memref_squeeze %dma_wait3A_952 : memref<1x1x128x16xf32, #tpu.memory_space<vmem>> -> memref<128x16xf32, #tpu.memory_space<vmem>>
    %dma_wait3A_954 = arith.constant 0 : i32
    %dma_wait3A_955 = tpu.memref_slice %arg6[%dma_wait3A_947, %dma_wait3A_954] : memref<96x128xi32, #tpu.memory_space<vmem>> -> memref<1x128xi32, #tpu.memory_space<vmem>>
    %dma_wait3A_956 = tpu.memref_squeeze %dma_wait3A_955 : memref<1x128xi32, #tpu.memory_space<vmem>> -> memref<128xi32, #tpu.memory_space<vmem>>
    %dma_wait3A_957 = arith.constant 0 : i32
    %dma_wait3A_958 = arith.constant 0 : i32
    %dma_wait3A_959 = tpu.memref_slice %arg2[%dma_wait3A_957, %dma_wait3A_958] : memref<10000x16xf32, #tpu.memory_space<hbm>> -> memref<10000x16xf32, #tpu.memory_space<hbm>>
    tpu.wait_indirect_dma semaphore(%arg12 : memref<!tpu.dma_semaphore, #tpu.memory_space<semaphore_mem>>) src(%dma_wait3A_959 : memref<10000x16xf32, #tpu.memory_space<hbm>>) dst(%dma_wait3A_953 : memref<128x16xf32, #tpu.memory_space<vmem>>)
    %dma_wait3A_960 = arith.constant 0 : i32
    %dma_wait3A_961 = arith.constant 0 : i32
    %dma_wait3A_962 = arith.constant 0 : i32
    %dma_wait3A_963 = arith.constant 0 : i32
    %dma_wait3A_964 = arith.constant 0 : i32
    %dma_wait3A_965 = tpu.memref_slice %arg8[%dma_wait3A_961, %dma_wait3A_962, %dma_wait3A_963, %dma_wait3A_964] : memref<2x16x128x16xf32, #tpu.memory_space<vmem>> -> memref<1x1x128x16xf32, #tpu.memory_space<vmem>>
    %dma_wait3A_966 = tpu.memref_squeeze %dma_wait3A_965 : memref<1x1x128x16xf32, #tpu.memory_space<vmem>> -> memref<128x16xf32, #tpu.memory_space<vmem>>
    %dma_wait3A_967 = arith.constant 0 : i32
    %dma_wait3A_968 = tpu.memref_slice %arg6[%dma_wait3A_960, %dma_wait3A_967] : memref<96x128xi32, #tpu.memory_space<vmem>> -> memref<1x128xi32, #tpu.memory_space<vmem>>
    %dma_wait3A_969 = tpu.memref_squeeze %dma_wait3A_968 : memref<1x128xi32, #tpu.memory_space<vmem>> -> memref<128xi32, #tpu.memory_space<vmem>>
    %dma_wait3A_970 = arith.constant 0 : i32
    %dma_wait3A_971 = arith.constant 0 : i32
    %dma_wait3A_972 = tpu.memref_slice %arg2[%dma_wait3A_970, %dma_wait3A_971] : memref<10000x16xf32, #tpu.memory_space<hbm>> -> memref<10000x16xf32, #tpu.memory_space<hbm>>
    tpu.wait_indirect_dma semaphore(%arg12 : memref<!tpu.dma_semaphore, #tpu.memory_space<semaphore_mem>>) src(%dma_wait3A_972 : memref<10000x16xf32, #tpu.memory_space<hbm>>) dst(%dma_wait3A_966 : memref<128x16xf32, #tpu.memory_space<vmem>>)
    %dma_wait3A_973 = arith.constant 0 : i32
    %dma_wait3A_974 = arith.constant 0 : i32
    %dma_wait3A_975 = arith.constant 0 : i32
    %dma_wait3A_976 = arith.constant 0 : i32
    %dma_wait3A_977 = arith.constant 0 : i32
    %dma_wait3A_978 = tpu.memref_slice %arg8[%dma_wait3A_974, %dma_wait3A_975, %dma_wait3A_976, %dma_wait3A_977] : memref<2x16x128x16xf32, #tpu.memory_space<vmem>> -> memref<1x1x128x16xf32, #tpu.memory_space<vmem>>
    %dma_wait3A_979 = tpu.memref_squeeze %dma_wait3A_978 : memref<1x1x128x16xf32, #tpu.memory_space<vmem>> -> memref<128x16xf32, #tpu.memory_space<vmem>>
    %dma_wait3A_980 = arith.constant 0 : i32
    %dma_wait3A_981 = tpu.memref_slice %arg6[%dma_wait3A_973, %dma_wait3A_980] : memref<96x128xi32, #tpu.memory_space<vmem>> -> memref<1x128xi32, #tpu.memory_space<vmem>>
    %dma_wait3A_982 = tpu.memref_squeeze %dma_wait3A_981 : memref<1x128xi32, #tpu.memory_space<vmem>> -> memref<128xi32, #tpu.memory_space<vmem>>
    %dma_wait3A_983 = arith.constant 0 : i32
    %dma_wait3A_984 = arith.constant 0 : i32
    %dma_wait3A_985 = tpu.memref_slice %arg2[%dma_wait3A_983, %dma_wait3A_984] : memref<10000x16xf32, #tpu.memory_space<hbm>> -> memref<10000x16xf32, #tpu.memory_space<hbm>>
    tpu.wait_indirect_dma semaphore(%arg12 : memref<!tpu.dma_semaphore, #tpu.memory_space<semaphore_mem>>) src(%dma_wait3A_985 : memref<10000x16xf32, #tpu.memory_space<hbm>>) dst(%dma_wait3A_979 : memref<128x16xf32, #tpu.memory_space<vmem>>)
    %dma_wait3A_986 = arith.constant 0 : i32
    %dma_wait3A_987 = arith.constant 0 : i32
    %dma_wait3A_988 = arith.constant 0 : i32
    %dma_wait3A_989 = arith.constant 0 : i32
    %dma_wait3A_990 = arith.constant 0 : i32
    %dma_wait3A_991 = tpu.memref_slice %arg8[%dma_wait3A_987, %dma_wait3A_988, %dma_wait3A_989, %dma_wait3A_990] : memref<2x16x128x16xf32, #tpu.memory_space<vmem>> -> memref<1x1x128x16xf32, #tpu.memory_space<vmem>>
    %dma_wait3A_992 = tpu.memref_squeeze %dma_wait3A_991 : memref<1x1x128x16xf32, #tpu.memory_space<vmem>> -> memref<128x16xf32, #tpu.memory_space<vmem>>
    %dma_wait3A_993 = arith.constant 0 : i32
    %dma_wait3A_994 = tpu.memref_slice %arg6[%dma_wait3A_986, %dma_wait3A_993] : memref<96x128xi32, #tpu.memory_space<vmem>> -> memref<1x128xi32, #tpu.memory_space<vmem>>
    %dma_wait3A_995 = tpu.memref_squeeze %dma_wait3A_994 : memref<1x128xi32, #tpu.memory_space<vmem>> -> memref<128xi32, #tpu.memory_space<vmem>>
    %dma_wait3A_996 = arith.constant 0 : i32
    %dma_wait3A_997 = arith.constant 0 : i32
    %dma_wait3A_998 = tpu.memref_slice %arg2[%dma_wait3A_996, %dma_wait3A_997] : memref<10000x16xf32, #tpu.memory_space<hbm>> -> memref<10000x16xf32, #tpu.memory_space<hbm>>
    tpu.wait_indirect_dma semaphore(%arg12 : memref<!tpu.dma_semaphore, #tpu.memory_space<semaphore_mem>>) src(%dma_wait3A_998 : memref<10000x16xf32, #tpu.memory_space<hbm>>) dst(%dma_wait3A_992 : memref<128x16xf32, #tpu.memory_space<vmem>>)
    %dma_wait3A_999 = arith.constant 0 : i32
    %dma_wait3A_1000 = arith.constant 0 : i32
    %dma_wait3A_1001 = arith.constant 0 : i32
    %dma_wait3A_1002 = arith.constant 0 : i32
    %dma_wait3A_1003 = arith.constant 0 : i32
    %dma_wait3A_1004 = tpu.memref_slice %arg8[%dma_wait3A_1000, %dma_wait3A_1001, %dma_wait3A_1002, %dma_wait3A_1003] : memref<2x16x128x16xf32, #tpu.memory_space<vmem>> -> memref<1x1x128x16xf32, #tpu.memory_space<vmem>>
    %dma_wait3A_1005 = tpu.memref_squeeze %dma_wait3A_1004 : memref<1x1x128x16xf32, #tpu.memory_space<vmem>> -> memref<128x16xf32, #tpu.memory_space<vmem>>
    %dma_wait3A_1006 = arith.constant 0 : i32
    %dma_wait3A_1007 = tpu.memref_slice %arg6[%dma_wait3A_999, %dma_wait3A_1006] : memref<96x128xi32, #tpu.memory_space<vmem>> -> memref<1x128xi32, #tpu.memory_space<vmem>>
    %dma_wait3A_1008 = tpu.memref_squeeze %dma_wait3A_1007 : memref<1x128xi32, #tpu.memory_space<vmem>> -> memref<128xi32, #tpu.memory_space<vmem>>
    %dma_wait3A_1009 = arith.constant 0 : i32
    %dma_wait3A_1010 = arith.constant 0 : i32
    %dma_wait3A_1011 = tpu.memref_slice %arg2[%dma_wait3A_1009, %dma_wait3A_1010] : memref<10000x16xf32, #tpu.memory_space<hbm>> -> memref<10000x16xf32, #tpu.memory_space<hbm>>
    tpu.wait_indirect_dma semaphore(%arg12 : memref<!tpu.dma_semaphore, #tpu.memory_space<semaphore_mem>>) src(%dma_wait3A_1011 : memref<10000x16xf32, #tpu.memory_space<hbm>>) dst(%dma_wait3A_1005 : memref<128x16xf32, #tpu.memory_space<vmem>>)
    %dma_wait3A_1012 = arith.constant 0 : i32
    %dma_wait3A_1013 = arith.constant 0 : i32
    %dma_wait3A_1014 = arith.constant 0 : i32
    %dma_wait3A_1015 = arith.constant 0 : i32
    %dma_wait3A_1016 = arith.constant 0 : i32
    %dma_wait3A_1017 = tpu.memref_slice %arg8[%dma_wait3A_1013, %dma_wait3A_1014, %dma_wait3A_1015, %dma_wait3A_1016] : memref<2x16x128x16xf32, #tpu.memory_space<vmem>> -> memref<1x1x128x16xf32, #tpu.memory_space<vmem>>
    %dma_wait3A_1018 = tpu.memref_squeeze %dma_wait3A_1017 : memref<1x1x128x16xf32, #tpu.memory_space<vmem>> -> memref<128x16xf32, #tpu.memory_space<vmem>>
    %dma_wait3A_1019 = arith.constant 0 : i32
    %dma_wait3A_1020 = tpu.memref_slice %arg6[%dma_wait3A_1012, %dma_wait3A_1019] : memref<96x128xi32, #tpu.memory_space<vmem>> -> memref<1x128xi32, #tpu.memory_space<vmem>>
    %dma_wait3A_1021 = tpu.memref_squeeze %dma_wait3A_1020 : memref<1x128xi32, #tpu.memory_space<vmem>> -> memref<128xi32, #tpu.memory_space<vmem>>
    %dma_wait3A_1022 = arith.constant 0 : i32
    %dma_wait3A_1023 = arith.constant 0 : i32
    %dma_wait3A_1024 = tpu.memref_slice %arg2[%dma_wait3A_1022, %dma_wait3A_1023] : memref<10000x16xf32, #tpu.memory_space<hbm>> -> memref<10000x16xf32, #tpu.memory_space<hbm>>
    tpu.wait_indirect_dma semaphore(%arg12 : memref<!tpu.dma_semaphore, #tpu.memory_space<semaphore_mem>>) src(%dma_wait3A_1024 : memref<10000x16xf32, #tpu.memory_space<hbm>>) dst(%dma_wait3A_1018 : memref<128x16xf32, #tpu.memory_space<vmem>>)
    %dma_wait3A_1025 = arith.constant 0 : i32
    %dma_wait3A_1026 = arith.constant 0 : i32
    %dma_wait3A_1027 = arith.constant 0 : i32
    %dma_wait3A_1028 = arith.constant 0 : i32
    %dma_wait3A_1029 = arith.constant 0 : i32
    %dma_wait3A_1030 = tpu.memref_slice %arg8[%dma_wait3A_1026, %dma_wait3A_1027, %dma_wait3A_1028, %dma_wait3A_1029] : memref<2x16x128x16xf32, #tpu.memory_space<vmem>> -> memref<1x1x128x16xf32, #tpu.memory_space<vmem>>
    %dma_wait3A_1031 = tpu.memref_squeeze %dma_wait3A_1030 : memref<1x1x128x16xf32, #tpu.memory_space<vmem>> -> memref<128x16xf32, #tpu.memory_space<vmem>>
    %dma_wait3A_1032 = arith.constant 0 : i32
    %dma_wait3A_1033 = tpu.memref_slice %arg6[%dma_wait3A_1025, %dma_wait3A_1032] : memref<96x128xi32, #tpu.memory_space<vmem>> -> memref<1x128xi32, #tpu.memory_space<vmem>>
    %dma_wait3A_1034 = tpu.memref_squeeze %dma_wait3A_1033 : memref<1x128xi32, #tpu.memory_space<vmem>> -> memref<128xi32, #tpu.memory_space<vmem>>
    %dma_wait3A_1035 = arith.constant 0 : i32
    %dma_wait3A_1036 = arith.constant 0 : i32
    %dma_wait3A_1037 = tpu.memref_slice %arg2[%dma_wait3A_1035, %dma_wait3A_1036] : memref<10000x16xf32, #tpu.memory_space<hbm>> -> memref<10000x16xf32, #tpu.memory_space<hbm>>
    tpu.wait_indirect_dma semaphore(%arg12 : memref<!tpu.dma_semaphore, #tpu.memory_space<semaphore_mem>>) src(%dma_wait3A_1037 : memref<10000x16xf32, #tpu.memory_space<hbm>>) dst(%dma_wait3A_1031 : memref<128x16xf32, #tpu.memory_space<vmem>>)
    %dma_wait3A_1038 = arith.constant 0 : i32
    %dma_wait3A_1039 = arith.constant 0 : i32
    %dma_wait3A_1040 = arith.constant 0 : i32
    %dma_wait3A_1041 = arith.constant 0 : i32
    %dma_wait3A_1042 = arith.constant 0 : i32
    %dma_wait3A_1043 = tpu.memref_slice %arg8[%dma_wait3A_1039, %dma_wait3A_1040, %dma_wait3A_1041, %dma_wait3A_1042] : memref<2x16x128x16xf32, #tpu.memory_space<vmem>> -> memref<1x1x128x16xf32, #tpu.memory_space<vmem>>
    %dma_wait3A_1044 = tpu.memref_squeeze %dma_wait3A_1043 : memref<1x1x128x16xf32, #tpu.memory_space<vmem>> -> memref<128x16xf32, #tpu.memory_space<vmem>>
    %dma_wait3A_1045 = arith.constant 0 : i32
    %dma_wait3A_1046 = tpu.memref_slice %arg6[%dma_wait3A_1038, %dma_wait3A_1045] : memref<96x128xi32, #tpu.memory_space<vmem>> -> memref<1x128xi32, #tpu.memory_space<vmem>>
    %dma_wait3A_1047 = tpu.memref_squeeze %dma_wait3A_1046 : memref<1x128xi32, #tpu.memory_space<vmem>> -> memref<128xi32, #tpu.memory_space<vmem>>
    %dma_wait3A_1048 = arith.constant 0 : i32
    %dma_wait3A_1049 = arith.constant 0 : i32
    %dma_wait3A_1050 = tpu.memref_slice %arg2[%dma_wait3A_1048, %dma_wait3A_1049] : memref<10000x16xf32, #tpu.memory_space<hbm>> -> memref<10000x16xf32, #tpu.memory_space<hbm>>
    tpu.wait_indirect_dma semaphore(%arg12 : memref<!tpu.dma_semaphore, #tpu.memory_space<semaphore_mem>>) src(%dma_wait3A_1050 : memref<10000x16xf32, #tpu.memory_space<hbm>>) dst(%dma_wait3A_1044 : memref<128x16xf32, #tpu.memory_space<vmem>>)
    %dma_start3A_1051 = arith.constant 1 : i32
    %dma_start3A_1052 = arith.constant 0 : i32
    %dma_start3A_1053 = arith.constant 16 : i32
    %dma_start3A_1054 = arith.constant 0 : i32
    %dma_start3A_1055 = arith.constant 0 : i32
    %dma_start3A_1056 = tpu.memref_slice %arg8[%dma_start3A_1051, %dma_start3A_1052, %dma_start3A_1054, %dma_start3A_1055] : memref<2x16x128x16xf32, #tpu.memory_space<vmem>> -> memref<1x1x128x16xf32, #tpu.memory_space<vmem>>
    %dma_start3A_1057 = tpu.memref_squeeze %dma_start3A_1056 : memref<1x1x128x16xf32, #tpu.memory_space<vmem>> -> memref<128x16xf32, #tpu.memory_space<vmem>>
    %dma_start3A_1058 = arith.constant 0 : i32
    %dma_start3A_1059 = tpu.memref_slice %arg7[%dma_start3A_1053, %dma_start3A_1058] : memref<96x128xi32, #tpu.memory_space<vmem>> -> memref<1x128xi32, #tpu.memory_space<vmem>>
    %dma_start3A_1060 = tpu.memref_squeeze %dma_start3A_1059 : memref<1x128xi32, #tpu.memory_space<vmem>> -> memref<128xi32, #tpu.memory_space<vmem>>
    %dma_start3A_1061 = arith.constant 0 : i32
    %dma_start3A_1062 = arith.constant 0 : i32
    %dma_start3A_1063 = tpu.memref_slice %arg10[%dma_start3A_1061, %dma_start3A_1062] : memref<10112x16xf32, #tpu.memory_space<vmem_shared>> -> memref<10112x16xf32, #tpu.memory_space<vmem_shared>>
    tpu.enqueue_indirect_dma source(%dma_start3A_1057 : memref<128x16xf32, #tpu.memory_space<vmem>>) target(%dma_start3A_1063 : memref<10112x16xf32, #tpu.memory_space<vmem_shared>>) offsets(%dma_start3A_1060 : memref<128xi32, #tpu.memory_space<vmem>>) semaphore(%arg13 : memref<!tpu.dma_semaphore, #tpu.memory_space<semaphore_mem>>) {add = true}
    %dma_start3A_1064 = arith.constant 1 : i32
    %dma_start3A_1065 = arith.constant 1 : i32
    %dma_start3A_1066 = arith.constant 17 : i32
    %dma_start3A_1067 = arith.constant 0 : i32
    %dma_start3A_1068 = arith.constant 0 : i32
    %dma_start3A_1069 = tpu.memref_slice %arg8[%dma_start3A_1064, %dma_start3A_1065, %dma_start3A_1067, %dma_start3A_1068] : memref<2x16x128x16xf32, #tpu.memory_space<vmem>> -> memref<1x1x128x16xf32, #tpu.memory_space<vmem>>
    %dma_start3A_1070 = tpu.memref_squeeze %dma_start3A_1069 : memref<1x1x128x16xf32, #tpu.memory_space<vmem>> -> memref<128x16xf32, #tpu.memory_space<vmem>>
    %dma_start3A_1071 = arith.constant 0 : i32
    %dma_start3A_1072 = tpu.memref_slice %arg7[%dma_start3A_1066, %dma_start3A_1071] : memref<96x128xi32, #tpu.memory_space<vmem>> -> memref<1x128xi32, #tpu.memory_space<vmem>>
    %dma_start3A_1073 = tpu.memref_squeeze %dma_start3A_1072 : memref<1x128xi32, #tpu.memory_space<vmem>> -> memref<128xi32, #tpu.memory_space<vmem>>
    %dma_start3A_1074 = arith.constant 0 : i32
    %dma_start3A_1075 = arith.constant 0 : i32
    %dma_start3A_1076 = tpu.memref_slice %arg10[%dma_start3A_1074, %dma_start3A_1075] : memref<10112x16xf32, #tpu.memory_space<vmem_shared>> -> memref<10112x16xf32, #tpu.memory_space<vmem_shared>>
    tpu.enqueue_indirect_dma source(%dma_start3A_1070 : memref<128x16xf32, #tpu.memory_space<vmem>>) target(%dma_start3A_1076 : memref<10112x16xf32, #tpu.memory_space<vmem_shared>>) offsets(%dma_start3A_1073 : memref<128xi32, #tpu.memory_space<vmem>>) semaphore(%arg13 : memref<!tpu.dma_semaphore, #tpu.memory_space<semaphore_mem>>) {add = true}
    %dma_start3A_1077 = arith.constant 1 : i32
    %dma_start3A_1078 = arith.constant 2 : i32
    %dma_start3A_1079 = arith.constant 18 : i32
    %dma_start3A_1080 = arith.constant 0 : i32
    %dma_start3A_1081 = arith.constant 0 : i32
    %dma_start3A_1082 = tpu.memref_slice %arg8[%dma_start3A_1077, %dma_start3A_1078, %dma_start3A_1080, %dma_start3A_1081] : memref<2x16x128x16xf32, #tpu.memory_space<vmem>> -> memref<1x1x128x16xf32, #tpu.memory_space<vmem>>
    %dma_start3A_1083 = tpu.memref_squeeze %dma_start3A_1082 : memref<1x1x128x16xf32, #tpu.memory_space<vmem>> -> memref<128x16xf32, #tpu.memory_space<vmem>>
    %dma_start3A_1084 = arith.constant 0 : i32
    %dma_start3A_1085 = tpu.memref_slice %arg7[%dma_start3A_1079, %dma_start3A_1084] : memref<96x128xi32, #tpu.memory_space<vmem>> -> memref<1x128xi32, #tpu.memory_space<vmem>>
    %dma_start3A_1086 = tpu.memref_squeeze %dma_start3A_1085 : memref<1x128xi32, #tpu.memory_space<vmem>> -> memref<128xi32, #tpu.memory_space<vmem>>
    %dma_start3A_1087 = arith.constant 0 : i32
    %dma_start3A_1088 = arith.constant 0 : i32
    %dma_start3A_1089 = tpu.memref_slice %arg10[%dma_start3A_1087, %dma_start3A_1088] : memref<10112x16xf32, #tpu.memory_space<vmem_shared>> -> memref<10112x16xf32, #tpu.memory_space<vmem_shared>>
    tpu.enqueue_indirect_dma source(%dma_start3A_1083 : memref<128x16xf32, #tpu.memory_space<vmem>>) target(%dma_start3A_1089 : memref<10112x16xf32, #tpu.memory_space<vmem_shared>>) offsets(%dma_start3A_1086 : memref<128xi32, #tpu.memory_space<vmem>>) semaphore(%arg13 : memref<!tpu.dma_semaphore, #tpu.memory_space<semaphore_mem>>) {add = true}
    %dma_start3A_1090 = arith.constant 1 : i32
    %dma_start3A_1091 = arith.constant 3 : i32
    %dma_start3A_1092 = arith.constant 19 : i32
    %dma_start3A_1093 = arith.constant 0 : i32
    %dma_start3A_1094 = arith.constant 0 : i32
    %dma_start3A_1095 = tpu.memref_slice %arg8[%dma_start3A_1090, %dma_start3A_1091, %dma_start3A_1093, %dma_start3A_1094] : memref<2x16x128x16xf32, #tpu.memory_space<vmem>> -> memref<1x1x128x16xf32, #tpu.memory_space<vmem>>
    %dma_start3A_1096 = tpu.memref_squeeze %dma_start3A_1095 : memref<1x1x128x16xf32, #tpu.memory_space<vmem>> -> memref<128x16xf32, #tpu.memory_space<vmem>>
    %dma_start3A_1097 = arith.constant 0 : i32
    %dma_start3A_1098 = tpu.memref_slice %arg7[%dma_start3A_1092, %dma_start3A_1097] : memref<96x128xi32, #tpu.memory_space<vmem>> -> memref<1x128xi32, #tpu.memory_space<vmem>>
    %dma_start3A_1099 = tpu.memref_squeeze %dma_start3A_1098 : memref<1x128xi32, #tpu.memory_space<vmem>> -> memref<128xi32, #tpu.memory_space<vmem>>
    %dma_start3A_1100 = arith.constant 0 : i32
    %dma_start3A_1101 = arith.constant 0 : i32
    %dma_start3A_1102 = tpu.memref_slice %arg10[%dma_start3A_1100, %dma_start3A_1101] : memref<10112x16xf32, #tpu.memory_space<vmem_shared>> -> memref<10112x16xf32, #tpu.memory_space<vmem_shared>>
    tpu.enqueue_indirect_dma source(%dma_start3A_1096 : memref<128x16xf32, #tpu.memory_space<vmem>>) target(%dma_start3A_1102 : memref<10112x16xf32, #tpu.memory_space<vmem_shared>>) offsets(%dma_start3A_1099 : memref<128xi32, #tpu.memory_space<vmem>>) semaphore(%arg13 : memref<!tpu.dma_semaphore, #tpu.memory_space<semaphore_mem>>) {add = true}
    %dma_start3A_1103 = arith.constant 1 : i32
    %dma_start3A_1104 = arith.constant 4 : i32
    %dma_start3A_1105 = arith.constant 20 : i32
    %dma_start3A_1106 = arith.constant 0 : i32
    %dma_start3A_1107 = arith.constant 0 : i32
    %dma_start3A_1108 = tpu.memref_slice %arg8[%dma_start3A_1103, %dma_start3A_1104, %dma_start3A_1106, %dma_start3A_1107] : memref<2x16x128x16xf32, #tpu.memory_space<vmem>> -> memref<1x1x128x16xf32, #tpu.memory_space<vmem>>
    %dma_start3A_1109 = tpu.memref_squeeze %dma_start3A_1108 : memref<1x1x128x16xf32, #tpu.memory_space<vmem>> -> memref<128x16xf32, #tpu.memory_space<vmem>>
    %dma_start3A_1110 = arith.constant 0 : i32
    %dma_start3A_1111 = tpu.memref_slice %arg7[%dma_start3A_1105, %dma_start3A_1110] : memref<96x128xi32, #tpu.memory_space<vmem>> -> memref<1x128xi32, #tpu.memory_space<vmem>>
    %dma_start3A_1112 = tpu.memref_squeeze %dma_start3A_1111 : memref<1x128xi32, #tpu.memory_space<vmem>> -> memref<128xi32, #tpu.memory_space<vmem>>
    %dma_start3A_1113 = arith.constant 0 : i32
    %dma_start3A_1114 = arith.constant 0 : i32
    %dma_start3A_1115 = tpu.memref_slice %arg10[%dma_start3A_1113, %dma_start3A_1114] : memref<10112x16xf32, #tpu.memory_space<vmem_shared>> -> memref<10112x16xf32, #tpu.memory_space<vmem_shared>>
    tpu.enqueue_indirect_dma source(%dma_start3A_1109 : memref<128x16xf32, #tpu.memory_space<vmem>>) target(%dma_start3A_1115 : memref<10112x16xf32, #tpu.memory_space<vmem_shared>>) offsets(%dma_start3A_1112 : memref<128xi32, #tpu.memory_space<vmem>>) semaphore(%arg13 : memref<!tpu.dma_semaphore, #tpu.memory_space<semaphore_mem>>) {add = true}
    %dma_start3A_1116 = arith.constant 1 : i32
    %dma_start3A_1117 = arith.constant 5 : i32
    %dma_start3A_1118 = arith.constant 21 : i32
    %dma_start3A_1119 = arith.constant 0 : i32
    %dma_start3A_1120 = arith.constant 0 : i32
    %dma_start3A_1121 = tpu.memref_slice %arg8[%dma_start3A_1116, %dma_start3A_1117, %dma_start3A_1119, %dma_start3A_1120] : memref<2x16x128x16xf32, #tpu.memory_space<vmem>> -> memref<1x1x128x16xf32, #tpu.memory_space<vmem>>
    %dma_start3A_1122 = tpu.memref_squeeze %dma_start3A_1121 : memref<1x1x128x16xf32, #tpu.memory_space<vmem>> -> memref<128x16xf32, #tpu.memory_space<vmem>>
    %dma_start3A_1123 = arith.constant 0 : i32
    %dma_start3A_1124 = tpu.memref_slice %arg7[%dma_start3A_1118, %dma_start3A_1123] : memref<96x128xi32, #tpu.memory_space<vmem>> -> memref<1x128xi32, #tpu.memory_space<vmem>>
    %dma_start3A_1125 = tpu.memref_squeeze %dma_start3A_1124 : memref<1x128xi32, #tpu.memory_space<vmem>> -> memref<128xi32, #tpu.memory_space<vmem>>
    %dma_start3A_1126 = arith.constant 0 : i32
    %dma_start3A_1127 = arith.constant 0 : i32
    %dma_start3A_1128 = tpu.memref_slice %arg10[%dma_start3A_1126, %dma_start3A_1127] : memref<10112x16xf32, #tpu.memory_space<vmem_shared>> -> memref<10112x16xf32, #tpu.memory_space<vmem_shared>>
    tpu.enqueue_indirect_dma source(%dma_start3A_1122 : memref<128x16xf32, #tpu.memory_space<vmem>>) target(%dma_start3A_1128 : memref<10112x16xf32, #tpu.memory_space<vmem_shared>>) offsets(%dma_start3A_1125 : memref<128xi32, #tpu.memory_space<vmem>>) semaphore(%arg13 : memref<!tpu.dma_semaphore, #tpu.memory_space<semaphore_mem>>) {add = true}
    %dma_start3A_1129 = arith.constant 1 : i32
    %dma_start3A_1130 = arith.constant 6 : i32
    %dma_start3A_1131 = arith.constant 22 : i32
    %dma_start3A_1132 = arith.constant 0 : i32
    %dma_start3A_1133 = arith.constant 0 : i32
    %dma_start3A_1134 = tpu.memref_slice %arg8[%dma_start3A_1129, %dma_start3A_1130, %dma_start3A_1132, %dma_start3A_1133] : memref<2x16x128x16xf32, #tpu.memory_space<vmem>> -> memref<1x1x128x16xf32, #tpu.memory_space<vmem>>
    %dma_start3A_1135 = tpu.memref_squeeze %dma_start3A_1134 : memref<1x1x128x16xf32, #tpu.memory_space<vmem>> -> memref<128x16xf32, #tpu.memory_space<vmem>>
    %dma_start3A_1136 = arith.constant 0 : i32
    %dma_start3A_1137 = tpu.memref_slice %arg7[%dma_start3A_1131, %dma_start3A_1136] : memref<96x128xi32, #tpu.memory_space<vmem>> -> memref<1x128xi32, #tpu.memory_space<vmem>>
    %dma_start3A_1138 = tpu.memref_squeeze %dma_start3A_1137 : memref<1x128xi32, #tpu.memory_space<vmem>> -> memref<128xi32, #tpu.memory_space<vmem>>
    %dma_start3A_1139 = arith.constant 0 : i32
    %dma_start3A_1140 = arith.constant 0 : i32
    %dma_start3A_1141 = tpu.memref_slice %arg10[%dma_start3A_1139, %dma_start3A_1140] : memref<10112x16xf32, #tpu.memory_space<vmem_shared>> -> memref<10112x16xf32, #tpu.memory_space<vmem_shared>>
    tpu.enqueue_indirect_dma source(%dma_start3A_1135 : memref<128x16xf32, #tpu.memory_space<vmem>>) target(%dma_start3A_1141 : memref<10112x16xf32, #tpu.memory_space<vmem_shared>>) offsets(%dma_start3A_1138 : memref<128xi32, #tpu.memory_space<vmem>>) semaphore(%arg13 : memref<!tpu.dma_semaphore, #tpu.memory_space<semaphore_mem>>) {add = true}
    %dma_start3A_1142 = arith.constant 1 : i32
    %dma_start3A_1143 = arith.constant 7 : i32
    %dma_start3A_1144 = arith.constant 23 : i32
    %dma_start3A_1145 = arith.constant 0 : i32
    %dma_start3A_1146 = arith.constant 0 : i32
    %dma_start3A_1147 = tpu.memref_slice %arg8[%dma_start3A_1142, %dma_start3A_1143, %dma_start3A_1145, %dma_start3A_1146] : memref<2x16x128x16xf32, #tpu.memory_space<vmem>> -> memref<1x1x128x16xf32, #tpu.memory_space<vmem>>
    %dma_start3A_1148 = tpu.memref_squeeze %dma_start3A_1147 : memref<1x1x128x16xf32, #tpu.memory_space<vmem>> -> memref<128x16xf32, #tpu.memory_space<vmem>>
    %dma_start3A_1149 = arith.constant 0 : i32
    %dma_start3A_1150 = tpu.memref_slice %arg7[%dma_start3A_1144, %dma_start3A_1149] : memref<96x128xi32, #tpu.memory_space<vmem>> -> memref<1x128xi32, #tpu.memory_space<vmem>>
    %dma_start3A_1151 = tpu.memref_squeeze %dma_start3A_1150 : memref<1x128xi32, #tpu.memory_space<vmem>> -> memref<128xi32, #tpu.memory_space<vmem>>
    %dma_start3A_1152 = arith.constant 0 : i32
    %dma_start3A_1153 = arith.constant 0 : i32
    %dma_start3A_1154 = tpu.memref_slice %arg10[%dma_start3A_1152, %dma_start3A_1153] : memref<10112x16xf32, #tpu.memory_space<vmem_shared>> -> memref<10112x16xf32, #tpu.memory_space<vmem_shared>>
    tpu.enqueue_indirect_dma source(%dma_start3A_1148 : memref<128x16xf32, #tpu.memory_space<vmem>>) target(%dma_start3A_1154 : memref<10112x16xf32, #tpu.memory_space<vmem_shared>>) offsets(%dma_start3A_1151 : memref<128xi32, #tpu.memory_space<vmem>>) semaphore(%arg13 : memref<!tpu.dma_semaphore, #tpu.memory_space<semaphore_mem>>) {add = true}
    %dma_start3A_1155 = arith.constant 1 : i32
    %dma_start3A_1156 = arith.constant 8 : i32
    %dma_start3A_1157 = arith.constant 24 : i32
    %dma_start3A_1158 = arith.constant 0 : i32
    %dma_start3A_1159 = arith.constant 0 : i32
    %dma_start3A_1160 = tpu.memref_slice %arg8[%dma_start3A_1155, %dma_start3A_1156, %dma_start3A_1158, %dma_start3A_1159] : memref<2x16x128x16xf32, #tpu.memory_space<vmem>> -> memref<1x1x128x16xf32, #tpu.memory_space<vmem>>
    %dma_start3A_1161 = tpu.memref_squeeze %dma_start3A_1160 : memref<1x1x128x16xf32, #tpu.memory_space<vmem>> -> memref<128x16xf32, #tpu.memory_space<vmem>>
    %dma_start3A_1162 = arith.constant 0 : i32
    %dma_start3A_1163 = tpu.memref_slice %arg7[%dma_start3A_1157, %dma_start3A_1162] : memref<96x128xi32, #tpu.memory_space<vmem>> -> memref<1x128xi32, #tpu.memory_space<vmem>>
    %dma_start3A_1164 = tpu.memref_squeeze %dma_start3A_1163 : memref<1x128xi32, #tpu.memory_space<vmem>> -> memref<128xi32, #tpu.memory_space<vmem>>
    %dma_start3A_1165 = arith.constant 0 : i32
    %dma_start3A_1166 = arith.constant 0 : i32
    %dma_start3A_1167 = tpu.memref_slice %arg10[%dma_start3A_1165, %dma_start3A_1166] : memref<10112x16xf32, #tpu.memory_space<vmem_shared>> -> memref<10112x16xf32, #tpu.memory_space<vmem_shared>>
    tpu.enqueue_indirect_dma source(%dma_start3A_1161 : memref<128x16xf32, #tpu.memory_space<vmem>>) target(%dma_start3A_1167 : memref<10112x16xf32, #tpu.memory_space<vmem_shared>>) offsets(%dma_start3A_1164 : memref<128xi32, #tpu.memory_space<vmem>>) semaphore(%arg13 : memref<!tpu.dma_semaphore, #tpu.memory_space<semaphore_mem>>) {add = true}
    %dma_start3A_1168 = arith.constant 1 : i32
    %dma_start3A_1169 = arith.constant 9 : i32
    %dma_start3A_1170 = arith.constant 25 : i32
    %dma_start3A_1171 = arith.constant 0 : i32
    %dma_start3A_1172 = arith.constant 0 : i32
    %dma_start3A_1173 = tpu.memref_slice %arg8[%dma_start3A_1168, %dma_start3A_1169, %dma_start3A_1171, %dma_start3A_1172] : memref<2x16x128x16xf32, #tpu.memory_space<vmem>> -> memref<1x1x128x16xf32, #tpu.memory_space<vmem>>
    %dma_start3A_1174 = tpu.memref_squeeze %dma_start3A_1173 : memref<1x1x128x16xf32, #tpu.memory_space<vmem>> -> memref<128x16xf32, #tpu.memory_space<vmem>>
    %dma_start3A_1175 = arith.constant 0 : i32
    %dma_start3A_1176 = tpu.memref_slice %arg7[%dma_start3A_1170, %dma_start3A_1175] : memref<96x128xi32, #tpu.memory_space<vmem>> -> memref<1x128xi32, #tpu.memory_space<vmem>>
    %dma_start3A_1177 = tpu.memref_squeeze %dma_start3A_1176 : memref<1x128xi32, #tpu.memory_space<vmem>> -> memref<128xi32, #tpu.memory_space<vmem>>
    %dma_start3A_1178 = arith.constant 0 : i32
    %dma_start3A_1179 = arith.constant 0 : i32
    %dma_start3A_1180 = tpu.memref_slice %arg10[%dma_start3A_1178, %dma_start3A_1179] : memref<10112x16xf32, #tpu.memory_space<vmem_shared>> -> memref<10112x16xf32, #tpu.memory_space<vmem_shared>>
    tpu.enqueue_indirect_dma source(%dma_start3A_1174 : memref<128x16xf32, #tpu.memory_space<vmem>>) target(%dma_start3A_1180 : memref<10112x16xf32, #tpu.memory_space<vmem_shared>>) offsets(%dma_start3A_1177 : memref<128xi32, #tpu.memory_space<vmem>>) semaphore(%arg13 : memref<!tpu.dma_semaphore, #tpu.memory_space<semaphore_mem>>) {add = true}
    %dma_start3A_1181 = arith.constant 1 : i32
    %dma_start3A_1182 = arith.constant 10 : i32
    %dma_start3A_1183 = arith.constant 26 : i32
    %dma_start3A_1184 = arith.constant 0 : i32
    %dma_start3A_1185 = arith.constant 0 : i32
    %dma_start3A_1186 = tpu.memref_slice %arg8[%dma_start3A_1181, %dma_start3A_1182, %dma_start3A_1184, %dma_start3A_1185] : memref<2x16x128x16xf32, #tpu.memory_space<vmem>> -> memref<1x1x128x16xf32, #tpu.memory_space<vmem>>
    %dma_start3A_1187 = tpu.memref_squeeze %dma_start3A_1186 : memref<1x1x128x16xf32, #tpu.memory_space<vmem>> -> memref<128x16xf32, #tpu.memory_space<vmem>>
    %dma_start3A_1188 = arith.constant 0 : i32
    %dma_start3A_1189 = tpu.memref_slice %arg7[%dma_start3A_1183, %dma_start3A_1188] : memref<96x128xi32, #tpu.memory_space<vmem>> -> memref<1x128xi32, #tpu.memory_space<vmem>>
    %dma_start3A_1190 = tpu.memref_squeeze %dma_start3A_1189 : memref<1x128xi32, #tpu.memory_space<vmem>> -> memref<128xi32, #tpu.memory_space<vmem>>
    %dma_start3A_1191 = arith.constant 0 : i32
    %dma_start3A_1192 = arith.constant 0 : i32
    %dma_start3A_1193 = tpu.memref_slice %arg10[%dma_start3A_1191, %dma_start3A_1192] : memref<10112x16xf32, #tpu.memory_space<vmem_shared>> -> memref<10112x16xf32, #tpu.memory_space<vmem_shared>>
    tpu.enqueue_indirect_dma source(%dma_start3A_1187 : memref<128x16xf32, #tpu.memory_space<vmem>>) target(%dma_start3A_1193 : memref<10112x16xf32, #tpu.memory_space<vmem_shared>>) offsets(%dma_start3A_1190 : memref<128xi32, #tpu.memory_space<vmem>>) semaphore(%arg13 : memref<!tpu.dma_semaphore, #tpu.memory_space<semaphore_mem>>) {add = true}
    %dma_start3A_1194 = arith.constant 1 : i32
    %dma_start3A_1195 = arith.constant 11 : i32
    %dma_start3A_1196 = arith.constant 27 : i32
    %dma_start3A_1197 = arith.constant 0 : i32
    %dma_start3A_1198 = arith.constant 0 : i32
    %dma_start3A_1199 = tpu.memref_slice %arg8[%dma_start3A_1194, %dma_start3A_1195, %dma_start3A_1197, %dma_start3A_1198] : memref<2x16x128x16xf32, #tpu.memory_space<vmem>> -> memref<1x1x128x16xf32, #tpu.memory_space<vmem>>
    %dma_start3A_1200 = tpu.memref_squeeze %dma_start3A_1199 : memref<1x1x128x16xf32, #tpu.memory_space<vmem>> -> memref<128x16xf32, #tpu.memory_space<vmem>>
    %dma_start3A_1201 = arith.constant 0 : i32
    %dma_start3A_1202 = tpu.memref_slice %arg7[%dma_start3A_1196, %dma_start3A_1201] : memref<96x128xi32, #tpu.memory_space<vmem>> -> memref<1x128xi32, #tpu.memory_space<vmem>>
    %dma_start3A_1203 = tpu.memref_squeeze %dma_start3A_1202 : memref<1x128xi32, #tpu.memory_space<vmem>> -> memref<128xi32, #tpu.memory_space<vmem>>
    %dma_start3A_1204 = arith.constant 0 : i32
    %dma_start3A_1205 = arith.constant 0 : i32
    %dma_start3A_1206 = tpu.memref_slice %arg10[%dma_start3A_1204, %dma_start3A_1205] : memref<10112x16xf32, #tpu.memory_space<vmem_shared>> -> memref<10112x16xf32, #tpu.memory_space<vmem_shared>>
    tpu.enqueue_indirect_dma source(%dma_start3A_1200 : memref<128x16xf32, #tpu.memory_space<vmem>>) target(%dma_start3A_1206 : memref<10112x16xf32, #tpu.memory_space<vmem_shared>>) offsets(%dma_start3A_1203 : memref<128xi32, #tpu.memory_space<vmem>>) semaphore(%arg13 : memref<!tpu.dma_semaphore, #tpu.memory_space<semaphore_mem>>) {add = true}
    %dma_start3A_1207 = arith.constant 1 : i32
    %dma_start3A_1208 = arith.constant 12 : i32
    %dma_start3A_1209 = arith.constant 28 : i32
    %dma_start3A_1210 = arith.constant 0 : i32
    %dma_start3A_1211 = arith.constant 0 : i32
    %dma_start3A_1212 = tpu.memref_slice %arg8[%dma_start3A_1207, %dma_start3A_1208, %dma_start3A_1210, %dma_start3A_1211] : memref<2x16x128x16xf32, #tpu.memory_space<vmem>> -> memref<1x1x128x16xf32, #tpu.memory_space<vmem>>
    %dma_start3A_1213 = tpu.memref_squeeze %dma_start3A_1212 : memref<1x1x128x16xf32, #tpu.memory_space<vmem>> -> memref<128x16xf32, #tpu.memory_space<vmem>>
    %dma_start3A_1214 = arith.constant 0 : i32
    %dma_start3A_1215 = tpu.memref_slice %arg7[%dma_start3A_1209, %dma_start3A_1214] : memref<96x128xi32, #tpu.memory_space<vmem>> -> memref<1x128xi32, #tpu.memory_space<vmem>>
    %dma_start3A_1216 = tpu.memref_squeeze %dma_start3A_1215 : memref<1x128xi32, #tpu.memory_space<vmem>> -> memref<128xi32, #tpu.memory_space<vmem>>
    %dma_start3A_1217 = arith.constant 0 : i32
    %dma_start3A_1218 = arith.constant 0 : i32
    %dma_start3A_1219 = tpu.memref_slice %arg10[%dma_start3A_1217, %dma_start3A_1218] : memref<10112x16xf32, #tpu.memory_space<vmem_shared>> -> memref<10112x16xf32, #tpu.memory_space<vmem_shared>>
    tpu.enqueue_indirect_dma source(%dma_start3A_1213 : memref<128x16xf32, #tpu.memory_space<vmem>>) target(%dma_start3A_1219 : memref<10112x16xf32, #tpu.memory_space<vmem_shared>>) offsets(%dma_start3A_1216 : memref<128xi32, #tpu.memory_space<vmem>>) semaphore(%arg13 : memref<!tpu.dma_semaphore, #tpu.memory_space<semaphore_mem>>) {add = true}
    %dma_start3A_1220 = arith.constant 1 : i32
    %dma_start3A_1221 = arith.constant 13 : i32
    %dma_start3A_1222 = arith.constant 29 : i32
    %dma_start3A_1223 = arith.constant 0 : i32
    %dma_start3A_1224 = arith.constant 0 : i32
    %dma_start3A_1225 = tpu.memref_slice %arg8[%dma_start3A_1220, %dma_start3A_1221, %dma_start3A_1223, %dma_start3A_1224] : memref<2x16x128x16xf32, #tpu.memory_space<vmem>> -> memref<1x1x128x16xf32, #tpu.memory_space<vmem>>
    %dma_start3A_1226 = tpu.memref_squeeze %dma_start3A_1225 : memref<1x1x128x16xf32, #tpu.memory_space<vmem>> -> memref<128x16xf32, #tpu.memory_space<vmem>>
    %dma_start3A_1227 = arith.constant 0 : i32
    %dma_start3A_1228 = tpu.memref_slice %arg7[%dma_start3A_1222, %dma_start3A_1227] : memref<96x128xi32, #tpu.memory_space<vmem>> -> memref<1x128xi32, #tpu.memory_space<vmem>>
    %dma_start3A_1229 = tpu.memref_squeeze %dma_start3A_1228 : memref<1x128xi32, #tpu.memory_space<vmem>> -> memref<128xi32, #tpu.memory_space<vmem>>
    %dma_start3A_1230 = arith.constant 0 : i32
    %dma_start3A_1231 = arith.constant 0 : i32
    %dma_start3A_1232 = tpu.memref_slice %arg10[%dma_start3A_1230, %dma_start3A_1231] : memref<10112x16xf32, #tpu.memory_space<vmem_shared>> -> memref<10112x16xf32, #tpu.memory_space<vmem_shared>>
    tpu.enqueue_indirect_dma source(%dma_start3A_1226 : memref<128x16xf32, #tpu.memory_space<vmem>>) target(%dma_start3A_1232 : memref<10112x16xf32, #tpu.memory_space<vmem_shared>>) offsets(%dma_start3A_1229 : memref<128xi32, #tpu.memory_space<vmem>>) semaphore(%arg13 : memref<!tpu.dma_semaphore, #tpu.memory_space<semaphore_mem>>) {add = true}
    %dma_start3A_1233 = arith.constant 1 : i32
    %dma_start3A_1234 = arith.constant 14 : i32
    %dma_start3A_1235 = arith.constant 30 : i32
    %dma_start3A_1236 = arith.constant 0 : i32
    %dma_start3A_1237 = arith.constant 0 : i32
    %dma_start3A_1238 = tpu.memref_slice %arg8[%dma_start3A_1233, %dma_start3A_1234, %dma_start3A_1236, %dma_start3A_1237] : memref<2x16x128x16xf32, #tpu.memory_space<vmem>> -> memref<1x1x128x16xf32, #tpu.memory_space<vmem>>
    %dma_start3A_1239 = tpu.memref_squeeze %dma_start3A_1238 : memref<1x1x128x16xf32, #tpu.memory_space<vmem>> -> memref<128x16xf32, #tpu.memory_space<vmem>>
    %dma_start3A_1240 = arith.constant 0 : i32
    %dma_start3A_1241 = tpu.memref_slice %arg7[%dma_start3A_1235, %dma_start3A_1240] : memref<96x128xi32, #tpu.memory_space<vmem>> -> memref<1x128xi32, #tpu.memory_space<vmem>>
    %dma_start3A_1242 = tpu.memref_squeeze %dma_start3A_1241 : memref<1x128xi32, #tpu.memory_space<vmem>> -> memref<128xi32, #tpu.memory_space<vmem>>
    %dma_start3A_1243 = arith.constant 0 : i32
    %dma_start3A_1244 = arith.constant 0 : i32
    %dma_start3A_1245 = tpu.memref_slice %arg10[%dma_start3A_1243, %dma_start3A_1244] : memref<10112x16xf32, #tpu.memory_space<vmem_shared>> -> memref<10112x16xf32, #tpu.memory_space<vmem_shared>>
    tpu.enqueue_indirect_dma source(%dma_start3A_1239 : memref<128x16xf32, #tpu.memory_space<vmem>>) target(%dma_start3A_1245 : memref<10112x16xf32, #tpu.memory_space<vmem_shared>>) offsets(%dma_start3A_1242 : memref<128xi32, #tpu.memory_space<vmem>>) semaphore(%arg13 : memref<!tpu.dma_semaphore, #tpu.memory_space<semaphore_mem>>) {add = true}
    %dma_start3A_1246 = arith.constant 1 : i32
    %dma_start3A_1247 = arith.constant 15 : i32
    %dma_start3A_1248 = arith.constant 31 : i32
    %dma_start3A_1249 = arith.constant 0 : i32
    %dma_start3A_1250 = arith.constant 0 : i32
    %dma_start3A_1251 = tpu.memref_slice %arg8[%dma_start3A_1246, %dma_start3A_1247, %dma_start3A_1249, %dma_start3A_1250] : memref<2x16x128x16xf32, #tpu.memory_space<vmem>> -> memref<1x1x128x16xf32, #tpu.memory_space<vmem>>
    %dma_start3A_1252 = tpu.memref_squeeze %dma_start3A_1251 : memref<1x1x128x16xf32, #tpu.memory_space<vmem>> -> memref<128x16xf32, #tpu.memory_space<vmem>>
    %dma_start3A_1253 = arith.constant 0 : i32
    %dma_start3A_1254 = tpu.memref_slice %arg7[%dma_start3A_1248, %dma_start3A_1253] : memref<96x128xi32, #tpu.memory_space<vmem>> -> memref<1x128xi32, #tpu.memory_space<vmem>>
    %dma_start3A_1255 = tpu.memref_squeeze %dma_start3A_1254 : memref<1x128xi32, #tpu.memory_space<vmem>> -> memref<128xi32, #tpu.memory_space<vmem>>
    %dma_start3A_1256 = arith.constant 0 : i32
    %dma_start3A_1257 = arith.constant 0 : i32
    %dma_start3A_1258 = tpu.memref_slice %arg10[%dma_start3A_1256, %dma_start3A_1257] : memref<10112x16xf32, #tpu.memory_space<vmem_shared>> -> memref<10112x16xf32, #tpu.memory_space<vmem_shared>>
    tpu.enqueue_indirect_dma source(%dma_start3A_1252 : memref<128x16xf32, #tpu.memory_space<vmem>>) target(%dma_start3A_1258 : memref<10112x16xf32, #tpu.memory_space<vmem_shared>>) offsets(%dma_start3A_1255 : memref<128xi32, #tpu.memory_space<vmem>>) semaphore(%arg13 : memref<!tpu.dma_semaphore, #tpu.memory_space<semaphore_mem>>) {add = true}
    %scan3A_1259 = arith.constant 0 : i32
    %scan3A_1260 = arith.constant 2 : i32
    %scan3A_1261 = arith.constant 4 : i32
    %scan3A_1262 = arith.addi %scan3A_1260, %scan3A_1261 : i32
    %scan3A_1263 = arith.constant 1 : i32
    scf.for %scan3A_1686 = %scan3A_1260 to %scan3A_1262 step %scan3A_1263  : i32 {
      %jit3A = arith.constant 2 : i32
      %eq3A = arith.constant 0 : i32
      %eq3A_1687 = arith.cmpi eq, %jit3A, %eq3A : i32
      %jit3A_1688 = arith.constant 1 : i32
      %select_n3A = arith.select %eq3A_1687, %jit3A_1688, %jit3A : i32
      %rem3A = arith.remsi %scan3A_1686, %select_n3A : i32
      %ne3A = arith.constant 0 : i32
      %ne3A_1689 = arith.cmpi ne, %rem3A, %ne3A : i32
      %lt3A = arith.constant 0 : i32
      %lt3A_1690 = arith.cmpi slt, %rem3A, %lt3A : i32
      %lt3A_1691 = arith.constant 0 : i32
      %lt3A_1692 = arith.cmpi slt, %select_n3A, %lt3A_1691 : i32
      %ne3A_1693 = arith.xori %lt3A_1690, %lt3A_1692 : i1
      %and3A = arith.andi %ne3A_1693, %ne3A_1689 : i1
      %add3A_1694 = arith.addi %rem3A, %select_n3A : i32
      %select_n3A_1695 = arith.select %and3A, %add3A_1694, %rem3A : i32
      %dma_wait3A_1696 = arith.constant 0 : i32
      %dma_wait3A_1697 = arith.constant 0 : i32
      %dma_wait3A_1698 = arith.constant 0 : i32
      %dma_wait3A_1699 = arith.constant 0 : i32
      %dma_wait3A_1700 = arith.constant 0 : i32
      %dma_wait3A_1701 = tpu.memref_slice %arg8[%dma_wait3A_1697, %dma_wait3A_1698, %dma_wait3A_1699, %dma_wait3A_1700] : memref<2x16x128x16xf32, #tpu.memory_space<vmem>> -> memref<1x1x128x16xf32, #tpu.memory_space<vmem>>
      %dma_wait3A_1702 = tpu.memref_squeeze %dma_wait3A_1701 : memref<1x1x128x16xf32, #tpu.memory_space<vmem>> -> memref<128x16xf32, #tpu.memory_space<vmem>>
      %dma_wait3A_1703 = arith.constant 0 : i32
      %dma_wait3A_1704 = tpu.memref_slice %arg6[%dma_wait3A_1696, %dma_wait3A_1703] : memref<96x128xi32, #tpu.memory_space<vmem>> -> memref<1x128xi32, #tpu.memory_space<vmem>>
      %dma_wait3A_1705 = tpu.memref_squeeze %dma_wait3A_1704 : memref<1x128xi32, #tpu.memory_space<vmem>> -> memref<128xi32, #tpu.memory_space<vmem>>
      %dma_wait3A_1706 = arith.constant 0 : i32
      %dma_wait3A_1707 = arith.constant 0 : i32
      %dma_wait3A_1708 = tpu.memref_slice %arg2[%dma_wait3A_1706, %dma_wait3A_1707] : memref<10000x16xf32, #tpu.memory_space<hbm>> -> memref<10000x16xf32, #tpu.memory_space<hbm>>
      tpu.wait_indirect_dma semaphore(%arg13 : memref<!tpu.dma_semaphore, #tpu.memory_space<semaphore_mem>>) src(%dma_wait3A_1708 : memref<10000x16xf32, #tpu.memory_space<hbm>>) dst(%dma_wait3A_1702 : memref<128x16xf32, #tpu.memory_space<vmem>>)
      %dma_wait3A_1709 = arith.constant 0 : i32
      %dma_wait3A_1710 = arith.constant 0 : i32
      %dma_wait3A_1711 = arith.constant 0 : i32
      %dma_wait3A_1712 = arith.constant 0 : i32
      %dma_wait3A_1713 = arith.constant 0 : i32
      %dma_wait3A_1714 = tpu.memref_slice %arg8[%dma_wait3A_1710, %dma_wait3A_1711, %dma_wait3A_1712, %dma_wait3A_1713] : memref<2x16x128x16xf32, #tpu.memory_space<vmem>> -> memref<1x1x128x16xf32, #tpu.memory_space<vmem>>
      %dma_wait3A_1715 = tpu.memref_squeeze %dma_wait3A_1714 : memref<1x1x128x16xf32, #tpu.memory_space<vmem>> -> memref<128x16xf32, #tpu.memory_space<vmem>>
      %dma_wait3A_1716 = arith.constant 0 : i32
      %dma_wait3A_1717 = tpu.memref_slice %arg6[%dma_wait3A_1709, %dma_wait3A_1716] : memref<96x128xi32, #tpu.memory_space<vmem>> -> memref<1x128xi32, #tpu.memory_space<vmem>>
      %dma_wait3A_1718 = tpu.memref_squeeze %dma_wait3A_1717 : memref<1x128xi32, #tpu.memory_space<vmem>> -> memref<128xi32, #tpu.memory_space<vmem>>
      %dma_wait3A_1719 = arith.constant 0 : i32
      %dma_wait3A_1720 = arith.constant 0 : i32
      %dma_wait3A_1721 = tpu.memref_slice %arg2[%dma_wait3A_1719, %dma_wait3A_1720] : memref<10000x16xf32, #tpu.memory_space<hbm>> -> memref<10000x16xf32, #tpu.memory_space<hbm>>
      tpu.wait_indirect_dma semaphore(%arg13 : memref<!tpu.dma_semaphore, #tpu.memory_space<semaphore_mem>>) src(%dma_wait3A_1721 : memref<10000x16xf32, #tpu.memory_space<hbm>>) dst(%dma_wait3A_1715 : memref<128x16xf32, #tpu.memory_space<vmem>>)
      %dma_wait3A_1722 = arith.constant 0 : i32
      %dma_wait3A_1723 = arith.constant 0 : i32
      %dma_wait3A_1724 = arith.constant 0 : i32
      %dma_wait3A_1725 = arith.constant 0 : i32
      %dma_wait3A_1726 = arith.constant 0 : i32
      %dma_wait3A_1727 = tpu.memref_slice %arg8[%dma_wait3A_1723, %dma_wait3A_1724, %dma_wait3A_1725, %dma_wait3A_1726] : memref<2x16x128x16xf32, #tpu.memory_space<vmem>> -> memref<1x1x128x16xf32, #tpu.memory_space<vmem>>
      %dma_wait3A_1728 = tpu.memref_squeeze %dma_wait3A_1727 : memref<1x1x128x16xf32, #tpu.memory_space<vmem>> -> memref<128x16xf32, #tpu.memory_space<vmem>>
      %dma_wait3A_1729 = arith.constant 0 : i32
      %dma_wait3A_1730 = tpu.memref_slice %arg6[%dma_wait3A_1722, %dma_wait3A_1729] : memref<96x128xi32, #tpu.memory_space<vmem>> -> memref<1x128xi32, #tpu.memory_space<vmem>>
      %dma_wait3A_1731 = tpu.memref_squeeze %dma_wait3A_1730 : memref<1x128xi32, #tpu.memory_space<vmem>> -> memref<128xi32, #tpu.memory_space<vmem>>
      %dma_wait3A_1732 = arith.constant 0 : i32
      %dma_wait3A_1733 = arith.constant 0 : i32
      %dma_wait3A_1734 = tpu.memref_slice %arg2[%dma_wait3A_1732, %dma_wait3A_1733] : memref<10000x16xf32, #tpu.memory_space<hbm>> -> memref<10000x16xf32, #tpu.memory_space<hbm>>
      tpu.wait_indirect_dma semaphore(%arg13 : memref<!tpu.dma_semaphore, #tpu.memory_space<semaphore_mem>>) src(%dma_wait3A_1734 : memref<10000x16xf32, #tpu.memory_space<hbm>>) dst(%dma_wait3A_1728 : memref<128x16xf32, #tpu.memory_space<vmem>>)
      %dma_wait3A_1735 = arith.constant 0 : i32
      %dma_wait3A_1736 = arith.constant 0 : i32
      %dma_wait3A_1737 = arith.constant 0 : i32
      %dma_wait3A_1738 = arith.constant 0 : i32
      %dma_wait3A_1739 = arith.constant 0 : i32
      %dma_wait3A_1740 = tpu.memref_slice %arg8[%dma_wait3A_1736, %dma_wait3A_1737, %dma_wait3A_1738, %dma_wait3A_1739] : memref<2x16x128x16xf32, #tpu.memory_space<vmem>> -> memref<1x1x128x16xf32, #tpu.memory_space<vmem>>
      %dma_wait3A_1741 = tpu.memref_squeeze %dma_wait3A_1740 : memref<1x1x128x16xf32, #tpu.memory_space<vmem>> -> memref<128x16xf32, #tpu.memory_space<vmem>>
      %dma_wait3A_1742 = arith.constant 0 : i32
      %dma_wait3A_1743 = tpu.memref_slice %arg6[%dma_wait3A_1735, %dma_wait3A_1742] : memref<96x128xi32, #tpu.memory_space<vmem>> -> memref<1x128xi32, #tpu.memory_space<vmem>>
      %dma_wait3A_1744 = tpu.memref_squeeze %dma_wait3A_1743 : memref<1x128xi32, #tpu.memory_space<vmem>> -> memref<128xi32, #tpu.memory_space<vmem>>
      %dma_wait3A_1745 = arith.constant 0 : i32
      %dma_wait3A_1746 = arith.constant 0 : i32
      %dma_wait3A_1747 = tpu.memref_slice %arg2[%dma_wait3A_1745, %dma_wait3A_1746] : memref<10000x16xf32, #tpu.memory_space<hbm>> -> memref<10000x16xf32, #tpu.memory_space<hbm>>
      tpu.wait_indirect_dma semaphore(%arg13 : memref<!tpu.dma_semaphore, #tpu.memory_space<semaphore_mem>>) src(%dma_wait3A_1747 : memref<10000x16xf32, #tpu.memory_space<hbm>>) dst(%dma_wait3A_1741 : memref<128x16xf32, #tpu.memory_space<vmem>>)
      %dma_wait3A_1748 = arith.constant 0 : i32
      %dma_wait3A_1749 = arith.constant 0 : i32
      %dma_wait3A_1750 = arith.constant 0 : i32
      %dma_wait3A_1751 = arith.constant 0 : i32
      %dma_wait3A_1752 = arith.constant 0 : i32
      %dma_wait3A_1753 = tpu.memref_slice %arg8[%dma_wait3A_1749, %dma_wait3A_1750, %dma_wait3A_1751, %dma_wait3A_1752] : memref<2x16x128x16xf32, #tpu.memory_space<vmem>> -> memref<1x1x128x16xf32, #tpu.memory_space<vmem>>
      %dma_wait3A_1754 = tpu.memref_squeeze %dma_wait3A_1753 : memref<1x1x128x16xf32, #tpu.memory_space<vmem>> -> memref<128x16xf32, #tpu.memory_space<vmem>>
      %dma_wait3A_1755 = arith.constant 0 : i32
      %dma_wait3A_1756 = tpu.memref_slice %arg6[%dma_wait3A_1748, %dma_wait3A_1755] : memref<96x128xi32, #tpu.memory_space<vmem>> -> memref<1x128xi32, #tpu.memory_space<vmem>>
      %dma_wait3A_1757 = tpu.memref_squeeze %dma_wait3A_1756 : memref<1x128xi32, #tpu.memory_space<vmem>> -> memref<128xi32, #tpu.memory_space<vmem>>
      %dma_wait3A_1758 = arith.constant 0 : i32
      %dma_wait3A_1759 = arith.constant 0 : i32
      %dma_wait3A_1760 = tpu.memref_slice %arg2[%dma_wait3A_1758, %dma_wait3A_1759] : memref<10000x16xf32, #tpu.memory_space<hbm>> -> memref<10000x16xf32, #tpu.memory_space<hbm>>
      tpu.wait_indirect_dma semaphore(%arg13 : memref<!tpu.dma_semaphore, #tpu.memory_space<semaphore_mem>>) src(%dma_wait3A_1760 : memref<10000x16xf32, #tpu.memory_space<hbm>>) dst(%dma_wait3A_1754 : memref<128x16xf32, #tpu.memory_space<vmem>>)
      %dma_wait3A_1761 = arith.constant 0 : i32
      %dma_wait3A_1762 = arith.constant 0 : i32
      %dma_wait3A_1763 = arith.constant 0 : i32
      %dma_wait3A_1764 = arith.constant 0 : i32
      %dma_wait3A_1765 = arith.constant 0 : i32
      %dma_wait3A_1766 = tpu.memref_slice %arg8[%dma_wait3A_1762, %dma_wait3A_1763, %dma_wait3A_1764, %dma_wait3A_1765] : memref<2x16x128x16xf32, #tpu.memory_space<vmem>> -> memref<1x1x128x16xf32, #tpu.memory_space<vmem>>
      %dma_wait3A_1767 = tpu.memref_squeeze %dma_wait3A_1766 : memref<1x1x128x16xf32, #tpu.memory_space<vmem>> -> memref<128x16xf32, #tpu.memory_space<vmem>>
      %dma_wait3A_1768 = arith.constant 0 : i32
      %dma_wait3A_1769 = tpu.memref_slice %arg6[%dma_wait3A_1761, %dma_wait3A_1768] : memref<96x128xi32, #tpu.memory_space<vmem>> -> memref<1x128xi32, #tpu.memory_space<vmem>>
      %dma_wait3A_1770 = tpu.memref_squeeze %dma_wait3A_1769 : memref<1x128xi32, #tpu.memory_space<vmem>> -> memref<128xi32, #tpu.memory_space<vmem>>
      %dma_wait3A_1771 = arith.constant 0 : i32
      %dma_wait3A_1772 = arith.constant 0 : i32
      %dma_wait3A_1773 = tpu.memref_slice %arg2[%dma_wait3A_1771, %dma_wait3A_1772] : memref<10000x16xf32, #tpu.memory_space<hbm>> -> memref<10000x16xf32, #tpu.memory_space<hbm>>
      tpu.wait_indirect_dma semaphore(%arg13 : memref<!tpu.dma_semaphore, #tpu.memory_space<semaphore_mem>>) src(%dma_wait3A_1773 : memref<10000x16xf32, #tpu.memory_space<hbm>>) dst(%dma_wait3A_1767 : memref<128x16xf32, #tpu.memory_space<vmem>>)
      %dma_wait3A_1774 = arith.constant 0 : i32
      %dma_wait3A_1775 = arith.constant 0 : i32
      %dma_wait3A_1776 = arith.constant 0 : i32
      %dma_wait3A_1777 = arith.constant 0 : i32
      %dma_wait3A_1778 = arith.constant 0 : i32
      %dma_wait3A_1779 = tpu.memref_slice %arg8[%dma_wait3A_1775, %dma_wait3A_1776, %dma_wait3A_1777, %dma_wait3A_1778] : memref<2x16x128x16xf32, #tpu.memory_space<vmem>> -> memref<1x1x128x16xf32, #tpu.memory_space<vmem>>
      %dma_wait3A_1780 = tpu.memref_squeeze %dma_wait3A_1779 : memref<1x1x128x16xf32, #tpu.memory_space<vmem>> -> memref<128x16xf32, #tpu.memory_space<vmem>>
      %dma_wait3A_1781 = arith.constant 0 : i32
      %dma_wait3A_1782 = tpu.memref_slice %arg6[%dma_wait3A_1774, %dma_wait3A_1781] : memref<96x128xi32, #tpu.memory_space<vmem>> -> memref<1x128xi32, #tpu.memory_space<vmem>>
      %dma_wait3A_1783 = tpu.memref_squeeze %dma_wait3A_1782 : memref<1x128xi32, #tpu.memory_space<vmem>> -> memref<128xi32, #tpu.memory_space<vmem>>
      %dma_wait3A_1784 = arith.constant 0 : i32
      %dma_wait3A_1785 = arith.constant 0 : i32
      %dma_wait3A_1786 = tpu.memref_slice %arg2[%dma_wait3A_1784, %dma_wait3A_1785] : memref<10000x16xf32, #tpu.memory_space<hbm>> -> memref<10000x16xf32, #tpu.memory_space<hbm>>
      tpu.wait_indirect_dma semaphore(%arg13 : memref<!tpu.dma_semaphore, #tpu.memory_space<semaphore_mem>>) src(%dma_wait3A_1786 : memref<10000x16xf32, #tpu.memory_space<hbm>>) dst(%dma_wait3A_1780 : memref<128x16xf32, #tpu.memory_space<vmem>>)
      %dma_wait3A_1787 = arith.constant 0 : i32
      %dma_wait3A_1788 = arith.constant 0 : i32
      %dma_wait3A_1789 = arith.constant 0 : i32
      %dma_wait3A_1790 = arith.constant 0 : i32
      %dma_wait3A_1791 = arith.constant 0 : i32
      %dma_wait3A_1792 = tpu.memref_slice %arg8[%dma_wait3A_1788, %dma_wait3A_1789, %dma_wait3A_1790, %dma_wait3A_1791] : memref<2x16x128x16xf32, #tpu.memory_space<vmem>> -> memref<1x1x128x16xf32, #tpu.memory_space<vmem>>
      %dma_wait3A_1793 = tpu.memref_squeeze %dma_wait3A_1792 : memref<1x1x128x16xf32, #tpu.memory_space<vmem>> -> memref<128x16xf32, #tpu.memory_space<vmem>>
      %dma_wait3A_1794 = arith.constant 0 : i32
      %dma_wait3A_1795 = tpu.memref_slice %arg6[%dma_wait3A_1787, %dma_wait3A_1794] : memref<96x128xi32, #tpu.memory_space<vmem>> -> memref<1x128xi32, #tpu.memory_space<vmem>>
      %dma_wait3A_1796 = tpu.memref_squeeze %dma_wait3A_1795 : memref<1x128xi32, #tpu.memory_space<vmem>> -> memref<128xi32, #tpu.memory_space<vmem>>
      %dma_wait3A_1797 = arith.constant 0 : i32
      %dma_wait3A_1798 = arith.constant 0 : i32
      %dma_wait3A_1799 = tpu.memref_slice %arg2[%dma_wait3A_1797, %dma_wait3A_1798] : memref<10000x16xf32, #tpu.memory_space<hbm>> -> memref<10000x16xf32, #tpu.memory_space<hbm>>
      tpu.wait_indirect_dma semaphore(%arg13 : memref<!tpu.dma_semaphore, #tpu.memory_space<semaphore_mem>>) src(%dma_wait3A_1799 : memref<10000x16xf32, #tpu.memory_space<hbm>>) dst(%dma_wait3A_1793 : memref<128x16xf32, #tpu.memory_space<vmem>>)
      %dma_wait3A_1800 = arith.constant 0 : i32
      %dma_wait3A_1801 = arith.constant 0 : i32
      %dma_wait3A_1802 = arith.constant 0 : i32
      %dma_wait3A_1803 = arith.constant 0 : i32
      %dma_wait3A_1804 = arith.constant 0 : i32
      %dma_wait3A_1805 = tpu.memref_slice %arg8[%dma_wait3A_1801, %dma_wait3A_1802, %dma_wait3A_1803, %dma_wait3A_1804] : memref<2x16x128x16xf32, #tpu.memory_space<vmem>> -> memref<1x1x128x16xf32, #tpu.memory_space<vmem>>
      %dma_wait3A_1806 = tpu.memref_squeeze %dma_wait3A_1805 : memref<1x1x128x16xf32, #tpu.memory_space<vmem>> -> memref<128x16xf32, #tpu.memory_space<vmem>>
      %dma_wait3A_1807 = arith.constant 0 : i32
      %dma_wait3A_1808 = tpu.memref_slice %arg6[%dma_wait3A_1800, %dma_wait3A_1807] : memref<96x128xi32, #tpu.memory_space<vmem>> -> memref<1x128xi32, #tpu.memory_space<vmem>>
      %dma_wait3A_1809 = tpu.memref_squeeze %dma_wait3A_1808 : memref<1x128xi32, #tpu.memory_space<vmem>> -> memref<128xi32, #tpu.memory_space<vmem>>
      %dma_wait3A_1810 = arith.constant 0 : i32
      %dma_wait3A_1811 = arith.constant 0 : i32
      %dma_wait3A_1812 = tpu.memref_slice %arg2[%dma_wait3A_1810, %dma_wait3A_1811] : memref<10000x16xf32, #tpu.memory_space<hbm>> -> memref<10000x16xf32, #tpu.memory_space<hbm>>
      tpu.wait_indirect_dma semaphore(%arg13 : memref<!tpu.dma_semaphore, #tpu.memory_space<semaphore_mem>>) src(%dma_wait3A_1812 : memref<10000x16xf32, #tpu.memory_space<hbm>>) dst(%dma_wait3A_1806 : memref<128x16xf32, #tpu.memory_space<vmem>>)
      %dma_wait3A_1813 = arith.constant 0 : i32
      %dma_wait3A_1814 = arith.constant 0 : i32
      %dma_wait3A_1815 = arith.constant 0 : i32
      %dma_wait3A_1816 = arith.constant 0 : i32
      %dma_wait3A_1817 = arith.constant 0 : i32
      %dma_wait3A_1818 = tpu.memref_slice %arg8[%dma_wait3A_1814, %dma_wait3A_1815, %dma_wait3A_1816, %dma_wait3A_1817] : memref<2x16x128x16xf32, #tpu.memory_space<vmem>> -> memref<1x1x128x16xf32, #tpu.memory_space<vmem>>
      %dma_wait3A_1819 = tpu.memref_squeeze %dma_wait3A_1818 : memref<1x1x128x16xf32, #tpu.memory_space<vmem>> -> memref<128x16xf32, #tpu.memory_space<vmem>>
      %dma_wait3A_1820 = arith.constant 0 : i32
      %dma_wait3A_1821 = tpu.memref_slice %arg6[%dma_wait3A_1813, %dma_wait3A_1820] : memref<96x128xi32, #tpu.memory_space<vmem>> -> memref<1x128xi32, #tpu.memory_space<vmem>>
      %dma_wait3A_1822 = tpu.memref_squeeze %dma_wait3A_1821 : memref<1x128xi32, #tpu.memory_space<vmem>> -> memref<128xi32, #tpu.memory_space<vmem>>
      %dma_wait3A_1823 = arith.constant 0 : i32
      %dma_wait3A_1824 = arith.constant 0 : i32
      %dma_wait3A_1825 = tpu.memref_slice %arg2[%dma_wait3A_1823, %dma_wait3A_1824] : memref<10000x16xf32, #tpu.memory_space<hbm>> -> memref<10000x16xf32, #tpu.memory_space<hbm>>
      tpu.wait_indirect_dma semaphore(%arg13 : memref<!tpu.dma_semaphore, #tpu.memory_space<semaphore_mem>>) src(%dma_wait3A_1825 : memref<10000x16xf32, #tpu.memory_space<hbm>>) dst(%dma_wait3A_1819 : memref<128x16xf32, #tpu.memory_space<vmem>>)
      %dma_wait3A_1826 = arith.constant 0 : i32
      %dma_wait3A_1827 = arith.constant 0 : i32
      %dma_wait3A_1828 = arith.constant 0 : i32
      %dma_wait3A_1829 = arith.constant 0 : i32
      %dma_wait3A_1830 = arith.constant 0 : i32
      %dma_wait3A_1831 = tpu.memref_slice %arg8[%dma_wait3A_1827, %dma_wait3A_1828, %dma_wait3A_1829, %dma_wait3A_1830] : memref<2x16x128x16xf32, #tpu.memory_space<vmem>> -> memref<1x1x128x16xf32, #tpu.memory_space<vmem>>
      %dma_wait3A_1832 = tpu.memref_squeeze %dma_wait3A_1831 : memref<1x1x128x16xf32, #tpu.memory_space<vmem>> -> memref<128x16xf32, #tpu.memory_space<vmem>>
      %dma_wait3A_1833 = arith.constant 0 : i32
      %dma_wait3A_1834 = tpu.memref_slice %arg6[%dma_wait3A_1826, %dma_wait3A_1833] : memref<96x128xi32, #tpu.memory_space<vmem>> -> memref<1x128xi32, #tpu.memory_space<vmem>>
      %dma_wait3A_1835 = tpu.memref_squeeze %dma_wait3A_1834 : memref<1x128xi32, #tpu.memory_space<vmem>> -> memref<128xi32, #tpu.memory_space<vmem>>
      %dma_wait3A_1836 = arith.constant 0 : i32
      %dma_wait3A_1837 = arith.constant 0 : i32
      %dma_wait3A_1838 = tpu.memref_slice %arg2[%dma_wait3A_1836, %dma_wait3A_1837] : memref<10000x16xf32, #tpu.memory_space<hbm>> -> memref<10000x16xf32, #tpu.memory_space<hbm>>
      tpu.wait_indirect_dma semaphore(%arg13 : memref<!tpu.dma_semaphore, #tpu.memory_space<semaphore_mem>>) src(%dma_wait3A_1838 : memref<10000x16xf32, #tpu.memory_space<hbm>>) dst(%dma_wait3A_1832 : memref<128x16xf32, #tpu.memory_space<vmem>>)
      %dma_wait3A_1839 = arith.constant 0 : i32
      %dma_wait3A_1840 = arith.constant 0 : i32
      %dma_wait3A_1841 = arith.constant 0 : i32
      %dma_wait3A_1842 = arith.constant 0 : i32
      %dma_wait3A_1843 = arith.constant 0 : i32
      %dma_wait3A_1844 = tpu.memref_slice %arg8[%dma_wait3A_1840, %dma_wait3A_1841, %dma_wait3A_1842, %dma_wait3A_1843] : memref<2x16x128x16xf32, #tpu.memory_space<vmem>> -> memref<1x1x128x16xf32, #tpu.memory_space<vmem>>
      %dma_wait3A_1845 = tpu.memref_squeeze %dma_wait3A_1844 : memref<1x1x128x16xf32, #tpu.memory_space<vmem>> -> memref<128x16xf32, #tpu.memory_space<vmem>>
      %dma_wait3A_1846 = arith.constant 0 : i32
      %dma_wait3A_1847 = tpu.memref_slice %arg6[%dma_wait3A_1839, %dma_wait3A_1846] : memref<96x128xi32, #tpu.memory_space<vmem>> -> memref<1x128xi32, #tpu.memory_space<vmem>>
      %dma_wait3A_1848 = tpu.memref_squeeze %dma_wait3A_1847 : memref<1x128xi32, #tpu.memory_space<vmem>> -> memref<128xi32, #tpu.memory_space<vmem>>
      %dma_wait3A_1849 = arith.constant 0 : i32
      %dma_wait3A_1850 = arith.constant 0 : i32
      %dma_wait3A_1851 = tpu.memref_slice %arg2[%dma_wait3A_1849, %dma_wait3A_1850] : memref<10000x16xf32, #tpu.memory_space<hbm>> -> memref<10000x16xf32, #tpu.memory_space<hbm>>
      tpu.wait_indirect_dma semaphore(%arg13 : memref<!tpu.dma_semaphore, #tpu.memory_space<semaphore_mem>>) src(%dma_wait3A_1851 : memref<10000x16xf32, #tpu.memory_space<hbm>>) dst(%dma_wait3A_1845 : memref<128x16xf32, #tpu.memory_space<vmem>>)
      %dma_wait3A_1852 = arith.constant 0 : i32
      %dma_wait3A_1853 = arith.constant 0 : i32
      %dma_wait3A_1854 = arith.constant 0 : i32
      %dma_wait3A_1855 = arith.constant 0 : i32
      %dma_wait3A_1856 = arith.constant 0 : i32
      %dma_wait3A_1857 = tpu.memref_slice %arg8[%dma_wait3A_1853, %dma_wait3A_1854, %dma_wait3A_1855, %dma_wait3A_1856] : memref<2x16x128x16xf32, #tpu.memory_space<vmem>> -> memref<1x1x128x16xf32, #tpu.memory_space<vmem>>
      %dma_wait3A_1858 = tpu.memref_squeeze %dma_wait3A_1857 : memref<1x1x128x16xf32, #tpu.memory_space<vmem>> -> memref<128x16xf32, #tpu.memory_space<vmem>>
      %dma_wait3A_1859 = arith.constant 0 : i32
      %dma_wait3A_1860 = tpu.memref_slice %arg6[%dma_wait3A_1852, %dma_wait3A_1859] : memref<96x128xi32, #tpu.memory_space<vmem>> -> memref<1x128xi32, #tpu.memory_space<vmem>>
      %dma_wait3A_1861 = tpu.memref_squeeze %dma_wait3A_1860 : memref<1x128xi32, #tpu.memory_space<vmem>> -> memref<128xi32, #tpu.memory_space<vmem>>
      %dma_wait3A_1862 = arith.constant 0 : i32
      %dma_wait3A_1863 = arith.constant 0 : i32
      %dma_wait3A_1864 = tpu.memref_slice %arg2[%dma_wait3A_1862, %dma_wait3A_1863] : memref<10000x16xf32, #tpu.memory_space<hbm>> -> memref<10000x16xf32, #tpu.memory_space<hbm>>
      tpu.wait_indirect_dma semaphore(%arg13 : memref<!tpu.dma_semaphore, #tpu.memory_space<semaphore_mem>>) src(%dma_wait3A_1864 : memref<10000x16xf32, #tpu.memory_space<hbm>>) dst(%dma_wait3A_1858 : memref<128x16xf32, #tpu.memory_space<vmem>>)
      %dma_wait3A_1865 = arith.constant 0 : i32
      %dma_wait3A_1866 = arith.constant 0 : i32
      %dma_wait3A_1867 = arith.constant 0 : i32
      %dma_wait3A_1868 = arith.constant 0 : i32
      %dma_wait3A_1869 = arith.constant 0 : i32
      %dma_wait3A_1870 = tpu.memref_slice %arg8[%dma_wait3A_1866, %dma_wait3A_1867, %dma_wait3A_1868, %dma_wait3A_1869] : memref<2x16x128x16xf32, #tpu.memory_space<vmem>> -> memref<1x1x128x16xf32, #tpu.memory_space<vmem>>
      %dma_wait3A_1871 = tpu.memref_squeeze %dma_wait3A_1870 : memref<1x1x128x16xf32, #tpu.memory_space<vmem>> -> memref<128x16xf32, #tpu.memory_space<vmem>>
      %dma_wait3A_1872 = arith.constant 0 : i32
      %dma_wait3A_1873 = tpu.memref_slice %arg6[%dma_wait3A_1865, %dma_wait3A_1872] : memref<96x128xi32, #tpu.memory_space<vmem>> -> memref<1x128xi32, #tpu.memory_space<vmem>>
      %dma_wait3A_1874 = tpu.memref_squeeze %dma_wait3A_1873 : memref<1x128xi32, #tpu.memory_space<vmem>> -> memref<128xi32, #tpu.memory_space<vmem>>
      %dma_wait3A_1875 = arith.constant 0 : i32
      %dma_wait3A_1876 = arith.constant 0 : i32
      %dma_wait3A_1877 = tpu.memref_slice %arg2[%dma_wait3A_1875, %dma_wait3A_1876] : memref<10000x16xf32, #tpu.memory_space<hbm>> -> memref<10000x16xf32, #tpu.memory_space<hbm>>
      tpu.wait_indirect_dma semaphore(%arg13 : memref<!tpu.dma_semaphore, #tpu.memory_space<semaphore_mem>>) src(%dma_wait3A_1877 : memref<10000x16xf32, #tpu.memory_space<hbm>>) dst(%dma_wait3A_1871 : memref<128x16xf32, #tpu.memory_space<vmem>>)
      %dma_wait3A_1878 = arith.constant 0 : i32
      %dma_wait3A_1879 = arith.constant 0 : i32
      %dma_wait3A_1880 = arith.constant 0 : i32
      %dma_wait3A_1881 = arith.constant 0 : i32
      %dma_wait3A_1882 = arith.constant 0 : i32
      %dma_wait3A_1883 = tpu.memref_slice %arg8[%dma_wait3A_1879, %dma_wait3A_1880, %dma_wait3A_1881, %dma_wait3A_1882] : memref<2x16x128x16xf32, #tpu.memory_space<vmem>> -> memref<1x1x128x16xf32, #tpu.memory_space<vmem>>
      %dma_wait3A_1884 = tpu.memref_squeeze %dma_wait3A_1883 : memref<1x1x128x16xf32, #tpu.memory_space<vmem>> -> memref<128x16xf32, #tpu.memory_space<vmem>>
      %dma_wait3A_1885 = arith.constant 0 : i32
      %dma_wait3A_1886 = tpu.memref_slice %arg6[%dma_wait3A_1878, %dma_wait3A_1885] : memref<96x128xi32, #tpu.memory_space<vmem>> -> memref<1x128xi32, #tpu.memory_space<vmem>>
      %dma_wait3A_1887 = tpu.memref_squeeze %dma_wait3A_1886 : memref<1x128xi32, #tpu.memory_space<vmem>> -> memref<128xi32, #tpu.memory_space<vmem>>
      %dma_wait3A_1888 = arith.constant 0 : i32
      %dma_wait3A_1889 = arith.constant 0 : i32
      %dma_wait3A_1890 = tpu.memref_slice %arg2[%dma_wait3A_1888, %dma_wait3A_1889] : memref<10000x16xf32, #tpu.memory_space<hbm>> -> memref<10000x16xf32, #tpu.memory_space<hbm>>
      tpu.wait_indirect_dma semaphore(%arg13 : memref<!tpu.dma_semaphore, #tpu.memory_space<semaphore_mem>>) src(%dma_wait3A_1890 : memref<10000x16xf32, #tpu.memory_space<hbm>>) dst(%dma_wait3A_1884 : memref<128x16xf32, #tpu.memory_space<vmem>>)
      %dma_wait3A_1891 = arith.constant 0 : i32
      %dma_wait3A_1892 = arith.constant 0 : i32
      %dma_wait3A_1893 = arith.constant 0 : i32
      %dma_wait3A_1894 = arith.constant 0 : i32
      %dma_wait3A_1895 = arith.constant 0 : i32
      %dma_wait3A_1896 = tpu.memref_slice %arg8[%dma_wait3A_1892, %dma_wait3A_1893, %dma_wait3A_1894, %dma_wait3A_1895] : memref<2x16x128x16xf32, #tpu.memory_space<vmem>> -> memref<1x1x128x16xf32, #tpu.memory_space<vmem>>
      %dma_wait3A_1897 = tpu.memref_squeeze %dma_wait3A_1896 : memref<1x1x128x16xf32, #tpu.memory_space<vmem>> -> memref<128x16xf32, #tpu.memory_space<vmem>>
      %dma_wait3A_1898 = arith.constant 0 : i32
      %dma_wait3A_1899 = tpu.memref_slice %arg6[%dma_wait3A_1891, %dma_wait3A_1898] : memref<96x128xi32, #tpu.memory_space<vmem>> -> memref<1x128xi32, #tpu.memory_space<vmem>>
      %dma_wait3A_1900 = tpu.memref_squeeze %dma_wait3A_1899 : memref<1x128xi32, #tpu.memory_space<vmem>> -> memref<128xi32, #tpu.memory_space<vmem>>
      %dma_wait3A_1901 = arith.constant 0 : i32
      %dma_wait3A_1902 = arith.constant 0 : i32
      %dma_wait3A_1903 = tpu.memref_slice %arg2[%dma_wait3A_1901, %dma_wait3A_1902] : memref<10000x16xf32, #tpu.memory_space<hbm>> -> memref<10000x16xf32, #tpu.memory_space<hbm>>
      tpu.wait_indirect_dma semaphore(%arg13 : memref<!tpu.dma_semaphore, #tpu.memory_space<semaphore_mem>>) src(%dma_wait3A_1903 : memref<10000x16xf32, #tpu.memory_space<hbm>>) dst(%dma_wait3A_1897 : memref<128x16xf32, #tpu.memory_space<vmem>>)
      %mul3A_1904 = arith.constant 16 : i32
      %mul3A_1905 = arith.muli %scan3A_1686, %mul3A_1904 : i32
      %add3A_1906 = arith.constant 0 : i32
      %add3A_1907 = arith.addi %mul3A_1905, %add3A_1906 : i32
      %dma_start3A_1908 = arith.constant 0 : i32
      %dma_start3A_1909 = arith.constant 0 : i32
      %dma_start3A_1910 = arith.constant 0 : i32
      %dma_start3A_1911 = tpu.memref_slice %arg8[%select_n3A_1695, %dma_start3A_1908, %dma_start3A_1909, %dma_start3A_1910] : memref<2x16x128x16xf32, #tpu.memory_space<vmem>> -> memref<1x1x128x16xf32, #tpu.memory_space<vmem>>
      %dma_start3A_1912 = tpu.memref_squeeze %dma_start3A_1911 : memref<1x1x128x16xf32, #tpu.memory_space<vmem>> -> memref<128x16xf32, #tpu.memory_space<vmem>>
      %dma_start3A_1913 = arith.constant 0 : i32
      %dma_start3A_1914 = tpu.memref_slice %arg6[%add3A_1907, %dma_start3A_1913] : memref<96x128xi32, #tpu.memory_space<vmem>> -> memref<1x128xi32, #tpu.memory_space<vmem>>
      %dma_start3A_1915 = tpu.memref_squeeze %dma_start3A_1914 : memref<1x128xi32, #tpu.memory_space<vmem>> -> memref<128xi32, #tpu.memory_space<vmem>>
      %dma_start3A_1916 = arith.constant 0 : i32
      %dma_start3A_1917 = arith.constant 0 : i32
      %dma_start3A_1918 = tpu.memref_slice %arg11[%dma_start3A_1916, %dma_start3A_1917] : memref<10112x16xf32, #tpu.memory_space<vmem_shared>> -> memref<10112x16xf32, #tpu.memory_space<vmem_shared>>
      tpu.enqueue_indirect_dma source(%dma_start3A_1918 : memref<10112x16xf32, #tpu.memory_space<vmem_shared>>) target(%dma_start3A_1912 : memref<128x16xf32, #tpu.memory_space<vmem>>) offsets(%dma_start3A_1915 : memref<128xi32, #tpu.memory_space<vmem>>) semaphore(%arg12 : memref<!tpu.dma_semaphore, #tpu.memory_space<semaphore_mem>>)
      %mul3A_1919 = arith.constant 16 : i32
      %mul3A_1920 = arith.muli %scan3A_1686, %mul3A_1919 : i32
      %add3A_1921 = arith.constant 1 : i32
      %add3A_1922 = arith.addi %mul3A_1920, %add3A_1921 : i32
      %dma_start3A_1923 = arith.constant 1 : i32
      %dma_start3A_1924 = arith.constant 0 : i32
      %dma_start3A_1925 = arith.constant 0 : i32
      %dma_start3A_1926 = tpu.memref_slice %arg8[%select_n3A_1695, %dma_start3A_1923, %dma_start3A_1924, %dma_start3A_1925] : memref<2x16x128x16xf32, #tpu.memory_space<vmem>> -> memref<1x1x128x16xf32, #tpu.memory_space<vmem>>
      %dma_start3A_1927 = tpu.memref_squeeze %dma_start3A_1926 : memref<1x1x128x16xf32, #tpu.memory_space<vmem>> -> memref<128x16xf32, #tpu.memory_space<vmem>>
      %dma_start3A_1928 = arith.constant 0 : i32
      %dma_start3A_1929 = tpu.memref_slice %arg6[%add3A_1922, %dma_start3A_1928] : memref<96x128xi32, #tpu.memory_space<vmem>> -> memref<1x128xi32, #tpu.memory_space<vmem>>
      %dma_start3A_1930 = tpu.memref_squeeze %dma_start3A_1929 : memref<1x128xi32, #tpu.memory_space<vmem>> -> memref<128xi32, #tpu.memory_space<vmem>>
      %dma_start3A_1931 = arith.constant 0 : i32
      %dma_start3A_1932 = arith.constant 0 : i32
      %dma_start3A_1933 = tpu.memref_slice %arg11[%dma_start3A_1931, %dma_start3A_1932] : memref<10112x16xf32, #tpu.memory_space<vmem_shared>> -> memref<10112x16xf32, #tpu.memory_space<vmem_shared>>
      tpu.enqueue_indirect_dma source(%dma_start3A_1933 : memref<10112x16xf32, #tpu.memory_space<vmem_shared>>) target(%dma_start3A_1927 : memref<128x16xf32, #tpu.memory_space<vmem>>) offsets(%dma_start3A_1930 : memref<128xi32, #tpu.memory_space<vmem>>) semaphore(%arg12 : memref<!tpu.dma_semaphore, #tpu.memory_space<semaphore_mem>>)
      %mul3A_1934 = arith.constant 16 : i32
      %mul3A_1935 = arith.muli %scan3A_1686, %mul3A_1934 : i32
      %add3A_1936 = arith.constant 2 : i32
      %add3A_1937 = arith.addi %mul3A_1935, %add3A_1936 : i32
      %dma_start3A_1938 = arith.constant 2 : i32
      %dma_start3A_1939 = arith.constant 0 : i32
      %dma_start3A_1940 = arith.constant 0 : i32
      %dma_start3A_1941 = tpu.memref_slice %arg8[%select_n3A_1695, %dma_start3A_1938, %dma_start3A_1939, %dma_start3A_1940] : memref<2x16x128x16xf32, #tpu.memory_space<vmem>> -> memref<1x1x128x16xf32, #tpu.memory_space<vmem>>
      %dma_start3A_1942 = tpu.memref_squeeze %dma_start3A_1941 : memref<1x1x128x16xf32, #tpu.memory_space<vmem>> -> memref<128x16xf32, #tpu.memory_space<vmem>>
      %dma_start3A_1943 = arith.constant 0 : i32
      %dma_start3A_1944 = tpu.memref_slice %arg6[%add3A_1937, %dma_start3A_1943] : memref<96x128xi32, #tpu.memory_space<vmem>> -> memref<1x128xi32, #tpu.memory_space<vmem>>
      %dma_start3A_1945 = tpu.memref_squeeze %dma_start3A_1944 : memref<1x128xi32, #tpu.memory_space<vmem>> -> memref<128xi32, #tpu.memory_space<vmem>>
      %dma_start3A_1946 = arith.constant 0 : i32
      %dma_start3A_1947 = arith.constant 0 : i32
      %dma_start3A_1948 = tpu.memref_slice %arg11[%dma_start3A_1946, %dma_start3A_1947] : memref<10112x16xf32, #tpu.memory_space<vmem_shared>> -> memref<10112x16xf32, #tpu.memory_space<vmem_shared>>
      tpu.enqueue_indirect_dma source(%dma_start3A_1948 : memref<10112x16xf32, #tpu.memory_space<vmem_shared>>) target(%dma_start3A_1942 : memref<128x16xf32, #tpu.memory_space<vmem>>) offsets(%dma_start3A_1945 : memref<128xi32, #tpu.memory_space<vmem>>) semaphore(%arg12 : memref<!tpu.dma_semaphore, #tpu.memory_space<semaphore_mem>>)
      %mul3A_1949 = arith.constant 16 : i32
      %mul3A_1950 = arith.muli %scan3A_1686, %mul3A_1949 : i32
      %add3A_1951 = arith.constant 3 : i32
      %add3A_1952 = arith.addi %mul3A_1950, %add3A_1951 : i32
      %dma_start3A_1953 = arith.constant 3 : i32
      %dma_start3A_1954 = arith.constant 0 : i32
      %dma_start3A_1955 = arith.constant 0 : i32
      %dma_start3A_1956 = tpu.memref_slice %arg8[%select_n3A_1695, %dma_start3A_1953, %dma_start3A_1954, %dma_start3A_1955] : memref<2x16x128x16xf32, #tpu.memory_space<vmem>> -> memref<1x1x128x16xf32, #tpu.memory_space<vmem>>
      %dma_start3A_1957 = tpu.memref_squeeze %dma_start3A_1956 : memref<1x1x128x16xf32, #tpu.memory_space<vmem>> -> memref<128x16xf32, #tpu.memory_space<vmem>>
      %dma_start3A_1958 = arith.constant 0 : i32
      %dma_start3A_1959 = tpu.memref_slice %arg6[%add3A_1952, %dma_start3A_1958] : memref<96x128xi32, #tpu.memory_space<vmem>> -> memref<1x128xi32, #tpu.memory_space<vmem>>
      %dma_start3A_1960 = tpu.memref_squeeze %dma_start3A_1959 : memref<1x128xi32, #tpu.memory_space<vmem>> -> memref<128xi32, #tpu.memory_space<vmem>>
      %dma_start3A_1961 = arith.constant 0 : i32
      %dma_start3A_1962 = arith.constant 0 : i32
      %dma_start3A_1963 = tpu.memref_slice %arg11[%dma_start3A_1961, %dma_start3A_1962] : memref<10112x16xf32, #tpu.memory_space<vmem_shared>> -> memref<10112x16xf32, #tpu.memory_space<vmem_shared>>
      tpu.enqueue_indirect_dma source(%dma_start3A_1963 : memref<10112x16xf32, #tpu.memory_space<vmem_shared>>) target(%dma_start3A_1957 : memref<128x16xf32, #tpu.memory_space<vmem>>) offsets(%dma_start3A_1960 : memref<128xi32, #tpu.memory_space<vmem>>) semaphore(%arg12 : memref<!tpu.dma_semaphore, #tpu.memory_space<semaphore_mem>>)
      %mul3A_1964 = arith.constant 16 : i32
      %mul3A_1965 = arith.muli %scan3A_1686, %mul3A_1964 : i32
      %add3A_1966 = arith.constant 4 : i32
      %add3A_1967 = arith.addi %mul3A_1965, %add3A_1966 : i32
      %dma_start3A_1968 = arith.constant 4 : i32
      %dma_start3A_1969 = arith.constant 0 : i32
      %dma_start3A_1970 = arith.constant 0 : i32
      %dma_start3A_1971 = tpu.memref_slice %arg8[%select_n3A_1695, %dma_start3A_1968, %dma_start3A_1969, %dma_start3A_1970] : memref<2x16x128x16xf32, #tpu.memory_space<vmem>> -> memref<1x1x128x16xf32, #tpu.memory_space<vmem>>
      %dma_start3A_1972 = tpu.memref_squeeze %dma_start3A_1971 : memref<1x1x128x16xf32, #tpu.memory_space<vmem>> -> memref<128x16xf32, #tpu.memory_space<vmem>>
      %dma_start3A_1973 = arith.constant 0 : i32
      %dma_start3A_1974 = tpu.memref_slice %arg6[%add3A_1967, %dma_start3A_1973] : memref<96x128xi32, #tpu.memory_space<vmem>> -> memref<1x128xi32, #tpu.memory_space<vmem>>
      %dma_start3A_1975 = tpu.memref_squeeze %dma_start3A_1974 : memref<1x128xi32, #tpu.memory_space<vmem>> -> memref<128xi32, #tpu.memory_space<vmem>>
      %dma_start3A_1976 = arith.constant 0 : i32
      %dma_start3A_1977 = arith.constant 0 : i32
      %dma_start3A_1978 = tpu.memref_slice %arg11[%dma_start3A_1976, %dma_start3A_1977] : memref<10112x16xf32, #tpu.memory_space<vmem_shared>> -> memref<10112x16xf32, #tpu.memory_space<vmem_shared>>
      tpu.enqueue_indirect_dma source(%dma_start3A_1978 : memref<10112x16xf32, #tpu.memory_space<vmem_shared>>) target(%dma_start3A_1972 : memref<128x16xf32, #tpu.memory_space<vmem>>) offsets(%dma_start3A_1975 : memref<128xi32, #tpu.memory_space<vmem>>) semaphore(%arg12 : memref<!tpu.dma_semaphore, #tpu.memory_space<semaphore_mem>>)
      %mul3A_1979 = arith.constant 16 : i32
      %mul3A_1980 = arith.muli %scan3A_1686, %mul3A_1979 : i32
      %add3A_1981 = arith.constant 5 : i32
      %add3A_1982 = arith.addi %mul3A_1980, %add3A_1981 : i32
      %dma_start3A_1983 = arith.constant 5 : i32
      %dma_start3A_1984 = arith.constant 0 : i32
      %dma_start3A_1985 = arith.constant 0 : i32
      %dma_start3A_1986 = tpu.memref_slice %arg8[%select_n3A_1695, %dma_start3A_1983, %dma_start3A_1984, %dma_start3A_1985] : memref<2x16x128x16xf32, #tpu.memory_space<vmem>> -> memref<1x1x128x16xf32, #tpu.memory_space<vmem>>
      %dma_start3A_1987 = tpu.memref_squeeze %dma_start3A_1986 : memref<1x1x128x16xf32, #tpu.memory_space<vmem>> -> memref<128x16xf32, #tpu.memory_space<vmem>>
      %dma_start3A_1988 = arith.constant 0 : i32
      %dma_start3A_1989 = tpu.memref_slice %arg6[%add3A_1982, %dma_start3A_1988] : memref<96x128xi32, #tpu.memory_space<vmem>> -> memref<1x128xi32, #tpu.memory_space<vmem>>
      %dma_start3A_1990 = tpu.memref_squeeze %dma_start3A_1989 : memref<1x128xi32, #tpu.memory_space<vmem>> -> memref<128xi32, #tpu.memory_space<vmem>>
      %dma_start3A_1991 = arith.constant 0 : i32
      %dma_start3A_1992 = arith.constant 0 : i32
      %dma_start3A_1993 = tpu.memref_slice %arg11[%dma_start3A_1991, %dma_start3A_1992] : memref<10112x16xf32, #tpu.memory_space<vmem_shared>> -> memref<10112x16xf32, #tpu.memory_space<vmem_shared>>
      tpu.enqueue_indirect_dma source(%dma_start3A_1993 : memref<10112x16xf32, #tpu.memory_space<vmem_shared>>) target(%dma_start3A_1987 : memref<128x16xf32, #tpu.memory_space<vmem>>) offsets(%dma_start3A_1990 : memref<128xi32, #tpu.memory_space<vmem>>) semaphore(%arg12 : memref<!tpu.dma_semaphore, #tpu.memory_space<semaphore_mem>>)
      %mul3A_1994 = arith.constant 16 : i32
      %mul3A_1995 = arith.muli %scan3A_1686, %mul3A_1994 : i32
      %add3A_1996 = arith.constant 6 : i32
      %add3A_1997 = arith.addi %mul3A_1995, %add3A_1996 : i32
      %dma_start3A_1998 = arith.constant 6 : i32
      %dma_start3A_1999 = arith.constant 0 : i32
      %dma_start3A_2000 = arith.constant 0 : i32
      %dma_start3A_2001 = tpu.memref_slice %arg8[%select_n3A_1695, %dma_start3A_1998, %dma_start3A_1999, %dma_start3A_2000] : memref<2x16x128x16xf32, #tpu.memory_space<vmem>> -> memref<1x1x128x16xf32, #tpu.memory_space<vmem>>
      %dma_start3A_2002 = tpu.memref_squeeze %dma_start3A_2001 : memref<1x1x128x16xf32, #tpu.memory_space<vmem>> -> memref<128x16xf32, #tpu.memory_space<vmem>>
      %dma_start3A_2003 = arith.constant 0 : i32
      %dma_start3A_2004 = tpu.memref_slice %arg6[%add3A_1997, %dma_start3A_2003] : memref<96x128xi32, #tpu.memory_space<vmem>> -> memref<1x128xi32, #tpu.memory_space<vmem>>
      %dma_start3A_2005 = tpu.memref_squeeze %dma_start3A_2004 : memref<1x128xi32, #tpu.memory_space<vmem>> -> memref<128xi32, #tpu.memory_space<vmem>>
      %dma_start3A_2006 = arith.constant 0 : i32
      %dma_start3A_2007 = arith.constant 0 : i32
      %dma_start3A_2008 = tpu.memref_slice %arg11[%dma_start3A_2006, %dma_start3A_2007] : memref<10112x16xf32, #tpu.memory_space<vmem_shared>> -> memref<10112x16xf32, #tpu.memory_space<vmem_shared>>
      tpu.enqueue_indirect_dma source(%dma_start3A_2008 : memref<10112x16xf32, #tpu.memory_space<vmem_shared>>) target(%dma_start3A_2002 : memref<128x16xf32, #tpu.memory_space<vmem>>) offsets(%dma_start3A_2005 : memref<128xi32, #tpu.memory_space<vmem>>) semaphore(%arg12 : memref<!tpu.dma_semaphore, #tpu.memory_space<semaphore_mem>>)
      %mul3A_2009 = arith.constant 16 : i32
      %mul3A_2010 = arith.muli %scan3A_1686, %mul3A_2009 : i32
      %add3A_2011 = arith.constant 7 : i32
      %add3A_2012 = arith.addi %mul3A_2010, %add3A_2011 : i32
      %dma_start3A_2013 = arith.constant 7 : i32
      %dma_start3A_2014 = arith.constant 0 : i32
      %dma_start3A_2015 = arith.constant 0 : i32
      %dma_start3A_2016 = tpu.memref_slice %arg8[%select_n3A_1695, %dma_start3A_2013, %dma_start3A_2014, %dma_start3A_2015] : memref<2x16x128x16xf32, #tpu.memory_space<vmem>> -> memref<1x1x128x16xf32, #tpu.memory_space<vmem>>
      %dma_start3A_2017 = tpu.memref_squeeze %dma_start3A_2016 : memref<1x1x128x16xf32, #tpu.memory_space<vmem>> -> memref<128x16xf32, #tpu.memory_space<vmem>>
      %dma_start3A_2018 = arith.constant 0 : i32
      %dma_start3A_2019 = tpu.memref_slice %arg6[%add3A_2012, %dma_start3A_2018] : memref<96x128xi32, #tpu.memory_space<vmem>> -> memref<1x128xi32, #tpu.memory_space<vmem>>
      %dma_start3A_2020 = tpu.memref_squeeze %dma_start3A_2019 : memref<1x128xi32, #tpu.memory_space<vmem>> -> memref<128xi32, #tpu.memory_space<vmem>>
      %dma_start3A_2021 = arith.constant 0 : i32
      %dma_start3A_2022 = arith.constant 0 : i32
      %dma_start3A_2023 = tpu.memref_slice %arg11[%dma_start3A_2021, %dma_start3A_2022] : memref<10112x16xf32, #tpu.memory_space<vmem_shared>> -> memref<10112x16xf32, #tpu.memory_space<vmem_shared>>
      tpu.enqueue_indirect_dma source(%dma_start3A_2023 : memref<10112x16xf32, #tpu.memory_space<vmem_shared>>) target(%dma_start3A_2017 : memref<128x16xf32, #tpu.memory_space<vmem>>) offsets(%dma_start3A_2020 : memref<128xi32, #tpu.memory_space<vmem>>) semaphore(%arg12 : memref<!tpu.dma_semaphore, #tpu.memory_space<semaphore_mem>>)
      %mul3A_2024 = arith.constant 16 : i32
      %mul3A_2025 = arith.muli %scan3A_1686, %mul3A_2024 : i32
      %add3A_2026 = arith.constant 8 : i32
      %add3A_2027 = arith.addi %mul3A_2025, %add3A_2026 : i32
      %dma_start3A_2028 = arith.constant 8 : i32
      %dma_start3A_2029 = arith.constant 0 : i32
      %dma_start3A_2030 = arith.constant 0 : i32
      %dma_start3A_2031 = tpu.memref_slice %arg8[%select_n3A_1695, %dma_start3A_2028, %dma_start3A_2029, %dma_start3A_2030] : memref<2x16x128x16xf32, #tpu.memory_space<vmem>> -> memref<1x1x128x16xf32, #tpu.memory_space<vmem>>
      %dma_start3A_2032 = tpu.memref_squeeze %dma_start3A_2031 : memref<1x1x128x16xf32, #tpu.memory_space<vmem>> -> memref<128x16xf32, #tpu.memory_space<vmem>>
      %dma_start3A_2033 = arith.constant 0 : i32
      %dma_start3A_2034 = tpu.memref_slice %arg6[%add3A_2027, %dma_start3A_2033] : memref<96x128xi32, #tpu.memory_space<vmem>> -> memref<1x128xi32, #tpu.memory_space<vmem>>
      %dma_start3A_2035 = tpu.memref_squeeze %dma_start3A_2034 : memref<1x128xi32, #tpu.memory_space<vmem>> -> memref<128xi32, #tpu.memory_space<vmem>>
      %dma_start3A_2036 = arith.constant 0 : i32
      %dma_start3A_2037 = arith.constant 0 : i32
      %dma_start3A_2038 = tpu.memref_slice %arg11[%dma_start3A_2036, %dma_start3A_2037] : memref<10112x16xf32, #tpu.memory_space<vmem_shared>> -> memref<10112x16xf32, #tpu.memory_space<vmem_shared>>
      tpu.enqueue_indirect_dma source(%dma_start3A_2038 : memref<10112x16xf32, #tpu.memory_space<vmem_shared>>) target(%dma_start3A_2032 : memref<128x16xf32, #tpu.memory_space<vmem>>) offsets(%dma_start3A_2035 : memref<128xi32, #tpu.memory_space<vmem>>) semaphore(%arg12 : memref<!tpu.dma_semaphore, #tpu.memory_space<semaphore_mem>>)
      %mul3A_2039 = arith.constant 16 : i32
      %mul3A_2040 = arith.muli %scan3A_1686, %mul3A_2039 : i32
      %add3A_2041 = arith.constant 9 : i32
      %add3A_2042 = arith.addi %mul3A_2040, %add3A_2041 : i32
      %dma_start3A_2043 = arith.constant 9 : i32
      %dma_start3A_2044 = arith.constant 0 : i32
      %dma_start3A_2045 = arith.constant 0 : i32
      %dma_start3A_2046 = tpu.memref_slice %arg8[%select_n3A_1695, %dma_start3A_2043, %dma_start3A_2044, %dma_start3A_2045] : memref<2x16x128x16xf32, #tpu.memory_space<vmem>> -> memref<1x1x128x16xf32, #tpu.memory_space<vmem>>
      %dma_start3A_2047 = tpu.memref_squeeze %dma_start3A_2046 : memref<1x1x128x16xf32, #tpu.memory_space<vmem>> -> memref<128x16xf32, #tpu.memory_space<vmem>>
      %dma_start3A_2048 = arith.constant 0 : i32
      %dma_start3A_2049 = tpu.memref_slice %arg6[%add3A_2042, %dma_start3A_2048] : memref<96x128xi32, #tpu.memory_space<vmem>> -> memref<1x128xi32, #tpu.memory_space<vmem>>
      %dma_start3A_2050 = tpu.memref_squeeze %dma_start3A_2049 : memref<1x128xi32, #tpu.memory_space<vmem>> -> memref<128xi32, #tpu.memory_space<vmem>>
      %dma_start3A_2051 = arith.constant 0 : i32
      %dma_start3A_2052 = arith.constant 0 : i32
      %dma_start3A_2053 = tpu.memref_slice %arg11[%dma_start3A_2051, %dma_start3A_2052] : memref<10112x16xf32, #tpu.memory_space<vmem_shared>> -> memref<10112x16xf32, #tpu.memory_space<vmem_shared>>
      tpu.enqueue_indirect_dma source(%dma_start3A_2053 : memref<10112x16xf32, #tpu.memory_space<vmem_shared>>) target(%dma_start3A_2047 : memref<128x16xf32, #tpu.memory_space<vmem>>) offsets(%dma_start3A_2050 : memref<128xi32, #tpu.memory_space<vmem>>) semaphore(%arg12 : memref<!tpu.dma_semaphore, #tpu.memory_space<semaphore_mem>>)
      %mul3A_2054 = arith.constant 16 : i32
      %mul3A_2055 = arith.muli %scan3A_1686, %mul3A_2054 : i32
      %add3A_2056 = arith.constant 10 : i32
      %add3A_2057 = arith.addi %mul3A_2055, %add3A_2056 : i32
      %dma_start3A_2058 = arith.constant 10 : i32
      %dma_start3A_2059 = arith.constant 0 : i32
      %dma_start3A_2060 = arith.constant 0 : i32
      %dma_start3A_2061 = tpu.memref_slice %arg8[%select_n3A_1695, %dma_start3A_2058, %dma_start3A_2059, %dma_start3A_2060] : memref<2x16x128x16xf32, #tpu.memory_space<vmem>> -> memref<1x1x128x16xf32, #tpu.memory_space<vmem>>
      %dma_start3A_2062 = tpu.memref_squeeze %dma_start3A_2061 : memref<1x1x128x16xf32, #tpu.memory_space<vmem>> -> memref<128x16xf32, #tpu.memory_space<vmem>>
      %dma_start3A_2063 = arith.constant 0 : i32
      %dma_start3A_2064 = tpu.memref_slice %arg6[%add3A_2057, %dma_start3A_2063] : memref<96x128xi32, #tpu.memory_space<vmem>> -> memref<1x128xi32, #tpu.memory_space<vmem>>
      %dma_start3A_2065 = tpu.memref_squeeze %dma_start3A_2064 : memref<1x128xi32, #tpu.memory_space<vmem>> -> memref<128xi32, #tpu.memory_space<vmem>>
      %dma_start3A_2066 = arith.constant 0 : i32
      %dma_start3A_2067 = arith.constant 0 : i32
      %dma_start3A_2068 = tpu.memref_slice %arg11[%dma_start3A_2066, %dma_start3A_2067] : memref<10112x16xf32, #tpu.memory_space<vmem_shared>> -> memref<10112x16xf32, #tpu.memory_space<vmem_shared>>
      tpu.enqueue_indirect_dma source(%dma_start3A_2068 : memref<10112x16xf32, #tpu.memory_space<vmem_shared>>) target(%dma_start3A_2062 : memref<128x16xf32, #tpu.memory_space<vmem>>) offsets(%dma_start3A_2065 : memref<128xi32, #tpu.memory_space<vmem>>) semaphore(%arg12 : memref<!tpu.dma_semaphore, #tpu.memory_space<semaphore_mem>>)
      %mul3A_2069 = arith.constant 16 : i32
      %mul3A_2070 = arith.muli %scan3A_1686, %mul3A_2069 : i32
      %add3A_2071 = arith.constant 11 : i32
      %add3A_2072 = arith.addi %mul3A_2070, %add3A_2071 : i32
      %dma_start3A_2073 = arith.constant 11 : i32
      %dma_start3A_2074 = arith.constant 0 : i32
      %dma_start3A_2075 = arith.constant 0 : i32
      %dma_start3A_2076 = tpu.memref_slice %arg8[%select_n3A_1695, %dma_start3A_2073, %dma_start3A_2074, %dma_start3A_2075] : memref<2x16x128x16xf32, #tpu.memory_space<vmem>> -> memref<1x1x128x16xf32, #tpu.memory_space<vmem>>
      %dma_start3A_2077 = tpu.memref_squeeze %dma_start3A_2076 : memref<1x1x128x16xf32, #tpu.memory_space<vmem>> -> memref<128x16xf32, #tpu.memory_space<vmem>>
      %dma_start3A_2078 = arith.constant 0 : i32
      %dma_start3A_2079 = tpu.memref_slice %arg6[%add3A_2072, %dma_start3A_2078] : memref<96x128xi32, #tpu.memory_space<vmem>> -> memref<1x128xi32, #tpu.memory_space<vmem>>
      %dma_start3A_2080 = tpu.memref_squeeze %dma_start3A_2079 : memref<1x128xi32, #tpu.memory_space<vmem>> -> memref<128xi32, #tpu.memory_space<vmem>>
      %dma_start3A_2081 = arith.constant 0 : i32
      %dma_start3A_2082 = arith.constant 0 : i32
      %dma_start3A_2083 = tpu.memref_slice %arg11[%dma_start3A_2081, %dma_start3A_2082] : memref<10112x16xf32, #tpu.memory_space<vmem_shared>> -> memref<10112x16xf32, #tpu.memory_space<vmem_shared>>
      tpu.enqueue_indirect_dma source(%dma_start3A_2083 : memref<10112x16xf32, #tpu.memory_space<vmem_shared>>) target(%dma_start3A_2077 : memref<128x16xf32, #tpu.memory_space<vmem>>) offsets(%dma_start3A_2080 : memref<128xi32, #tpu.memory_space<vmem>>) semaphore(%arg12 : memref<!tpu.dma_semaphore, #tpu.memory_space<semaphore_mem>>)
      %mul3A_2084 = arith.constant 16 : i32
      %mul3A_2085 = arith.muli %scan3A_1686, %mul3A_2084 : i32
      %add3A_2086 = arith.constant 12 : i32
      %add3A_2087 = arith.addi %mul3A_2085, %add3A_2086 : i32
      %dma_start3A_2088 = arith.constant 12 : i32
      %dma_start3A_2089 = arith.constant 0 : i32
      %dma_start3A_2090 = arith.constant 0 : i32
      %dma_start3A_2091 = tpu.memref_slice %arg8[%select_n3A_1695, %dma_start3A_2088, %dma_start3A_2089, %dma_start3A_2090] : memref<2x16x128x16xf32, #tpu.memory_space<vmem>> -> memref<1x1x128x16xf32, #tpu.memory_space<vmem>>
      %dma_start3A_2092 = tpu.memref_squeeze %dma_start3A_2091 : memref<1x1x128x16xf32, #tpu.memory_space<vmem>> -> memref<128x16xf32, #tpu.memory_space<vmem>>
      %dma_start3A_2093 = arith.constant 0 : i32
      %dma_start3A_2094 = tpu.memref_slice %arg6[%add3A_2087, %dma_start3A_2093] : memref<96x128xi32, #tpu.memory_space<vmem>> -> memref<1x128xi32, #tpu.memory_space<vmem>>
      %dma_start3A_2095 = tpu.memref_squeeze %dma_start3A_2094 : memref<1x128xi32, #tpu.memory_space<vmem>> -> memref<128xi32, #tpu.memory_space<vmem>>
      %dma_start3A_2096 = arith.constant 0 : i32
      %dma_start3A_2097 = arith.constant 0 : i32
      %dma_start3A_2098 = tpu.memref_slice %arg11[%dma_start3A_2096, %dma_start3A_2097] : memref<10112x16xf32, #tpu.memory_space<vmem_shared>> -> memref<10112x16xf32, #tpu.memory_space<vmem_shared>>
      tpu.enqueue_indirect_dma source(%dma_start3A_2098 : memref<10112x16xf32, #tpu.memory_space<vmem_shared>>) target(%dma_start3A_2092 : memref<128x16xf32, #tpu.memory_space<vmem>>) offsets(%dma_start3A_2095 : memref<128xi32, #tpu.memory_space<vmem>>) semaphore(%arg12 : memref<!tpu.dma_semaphore, #tpu.memory_space<semaphore_mem>>)
      %mul3A_2099 = arith.constant 16 : i32
      %mul3A_2100 = arith.muli %scan3A_1686, %mul3A_2099 : i32
      %add3A_2101 = arith.constant 13 : i32
      %add3A_2102 = arith.addi %mul3A_2100, %add3A_2101 : i32
      %dma_start3A_2103 = arith.constant 13 : i32
      %dma_start3A_2104 = arith.constant 0 : i32
      %dma_start3A_2105 = arith.constant 0 : i32
      %dma_start3A_2106 = tpu.memref_slice %arg8[%select_n3A_1695, %dma_start3A_2103, %dma_start3A_2104, %dma_start3A_2105] : memref<2x16x128x16xf32, #tpu.memory_space<vmem>> -> memref<1x1x128x16xf32, #tpu.memory_space<vmem>>
      %dma_start3A_2107 = tpu.memref_squeeze %dma_start3A_2106 : memref<1x1x128x16xf32, #tpu.memory_space<vmem>> -> memref<128x16xf32, #tpu.memory_space<vmem>>
      %dma_start3A_2108 = arith.constant 0 : i32
      %dma_start3A_2109 = tpu.memref_slice %arg6[%add3A_2102, %dma_start3A_2108] : memref<96x128xi32, #tpu.memory_space<vmem>> -> memref<1x128xi32, #tpu.memory_space<vmem>>
      %dma_start3A_2110 = tpu.memref_squeeze %dma_start3A_2109 : memref<1x128xi32, #tpu.memory_space<vmem>> -> memref<128xi32, #tpu.memory_space<vmem>>
      %dma_start3A_2111 = arith.constant 0 : i32
      %dma_start3A_2112 = arith.constant 0 : i32
      %dma_start3A_2113 = tpu.memref_slice %arg11[%dma_start3A_2111, %dma_start3A_2112] : memref<10112x16xf32, #tpu.memory_space<vmem_shared>> -> memref<10112x16xf32, #tpu.memory_space<vmem_shared>>
      tpu.enqueue_indirect_dma source(%dma_start3A_2113 : memref<10112x16xf32, #tpu.memory_space<vmem_shared>>) target(%dma_start3A_2107 : memref<128x16xf32, #tpu.memory_space<vmem>>) offsets(%dma_start3A_2110 : memref<128xi32, #tpu.memory_space<vmem>>) semaphore(%arg12 : memref<!tpu.dma_semaphore, #tpu.memory_space<semaphore_mem>>)
      %mul3A_2114 = arith.constant 16 : i32
      %mul3A_2115 = arith.muli %scan3A_1686, %mul3A_2114 : i32
      %add3A_2116 = arith.constant 14 : i32
      %add3A_2117 = arith.addi %mul3A_2115, %add3A_2116 : i32
      %dma_start3A_2118 = arith.constant 14 : i32
      %dma_start3A_2119 = arith.constant 0 : i32
      %dma_start3A_2120 = arith.constant 0 : i32
      %dma_start3A_2121 = tpu.memref_slice %arg8[%select_n3A_1695, %dma_start3A_2118, %dma_start3A_2119, %dma_start3A_2120] : memref<2x16x128x16xf32, #tpu.memory_space<vmem>> -> memref<1x1x128x16xf32, #tpu.memory_space<vmem>>
      %dma_start3A_2122 = tpu.memref_squeeze %dma_start3A_2121 : memref<1x1x128x16xf32, #tpu.memory_space<vmem>> -> memref<128x16xf32, #tpu.memory_space<vmem>>
      %dma_start3A_2123 = arith.constant 0 : i32
      %dma_start3A_2124 = tpu.memref_slice %arg6[%add3A_2117, %dma_start3A_2123] : memref<96x128xi32, #tpu.memory_space<vmem>> -> memref<1x128xi32, #tpu.memory_space<vmem>>
      %dma_start3A_2125 = tpu.memref_squeeze %dma_start3A_2124 : memref<1x128xi32, #tpu.memory_space<vmem>> -> memref<128xi32, #tpu.memory_space<vmem>>
      %dma_start3A_2126 = arith.constant 0 : i32
      %dma_start3A_2127 = arith.constant 0 : i32
      %dma_start3A_2128 = tpu.memref_slice %arg11[%dma_start3A_2126, %dma_start3A_2127] : memref<10112x16xf32, #tpu.memory_space<vmem_shared>> -> memref<10112x16xf32, #tpu.memory_space<vmem_shared>>
      tpu.enqueue_indirect_dma source(%dma_start3A_2128 : memref<10112x16xf32, #tpu.memory_space<vmem_shared>>) target(%dma_start3A_2122 : memref<128x16xf32, #tpu.memory_space<vmem>>) offsets(%dma_start3A_2125 : memref<128xi32, #tpu.memory_space<vmem>>) semaphore(%arg12 : memref<!tpu.dma_semaphore, #tpu.memory_space<semaphore_mem>>)
      %mul3A_2129 = arith.constant 16 : i32
      %mul3A_2130 = arith.muli %scan3A_1686, %mul3A_2129 : i32
      %add3A_2131 = arith.constant 15 : i32
      %add3A_2132 = arith.addi %mul3A_2130, %add3A_2131 : i32
      %dma_start3A_2133 = arith.constant 15 : i32
      %dma_start3A_2134 = arith.constant 0 : i32
      %dma_start3A_2135 = arith.constant 0 : i32
      %dma_start3A_2136 = tpu.memref_slice %arg8[%select_n3A_1695, %dma_start3A_2133, %dma_start3A_2134, %dma_start3A_2135] : memref<2x16x128x16xf32, #tpu.memory_space<vmem>> -> memref<1x1x128x16xf32, #tpu.memory_space<vmem>>
      %dma_start3A_2137 = tpu.memref_squeeze %dma_start3A_2136 : memref<1x1x128x16xf32, #tpu.memory_space<vmem>> -> memref<128x16xf32, #tpu.memory_space<vmem>>
      %dma_start3A_2138 = arith.constant 0 : i32
      %dma_start3A_2139 = tpu.memref_slice %arg6[%add3A_2132, %dma_start3A_2138] : memref<96x128xi32, #tpu.memory_space<vmem>> -> memref<1x128xi32, #tpu.memory_space<vmem>>
      %dma_start3A_2140 = tpu.memref_squeeze %dma_start3A_2139 : memref<1x128xi32, #tpu.memory_space<vmem>> -> memref<128xi32, #tpu.memory_space<vmem>>
      %dma_start3A_2141 = arith.constant 0 : i32
      %dma_start3A_2142 = arith.constant 0 : i32
      %dma_start3A_2143 = tpu.memref_slice %arg11[%dma_start3A_2141, %dma_start3A_2142] : memref<10112x16xf32, #tpu.memory_space<vmem_shared>> -> memref<10112x16xf32, #tpu.memory_space<vmem_shared>>
      tpu.enqueue_indirect_dma source(%dma_start3A_2143 : memref<10112x16xf32, #tpu.memory_space<vmem_shared>>) target(%dma_start3A_2137 : memref<128x16xf32, #tpu.memory_space<vmem>>) offsets(%dma_start3A_2140 : memref<128xi32, #tpu.memory_space<vmem>>) semaphore(%arg12 : memref<!tpu.dma_semaphore, #tpu.memory_space<semaphore_mem>>)
      %dma_wait3A_2144 = arith.constant 0 : i32
      %dma_wait3A_2145 = arith.constant 0 : i32
      %dma_wait3A_2146 = arith.constant 0 : i32
      %dma_wait3A_2147 = arith.constant 0 : i32
      %dma_wait3A_2148 = arith.constant 0 : i32
      %dma_wait3A_2149 = tpu.memref_slice %arg8[%dma_wait3A_2145, %dma_wait3A_2146, %dma_wait3A_2147, %dma_wait3A_2148] : memref<2x16x128x16xf32, #tpu.memory_space<vmem>> -> memref<1x1x128x16xf32, #tpu.memory_space<vmem>>
      %dma_wait3A_2150 = tpu.memref_squeeze %dma_wait3A_2149 : memref<1x1x128x16xf32, #tpu.memory_space<vmem>> -> memref<128x16xf32, #tpu.memory_space<vmem>>
      %dma_wait3A_2151 = arith.constant 0 : i32
      %dma_wait3A_2152 = tpu.memref_slice %arg6[%dma_wait3A_2144, %dma_wait3A_2151] : memref<96x128xi32, #tpu.memory_space<vmem>> -> memref<1x128xi32, #tpu.memory_space<vmem>>
      %dma_wait3A_2153 = tpu.memref_squeeze %dma_wait3A_2152 : memref<1x128xi32, #tpu.memory_space<vmem>> -> memref<128xi32, #tpu.memory_space<vmem>>
      %dma_wait3A_2154 = arith.constant 0 : i32
      %dma_wait3A_2155 = arith.constant 0 : i32
      %dma_wait3A_2156 = tpu.memref_slice %arg2[%dma_wait3A_2154, %dma_wait3A_2155] : memref<10000x16xf32, #tpu.memory_space<hbm>> -> memref<10000x16xf32, #tpu.memory_space<hbm>>
      tpu.wait_indirect_dma semaphore(%arg12 : memref<!tpu.dma_semaphore, #tpu.memory_space<semaphore_mem>>) src(%dma_wait3A_2156 : memref<10000x16xf32, #tpu.memory_space<hbm>>) dst(%dma_wait3A_2150 : memref<128x16xf32, #tpu.memory_space<vmem>>)
      %dma_wait3A_2157 = arith.constant 0 : i32
      %dma_wait3A_2158 = arith.constant 0 : i32
      %dma_wait3A_2159 = arith.constant 0 : i32
      %dma_wait3A_2160 = arith.constant 0 : i32
      %dma_wait3A_2161 = arith.constant 0 : i32
      %dma_wait3A_2162 = tpu.memref_slice %arg8[%dma_wait3A_2158, %dma_wait3A_2159, %dma_wait3A_2160, %dma_wait3A_2161] : memref<2x16x128x16xf32, #tpu.memory_space<vmem>> -> memref<1x1x128x16xf32, #tpu.memory_space<vmem>>
      %dma_wait3A_2163 = tpu.memref_squeeze %dma_wait3A_2162 : memref<1x1x128x16xf32, #tpu.memory_space<vmem>> -> memref<128x16xf32, #tpu.memory_space<vmem>>
      %dma_wait3A_2164 = arith.constant 0 : i32
      %dma_wait3A_2165 = tpu.memref_slice %arg6[%dma_wait3A_2157, %dma_wait3A_2164] : memref<96x128xi32, #tpu.memory_space<vmem>> -> memref<1x128xi32, #tpu.memory_space<vmem>>
      %dma_wait3A_2166 = tpu.memref_squeeze %dma_wait3A_2165 : memref<1x128xi32, #tpu.memory_space<vmem>> -> memref<128xi32, #tpu.memory_space<vmem>>
      %dma_wait3A_2167 = arith.constant 0 : i32
      %dma_wait3A_2168 = arith.constant 0 : i32
      %dma_wait3A_2169 = tpu.memref_slice %arg2[%dma_wait3A_2167, %dma_wait3A_2168] : memref<10000x16xf32, #tpu.memory_space<hbm>> -> memref<10000x16xf32, #tpu.memory_space<hbm>>
      tpu.wait_indirect_dma semaphore(%arg12 : memref<!tpu.dma_semaphore, #tpu.memory_space<semaphore_mem>>) src(%dma_wait3A_2169 : memref<10000x16xf32, #tpu.memory_space<hbm>>) dst(%dma_wait3A_2163 : memref<128x16xf32, #tpu.memory_space<vmem>>)
      %dma_wait3A_2170 = arith.constant 0 : i32
      %dma_wait3A_2171 = arith.constant 0 : i32
      %dma_wait3A_2172 = arith.constant 0 : i32
      %dma_wait3A_2173 = arith.constant 0 : i32
      %dma_wait3A_2174 = arith.constant 0 : i32
      %dma_wait3A_2175 = tpu.memref_slice %arg8[%dma_wait3A_2171, %dma_wait3A_2172, %dma_wait3A_2173, %dma_wait3A_2174] : memref<2x16x128x16xf32, #tpu.memory_space<vmem>> -> memref<1x1x128x16xf32, #tpu.memory_space<vmem>>
      %dma_wait3A_2176 = tpu.memref_squeeze %dma_wait3A_2175 : memref<1x1x128x16xf32, #tpu.memory_space<vmem>> -> memref<128x16xf32, #tpu.memory_space<vmem>>
      %dma_wait3A_2177 = arith.constant 0 : i32
      %dma_wait3A_2178 = tpu.memref_slice %arg6[%dma_wait3A_2170, %dma_wait3A_2177] : memref<96x128xi32, #tpu.memory_space<vmem>> -> memref<1x128xi32, #tpu.memory_space<vmem>>
      %dma_wait3A_2179 = tpu.memref_squeeze %dma_wait3A_2178 : memref<1x128xi32, #tpu.memory_space<vmem>> -> memref<128xi32, #tpu.memory_space<vmem>>
      %dma_wait3A_2180 = arith.constant 0 : i32
      %dma_wait3A_2181 = arith.constant 0 : i32
      %dma_wait3A_2182 = tpu.memref_slice %arg2[%dma_wait3A_2180, %dma_wait3A_2181] : memref<10000x16xf32, #tpu.memory_space<hbm>> -> memref<10000x16xf32, #tpu.memory_space<hbm>>
      tpu.wait_indirect_dma semaphore(%arg12 : memref<!tpu.dma_semaphore, #tpu.memory_space<semaphore_mem>>) src(%dma_wait3A_2182 : memref<10000x16xf32, #tpu.memory_space<hbm>>) dst(%dma_wait3A_2176 : memref<128x16xf32, #tpu.memory_space<vmem>>)
      %dma_wait3A_2183 = arith.constant 0 : i32
      %dma_wait3A_2184 = arith.constant 0 : i32
      %dma_wait3A_2185 = arith.constant 0 : i32
      %dma_wait3A_2186 = arith.constant 0 : i32
      %dma_wait3A_2187 = arith.constant 0 : i32
      %dma_wait3A_2188 = tpu.memref_slice %arg8[%dma_wait3A_2184, %dma_wait3A_2185, %dma_wait3A_2186, %dma_wait3A_2187] : memref<2x16x128x16xf32, #tpu.memory_space<vmem>> -> memref<1x1x128x16xf32, #tpu.memory_space<vmem>>
      %dma_wait3A_2189 = tpu.memref_squeeze %dma_wait3A_2188 : memref<1x1x128x16xf32, #tpu.memory_space<vmem>> -> memref<128x16xf32, #tpu.memory_space<vmem>>
      %dma_wait3A_2190 = arith.constant 0 : i32
      %dma_wait3A_2191 = tpu.memref_slice %arg6[%dma_wait3A_2183, %dma_wait3A_2190] : memref<96x128xi32, #tpu.memory_space<vmem>> -> memref<1x128xi32, #tpu.memory_space<vmem>>
      %dma_wait3A_2192 = tpu.memref_squeeze %dma_wait3A_2191 : memref<1x128xi32, #tpu.memory_space<vmem>> -> memref<128xi32, #tpu.memory_space<vmem>>
      %dma_wait3A_2193 = arith.constant 0 : i32
      %dma_wait3A_2194 = arith.constant 0 : i32
      %dma_wait3A_2195 = tpu.memref_slice %arg2[%dma_wait3A_2193, %dma_wait3A_2194] : memref<10000x16xf32, #tpu.memory_space<hbm>> -> memref<10000x16xf32, #tpu.memory_space<hbm>>
      tpu.wait_indirect_dma semaphore(%arg12 : memref<!tpu.dma_semaphore, #tpu.memory_space<semaphore_mem>>) src(%dma_wait3A_2195 : memref<10000x16xf32, #tpu.memory_space<hbm>>) dst(%dma_wait3A_2189 : memref<128x16xf32, #tpu.memory_space<vmem>>)
      %dma_wait3A_2196 = arith.constant 0 : i32
      %dma_wait3A_2197 = arith.constant 0 : i32
      %dma_wait3A_2198 = arith.constant 0 : i32
      %dma_wait3A_2199 = arith.constant 0 : i32
      %dma_wait3A_2200 = arith.constant 0 : i32
      %dma_wait3A_2201 = tpu.memref_slice %arg8[%dma_wait3A_2197, %dma_wait3A_2198, %dma_wait3A_2199, %dma_wait3A_2200] : memref<2x16x128x16xf32, #tpu.memory_space<vmem>> -> memref<1x1x128x16xf32, #tpu.memory_space<vmem>>
      %dma_wait3A_2202 = tpu.memref_squeeze %dma_wait3A_2201 : memref<1x1x128x16xf32, #tpu.memory_space<vmem>> -> memref<128x16xf32, #tpu.memory_space<vmem>>
      %dma_wait3A_2203 = arith.constant 0 : i32
      %dma_wait3A_2204 = tpu.memref_slice %arg6[%dma_wait3A_2196, %dma_wait3A_2203] : memref<96x128xi32, #tpu.memory_space<vmem>> -> memref<1x128xi32, #tpu.memory_space<vmem>>
      %dma_wait3A_2205 = tpu.memref_squeeze %dma_wait3A_2204 : memref<1x128xi32, #tpu.memory_space<vmem>> -> memref<128xi32, #tpu.memory_space<vmem>>
      %dma_wait3A_2206 = arith.constant 0 : i32
      %dma_wait3A_2207 = arith.constant 0 : i32
      %dma_wait3A_2208 = tpu.memref_slice %arg2[%dma_wait3A_2206, %dma_wait3A_2207] : memref<10000x16xf32, #tpu.memory_space<hbm>> -> memref<10000x16xf32, #tpu.memory_space<hbm>>
      tpu.wait_indirect_dma semaphore(%arg12 : memref<!tpu.dma_semaphore, #tpu.memory_space<semaphore_mem>>) src(%dma_wait3A_2208 : memref<10000x16xf32, #tpu.memory_space<hbm>>) dst(%dma_wait3A_2202 : memref<128x16xf32, #tpu.memory_space<vmem>>)
      %dma_wait3A_2209 = arith.constant 0 : i32
      %dma_wait3A_2210 = arith.constant 0 : i32
      %dma_wait3A_2211 = arith.constant 0 : i32
      %dma_wait3A_2212 = arith.constant 0 : i32
      %dma_wait3A_2213 = arith.constant 0 : i32
      %dma_wait3A_2214 = tpu.memref_slice %arg8[%dma_wait3A_2210, %dma_wait3A_2211, %dma_wait3A_2212, %dma_wait3A_2213] : memref<2x16x128x16xf32, #tpu.memory_space<vmem>> -> memref<1x1x128x16xf32, #tpu.memory_space<vmem>>
      %dma_wait3A_2215 = tpu.memref_squeeze %dma_wait3A_2214 : memref<1x1x128x16xf32, #tpu.memory_space<vmem>> -> memref<128x16xf32, #tpu.memory_space<vmem>>
      %dma_wait3A_2216 = arith.constant 0 : i32
      %dma_wait3A_2217 = tpu.memref_slice %arg6[%dma_wait3A_2209, %dma_wait3A_2216] : memref<96x128xi32, #tpu.memory_space<vmem>> -> memref<1x128xi32, #tpu.memory_space<vmem>>
      %dma_wait3A_2218 = tpu.memref_squeeze %dma_wait3A_2217 : memref<1x128xi32, #tpu.memory_space<vmem>> -> memref<128xi32, #tpu.memory_space<vmem>>
      %dma_wait3A_2219 = arith.constant 0 : i32
      %dma_wait3A_2220 = arith.constant 0 : i32
      %dma_wait3A_2221 = tpu.memref_slice %arg2[%dma_wait3A_2219, %dma_wait3A_2220] : memref<10000x16xf32, #tpu.memory_space<hbm>> -> memref<10000x16xf32, #tpu.memory_space<hbm>>
      tpu.wait_indirect_dma semaphore(%arg12 : memref<!tpu.dma_semaphore, #tpu.memory_space<semaphore_mem>>) src(%dma_wait3A_2221 : memref<10000x16xf32, #tpu.memory_space<hbm>>) dst(%dma_wait3A_2215 : memref<128x16xf32, #tpu.memory_space<vmem>>)
      %dma_wait3A_2222 = arith.constant 0 : i32
      %dma_wait3A_2223 = arith.constant 0 : i32
      %dma_wait3A_2224 = arith.constant 0 : i32
      %dma_wait3A_2225 = arith.constant 0 : i32
      %dma_wait3A_2226 = arith.constant 0 : i32
      %dma_wait3A_2227 = tpu.memref_slice %arg8[%dma_wait3A_2223, %dma_wait3A_2224, %dma_wait3A_2225, %dma_wait3A_2226] : memref<2x16x128x16xf32, #tpu.memory_space<vmem>> -> memref<1x1x128x16xf32, #tpu.memory_space<vmem>>
      %dma_wait3A_2228 = tpu.memref_squeeze %dma_wait3A_2227 : memref<1x1x128x16xf32, #tpu.memory_space<vmem>> -> memref<128x16xf32, #tpu.memory_space<vmem>>
      %dma_wait3A_2229 = arith.constant 0 : i32
      %dma_wait3A_2230 = tpu.memref_slice %arg6[%dma_wait3A_2222, %dma_wait3A_2229] : memref<96x128xi32, #tpu.memory_space<vmem>> -> memref<1x128xi32, #tpu.memory_space<vmem>>
      %dma_wait3A_2231 = tpu.memref_squeeze %dma_wait3A_2230 : memref<1x128xi32, #tpu.memory_space<vmem>> -> memref<128xi32, #tpu.memory_space<vmem>>
      %dma_wait3A_2232 = arith.constant 0 : i32
      %dma_wait3A_2233 = arith.constant 0 : i32
      %dma_wait3A_2234 = tpu.memref_slice %arg2[%dma_wait3A_2232, %dma_wait3A_2233] : memref<10000x16xf32, #tpu.memory_space<hbm>> -> memref<10000x16xf32, #tpu.memory_space<hbm>>
      tpu.wait_indirect_dma semaphore(%arg12 : memref<!tpu.dma_semaphore, #tpu.memory_space<semaphore_mem>>) src(%dma_wait3A_2234 : memref<10000x16xf32, #tpu.memory_space<hbm>>) dst(%dma_wait3A_2228 : memref<128x16xf32, #tpu.memory_space<vmem>>)
      %dma_wait3A_2235 = arith.constant 0 : i32
      %dma_wait3A_2236 = arith.constant 0 : i32
      %dma_wait3A_2237 = arith.constant 0 : i32
      %dma_wait3A_2238 = arith.constant 0 : i32
      %dma_wait3A_2239 = arith.constant 0 : i32
      %dma_wait3A_2240 = tpu.memref_slice %arg8[%dma_wait3A_2236, %dma_wait3A_2237, %dma_wait3A_2238, %dma_wait3A_2239] : memref<2x16x128x16xf32, #tpu.memory_space<vmem>> -> memref<1x1x128x16xf32, #tpu.memory_space<vmem>>
      %dma_wait3A_2241 = tpu.memref_squeeze %dma_wait3A_2240 : memref<1x1x128x16xf32, #tpu.memory_space<vmem>> -> memref<128x16xf32, #tpu.memory_space<vmem>>
      %dma_wait3A_2242 = arith.constant 0 : i32
      %dma_wait3A_2243 = tpu.memref_slice %arg6[%dma_wait3A_2235, %dma_wait3A_2242] : memref<96x128xi32, #tpu.memory_space<vmem>> -> memref<1x128xi32, #tpu.memory_space<vmem>>
      %dma_wait3A_2244 = tpu.memref_squeeze %dma_wait3A_2243 : memref<1x128xi32, #tpu.memory_space<vmem>> -> memref<128xi32, #tpu.memory_space<vmem>>
      %dma_wait3A_2245 = arith.constant 0 : i32
      %dma_wait3A_2246 = arith.constant 0 : i32
      %dma_wait3A_2247 = tpu.memref_slice %arg2[%dma_wait3A_2245, %dma_wait3A_2246] : memref<10000x16xf32, #tpu.memory_space<hbm>> -> memref<10000x16xf32, #tpu.memory_space<hbm>>
      tpu.wait_indirect_dma semaphore(%arg12 : memref<!tpu.dma_semaphore, #tpu.memory_space<semaphore_mem>>) src(%dma_wait3A_2247 : memref<10000x16xf32, #tpu.memory_space<hbm>>) dst(%dma_wait3A_2241 : memref<128x16xf32, #tpu.memory_space<vmem>>)
      %dma_wait3A_2248 = arith.constant 0 : i32
      %dma_wait3A_2249 = arith.constant 0 : i32
      %dma_wait3A_2250 = arith.constant 0 : i32
      %dma_wait3A_2251 = arith.constant 0 : i32
      %dma_wait3A_2252 = arith.constant 0 : i32
      %dma_wait3A_2253 = tpu.memref_slice %arg8[%dma_wait3A_2249, %dma_wait3A_2250, %dma_wait3A_2251, %dma_wait3A_2252] : memref<2x16x128x16xf32, #tpu.memory_space<vmem>> -> memref<1x1x128x16xf32, #tpu.memory_space<vmem>>
      %dma_wait3A_2254 = tpu.memref_squeeze %dma_wait3A_2253 : memref<1x1x128x16xf32, #tpu.memory_space<vmem>> -> memref<128x16xf32, #tpu.memory_space<vmem>>
      %dma_wait3A_2255 = arith.constant 0 : i32
      %dma_wait3A_2256 = tpu.memref_slice %arg6[%dma_wait3A_2248, %dma_wait3A_2255] : memref<96x128xi32, #tpu.memory_space<vmem>> -> memref<1x128xi32, #tpu.memory_space<vmem>>
      %dma_wait3A_2257 = tpu.memref_squeeze %dma_wait3A_2256 : memref<1x128xi32, #tpu.memory_space<vmem>> -> memref<128xi32, #tpu.memory_space<vmem>>
      %dma_wait3A_2258 = arith.constant 0 : i32
      %dma_wait3A_2259 = arith.constant 0 : i32
      %dma_wait3A_2260 = tpu.memref_slice %arg2[%dma_wait3A_2258, %dma_wait3A_2259] : memref<10000x16xf32, #tpu.memory_space<hbm>> -> memref<10000x16xf32, #tpu.memory_space<hbm>>
      tpu.wait_indirect_dma semaphore(%arg12 : memref<!tpu.dma_semaphore, #tpu.memory_space<semaphore_mem>>) src(%dma_wait3A_2260 : memref<10000x16xf32, #tpu.memory_space<hbm>>) dst(%dma_wait3A_2254 : memref<128x16xf32, #tpu.memory_space<vmem>>)
      %dma_wait3A_2261 = arith.constant 0 : i32
      %dma_wait3A_2262 = arith.constant 0 : i32
      %dma_wait3A_2263 = arith.constant 0 : i32
      %dma_wait3A_2264 = arith.constant 0 : i32
      %dma_wait3A_2265 = arith.constant 0 : i32
      %dma_wait3A_2266 = tpu.memref_slice %arg8[%dma_wait3A_2262, %dma_wait3A_2263, %dma_wait3A_2264, %dma_wait3A_2265] : memref<2x16x128x16xf32, #tpu.memory_space<vmem>> -> memref<1x1x128x16xf32, #tpu.memory_space<vmem>>
      %dma_wait3A_2267 = tpu.memref_squeeze %dma_wait3A_2266 : memref<1x1x128x16xf32, #tpu.memory_space<vmem>> -> memref<128x16xf32, #tpu.memory_space<vmem>>
      %dma_wait3A_2268 = arith.constant 0 : i32
      %dma_wait3A_2269 = tpu.memref_slice %arg6[%dma_wait3A_2261, %dma_wait3A_2268] : memref<96x128xi32, #tpu.memory_space<vmem>> -> memref<1x128xi32, #tpu.memory_space<vmem>>
      %dma_wait3A_2270 = tpu.memref_squeeze %dma_wait3A_2269 : memref<1x128xi32, #tpu.memory_space<vmem>> -> memref<128xi32, #tpu.memory_space<vmem>>
      %dma_wait3A_2271 = arith.constant 0 : i32
      %dma_wait3A_2272 = arith.constant 0 : i32
      %dma_wait3A_2273 = tpu.memref_slice %arg2[%dma_wait3A_2271, %dma_wait3A_2272] : memref<10000x16xf32, #tpu.memory_space<hbm>> -> memref<10000x16xf32, #tpu.memory_space<hbm>>
      tpu.wait_indirect_dma semaphore(%arg12 : memref<!tpu.dma_semaphore, #tpu.memory_space<semaphore_mem>>) src(%dma_wait3A_2273 : memref<10000x16xf32, #tpu.memory_space<hbm>>) dst(%dma_wait3A_2267 : memref<128x16xf32, #tpu.memory_space<vmem>>)
      %dma_wait3A_2274 = arith.constant 0 : i32
      %dma_wait3A_2275 = arith.constant 0 : i32
      %dma_wait3A_2276 = arith.constant 0 : i32
      %dma_wait3A_2277 = arith.constant 0 : i32
      %dma_wait3A_2278 = arith.constant 0 : i32
      %dma_wait3A_2279 = tpu.memref_slice %arg8[%dma_wait3A_2275, %dma_wait3A_2276, %dma_wait3A_2277, %dma_wait3A_2278] : memref<2x16x128x16xf32, #tpu.memory_space<vmem>> -> memref<1x1x128x16xf32, #tpu.memory_space<vmem>>
      %dma_wait3A_2280 = tpu.memref_squeeze %dma_wait3A_2279 : memref<1x1x128x16xf32, #tpu.memory_space<vmem>> -> memref<128x16xf32, #tpu.memory_space<vmem>>
      %dma_wait3A_2281 = arith.constant 0 : i32
      %dma_wait3A_2282 = tpu.memref_slice %arg6[%dma_wait3A_2274, %dma_wait3A_2281] : memref<96x128xi32, #tpu.memory_space<vmem>> -> memref<1x128xi32, #tpu.memory_space<vmem>>
      %dma_wait3A_2283 = tpu.memref_squeeze %dma_wait3A_2282 : memref<1x128xi32, #tpu.memory_space<vmem>> -> memref<128xi32, #tpu.memory_space<vmem>>
      %dma_wait3A_2284 = arith.constant 0 : i32
      %dma_wait3A_2285 = arith.constant 0 : i32
      %dma_wait3A_2286 = tpu.memref_slice %arg2[%dma_wait3A_2284, %dma_wait3A_2285] : memref<10000x16xf32, #tpu.memory_space<hbm>> -> memref<10000x16xf32, #tpu.memory_space<hbm>>
      tpu.wait_indirect_dma semaphore(%arg12 : memref<!tpu.dma_semaphore, #tpu.memory_space<semaphore_mem>>) src(%dma_wait3A_2286 : memref<10000x16xf32, #tpu.memory_space<hbm>>) dst(%dma_wait3A_2280 : memref<128x16xf32, #tpu.memory_space<vmem>>)
      %dma_wait3A_2287 = arith.constant 0 : i32
      %dma_wait3A_2288 = arith.constant 0 : i32
      %dma_wait3A_2289 = arith.constant 0 : i32
      %dma_wait3A_2290 = arith.constant 0 : i32
      %dma_wait3A_2291 = arith.constant 0 : i32
      %dma_wait3A_2292 = tpu.memref_slice %arg8[%dma_wait3A_2288, %dma_wait3A_2289, %dma_wait3A_2290, %dma_wait3A_2291] : memref<2x16x128x16xf32, #tpu.memory_space<vmem>> -> memref<1x1x128x16xf32, #tpu.memory_space<vmem>>
      %dma_wait3A_2293 = tpu.memref_squeeze %dma_wait3A_2292 : memref<1x1x128x16xf32, #tpu.memory_space<vmem>> -> memref<128x16xf32, #tpu.memory_space<vmem>>
      %dma_wait3A_2294 = arith.constant 0 : i32
      %dma_wait3A_2295 = tpu.memref_slice %arg6[%dma_wait3A_2287, %dma_wait3A_2294] : memref<96x128xi32, #tpu.memory_space<vmem>> -> memref<1x128xi32, #tpu.memory_space<vmem>>
      %dma_wait3A_2296 = tpu.memref_squeeze %dma_wait3A_2295 : memref<1x128xi32, #tpu.memory_space<vmem>> -> memref<128xi32, #tpu.memory_space<vmem>>
      %dma_wait3A_2297 = arith.constant 0 : i32
      %dma_wait3A_2298 = arith.constant 0 : i32
      %dma_wait3A_2299 = tpu.memref_slice %arg2[%dma_wait3A_2297, %dma_wait3A_2298] : memref<10000x16xf32, #tpu.memory_space<hbm>> -> memref<10000x16xf32, #tpu.memory_space<hbm>>
      tpu.wait_indirect_dma semaphore(%arg12 : memref<!tpu.dma_semaphore, #tpu.memory_space<semaphore_mem>>) src(%dma_wait3A_2299 : memref<10000x16xf32, #tpu.memory_space<hbm>>) dst(%dma_wait3A_2293 : memref<128x16xf32, #tpu.memory_space<vmem>>)
      %dma_wait3A_2300 = arith.constant 0 : i32
      %dma_wait3A_2301 = arith.constant 0 : i32
      %dma_wait3A_2302 = arith.constant 0 : i32
      %dma_wait3A_2303 = arith.constant 0 : i32
      %dma_wait3A_2304 = arith.constant 0 : i32
      %dma_wait3A_2305 = tpu.memref_slice %arg8[%dma_wait3A_2301, %dma_wait3A_2302, %dma_wait3A_2303, %dma_wait3A_2304] : memref<2x16x128x16xf32, #tpu.memory_space<vmem>> -> memref<1x1x128x16xf32, #tpu.memory_space<vmem>>
      %dma_wait3A_2306 = tpu.memref_squeeze %dma_wait3A_2305 : memref<1x1x128x16xf32, #tpu.memory_space<vmem>> -> memref<128x16xf32, #tpu.memory_space<vmem>>
      %dma_wait3A_2307 = arith.constant 0 : i32
      %dma_wait3A_2308 = tpu.memref_slice %arg6[%dma_wait3A_2300, %dma_wait3A_2307] : memref<96x128xi32, #tpu.memory_space<vmem>> -> memref<1x128xi32, #tpu.memory_space<vmem>>
      %dma_wait3A_2309 = tpu.memref_squeeze %dma_wait3A_2308 : memref<1x128xi32, #tpu.memory_space<vmem>> -> memref<128xi32, #tpu.memory_space<vmem>>
      %dma_wait3A_2310 = arith.constant 0 : i32
      %dma_wait3A_2311 = arith.constant 0 : i32
      %dma_wait3A_2312 = tpu.memref_slice %arg2[%dma_wait3A_2310, %dma_wait3A_2311] : memref<10000x16xf32, #tpu.memory_space<hbm>> -> memref<10000x16xf32, #tpu.memory_space<hbm>>
      tpu.wait_indirect_dma semaphore(%arg12 : memref<!tpu.dma_semaphore, #tpu.memory_space<semaphore_mem>>) src(%dma_wait3A_2312 : memref<10000x16xf32, #tpu.memory_space<hbm>>) dst(%dma_wait3A_2306 : memref<128x16xf32, #tpu.memory_space<vmem>>)
      %dma_wait3A_2313 = arith.constant 0 : i32
      %dma_wait3A_2314 = arith.constant 0 : i32
      %dma_wait3A_2315 = arith.constant 0 : i32
      %dma_wait3A_2316 = arith.constant 0 : i32
      %dma_wait3A_2317 = arith.constant 0 : i32
      %dma_wait3A_2318 = tpu.memref_slice %arg8[%dma_wait3A_2314, %dma_wait3A_2315, %dma_wait3A_2316, %dma_wait3A_2317] : memref<2x16x128x16xf32, #tpu.memory_space<vmem>> -> memref<1x1x128x16xf32, #tpu.memory_space<vmem>>
      %dma_wait3A_2319 = tpu.memref_squeeze %dma_wait3A_2318 : memref<1x1x128x16xf32, #tpu.memory_space<vmem>> -> memref<128x16xf32, #tpu.memory_space<vmem>>
      %dma_wait3A_2320 = arith.constant 0 : i32
      %dma_wait3A_2321 = tpu.memref_slice %arg6[%dma_wait3A_2313, %dma_wait3A_2320] : memref<96x128xi32, #tpu.memory_space<vmem>> -> memref<1x128xi32, #tpu.memory_space<vmem>>
      %dma_wait3A_2322 = tpu.memref_squeeze %dma_wait3A_2321 : memref<1x128xi32, #tpu.memory_space<vmem>> -> memref<128xi32, #tpu.memory_space<vmem>>
      %dma_wait3A_2323 = arith.constant 0 : i32
      %dma_wait3A_2324 = arith.constant 0 : i32
      %dma_wait3A_2325 = tpu.memref_slice %arg2[%dma_wait3A_2323, %dma_wait3A_2324] : memref<10000x16xf32, #tpu.memory_space<hbm>> -> memref<10000x16xf32, #tpu.memory_space<hbm>>
      tpu.wait_indirect_dma semaphore(%arg12 : memref<!tpu.dma_semaphore, #tpu.memory_space<semaphore_mem>>) src(%dma_wait3A_2325 : memref<10000x16xf32, #tpu.memory_space<hbm>>) dst(%dma_wait3A_2319 : memref<128x16xf32, #tpu.memory_space<vmem>>)
      %dma_wait3A_2326 = arith.constant 0 : i32
      %dma_wait3A_2327 = arith.constant 0 : i32
      %dma_wait3A_2328 = arith.constant 0 : i32
      %dma_wait3A_2329 = arith.constant 0 : i32
      %dma_wait3A_2330 = arith.constant 0 : i32
      %dma_wait3A_2331 = tpu.memref_slice %arg8[%dma_wait3A_2327, %dma_wait3A_2328, %dma_wait3A_2329, %dma_wait3A_2330] : memref<2x16x128x16xf32, #tpu.memory_space<vmem>> -> memref<1x1x128x16xf32, #tpu.memory_space<vmem>>
      %dma_wait3A_2332 = tpu.memref_squeeze %dma_wait3A_2331 : memref<1x1x128x16xf32, #tpu.memory_space<vmem>> -> memref<128x16xf32, #tpu.memory_space<vmem>>
      %dma_wait3A_2333 = arith.constant 0 : i32
      %dma_wait3A_2334 = tpu.memref_slice %arg6[%dma_wait3A_2326, %dma_wait3A_2333] : memref<96x128xi32, #tpu.memory_space<vmem>> -> memref<1x128xi32, #tpu.memory_space<vmem>>
      %dma_wait3A_2335 = tpu.memref_squeeze %dma_wait3A_2334 : memref<1x128xi32, #tpu.memory_space<vmem>> -> memref<128xi32, #tpu.memory_space<vmem>>
      %dma_wait3A_2336 = arith.constant 0 : i32
      %dma_wait3A_2337 = arith.constant 0 : i32
      %dma_wait3A_2338 = tpu.memref_slice %arg2[%dma_wait3A_2336, %dma_wait3A_2337] : memref<10000x16xf32, #tpu.memory_space<hbm>> -> memref<10000x16xf32, #tpu.memory_space<hbm>>
      tpu.wait_indirect_dma semaphore(%arg12 : memref<!tpu.dma_semaphore, #tpu.memory_space<semaphore_mem>>) src(%dma_wait3A_2338 : memref<10000x16xf32, #tpu.memory_space<hbm>>) dst(%dma_wait3A_2332 : memref<128x16xf32, #tpu.memory_space<vmem>>)
      %dma_wait3A_2339 = arith.constant 0 : i32
      %dma_wait3A_2340 = arith.constant 0 : i32
      %dma_wait3A_2341 = arith.constant 0 : i32
      %dma_wait3A_2342 = arith.constant 0 : i32
      %dma_wait3A_2343 = arith.constant 0 : i32
      %dma_wait3A_2344 = tpu.memref_slice %arg8[%dma_wait3A_2340, %dma_wait3A_2341, %dma_wait3A_2342, %dma_wait3A_2343] : memref<2x16x128x16xf32, #tpu.memory_space<vmem>> -> memref<1x1x128x16xf32, #tpu.memory_space<vmem>>
      %dma_wait3A_2345 = tpu.memref_squeeze %dma_wait3A_2344 : memref<1x1x128x16xf32, #tpu.memory_space<vmem>> -> memref<128x16xf32, #tpu.memory_space<vmem>>
      %dma_wait3A_2346 = arith.constant 0 : i32
      %dma_wait3A_2347 = tpu.memref_slice %arg6[%dma_wait3A_2339, %dma_wait3A_2346] : memref<96x128xi32, #tpu.memory_space<vmem>> -> memref<1x128xi32, #tpu.memory_space<vmem>>
      %dma_wait3A_2348 = tpu.memref_squeeze %dma_wait3A_2347 : memref<1x128xi32, #tpu.memory_space<vmem>> -> memref<128xi32, #tpu.memory_space<vmem>>
      %dma_wait3A_2349 = arith.constant 0 : i32
      %dma_wait3A_2350 = arith.constant 0 : i32
      %dma_wait3A_2351 = tpu.memref_slice %arg2[%dma_wait3A_2349, %dma_wait3A_2350] : memref<10000x16xf32, #tpu.memory_space<hbm>> -> memref<10000x16xf32, #tpu.memory_space<hbm>>
      tpu.wait_indirect_dma semaphore(%arg12 : memref<!tpu.dma_semaphore, #tpu.memory_space<semaphore_mem>>) src(%dma_wait3A_2351 : memref<10000x16xf32, #tpu.memory_space<hbm>>) dst(%dma_wait3A_2345 : memref<128x16xf32, #tpu.memory_space<vmem>>)
      %mul3A_2352 = arith.constant 16 : i32
      %mul3A_2353 = arith.muli %scan3A_1686, %mul3A_2352 : i32
      %add3A_2354 = arith.constant 0 : i32
      %add3A_2355 = arith.addi %mul3A_2353, %add3A_2354 : i32
      %dma_start3A_2356 = arith.constant 0 : i32
      %dma_start3A_2357 = arith.constant 0 : i32
      %dma_start3A_2358 = arith.constant 0 : i32
      %dma_start3A_2359 = tpu.memref_slice %arg8[%select_n3A_1695, %dma_start3A_2356, %dma_start3A_2357, %dma_start3A_2358] : memref<2x16x128x16xf32, #tpu.memory_space<vmem>> -> memref<1x1x128x16xf32, #tpu.memory_space<vmem>>
      %dma_start3A_2360 = tpu.memref_squeeze %dma_start3A_2359 : memref<1x1x128x16xf32, #tpu.memory_space<vmem>> -> memref<128x16xf32, #tpu.memory_space<vmem>>
      %dma_start3A_2361 = arith.constant 0 : i32
      %dma_start3A_2362 = tpu.memref_slice %arg7[%add3A_2355, %dma_start3A_2361] : memref<96x128xi32, #tpu.memory_space<vmem>> -> memref<1x128xi32, #tpu.memory_space<vmem>>
      %dma_start3A_2363 = tpu.memref_squeeze %dma_start3A_2362 : memref<1x128xi32, #tpu.memory_space<vmem>> -> memref<128xi32, #tpu.memory_space<vmem>>
      %dma_start3A_2364 = arith.constant 0 : i32
      %dma_start3A_2365 = arith.constant 0 : i32
      %dma_start3A_2366 = tpu.memref_slice %arg10[%dma_start3A_2364, %dma_start3A_2365] : memref<10112x16xf32, #tpu.memory_space<vmem_shared>> -> memref<10112x16xf32, #tpu.memory_space<vmem_shared>>
      tpu.enqueue_indirect_dma source(%dma_start3A_2360 : memref<128x16xf32, #tpu.memory_space<vmem>>) target(%dma_start3A_2366 : memref<10112x16xf32, #tpu.memory_space<vmem_shared>>) offsets(%dma_start3A_2363 : memref<128xi32, #tpu.memory_space<vmem>>) semaphore(%arg13 : memref<!tpu.dma_semaphore, #tpu.memory_space<semaphore_mem>>) {add = true}
      %mul3A_2367 = arith.constant 16 : i32
      %mul3A_2368 = arith.muli %scan3A_1686, %mul3A_2367 : i32
      %add3A_2369 = arith.constant 1 : i32
      %add3A_2370 = arith.addi %mul3A_2368, %add3A_2369 : i32
      %dma_start3A_2371 = arith.constant 1 : i32
      %dma_start3A_2372 = arith.constant 0 : i32
      %dma_start3A_2373 = arith.constant 0 : i32
      %dma_start3A_2374 = tpu.memref_slice %arg8[%select_n3A_1695, %dma_start3A_2371, %dma_start3A_2372, %dma_start3A_2373] : memref<2x16x128x16xf32, #tpu.memory_space<vmem>> -> memref<1x1x128x16xf32, #tpu.memory_space<vmem>>
      %dma_start3A_2375 = tpu.memref_squeeze %dma_start3A_2374 : memref<1x1x128x16xf32, #tpu.memory_space<vmem>> -> memref<128x16xf32, #tpu.memory_space<vmem>>
      %dma_start3A_2376 = arith.constant 0 : i32
      %dma_start3A_2377 = tpu.memref_slice %arg7[%add3A_2370, %dma_start3A_2376] : memref<96x128xi32, #tpu.memory_space<vmem>> -> memref<1x128xi32, #tpu.memory_space<vmem>>
      %dma_start3A_2378 = tpu.memref_squeeze %dma_start3A_2377 : memref<1x128xi32, #tpu.memory_space<vmem>> -> memref<128xi32, #tpu.memory_space<vmem>>
      %dma_start3A_2379 = arith.constant 0 : i32
      %dma_start3A_2380 = arith.constant 0 : i32
      %dma_start3A_2381 = tpu.memref_slice %arg10[%dma_start3A_2379, %dma_start3A_2380] : memref<10112x16xf32, #tpu.memory_space<vmem_shared>> -> memref<10112x16xf32, #tpu.memory_space<vmem_shared>>
      tpu.enqueue_indirect_dma source(%dma_start3A_2375 : memref<128x16xf32, #tpu.memory_space<vmem>>) target(%dma_start3A_2381 : memref<10112x16xf32, #tpu.memory_space<vmem_shared>>) offsets(%dma_start3A_2378 : memref<128xi32, #tpu.memory_space<vmem>>) semaphore(%arg13 : memref<!tpu.dma_semaphore, #tpu.memory_space<semaphore_mem>>) {add = true}
      %mul3A_2382 = arith.constant 16 : i32
      %mul3A_2383 = arith.muli %scan3A_1686, %mul3A_2382 : i32
      %add3A_2384 = arith.constant 2 : i32
      %add3A_2385 = arith.addi %mul3A_2383, %add3A_2384 : i32
      %dma_start3A_2386 = arith.constant 2 : i32
      %dma_start3A_2387 = arith.constant 0 : i32
      %dma_start3A_2388 = arith.constant 0 : i32
      %dma_start3A_2389 = tpu.memref_slice %arg8[%select_n3A_1695, %dma_start3A_2386, %dma_start3A_2387, %dma_start3A_2388] : memref<2x16x128x16xf32, #tpu.memory_space<vmem>> -> memref<1x1x128x16xf32, #tpu.memory_space<vmem>>
      %dma_start3A_2390 = tpu.memref_squeeze %dma_start3A_2389 : memref<1x1x128x16xf32, #tpu.memory_space<vmem>> -> memref<128x16xf32, #tpu.memory_space<vmem>>
      %dma_start3A_2391 = arith.constant 0 : i32
      %dma_start3A_2392 = tpu.memref_slice %arg7[%add3A_2385, %dma_start3A_2391] : memref<96x128xi32, #tpu.memory_space<vmem>> -> memref<1x128xi32, #tpu.memory_space<vmem>>
      %dma_start3A_2393 = tpu.memref_squeeze %dma_start3A_2392 : memref<1x128xi32, #tpu.memory_space<vmem>> -> memref<128xi32, #tpu.memory_space<vmem>>
      %dma_start3A_2394 = arith.constant 0 : i32
      %dma_start3A_2395 = arith.constant 0 : i32
      %dma_start3A_2396 = tpu.memref_slice %arg10[%dma_start3A_2394, %dma_start3A_2395] : memref<10112x16xf32, #tpu.memory_space<vmem_shared>> -> memref<10112x16xf32, #tpu.memory_space<vmem_shared>>
      tpu.enqueue_indirect_dma source(%dma_start3A_2390 : memref<128x16xf32, #tpu.memory_space<vmem>>) target(%dma_start3A_2396 : memref<10112x16xf32, #tpu.memory_space<vmem_shared>>) offsets(%dma_start3A_2393 : memref<128xi32, #tpu.memory_space<vmem>>) semaphore(%arg13 : memref<!tpu.dma_semaphore, #tpu.memory_space<semaphore_mem>>) {add = true}
      %mul3A_2397 = arith.constant 16 : i32
      %mul3A_2398 = arith.muli %scan3A_1686, %mul3A_2397 : i32
      %add3A_2399 = arith.constant 3 : i32
      %add3A_2400 = arith.addi %mul3A_2398, %add3A_2399 : i32
      %dma_start3A_2401 = arith.constant 3 : i32
      %dma_start3A_2402 = arith.constant 0 : i32
      %dma_start3A_2403 = arith.constant 0 : i32
      %dma_start3A_2404 = tpu.memref_slice %arg8[%select_n3A_1695, %dma_start3A_2401, %dma_start3A_2402, %dma_start3A_2403] : memref<2x16x128x16xf32, #tpu.memory_space<vmem>> -> memref<1x1x128x16xf32, #tpu.memory_space<vmem>>
      %dma_start3A_2405 = tpu.memref_squeeze %dma_start3A_2404 : memref<1x1x128x16xf32, #tpu.memory_space<vmem>> -> memref<128x16xf32, #tpu.memory_space<vmem>>
      %dma_start3A_2406 = arith.constant 0 : i32
      %dma_start3A_2407 = tpu.memref_slice %arg7[%add3A_2400, %dma_start3A_2406] : memref<96x128xi32, #tpu.memory_space<vmem>> -> memref<1x128xi32, #tpu.memory_space<vmem>>
      %dma_start3A_2408 = tpu.memref_squeeze %dma_start3A_2407 : memref<1x128xi32, #tpu.memory_space<vmem>> -> memref<128xi32, #tpu.memory_space<vmem>>
      %dma_start3A_2409 = arith.constant 0 : i32
      %dma_start3A_2410 = arith.constant 0 : i32
      %dma_start3A_2411 = tpu.memref_slice %arg10[%dma_start3A_2409, %dma_start3A_2410] : memref<10112x16xf32, #tpu.memory_space<vmem_shared>> -> memref<10112x16xf32, #tpu.memory_space<vmem_shared>>
      tpu.enqueue_indirect_dma source(%dma_start3A_2405 : memref<128x16xf32, #tpu.memory_space<vmem>>) target(%dma_start3A_2411 : memref<10112x16xf32, #tpu.memory_space<vmem_shared>>) offsets(%dma_start3A_2408 : memref<128xi32, #tpu.memory_space<vmem>>) semaphore(%arg13 : memref<!tpu.dma_semaphore, #tpu.memory_space<semaphore_mem>>) {add = true}
      %mul3A_2412 = arith.constant 16 : i32
      %mul3A_2413 = arith.muli %scan3A_1686, %mul3A_2412 : i32
      %add3A_2414 = arith.constant 4 : i32
      %add3A_2415 = arith.addi %mul3A_2413, %add3A_2414 : i32
      %dma_start3A_2416 = arith.constant 4 : i32
      %dma_start3A_2417 = arith.constant 0 : i32
      %dma_start3A_2418 = arith.constant 0 : i32
      %dma_start3A_2419 = tpu.memref_slice %arg8[%select_n3A_1695, %dma_start3A_2416, %dma_start3A_2417, %dma_start3A_2418] : memref<2x16x128x16xf32, #tpu.memory_space<vmem>> -> memref<1x1x128x16xf32, #tpu.memory_space<vmem>>
      %dma_start3A_2420 = tpu.memref_squeeze %dma_start3A_2419 : memref<1x1x128x16xf32, #tpu.memory_space<vmem>> -> memref<128x16xf32, #tpu.memory_space<vmem>>
      %dma_start3A_2421 = arith.constant 0 : i32
      %dma_start3A_2422 = tpu.memref_slice %arg7[%add3A_2415, %dma_start3A_2421] : memref<96x128xi32, #tpu.memory_space<vmem>> -> memref<1x128xi32, #tpu.memory_space<vmem>>
      %dma_start3A_2423 = tpu.memref_squeeze %dma_start3A_2422 : memref<1x128xi32, #tpu.memory_space<vmem>> -> memref<128xi32, #tpu.memory_space<vmem>>
      %dma_start3A_2424 = arith.constant 0 : i32
      %dma_start3A_2425 = arith.constant 0 : i32
      %dma_start3A_2426 = tpu.memref_slice %arg10[%dma_start3A_2424, %dma_start3A_2425] : memref<10112x16xf32, #tpu.memory_space<vmem_shared>> -> memref<10112x16xf32, #tpu.memory_space<vmem_shared>>
      tpu.enqueue_indirect_dma source(%dma_start3A_2420 : memref<128x16xf32, #tpu.memory_space<vmem>>) target(%dma_start3A_2426 : memref<10112x16xf32, #tpu.memory_space<vmem_shared>>) offsets(%dma_start3A_2423 : memref<128xi32, #tpu.memory_space<vmem>>) semaphore(%arg13 : memref<!tpu.dma_semaphore, #tpu.memory_space<semaphore_mem>>) {add = true}
      %mul3A_2427 = arith.constant 16 : i32
      %mul3A_2428 = arith.muli %scan3A_1686, %mul3A_2427 : i32
      %add3A_2429 = arith.constant 5 : i32
      %add3A_2430 = arith.addi %mul3A_2428, %add3A_2429 : i32
      %dma_start3A_2431 = arith.constant 5 : i32
      %dma_start3A_2432 = arith.constant 0 : i32
      %dma_start3A_2433 = arith.constant 0 : i32
      %dma_start3A_2434 = tpu.memref_slice %arg8[%select_n3A_1695, %dma_start3A_2431, %dma_start3A_2432, %dma_start3A_2433] : memref<2x16x128x16xf32, #tpu.memory_space<vmem>> -> memref<1x1x128x16xf32, #tpu.memory_space<vmem>>
      %dma_start3A_2435 = tpu.memref_squeeze %dma_start3A_2434 : memref<1x1x128x16xf32, #tpu.memory_space<vmem>> -> memref<128x16xf32, #tpu.memory_space<vmem>>
      %dma_start3A_2436 = arith.constant 0 : i32
      %dma_start3A_2437 = tpu.memref_slice %arg7[%add3A_2430, %dma_start3A_2436] : memref<96x128xi32, #tpu.memory_space<vmem>> -> memref<1x128xi32, #tpu.memory_space<vmem>>
      %dma_start3A_2438 = tpu.memref_squeeze %dma_start3A_2437 : memref<1x128xi32, #tpu.memory_space<vmem>> -> memref<128xi32, #tpu.memory_space<vmem>>
      %dma_start3A_2439 = arith.constant 0 : i32
      %dma_start3A_2440 = arith.constant 0 : i32
      %dma_start3A_2441 = tpu.memref_slice %arg10[%dma_start3A_2439, %dma_start3A_2440] : memref<10112x16xf32, #tpu.memory_space<vmem_shared>> -> memref<10112x16xf32, #tpu.memory_space<vmem_shared>>
      tpu.enqueue_indirect_dma source(%dma_start3A_2435 : memref<128x16xf32, #tpu.memory_space<vmem>>) target(%dma_start3A_2441 : memref<10112x16xf32, #tpu.memory_space<vmem_shared>>) offsets(%dma_start3A_2438 : memref<128xi32, #tpu.memory_space<vmem>>) semaphore(%arg13 : memref<!tpu.dma_semaphore, #tpu.memory_space<semaphore_mem>>) {add = true}
      %mul3A_2442 = arith.constant 16 : i32
      %mul3A_2443 = arith.muli %scan3A_1686, %mul3A_2442 : i32
      %add3A_2444 = arith.constant 6 : i32
      %add3A_2445 = arith.addi %mul3A_2443, %add3A_2444 : i32
      %dma_start3A_2446 = arith.constant 6 : i32
      %dma_start3A_2447 = arith.constant 0 : i32
      %dma_start3A_2448 = arith.constant 0 : i32
      %dma_start3A_2449 = tpu.memref_slice %arg8[%select_n3A_1695, %dma_start3A_2446, %dma_start3A_2447, %dma_start3A_2448] : memref<2x16x128x16xf32, #tpu.memory_space<vmem>> -> memref<1x1x128x16xf32, #tpu.memory_space<vmem>>
      %dma_start3A_2450 = tpu.memref_squeeze %dma_start3A_2449 : memref<1x1x128x16xf32, #tpu.memory_space<vmem>> -> memref<128x16xf32, #tpu.memory_space<vmem>>
      %dma_start3A_2451 = arith.constant 0 : i32
      %dma_start3A_2452 = tpu.memref_slice %arg7[%add3A_2445, %dma_start3A_2451] : memref<96x128xi32, #tpu.memory_space<vmem>> -> memref<1x128xi32, #tpu.memory_space<vmem>>
      %dma_start3A_2453 = tpu.memref_squeeze %dma_start3A_2452 : memref<1x128xi32, #tpu.memory_space<vmem>> -> memref<128xi32, #tpu.memory_space<vmem>>
      %dma_start3A_2454 = arith.constant 0 : i32
      %dma_start3A_2455 = arith.constant 0 : i32
      %dma_start3A_2456 = tpu.memref_slice %arg10[%dma_start3A_2454, %dma_start3A_2455] : memref<10112x16xf32, #tpu.memory_space<vmem_shared>> -> memref<10112x16xf32, #tpu.memory_space<vmem_shared>>
      tpu.enqueue_indirect_dma source(%dma_start3A_2450 : memref<128x16xf32, #tpu.memory_space<vmem>>) target(%dma_start3A_2456 : memref<10112x16xf32, #tpu.memory_space<vmem_shared>>) offsets(%dma_start3A_2453 : memref<128xi32, #tpu.memory_space<vmem>>) semaphore(%arg13 : memref<!tpu.dma_semaphore, #tpu.memory_space<semaphore_mem>>) {add = true}
      %mul3A_2457 = arith.constant 16 : i32
      %mul3A_2458 = arith.muli %scan3A_1686, %mul3A_2457 : i32
      %add3A_2459 = arith.constant 7 : i32
      %add3A_2460 = arith.addi %mul3A_2458, %add3A_2459 : i32
      %dma_start3A_2461 = arith.constant 7 : i32
      %dma_start3A_2462 = arith.constant 0 : i32
      %dma_start3A_2463 = arith.constant 0 : i32
      %dma_start3A_2464 = tpu.memref_slice %arg8[%select_n3A_1695, %dma_start3A_2461, %dma_start3A_2462, %dma_start3A_2463] : memref<2x16x128x16xf32, #tpu.memory_space<vmem>> -> memref<1x1x128x16xf32, #tpu.memory_space<vmem>>
      %dma_start3A_2465 = tpu.memref_squeeze %dma_start3A_2464 : memref<1x1x128x16xf32, #tpu.memory_space<vmem>> -> memref<128x16xf32, #tpu.memory_space<vmem>>
      %dma_start3A_2466 = arith.constant 0 : i32
      %dma_start3A_2467 = tpu.memref_slice %arg7[%add3A_2460, %dma_start3A_2466] : memref<96x128xi32, #tpu.memory_space<vmem>> -> memref<1x128xi32, #tpu.memory_space<vmem>>
      %dma_start3A_2468 = tpu.memref_squeeze %dma_start3A_2467 : memref<1x128xi32, #tpu.memory_space<vmem>> -> memref<128xi32, #tpu.memory_space<vmem>>
      %dma_start3A_2469 = arith.constant 0 : i32
      %dma_start3A_2470 = arith.constant 0 : i32
      %dma_start3A_2471 = tpu.memref_slice %arg10[%dma_start3A_2469, %dma_start3A_2470] : memref<10112x16xf32, #tpu.memory_space<vmem_shared>> -> memref<10112x16xf32, #tpu.memory_space<vmem_shared>>
      tpu.enqueue_indirect_dma source(%dma_start3A_2465 : memref<128x16xf32, #tpu.memory_space<vmem>>) target(%dma_start3A_2471 : memref<10112x16xf32, #tpu.memory_space<vmem_shared>>) offsets(%dma_start3A_2468 : memref<128xi32, #tpu.memory_space<vmem>>) semaphore(%arg13 : memref<!tpu.dma_semaphore, #tpu.memory_space<semaphore_mem>>) {add = true}
      %mul3A_2472 = arith.constant 16 : i32
      %mul3A_2473 = arith.muli %scan3A_1686, %mul3A_2472 : i32
      %add3A_2474 = arith.constant 8 : i32
      %add3A_2475 = arith.addi %mul3A_2473, %add3A_2474 : i32
      %dma_start3A_2476 = arith.constant 8 : i32
      %dma_start3A_2477 = arith.constant 0 : i32
      %dma_start3A_2478 = arith.constant 0 : i32
      %dma_start3A_2479 = tpu.memref_slice %arg8[%select_n3A_1695, %dma_start3A_2476, %dma_start3A_2477, %dma_start3A_2478] : memref<2x16x128x16xf32, #tpu.memory_space<vmem>> -> memref<1x1x128x16xf32, #tpu.memory_space<vmem>>
      %dma_start3A_2480 = tpu.memref_squeeze %dma_start3A_2479 : memref<1x1x128x16xf32, #tpu.memory_space<vmem>> -> memref<128x16xf32, #tpu.memory_space<vmem>>
      %dma_start3A_2481 = arith.constant 0 : i32
      %dma_start3A_2482 = tpu.memref_slice %arg7[%add3A_2475, %dma_start3A_2481] : memref<96x128xi32, #tpu.memory_space<vmem>> -> memref<1x128xi32, #tpu.memory_space<vmem>>
      %dma_start3A_2483 = tpu.memref_squeeze %dma_start3A_2482 : memref<1x128xi32, #tpu.memory_space<vmem>> -> memref<128xi32, #tpu.memory_space<vmem>>
      %dma_start3A_2484 = arith.constant 0 : i32
      %dma_start3A_2485 = arith.constant 0 : i32
      %dma_start3A_2486 = tpu.memref_slice %arg10[%dma_start3A_2484, %dma_start3A_2485] : memref<10112x16xf32, #tpu.memory_space<vmem_shared>> -> memref<10112x16xf32, #tpu.memory_space<vmem_shared>>
      tpu.enqueue_indirect_dma source(%dma_start3A_2480 : memref<128x16xf32, #tpu.memory_space<vmem>>) target(%dma_start3A_2486 : memref<10112x16xf32, #tpu.memory_space<vmem_shared>>) offsets(%dma_start3A_2483 : memref<128xi32, #tpu.memory_space<vmem>>) semaphore(%arg13 : memref<!tpu.dma_semaphore, #tpu.memory_space<semaphore_mem>>) {add = true}
      %mul3A_2487 = arith.constant 16 : i32
      %mul3A_2488 = arith.muli %scan3A_1686, %mul3A_2487 : i32
      %add3A_2489 = arith.constant 9 : i32
      %add3A_2490 = arith.addi %mul3A_2488, %add3A_2489 : i32
      %dma_start3A_2491 = arith.constant 9 : i32
      %dma_start3A_2492 = arith.constant 0 : i32
      %dma_start3A_2493 = arith.constant 0 : i32
      %dma_start3A_2494 = tpu.memref_slice %arg8[%select_n3A_1695, %dma_start3A_2491, %dma_start3A_2492, %dma_start3A_2493] : memref<2x16x128x16xf32, #tpu.memory_space<vmem>> -> memref<1x1x128x16xf32, #tpu.memory_space<vmem>>
      %dma_start3A_2495 = tpu.memref_squeeze %dma_start3A_2494 : memref<1x1x128x16xf32, #tpu.memory_space<vmem>> -> memref<128x16xf32, #tpu.memory_space<vmem>>
      %dma_start3A_2496 = arith.constant 0 : i32
      %dma_start3A_2497 = tpu.memref_slice %arg7[%add3A_2490, %dma_start3A_2496] : memref<96x128xi32, #tpu.memory_space<vmem>> -> memref<1x128xi32, #tpu.memory_space<vmem>>
      %dma_start3A_2498 = tpu.memref_squeeze %dma_start3A_2497 : memref<1x128xi32, #tpu.memory_space<vmem>> -> memref<128xi32, #tpu.memory_space<vmem>>
      %dma_start3A_2499 = arith.constant 0 : i32
      %dma_start3A_2500 = arith.constant 0 : i32
      %dma_start3A_2501 = tpu.memref_slice %arg10[%dma_start3A_2499, %dma_start3A_2500] : memref<10112x16xf32, #tpu.memory_space<vmem_shared>> -> memref<10112x16xf32, #tpu.memory_space<vmem_shared>>
      tpu.enqueue_indirect_dma source(%dma_start3A_2495 : memref<128x16xf32, #tpu.memory_space<vmem>>) target(%dma_start3A_2501 : memref<10112x16xf32, #tpu.memory_space<vmem_shared>>) offsets(%dma_start3A_2498 : memref<128xi32, #tpu.memory_space<vmem>>) semaphore(%arg13 : memref<!tpu.dma_semaphore, #tpu.memory_space<semaphore_mem>>) {add = true}
      %mul3A_2502 = arith.constant 16 : i32
      %mul3A_2503 = arith.muli %scan3A_1686, %mul3A_2502 : i32
      %add3A_2504 = arith.constant 10 : i32
      %add3A_2505 = arith.addi %mul3A_2503, %add3A_2504 : i32
      %dma_start3A_2506 = arith.constant 10 : i32
      %dma_start3A_2507 = arith.constant 0 : i32
      %dma_start3A_2508 = arith.constant 0 : i32
      %dma_start3A_2509 = tpu.memref_slice %arg8[%select_n3A_1695, %dma_start3A_2506, %dma_start3A_2507, %dma_start3A_2508] : memref<2x16x128x16xf32, #tpu.memory_space<vmem>> -> memref<1x1x128x16xf32, #tpu.memory_space<vmem>>
      %dma_start3A_2510 = tpu.memref_squeeze %dma_start3A_2509 : memref<1x1x128x16xf32, #tpu.memory_space<vmem>> -> memref<128x16xf32, #tpu.memory_space<vmem>>
      %dma_start3A_2511 = arith.constant 0 : i32
      %dma_start3A_2512 = tpu.memref_slice %arg7[%add3A_2505, %dma_start3A_2511] : memref<96x128xi32, #tpu.memory_space<vmem>> -> memref<1x128xi32, #tpu.memory_space<vmem>>
      %dma_start3A_2513 = tpu.memref_squeeze %dma_start3A_2512 : memref<1x128xi32, #tpu.memory_space<vmem>> -> memref<128xi32, #tpu.memory_space<vmem>>
      %dma_start3A_2514 = arith.constant 0 : i32
      %dma_start3A_2515 = arith.constant 0 : i32
      %dma_start3A_2516 = tpu.memref_slice %arg10[%dma_start3A_2514, %dma_start3A_2515] : memref<10112x16xf32, #tpu.memory_space<vmem_shared>> -> memref<10112x16xf32, #tpu.memory_space<vmem_shared>>
      tpu.enqueue_indirect_dma source(%dma_start3A_2510 : memref<128x16xf32, #tpu.memory_space<vmem>>) target(%dma_start3A_2516 : memref<10112x16xf32, #tpu.memory_space<vmem_shared>>) offsets(%dma_start3A_2513 : memref<128xi32, #tpu.memory_space<vmem>>) semaphore(%arg13 : memref<!tpu.dma_semaphore, #tpu.memory_space<semaphore_mem>>) {add = true}
      %mul3A_2517 = arith.constant 16 : i32
      %mul3A_2518 = arith.muli %scan3A_1686, %mul3A_2517 : i32
      %add3A_2519 = arith.constant 11 : i32
      %add3A_2520 = arith.addi %mul3A_2518, %add3A_2519 : i32
      %dma_start3A_2521 = arith.constant 11 : i32
      %dma_start3A_2522 = arith.constant 0 : i32
      %dma_start3A_2523 = arith.constant 0 : i32
      %dma_start3A_2524 = tpu.memref_slice %arg8[%select_n3A_1695, %dma_start3A_2521, %dma_start3A_2522, %dma_start3A_2523] : memref<2x16x128x16xf32, #tpu.memory_space<vmem>> -> memref<1x1x128x16xf32, #tpu.memory_space<vmem>>
      %dma_start3A_2525 = tpu.memref_squeeze %dma_start3A_2524 : memref<1x1x128x16xf32, #tpu.memory_space<vmem>> -> memref<128x16xf32, #tpu.memory_space<vmem>>
      %dma_start3A_2526 = arith.constant 0 : i32
      %dma_start3A_2527 = tpu.memref_slice %arg7[%add3A_2520, %dma_start3A_2526] : memref<96x128xi32, #tpu.memory_space<vmem>> -> memref<1x128xi32, #tpu.memory_space<vmem>>
      %dma_start3A_2528 = tpu.memref_squeeze %dma_start3A_2527 : memref<1x128xi32, #tpu.memory_space<vmem>> -> memref<128xi32, #tpu.memory_space<vmem>>
      %dma_start3A_2529 = arith.constant 0 : i32
      %dma_start3A_2530 = arith.constant 0 : i32
      %dma_start3A_2531 = tpu.memref_slice %arg10[%dma_start3A_2529, %dma_start3A_2530] : memref<10112x16xf32, #tpu.memory_space<vmem_shared>> -> memref<10112x16xf32, #tpu.memory_space<vmem_shared>>
      tpu.enqueue_indirect_dma source(%dma_start3A_2525 : memref<128x16xf32, #tpu.memory_space<vmem>>) target(%dma_start3A_2531 : memref<10112x16xf32, #tpu.memory_space<vmem_shared>>) offsets(%dma_start3A_2528 : memref<128xi32, #tpu.memory_space<vmem>>) semaphore(%arg13 : memref<!tpu.dma_semaphore, #tpu.memory_space<semaphore_mem>>) {add = true}
      %mul3A_2532 = arith.constant 16 : i32
      %mul3A_2533 = arith.muli %scan3A_1686, %mul3A_2532 : i32
      %add3A_2534 = arith.constant 12 : i32
      %add3A_2535 = arith.addi %mul3A_2533, %add3A_2534 : i32
      %dma_start3A_2536 = arith.constant 12 : i32
      %dma_start3A_2537 = arith.constant 0 : i32
      %dma_start3A_2538 = arith.constant 0 : i32
      %dma_start3A_2539 = tpu.memref_slice %arg8[%select_n3A_1695, %dma_start3A_2536, %dma_start3A_2537, %dma_start3A_2538] : memref<2x16x128x16xf32, #tpu.memory_space<vmem>> -> memref<1x1x128x16xf32, #tpu.memory_space<vmem>>
      %dma_start3A_2540 = tpu.memref_squeeze %dma_start3A_2539 : memref<1x1x128x16xf32, #tpu.memory_space<vmem>> -> memref<128x16xf32, #tpu.memory_space<vmem>>
      %dma_start3A_2541 = arith.constant 0 : i32
      %dma_start3A_2542 = tpu.memref_slice %arg7[%add3A_2535, %dma_start3A_2541] : memref<96x128xi32, #tpu.memory_space<vmem>> -> memref<1x128xi32, #tpu.memory_space<vmem>>
      %dma_start3A_2543 = tpu.memref_squeeze %dma_start3A_2542 : memref<1x128xi32, #tpu.memory_space<vmem>> -> memref<128xi32, #tpu.memory_space<vmem>>
      %dma_start3A_2544 = arith.constant 0 : i32
      %dma_start3A_2545 = arith.constant 0 : i32
      %dma_start3A_2546 = tpu.memref_slice %arg10[%dma_start3A_2544, %dma_start3A_2545] : memref<10112x16xf32, #tpu.memory_space<vmem_shared>> -> memref<10112x16xf32, #tpu.memory_space<vmem_shared>>
      tpu.enqueue_indirect_dma source(%dma_start3A_2540 : memref<128x16xf32, #tpu.memory_space<vmem>>) target(%dma_start3A_2546 : memref<10112x16xf32, #tpu.memory_space<vmem_shared>>) offsets(%dma_start3A_2543 : memref<128xi32, #tpu.memory_space<vmem>>) semaphore(%arg13 : memref<!tpu.dma_semaphore, #tpu.memory_space<semaphore_mem>>) {add = true}
      %mul3A_2547 = arith.constant 16 : i32
      %mul3A_2548 = arith.muli %scan3A_1686, %mul3A_2547 : i32
      %add3A_2549 = arith.constant 13 : i32
      %add3A_2550 = arith.addi %mul3A_2548, %add3A_2549 : i32
      %dma_start3A_2551 = arith.constant 13 : i32
      %dma_start3A_2552 = arith.constant 0 : i32
      %dma_start3A_2553 = arith.constant 0 : i32
      %dma_start3A_2554 = tpu.memref_slice %arg8[%select_n3A_1695, %dma_start3A_2551, %dma_start3A_2552, %dma_start3A_2553] : memref<2x16x128x16xf32, #tpu.memory_space<vmem>> -> memref<1x1x128x16xf32, #tpu.memory_space<vmem>>
      %dma_start3A_2555 = tpu.memref_squeeze %dma_start3A_2554 : memref<1x1x128x16xf32, #tpu.memory_space<vmem>> -> memref<128x16xf32, #tpu.memory_space<vmem>>
      %dma_start3A_2556 = arith.constant 0 : i32
      %dma_start3A_2557 = tpu.memref_slice %arg7[%add3A_2550, %dma_start3A_2556] : memref<96x128xi32, #tpu.memory_space<vmem>> -> memref<1x128xi32, #tpu.memory_space<vmem>>
      %dma_start3A_2558 = tpu.memref_squeeze %dma_start3A_2557 : memref<1x128xi32, #tpu.memory_space<vmem>> -> memref<128xi32, #tpu.memory_space<vmem>>
      %dma_start3A_2559 = arith.constant 0 : i32
      %dma_start3A_2560 = arith.constant 0 : i32
      %dma_start3A_2561 = tpu.memref_slice %arg10[%dma_start3A_2559, %dma_start3A_2560] : memref<10112x16xf32, #tpu.memory_space<vmem_shared>> -> memref<10112x16xf32, #tpu.memory_space<vmem_shared>>
      tpu.enqueue_indirect_dma source(%dma_start3A_2555 : memref<128x16xf32, #tpu.memory_space<vmem>>) target(%dma_start3A_2561 : memref<10112x16xf32, #tpu.memory_space<vmem_shared>>) offsets(%dma_start3A_2558 : memref<128xi32, #tpu.memory_space<vmem>>) semaphore(%arg13 : memref<!tpu.dma_semaphore, #tpu.memory_space<semaphore_mem>>) {add = true}
      %mul3A_2562 = arith.constant 16 : i32
      %mul3A_2563 = arith.muli %scan3A_1686, %mul3A_2562 : i32
      %add3A_2564 = arith.constant 14 : i32
      %add3A_2565 = arith.addi %mul3A_2563, %add3A_2564 : i32
      %dma_start3A_2566 = arith.constant 14 : i32
      %dma_start3A_2567 = arith.constant 0 : i32
      %dma_start3A_2568 = arith.constant 0 : i32
      %dma_start3A_2569 = tpu.memref_slice %arg8[%select_n3A_1695, %dma_start3A_2566, %dma_start3A_2567, %dma_start3A_2568] : memref<2x16x128x16xf32, #tpu.memory_space<vmem>> -> memref<1x1x128x16xf32, #tpu.memory_space<vmem>>
      %dma_start3A_2570 = tpu.memref_squeeze %dma_start3A_2569 : memref<1x1x128x16xf32, #tpu.memory_space<vmem>> -> memref<128x16xf32, #tpu.memory_space<vmem>>
      %dma_start3A_2571 = arith.constant 0 : i32
      %dma_start3A_2572 = tpu.memref_slice %arg7[%add3A_2565, %dma_start3A_2571] : memref<96x128xi32, #tpu.memory_space<vmem>> -> memref<1x128xi32, #tpu.memory_space<vmem>>
      %dma_start3A_2573 = tpu.memref_squeeze %dma_start3A_2572 : memref<1x128xi32, #tpu.memory_space<vmem>> -> memref<128xi32, #tpu.memory_space<vmem>>
      %dma_start3A_2574 = arith.constant 0 : i32
      %dma_start3A_2575 = arith.constant 0 : i32
      %dma_start3A_2576 = tpu.memref_slice %arg10[%dma_start3A_2574, %dma_start3A_2575] : memref<10112x16xf32, #tpu.memory_space<vmem_shared>> -> memref<10112x16xf32, #tpu.memory_space<vmem_shared>>
      tpu.enqueue_indirect_dma source(%dma_start3A_2570 : memref<128x16xf32, #tpu.memory_space<vmem>>) target(%dma_start3A_2576 : memref<10112x16xf32, #tpu.memory_space<vmem_shared>>) offsets(%dma_start3A_2573 : memref<128xi32, #tpu.memory_space<vmem>>) semaphore(%arg13 : memref<!tpu.dma_semaphore, #tpu.memory_space<semaphore_mem>>) {add = true}
      %mul3A_2577 = arith.constant 16 : i32
      %mul3A_2578 = arith.muli %scan3A_1686, %mul3A_2577 : i32
      %add3A_2579 = arith.constant 15 : i32
      %add3A_2580 = arith.addi %mul3A_2578, %add3A_2579 : i32
      %dma_start3A_2581 = arith.constant 15 : i32
      %dma_start3A_2582 = arith.constant 0 : i32
      %dma_start3A_2583 = arith.constant 0 : i32
      %dma_start3A_2584 = tpu.memref_slice %arg8[%select_n3A_1695, %dma_start3A_2581, %dma_start3A_2582, %dma_start3A_2583] : memref<2x16x128x16xf32, #tpu.memory_space<vmem>> -> memref<1x1x128x16xf32, #tpu.memory_space<vmem>>
      %dma_start3A_2585 = tpu.memref_squeeze %dma_start3A_2584 : memref<1x1x128x16xf32, #tpu.memory_space<vmem>> -> memref<128x16xf32, #tpu.memory_space<vmem>>
      %dma_start3A_2586 = arith.constant 0 : i32
      %dma_start3A_2587 = tpu.memref_slice %arg7[%add3A_2580, %dma_start3A_2586] : memref<96x128xi32, #tpu.memory_space<vmem>> -> memref<1x128xi32, #tpu.memory_space<vmem>>
      %dma_start3A_2588 = tpu.memref_squeeze %dma_start3A_2587 : memref<1x128xi32, #tpu.memory_space<vmem>> -> memref<128xi32, #tpu.memory_space<vmem>>
      %dma_start3A_2589 = arith.constant 0 : i32
      %dma_start3A_2590 = arith.constant 0 : i32
      %dma_start3A_2591 = tpu.memref_slice %arg10[%dma_start3A_2589, %dma_start3A_2590] : memref<10112x16xf32, #tpu.memory_space<vmem_shared>> -> memref<10112x16xf32, #tpu.memory_space<vmem_shared>>
      tpu.enqueue_indirect_dma source(%dma_start3A_2585 : memref<128x16xf32, #tpu.memory_space<vmem>>) target(%dma_start3A_2591 : memref<10112x16xf32, #tpu.memory_space<vmem_shared>>) offsets(%dma_start3A_2588 : memref<128xi32, #tpu.memory_space<vmem>>) semaphore(%arg13 : memref<!tpu.dma_semaphore, #tpu.memory_space<semaphore_mem>>) {add = true}
    }
    %scan3A_1264 = arith.constant 4 : i32
    %dma_wait3A_1265 = arith.constant 0 : i32
    %dma_wait3A_1266 = arith.constant 0 : i32
    %dma_wait3A_1267 = arith.constant 0 : i32
    %dma_wait3A_1268 = arith.constant 0 : i32
    %dma_wait3A_1269 = arith.constant 0 : i32
    %dma_wait3A_1270 = tpu.memref_slice %arg8[%dma_wait3A_1266, %dma_wait3A_1267, %dma_wait3A_1268, %dma_wait3A_1269] : memref<2x16x128x16xf32, #tpu.memory_space<vmem>> -> memref<1x1x128x16xf32, #tpu.memory_space<vmem>>
    %dma_wait3A_1271 = tpu.memref_squeeze %dma_wait3A_1270 : memref<1x1x128x16xf32, #tpu.memory_space<vmem>> -> memref<128x16xf32, #tpu.memory_space<vmem>>
    %dma_wait3A_1272 = arith.constant 0 : i32
    %dma_wait3A_1273 = tpu.memref_slice %arg6[%dma_wait3A_1265, %dma_wait3A_1272] : memref<96x128xi32, #tpu.memory_space<vmem>> -> memref<1x128xi32, #tpu.memory_space<vmem>>
    %dma_wait3A_1274 = tpu.memref_squeeze %dma_wait3A_1273 : memref<1x128xi32, #tpu.memory_space<vmem>> -> memref<128xi32, #tpu.memory_space<vmem>>
    %dma_wait3A_1275 = arith.constant 0 : i32
    %dma_wait3A_1276 = arith.constant 0 : i32
    %dma_wait3A_1277 = tpu.memref_slice %arg2[%dma_wait3A_1275, %dma_wait3A_1276] : memref<10000x16xf32, #tpu.memory_space<hbm>> -> memref<10000x16xf32, #tpu.memory_space<hbm>>
    tpu.wait_indirect_dma semaphore(%arg13 : memref<!tpu.dma_semaphore, #tpu.memory_space<semaphore_mem>>) src(%dma_wait3A_1277 : memref<10000x16xf32, #tpu.memory_space<hbm>>) dst(%dma_wait3A_1271 : memref<128x16xf32, #tpu.memory_space<vmem>>)
    %dma_wait3A_1278 = arith.constant 0 : i32
    %dma_wait3A_1279 = arith.constant 0 : i32
    %dma_wait3A_1280 = arith.constant 0 : i32
    %dma_wait3A_1281 = arith.constant 0 : i32
    %dma_wait3A_1282 = arith.constant 0 : i32
    %dma_wait3A_1283 = tpu.memref_slice %arg8[%dma_wait3A_1279, %dma_wait3A_1280, %dma_wait3A_1281, %dma_wait3A_1282] : memref<2x16x128x16xf32, #tpu.memory_space<vmem>> -> memref<1x1x128x16xf32, #tpu.memory_space<vmem>>
    %dma_wait3A_1284 = tpu.memref_squeeze %dma_wait3A_1283 : memref<1x1x128x16xf32, #tpu.memory_space<vmem>> -> memref<128x16xf32, #tpu.memory_space<vmem>>
    %dma_wait3A_1285 = arith.constant 0 : i32
    %dma_wait3A_1286 = tpu.memref_slice %arg6[%dma_wait3A_1278, %dma_wait3A_1285] : memref<96x128xi32, #tpu.memory_space<vmem>> -> memref<1x128xi32, #tpu.memory_space<vmem>>
    %dma_wait3A_1287 = tpu.memref_squeeze %dma_wait3A_1286 : memref<1x128xi32, #tpu.memory_space<vmem>> -> memref<128xi32, #tpu.memory_space<vmem>>
    %dma_wait3A_1288 = arith.constant 0 : i32
    %dma_wait3A_1289 = arith.constant 0 : i32
    %dma_wait3A_1290 = tpu.memref_slice %arg2[%dma_wait3A_1288, %dma_wait3A_1289] : memref<10000x16xf32, #tpu.memory_space<hbm>> -> memref<10000x16xf32, #tpu.memory_space<hbm>>
    tpu.wait_indirect_dma semaphore(%arg13 : memref<!tpu.dma_semaphore, #tpu.memory_space<semaphore_mem>>) src(%dma_wait3A_1290 : memref<10000x16xf32, #tpu.memory_space<hbm>>) dst(%dma_wait3A_1284 : memref<128x16xf32, #tpu.memory_space<vmem>>)
    %dma_wait3A_1291 = arith.constant 0 : i32
    %dma_wait3A_1292 = arith.constant 0 : i32
    %dma_wait3A_1293 = arith.constant 0 : i32
    %dma_wait3A_1294 = arith.constant 0 : i32
    %dma_wait3A_1295 = arith.constant 0 : i32
    %dma_wait3A_1296 = tpu.memref_slice %arg8[%dma_wait3A_1292, %dma_wait3A_1293, %dma_wait3A_1294, %dma_wait3A_1295] : memref<2x16x128x16xf32, #tpu.memory_space<vmem>> -> memref<1x1x128x16xf32, #tpu.memory_space<vmem>>
    %dma_wait3A_1297 = tpu.memref_squeeze %dma_wait3A_1296 : memref<1x1x128x16xf32, #tpu.memory_space<vmem>> -> memref<128x16xf32, #tpu.memory_space<vmem>>
    %dma_wait3A_1298 = arith.constant 0 : i32
    %dma_wait3A_1299 = tpu.memref_slice %arg6[%dma_wait3A_1291, %dma_wait3A_1298] : memref<96x128xi32, #tpu.memory_space<vmem>> -> memref<1x128xi32, #tpu.memory_space<vmem>>
    %dma_wait3A_1300 = tpu.memref_squeeze %dma_wait3A_1299 : memref<1x128xi32, #tpu.memory_space<vmem>> -> memref<128xi32, #tpu.memory_space<vmem>>
    %dma_wait3A_1301 = arith.constant 0 : i32
    %dma_wait3A_1302 = arith.constant 0 : i32
    %dma_wait3A_1303 = tpu.memref_slice %arg2[%dma_wait3A_1301, %dma_wait3A_1302] : memref<10000x16xf32, #tpu.memory_space<hbm>> -> memref<10000x16xf32, #tpu.memory_space<hbm>>
    tpu.wait_indirect_dma semaphore(%arg13 : memref<!tpu.dma_semaphore, #tpu.memory_space<semaphore_mem>>) src(%dma_wait3A_1303 : memref<10000x16xf32, #tpu.memory_space<hbm>>) dst(%dma_wait3A_1297 : memref<128x16xf32, #tpu.memory_space<vmem>>)
    %dma_wait3A_1304 = arith.constant 0 : i32
    %dma_wait3A_1305 = arith.constant 0 : i32
    %dma_wait3A_1306 = arith.constant 0 : i32
    %dma_wait3A_1307 = arith.constant 0 : i32
    %dma_wait3A_1308 = arith.constant 0 : i32
    %dma_wait3A_1309 = tpu.memref_slice %arg8[%dma_wait3A_1305, %dma_wait3A_1306, %dma_wait3A_1307, %dma_wait3A_1308] : memref<2x16x128x16xf32, #tpu.memory_space<vmem>> -> memref<1x1x128x16xf32, #tpu.memory_space<vmem>>
    %dma_wait3A_1310 = tpu.memref_squeeze %dma_wait3A_1309 : memref<1x1x128x16xf32, #tpu.memory_space<vmem>> -> memref<128x16xf32, #tpu.memory_space<vmem>>
    %dma_wait3A_1311 = arith.constant 0 : i32
    %dma_wait3A_1312 = tpu.memref_slice %arg6[%dma_wait3A_1304, %dma_wait3A_1311] : memref<96x128xi32, #tpu.memory_space<vmem>> -> memref<1x128xi32, #tpu.memory_space<vmem>>
    %dma_wait3A_1313 = tpu.memref_squeeze %dma_wait3A_1312 : memref<1x128xi32, #tpu.memory_space<vmem>> -> memref<128xi32, #tpu.memory_space<vmem>>
    %dma_wait3A_1314 = arith.constant 0 : i32
    %dma_wait3A_1315 = arith.constant 0 : i32
    %dma_wait3A_1316 = tpu.memref_slice %arg2[%dma_wait3A_1314, %dma_wait3A_1315] : memref<10000x16xf32, #tpu.memory_space<hbm>> -> memref<10000x16xf32, #tpu.memory_space<hbm>>
    tpu.wait_indirect_dma semaphore(%arg13 : memref<!tpu.dma_semaphore, #tpu.memory_space<semaphore_mem>>) src(%dma_wait3A_1316 : memref<10000x16xf32, #tpu.memory_space<hbm>>) dst(%dma_wait3A_1310 : memref<128x16xf32, #tpu.memory_space<vmem>>)
    %dma_wait3A_1317 = arith.constant 0 : i32
    %dma_wait3A_1318 = arith.constant 0 : i32
    %dma_wait3A_1319 = arith.constant 0 : i32
    %dma_wait3A_1320 = arith.constant 0 : i32
    %dma_wait3A_1321 = arith.constant 0 : i32
    %dma_wait3A_1322 = tpu.memref_slice %arg8[%dma_wait3A_1318, %dma_wait3A_1319, %dma_wait3A_1320, %dma_wait3A_1321] : memref<2x16x128x16xf32, #tpu.memory_space<vmem>> -> memref<1x1x128x16xf32, #tpu.memory_space<vmem>>
    %dma_wait3A_1323 = tpu.memref_squeeze %dma_wait3A_1322 : memref<1x1x128x16xf32, #tpu.memory_space<vmem>> -> memref<128x16xf32, #tpu.memory_space<vmem>>
    %dma_wait3A_1324 = arith.constant 0 : i32
    %dma_wait3A_1325 = tpu.memref_slice %arg6[%dma_wait3A_1317, %dma_wait3A_1324] : memref<96x128xi32, #tpu.memory_space<vmem>> -> memref<1x128xi32, #tpu.memory_space<vmem>>
    %dma_wait3A_1326 = tpu.memref_squeeze %dma_wait3A_1325 : memref<1x128xi32, #tpu.memory_space<vmem>> -> memref<128xi32, #tpu.memory_space<vmem>>
    %dma_wait3A_1327 = arith.constant 0 : i32
    %dma_wait3A_1328 = arith.constant 0 : i32
    %dma_wait3A_1329 = tpu.memref_slice %arg2[%dma_wait3A_1327, %dma_wait3A_1328] : memref<10000x16xf32, #tpu.memory_space<hbm>> -> memref<10000x16xf32, #tpu.memory_space<hbm>>
    tpu.wait_indirect_dma semaphore(%arg13 : memref<!tpu.dma_semaphore, #tpu.memory_space<semaphore_mem>>) src(%dma_wait3A_1329 : memref<10000x16xf32, #tpu.memory_space<hbm>>) dst(%dma_wait3A_1323 : memref<128x16xf32, #tpu.memory_space<vmem>>)
    %dma_wait3A_1330 = arith.constant 0 : i32
    %dma_wait3A_1331 = arith.constant 0 : i32
    %dma_wait3A_1332 = arith.constant 0 : i32
    %dma_wait3A_1333 = arith.constant 0 : i32
    %dma_wait3A_1334 = arith.constant 0 : i32
    %dma_wait3A_1335 = tpu.memref_slice %arg8[%dma_wait3A_1331, %dma_wait3A_1332, %dma_wait3A_1333, %dma_wait3A_1334] : memref<2x16x128x16xf32, #tpu.memory_space<vmem>> -> memref<1x1x128x16xf32, #tpu.memory_space<vmem>>
    %dma_wait3A_1336 = tpu.memref_squeeze %dma_wait3A_1335 : memref<1x1x128x16xf32, #tpu.memory_space<vmem>> -> memref<128x16xf32, #tpu.memory_space<vmem>>
    %dma_wait3A_1337 = arith.constant 0 : i32
    %dma_wait3A_1338 = tpu.memref_slice %arg6[%dma_wait3A_1330, %dma_wait3A_1337] : memref<96x128xi32, #tpu.memory_space<vmem>> -> memref<1x128xi32, #tpu.memory_space<vmem>>
    %dma_wait3A_1339 = tpu.memref_squeeze %dma_wait3A_1338 : memref<1x128xi32, #tpu.memory_space<vmem>> -> memref<128xi32, #tpu.memory_space<vmem>>
    %dma_wait3A_1340 = arith.constant 0 : i32
    %dma_wait3A_1341 = arith.constant 0 : i32
    %dma_wait3A_1342 = tpu.memref_slice %arg2[%dma_wait3A_1340, %dma_wait3A_1341] : memref<10000x16xf32, #tpu.memory_space<hbm>> -> memref<10000x16xf32, #tpu.memory_space<hbm>>
    tpu.wait_indirect_dma semaphore(%arg13 : memref<!tpu.dma_semaphore, #tpu.memory_space<semaphore_mem>>) src(%dma_wait3A_1342 : memref<10000x16xf32, #tpu.memory_space<hbm>>) dst(%dma_wait3A_1336 : memref<128x16xf32, #tpu.memory_space<vmem>>)
    %dma_wait3A_1343 = arith.constant 0 : i32
    %dma_wait3A_1344 = arith.constant 0 : i32
    %dma_wait3A_1345 = arith.constant 0 : i32
    %dma_wait3A_1346 = arith.constant 0 : i32
    %dma_wait3A_1347 = arith.constant 0 : i32
    %dma_wait3A_1348 = tpu.memref_slice %arg8[%dma_wait3A_1344, %dma_wait3A_1345, %dma_wait3A_1346, %dma_wait3A_1347] : memref<2x16x128x16xf32, #tpu.memory_space<vmem>> -> memref<1x1x128x16xf32, #tpu.memory_space<vmem>>
    %dma_wait3A_1349 = tpu.memref_squeeze %dma_wait3A_1348 : memref<1x1x128x16xf32, #tpu.memory_space<vmem>> -> memref<128x16xf32, #tpu.memory_space<vmem>>
    %dma_wait3A_1350 = arith.constant 0 : i32
    %dma_wait3A_1351 = tpu.memref_slice %arg6[%dma_wait3A_1343, %dma_wait3A_1350] : memref<96x128xi32, #tpu.memory_space<vmem>> -> memref<1x128xi32, #tpu.memory_space<vmem>>
    %dma_wait3A_1352 = tpu.memref_squeeze %dma_wait3A_1351 : memref<1x128xi32, #tpu.memory_space<vmem>> -> memref<128xi32, #tpu.memory_space<vmem>>
    %dma_wait3A_1353 = arith.constant 0 : i32
    %dma_wait3A_1354 = arith.constant 0 : i32
    %dma_wait3A_1355 = tpu.memref_slice %arg2[%dma_wait3A_1353, %dma_wait3A_1354] : memref<10000x16xf32, #tpu.memory_space<hbm>> -> memref<10000x16xf32, #tpu.memory_space<hbm>>
    tpu.wait_indirect_dma semaphore(%arg13 : memref<!tpu.dma_semaphore, #tpu.memory_space<semaphore_mem>>) src(%dma_wait3A_1355 : memref<10000x16xf32, #tpu.memory_space<hbm>>) dst(%dma_wait3A_1349 : memref<128x16xf32, #tpu.memory_space<vmem>>)
    %dma_wait3A_1356 = arith.constant 0 : i32
    %dma_wait3A_1357 = arith.constant 0 : i32
    %dma_wait3A_1358 = arith.constant 0 : i32
    %dma_wait3A_1359 = arith.constant 0 : i32
    %dma_wait3A_1360 = arith.constant 0 : i32
    %dma_wait3A_1361 = tpu.memref_slice %arg8[%dma_wait3A_1357, %dma_wait3A_1358, %dma_wait3A_1359, %dma_wait3A_1360] : memref<2x16x128x16xf32, #tpu.memory_space<vmem>> -> memref<1x1x128x16xf32, #tpu.memory_space<vmem>>
    %dma_wait3A_1362 = tpu.memref_squeeze %dma_wait3A_1361 : memref<1x1x128x16xf32, #tpu.memory_space<vmem>> -> memref<128x16xf32, #tpu.memory_space<vmem>>
    %dma_wait3A_1363 = arith.constant 0 : i32
    %dma_wait3A_1364 = tpu.memref_slice %arg6[%dma_wait3A_1356, %dma_wait3A_1363] : memref<96x128xi32, #tpu.memory_space<vmem>> -> memref<1x128xi32, #tpu.memory_space<vmem>>
    %dma_wait3A_1365 = tpu.memref_squeeze %dma_wait3A_1364 : memref<1x128xi32, #tpu.memory_space<vmem>> -> memref<128xi32, #tpu.memory_space<vmem>>
    %dma_wait3A_1366 = arith.constant 0 : i32
    %dma_wait3A_1367 = arith.constant 0 : i32
    %dma_wait3A_1368 = tpu.memref_slice %arg2[%dma_wait3A_1366, %dma_wait3A_1367] : memref<10000x16xf32, #tpu.memory_space<hbm>> -> memref<10000x16xf32, #tpu.memory_space<hbm>>
    tpu.wait_indirect_dma semaphore(%arg13 : memref<!tpu.dma_semaphore, #tpu.memory_space<semaphore_mem>>) src(%dma_wait3A_1368 : memref<10000x16xf32, #tpu.memory_space<hbm>>) dst(%dma_wait3A_1362 : memref<128x16xf32, #tpu.memory_space<vmem>>)
    %dma_wait3A_1369 = arith.constant 0 : i32
    %dma_wait3A_1370 = arith.constant 0 : i32
    %dma_wait3A_1371 = arith.constant 0 : i32
    %dma_wait3A_1372 = arith.constant 0 : i32
    %dma_wait3A_1373 = arith.constant 0 : i32
    %dma_wait3A_1374 = tpu.memref_slice %arg8[%dma_wait3A_1370, %dma_wait3A_1371, %dma_wait3A_1372, %dma_wait3A_1373] : memref<2x16x128x16xf32, #tpu.memory_space<vmem>> -> memref<1x1x128x16xf32, #tpu.memory_space<vmem>>
    %dma_wait3A_1375 = tpu.memref_squeeze %dma_wait3A_1374 : memref<1x1x128x16xf32, #tpu.memory_space<vmem>> -> memref<128x16xf32, #tpu.memory_space<vmem>>
    %dma_wait3A_1376 = arith.constant 0 : i32
    %dma_wait3A_1377 = tpu.memref_slice %arg6[%dma_wait3A_1369, %dma_wait3A_1376] : memref<96x128xi32, #tpu.memory_space<vmem>> -> memref<1x128xi32, #tpu.memory_space<vmem>>
    %dma_wait3A_1378 = tpu.memref_squeeze %dma_wait3A_1377 : memref<1x128xi32, #tpu.memory_space<vmem>> -> memref<128xi32, #tpu.memory_space<vmem>>
    %dma_wait3A_1379 = arith.constant 0 : i32
    %dma_wait3A_1380 = arith.constant 0 : i32
    %dma_wait3A_1381 = tpu.memref_slice %arg2[%dma_wait3A_1379, %dma_wait3A_1380] : memref<10000x16xf32, #tpu.memory_space<hbm>> -> memref<10000x16xf32, #tpu.memory_space<hbm>>
    tpu.wait_indirect_dma semaphore(%arg13 : memref<!tpu.dma_semaphore, #tpu.memory_space<semaphore_mem>>) src(%dma_wait3A_1381 : memref<10000x16xf32, #tpu.memory_space<hbm>>) dst(%dma_wait3A_1375 : memref<128x16xf32, #tpu.memory_space<vmem>>)
    %dma_wait3A_1382 = arith.constant 0 : i32
    %dma_wait3A_1383 = arith.constant 0 : i32
    %dma_wait3A_1384 = arith.constant 0 : i32
    %dma_wait3A_1385 = arith.constant 0 : i32
    %dma_wait3A_1386 = arith.constant 0 : i32
    %dma_wait3A_1387 = tpu.memref_slice %arg8[%dma_wait3A_1383, %dma_wait3A_1384, %dma_wait3A_1385, %dma_wait3A_1386] : memref<2x16x128x16xf32, #tpu.memory_space<vmem>> -> memref<1x1x128x16xf32, #tpu.memory_space<vmem>>
    %dma_wait3A_1388 = tpu.memref_squeeze %dma_wait3A_1387 : memref<1x1x128x16xf32, #tpu.memory_space<vmem>> -> memref<128x16xf32, #tpu.memory_space<vmem>>
    %dma_wait3A_1389 = arith.constant 0 : i32
    %dma_wait3A_1390 = tpu.memref_slice %arg6[%dma_wait3A_1382, %dma_wait3A_1389] : memref<96x128xi32, #tpu.memory_space<vmem>> -> memref<1x128xi32, #tpu.memory_space<vmem>>
    %dma_wait3A_1391 = tpu.memref_squeeze %dma_wait3A_1390 : memref<1x128xi32, #tpu.memory_space<vmem>> -> memref<128xi32, #tpu.memory_space<vmem>>
    %dma_wait3A_1392 = arith.constant 0 : i32
    %dma_wait3A_1393 = arith.constant 0 : i32
    %dma_wait3A_1394 = tpu.memref_slice %arg2[%dma_wait3A_1392, %dma_wait3A_1393] : memref<10000x16xf32, #tpu.memory_space<hbm>> -> memref<10000x16xf32, #tpu.memory_space<hbm>>
    tpu.wait_indirect_dma semaphore(%arg13 : memref<!tpu.dma_semaphore, #tpu.memory_space<semaphore_mem>>) src(%dma_wait3A_1394 : memref<10000x16xf32, #tpu.memory_space<hbm>>) dst(%dma_wait3A_1388 : memref<128x16xf32, #tpu.memory_space<vmem>>)
    %dma_wait3A_1395 = arith.constant 0 : i32
    %dma_wait3A_1396 = arith.constant 0 : i32
    %dma_wait3A_1397 = arith.constant 0 : i32
    %dma_wait3A_1398 = arith.constant 0 : i32
    %dma_wait3A_1399 = arith.constant 0 : i32
    %dma_wait3A_1400 = tpu.memref_slice %arg8[%dma_wait3A_1396, %dma_wait3A_1397, %dma_wait3A_1398, %dma_wait3A_1399] : memref<2x16x128x16xf32, #tpu.memory_space<vmem>> -> memref<1x1x128x16xf32, #tpu.memory_space<vmem>>
    %dma_wait3A_1401 = tpu.memref_squeeze %dma_wait3A_1400 : memref<1x1x128x16xf32, #tpu.memory_space<vmem>> -> memref<128x16xf32, #tpu.memory_space<vmem>>
    %dma_wait3A_1402 = arith.constant 0 : i32
    %dma_wait3A_1403 = tpu.memref_slice %arg6[%dma_wait3A_1395, %dma_wait3A_1402] : memref<96x128xi32, #tpu.memory_space<vmem>> -> memref<1x128xi32, #tpu.memory_space<vmem>>
    %dma_wait3A_1404 = tpu.memref_squeeze %dma_wait3A_1403 : memref<1x128xi32, #tpu.memory_space<vmem>> -> memref<128xi32, #tpu.memory_space<vmem>>
    %dma_wait3A_1405 = arith.constant 0 : i32
    %dma_wait3A_1406 = arith.constant 0 : i32
    %dma_wait3A_1407 = tpu.memref_slice %arg2[%dma_wait3A_1405, %dma_wait3A_1406] : memref<10000x16xf32, #tpu.memory_space<hbm>> -> memref<10000x16xf32, #tpu.memory_space<hbm>>
    tpu.wait_indirect_dma semaphore(%arg13 : memref<!tpu.dma_semaphore, #tpu.memory_space<semaphore_mem>>) src(%dma_wait3A_1407 : memref<10000x16xf32, #tpu.memory_space<hbm>>) dst(%dma_wait3A_1401 : memref<128x16xf32, #tpu.memory_space<vmem>>)
    %dma_wait3A_1408 = arith.constant 0 : i32
    %dma_wait3A_1409 = arith.constant 0 : i32
    %dma_wait3A_1410 = arith.constant 0 : i32
    %dma_wait3A_1411 = arith.constant 0 : i32
    %dma_wait3A_1412 = arith.constant 0 : i32
    %dma_wait3A_1413 = tpu.memref_slice %arg8[%dma_wait3A_1409, %dma_wait3A_1410, %dma_wait3A_1411, %dma_wait3A_1412] : memref<2x16x128x16xf32, #tpu.memory_space<vmem>> -> memref<1x1x128x16xf32, #tpu.memory_space<vmem>>
    %dma_wait3A_1414 = tpu.memref_squeeze %dma_wait3A_1413 : memref<1x1x128x16xf32, #tpu.memory_space<vmem>> -> memref<128x16xf32, #tpu.memory_space<vmem>>
    %dma_wait3A_1415 = arith.constant 0 : i32
    %dma_wait3A_1416 = tpu.memref_slice %arg6[%dma_wait3A_1408, %dma_wait3A_1415] : memref<96x128xi32, #tpu.memory_space<vmem>> -> memref<1x128xi32, #tpu.memory_space<vmem>>
    %dma_wait3A_1417 = tpu.memref_squeeze %dma_wait3A_1416 : memref<1x128xi32, #tpu.memory_space<vmem>> -> memref<128xi32, #tpu.memory_space<vmem>>
    %dma_wait3A_1418 = arith.constant 0 : i32
    %dma_wait3A_1419 = arith.constant 0 : i32
    %dma_wait3A_1420 = tpu.memref_slice %arg2[%dma_wait3A_1418, %dma_wait3A_1419] : memref<10000x16xf32, #tpu.memory_space<hbm>> -> memref<10000x16xf32, #tpu.memory_space<hbm>>
    tpu.wait_indirect_dma semaphore(%arg13 : memref<!tpu.dma_semaphore, #tpu.memory_space<semaphore_mem>>) src(%dma_wait3A_1420 : memref<10000x16xf32, #tpu.memory_space<hbm>>) dst(%dma_wait3A_1414 : memref<128x16xf32, #tpu.memory_space<vmem>>)
    %dma_wait3A_1421 = arith.constant 0 : i32
    %dma_wait3A_1422 = arith.constant 0 : i32
    %dma_wait3A_1423 = arith.constant 0 : i32
    %dma_wait3A_1424 = arith.constant 0 : i32
    %dma_wait3A_1425 = arith.constant 0 : i32
    %dma_wait3A_1426 = tpu.memref_slice %arg8[%dma_wait3A_1422, %dma_wait3A_1423, %dma_wait3A_1424, %dma_wait3A_1425] : memref<2x16x128x16xf32, #tpu.memory_space<vmem>> -> memref<1x1x128x16xf32, #tpu.memory_space<vmem>>
    %dma_wait3A_1427 = tpu.memref_squeeze %dma_wait3A_1426 : memref<1x1x128x16xf32, #tpu.memory_space<vmem>> -> memref<128x16xf32, #tpu.memory_space<vmem>>
    %dma_wait3A_1428 = arith.constant 0 : i32
    %dma_wait3A_1429 = tpu.memref_slice %arg6[%dma_wait3A_1421, %dma_wait3A_1428] : memref<96x128xi32, #tpu.memory_space<vmem>> -> memref<1x128xi32, #tpu.memory_space<vmem>>
    %dma_wait3A_1430 = tpu.memref_squeeze %dma_wait3A_1429 : memref<1x128xi32, #tpu.memory_space<vmem>> -> memref<128xi32, #tpu.memory_space<vmem>>
    %dma_wait3A_1431 = arith.constant 0 : i32
    %dma_wait3A_1432 = arith.constant 0 : i32
    %dma_wait3A_1433 = tpu.memref_slice %arg2[%dma_wait3A_1431, %dma_wait3A_1432] : memref<10000x16xf32, #tpu.memory_space<hbm>> -> memref<10000x16xf32, #tpu.memory_space<hbm>>
    tpu.wait_indirect_dma semaphore(%arg13 : memref<!tpu.dma_semaphore, #tpu.memory_space<semaphore_mem>>) src(%dma_wait3A_1433 : memref<10000x16xf32, #tpu.memory_space<hbm>>) dst(%dma_wait3A_1427 : memref<128x16xf32, #tpu.memory_space<vmem>>)
    %dma_wait3A_1434 = arith.constant 0 : i32
    %dma_wait3A_1435 = arith.constant 0 : i32
    %dma_wait3A_1436 = arith.constant 0 : i32
    %dma_wait3A_1437 = arith.constant 0 : i32
    %dma_wait3A_1438 = arith.constant 0 : i32
    %dma_wait3A_1439 = tpu.memref_slice %arg8[%dma_wait3A_1435, %dma_wait3A_1436, %dma_wait3A_1437, %dma_wait3A_1438] : memref<2x16x128x16xf32, #tpu.memory_space<vmem>> -> memref<1x1x128x16xf32, #tpu.memory_space<vmem>>
    %dma_wait3A_1440 = tpu.memref_squeeze %dma_wait3A_1439 : memref<1x1x128x16xf32, #tpu.memory_space<vmem>> -> memref<128x16xf32, #tpu.memory_space<vmem>>
    %dma_wait3A_1441 = arith.constant 0 : i32
    %dma_wait3A_1442 = tpu.memref_slice %arg6[%dma_wait3A_1434, %dma_wait3A_1441] : memref<96x128xi32, #tpu.memory_space<vmem>> -> memref<1x128xi32, #tpu.memory_space<vmem>>
    %dma_wait3A_1443 = tpu.memref_squeeze %dma_wait3A_1442 : memref<1x128xi32, #tpu.memory_space<vmem>> -> memref<128xi32, #tpu.memory_space<vmem>>
    %dma_wait3A_1444 = arith.constant 0 : i32
    %dma_wait3A_1445 = arith.constant 0 : i32
    %dma_wait3A_1446 = tpu.memref_slice %arg2[%dma_wait3A_1444, %dma_wait3A_1445] : memref<10000x16xf32, #tpu.memory_space<hbm>> -> memref<10000x16xf32, #tpu.memory_space<hbm>>
    tpu.wait_indirect_dma semaphore(%arg13 : memref<!tpu.dma_semaphore, #tpu.memory_space<semaphore_mem>>) src(%dma_wait3A_1446 : memref<10000x16xf32, #tpu.memory_space<hbm>>) dst(%dma_wait3A_1440 : memref<128x16xf32, #tpu.memory_space<vmem>>)
    %dma_wait3A_1447 = arith.constant 0 : i32
    %dma_wait3A_1448 = arith.constant 0 : i32
    %dma_wait3A_1449 = arith.constant 0 : i32
    %dma_wait3A_1450 = arith.constant 0 : i32
    %dma_wait3A_1451 = arith.constant 0 : i32
    %dma_wait3A_1452 = tpu.memref_slice %arg8[%dma_wait3A_1448, %dma_wait3A_1449, %dma_wait3A_1450, %dma_wait3A_1451] : memref<2x16x128x16xf32, #tpu.memory_space<vmem>> -> memref<1x1x128x16xf32, #tpu.memory_space<vmem>>
    %dma_wait3A_1453 = tpu.memref_squeeze %dma_wait3A_1452 : memref<1x1x128x16xf32, #tpu.memory_space<vmem>> -> memref<128x16xf32, #tpu.memory_space<vmem>>
    %dma_wait3A_1454 = arith.constant 0 : i32
    %dma_wait3A_1455 = tpu.memref_slice %arg6[%dma_wait3A_1447, %dma_wait3A_1454] : memref<96x128xi32, #tpu.memory_space<vmem>> -> memref<1x128xi32, #tpu.memory_space<vmem>>
    %dma_wait3A_1456 = tpu.memref_squeeze %dma_wait3A_1455 : memref<1x128xi32, #tpu.memory_space<vmem>> -> memref<128xi32, #tpu.memory_space<vmem>>
    %dma_wait3A_1457 = arith.constant 0 : i32
    %dma_wait3A_1458 = arith.constant 0 : i32
    %dma_wait3A_1459 = tpu.memref_slice %arg2[%dma_wait3A_1457, %dma_wait3A_1458] : memref<10000x16xf32, #tpu.memory_space<hbm>> -> memref<10000x16xf32, #tpu.memory_space<hbm>>
    tpu.wait_indirect_dma semaphore(%arg13 : memref<!tpu.dma_semaphore, #tpu.memory_space<semaphore_mem>>) src(%dma_wait3A_1459 : memref<10000x16xf32, #tpu.memory_space<hbm>>) dst(%dma_wait3A_1453 : memref<128x16xf32, #tpu.memory_space<vmem>>)
    %dma_wait3A_1460 = arith.constant 0 : i32
    %dma_wait3A_1461 = arith.constant 0 : i32
    %dma_wait3A_1462 = arith.constant 0 : i32
    %dma_wait3A_1463 = arith.constant 0 : i32
    %dma_wait3A_1464 = arith.constant 0 : i32
    %dma_wait3A_1465 = tpu.memref_slice %arg8[%dma_wait3A_1461, %dma_wait3A_1462, %dma_wait3A_1463, %dma_wait3A_1464] : memref<2x16x128x16xf32, #tpu.memory_space<vmem>> -> memref<1x1x128x16xf32, #tpu.memory_space<vmem>>
    %dma_wait3A_1466 = tpu.memref_squeeze %dma_wait3A_1465 : memref<1x1x128x16xf32, #tpu.memory_space<vmem>> -> memref<128x16xf32, #tpu.memory_space<vmem>>
    %dma_wait3A_1467 = arith.constant 0 : i32
    %dma_wait3A_1468 = tpu.memref_slice %arg6[%dma_wait3A_1460, %dma_wait3A_1467] : memref<96x128xi32, #tpu.memory_space<vmem>> -> memref<1x128xi32, #tpu.memory_space<vmem>>
    %dma_wait3A_1469 = tpu.memref_squeeze %dma_wait3A_1468 : memref<1x128xi32, #tpu.memory_space<vmem>> -> memref<128xi32, #tpu.memory_space<vmem>>
    %dma_wait3A_1470 = arith.constant 0 : i32
    %dma_wait3A_1471 = arith.constant 0 : i32
    %dma_wait3A_1472 = tpu.memref_slice %arg2[%dma_wait3A_1470, %dma_wait3A_1471] : memref<10000x16xf32, #tpu.memory_space<hbm>> -> memref<10000x16xf32, #tpu.memory_space<hbm>>
    tpu.wait_indirect_dma semaphore(%arg13 : memref<!tpu.dma_semaphore, #tpu.memory_space<semaphore_mem>>) src(%dma_wait3A_1472 : memref<10000x16xf32, #tpu.memory_space<hbm>>) dst(%dma_wait3A_1466 : memref<128x16xf32, #tpu.memory_space<vmem>>)
    %dma_wait3A_1473 = arith.constant 0 : i32
    %dma_wait3A_1474 = arith.constant 0 : i32
    %dma_wait3A_1475 = arith.constant 0 : i32
    %dma_wait3A_1476 = arith.constant 0 : i32
    %dma_wait3A_1477 = arith.constant 0 : i32
    %dma_wait3A_1478 = tpu.memref_slice %arg8[%dma_wait3A_1474, %dma_wait3A_1475, %dma_wait3A_1476, %dma_wait3A_1477] : memref<2x16x128x16xf32, #tpu.memory_space<vmem>> -> memref<1x1x128x16xf32, #tpu.memory_space<vmem>>
    %dma_wait3A_1479 = tpu.memref_squeeze %dma_wait3A_1478 : memref<1x1x128x16xf32, #tpu.memory_space<vmem>> -> memref<128x16xf32, #tpu.memory_space<vmem>>
    %dma_wait3A_1480 = arith.constant 0 : i32
    %dma_wait3A_1481 = tpu.memref_slice %arg6[%dma_wait3A_1473, %dma_wait3A_1480] : memref<96x128xi32, #tpu.memory_space<vmem>> -> memref<1x128xi32, #tpu.memory_space<vmem>>
    %dma_wait3A_1482 = tpu.memref_squeeze %dma_wait3A_1481 : memref<1x128xi32, #tpu.memory_space<vmem>> -> memref<128xi32, #tpu.memory_space<vmem>>
    %dma_wait3A_1483 = arith.constant 0 : i32
    %dma_wait3A_1484 = arith.constant 0 : i32
    %dma_wait3A_1485 = tpu.memref_slice %arg2[%dma_wait3A_1483, %dma_wait3A_1484] : memref<10000x16xf32, #tpu.memory_space<hbm>> -> memref<10000x16xf32, #tpu.memory_space<hbm>>
    tpu.wait_indirect_dma semaphore(%arg13 : memref<!tpu.dma_semaphore, #tpu.memory_space<semaphore_mem>>) src(%dma_wait3A_1485 : memref<10000x16xf32, #tpu.memory_space<hbm>>) dst(%dma_wait3A_1479 : memref<128x16xf32, #tpu.memory_space<vmem>>)
    %dma_wait3A_1486 = arith.constant 0 : i32
    %dma_wait3A_1487 = arith.constant 0 : i32
    %dma_wait3A_1488 = arith.constant 0 : i32
    %dma_wait3A_1489 = arith.constant 0 : i32
    %dma_wait3A_1490 = arith.constant 0 : i32
    %dma_wait3A_1491 = tpu.memref_slice %arg8[%dma_wait3A_1487, %dma_wait3A_1488, %dma_wait3A_1489, %dma_wait3A_1490] : memref<2x16x128x16xf32, #tpu.memory_space<vmem>> -> memref<1x1x128x16xf32, #tpu.memory_space<vmem>>
    %dma_wait3A_1492 = tpu.memref_squeeze %dma_wait3A_1491 : memref<1x1x128x16xf32, #tpu.memory_space<vmem>> -> memref<128x16xf32, #tpu.memory_space<vmem>>
    %dma_wait3A_1493 = arith.constant 0 : i32
    %dma_wait3A_1494 = tpu.memref_slice %arg6[%dma_wait3A_1486, %dma_wait3A_1493] : memref<96x128xi32, #tpu.memory_space<vmem>> -> memref<1x128xi32, #tpu.memory_space<vmem>>
    %dma_wait3A_1495 = tpu.memref_squeeze %dma_wait3A_1494 : memref<1x128xi32, #tpu.memory_space<vmem>> -> memref<128xi32, #tpu.memory_space<vmem>>
    %dma_wait3A_1496 = arith.constant 0 : i32
    %dma_wait3A_1497 = arith.constant 0 : i32
    %dma_wait3A_1498 = tpu.memref_slice %arg2[%dma_wait3A_1496, %dma_wait3A_1497] : memref<10000x16xf32, #tpu.memory_space<hbm>> -> memref<10000x16xf32, #tpu.memory_space<hbm>>
    tpu.wait_indirect_dma semaphore(%arg13 : memref<!tpu.dma_semaphore, #tpu.memory_space<semaphore_mem>>) src(%dma_wait3A_1498 : memref<10000x16xf32, #tpu.memory_space<hbm>>) dst(%dma_wait3A_1492 : memref<128x16xf32, #tpu.memory_space<vmem>>)
    %dma_wait3A_1499 = arith.constant 0 : i32
    %dma_wait3A_1500 = arith.constant 0 : i32
    %dma_wait3A_1501 = arith.constant 0 : i32
    %dma_wait3A_1502 = arith.constant 0 : i32
    %dma_wait3A_1503 = arith.constant 0 : i32
    %dma_wait3A_1504 = tpu.memref_slice %arg8[%dma_wait3A_1500, %dma_wait3A_1501, %dma_wait3A_1502, %dma_wait3A_1503] : memref<2x16x128x16xf32, #tpu.memory_space<vmem>> -> memref<1x1x128x16xf32, #tpu.memory_space<vmem>>
    %dma_wait3A_1505 = tpu.memref_squeeze %dma_wait3A_1504 : memref<1x1x128x16xf32, #tpu.memory_space<vmem>> -> memref<128x16xf32, #tpu.memory_space<vmem>>
    %dma_wait3A_1506 = arith.constant 0 : i32
    %dma_wait3A_1507 = tpu.memref_slice %arg6[%dma_wait3A_1499, %dma_wait3A_1506] : memref<96x128xi32, #tpu.memory_space<vmem>> -> memref<1x128xi32, #tpu.memory_space<vmem>>
    %dma_wait3A_1508 = tpu.memref_squeeze %dma_wait3A_1507 : memref<1x128xi32, #tpu.memory_space<vmem>> -> memref<128xi32, #tpu.memory_space<vmem>>
    %dma_wait3A_1509 = arith.constant 0 : i32
    %dma_wait3A_1510 = arith.constant 0 : i32
    %dma_wait3A_1511 = tpu.memref_slice %arg2[%dma_wait3A_1509, %dma_wait3A_1510] : memref<10000x16xf32, #tpu.memory_space<hbm>> -> memref<10000x16xf32, #tpu.memory_space<hbm>>
    tpu.wait_indirect_dma semaphore(%arg13 : memref<!tpu.dma_semaphore, #tpu.memory_space<semaphore_mem>>) src(%dma_wait3A_1511 : memref<10000x16xf32, #tpu.memory_space<hbm>>) dst(%dma_wait3A_1505 : memref<128x16xf32, #tpu.memory_space<vmem>>)
    %dma_wait3A_1512 = arith.constant 0 : i32
    %dma_wait3A_1513 = arith.constant 0 : i32
    %dma_wait3A_1514 = arith.constant 0 : i32
    %dma_wait3A_1515 = arith.constant 0 : i32
    %dma_wait3A_1516 = arith.constant 0 : i32
    %dma_wait3A_1517 = tpu.memref_slice %arg8[%dma_wait3A_1513, %dma_wait3A_1514, %dma_wait3A_1515, %dma_wait3A_1516] : memref<2x16x128x16xf32, #tpu.memory_space<vmem>> -> memref<1x1x128x16xf32, #tpu.memory_space<vmem>>
    %dma_wait3A_1518 = tpu.memref_squeeze %dma_wait3A_1517 : memref<1x1x128x16xf32, #tpu.memory_space<vmem>> -> memref<128x16xf32, #tpu.memory_space<vmem>>
    %dma_wait3A_1519 = arith.constant 0 : i32
    %dma_wait3A_1520 = tpu.memref_slice %arg6[%dma_wait3A_1512, %dma_wait3A_1519] : memref<96x128xi32, #tpu.memory_space<vmem>> -> memref<1x128xi32, #tpu.memory_space<vmem>>
    %dma_wait3A_1521 = tpu.memref_squeeze %dma_wait3A_1520 : memref<1x128xi32, #tpu.memory_space<vmem>> -> memref<128xi32, #tpu.memory_space<vmem>>
    %dma_wait3A_1522 = arith.constant 0 : i32
    %dma_wait3A_1523 = arith.constant 0 : i32
    %dma_wait3A_1524 = tpu.memref_slice %arg2[%dma_wait3A_1522, %dma_wait3A_1523] : memref<10000x16xf32, #tpu.memory_space<hbm>> -> memref<10000x16xf32, #tpu.memory_space<hbm>>
    tpu.wait_indirect_dma semaphore(%arg13 : memref<!tpu.dma_semaphore, #tpu.memory_space<semaphore_mem>>) src(%dma_wait3A_1524 : memref<10000x16xf32, #tpu.memory_space<hbm>>) dst(%dma_wait3A_1518 : memref<128x16xf32, #tpu.memory_space<vmem>>)
    %dma_wait3A_1525 = arith.constant 0 : i32
    %dma_wait3A_1526 = arith.constant 0 : i32
    %dma_wait3A_1527 = arith.constant 0 : i32
    %dma_wait3A_1528 = arith.constant 0 : i32
    %dma_wait3A_1529 = arith.constant 0 : i32
    %dma_wait3A_1530 = tpu.memref_slice %arg8[%dma_wait3A_1526, %dma_wait3A_1527, %dma_wait3A_1528, %dma_wait3A_1529] : memref<2x16x128x16xf32, #tpu.memory_space<vmem>> -> memref<1x1x128x16xf32, #tpu.memory_space<vmem>>
    %dma_wait3A_1531 = tpu.memref_squeeze %dma_wait3A_1530 : memref<1x1x128x16xf32, #tpu.memory_space<vmem>> -> memref<128x16xf32, #tpu.memory_space<vmem>>
    %dma_wait3A_1532 = arith.constant 0 : i32
    %dma_wait3A_1533 = tpu.memref_slice %arg6[%dma_wait3A_1525, %dma_wait3A_1532] : memref<96x128xi32, #tpu.memory_space<vmem>> -> memref<1x128xi32, #tpu.memory_space<vmem>>
    %dma_wait3A_1534 = tpu.memref_squeeze %dma_wait3A_1533 : memref<1x128xi32, #tpu.memory_space<vmem>> -> memref<128xi32, #tpu.memory_space<vmem>>
    %dma_wait3A_1535 = arith.constant 0 : i32
    %dma_wait3A_1536 = arith.constant 0 : i32
    %dma_wait3A_1537 = tpu.memref_slice %arg2[%dma_wait3A_1535, %dma_wait3A_1536] : memref<10000x16xf32, #tpu.memory_space<hbm>> -> memref<10000x16xf32, #tpu.memory_space<hbm>>
    tpu.wait_indirect_dma semaphore(%arg13 : memref<!tpu.dma_semaphore, #tpu.memory_space<semaphore_mem>>) src(%dma_wait3A_1537 : memref<10000x16xf32, #tpu.memory_space<hbm>>) dst(%dma_wait3A_1531 : memref<128x16xf32, #tpu.memory_space<vmem>>)
    %dma_wait3A_1538 = arith.constant 0 : i32
    %dma_wait3A_1539 = arith.constant 0 : i32
    %dma_wait3A_1540 = arith.constant 0 : i32
    %dma_wait3A_1541 = arith.constant 0 : i32
    %dma_wait3A_1542 = arith.constant 0 : i32
    %dma_wait3A_1543 = tpu.memref_slice %arg8[%dma_wait3A_1539, %dma_wait3A_1540, %dma_wait3A_1541, %dma_wait3A_1542] : memref<2x16x128x16xf32, #tpu.memory_space<vmem>> -> memref<1x1x128x16xf32, #tpu.memory_space<vmem>>
    %dma_wait3A_1544 = tpu.memref_squeeze %dma_wait3A_1543 : memref<1x1x128x16xf32, #tpu.memory_space<vmem>> -> memref<128x16xf32, #tpu.memory_space<vmem>>
    %dma_wait3A_1545 = arith.constant 0 : i32
    %dma_wait3A_1546 = tpu.memref_slice %arg6[%dma_wait3A_1538, %dma_wait3A_1545] : memref<96x128xi32, #tpu.memory_space<vmem>> -> memref<1x128xi32, #tpu.memory_space<vmem>>
    %dma_wait3A_1547 = tpu.memref_squeeze %dma_wait3A_1546 : memref<1x128xi32, #tpu.memory_space<vmem>> -> memref<128xi32, #tpu.memory_space<vmem>>
    %dma_wait3A_1548 = arith.constant 0 : i32
    %dma_wait3A_1549 = arith.constant 0 : i32
    %dma_wait3A_1550 = tpu.memref_slice %arg2[%dma_wait3A_1548, %dma_wait3A_1549] : memref<10000x16xf32, #tpu.memory_space<hbm>> -> memref<10000x16xf32, #tpu.memory_space<hbm>>
    tpu.wait_indirect_dma semaphore(%arg13 : memref<!tpu.dma_semaphore, #tpu.memory_space<semaphore_mem>>) src(%dma_wait3A_1550 : memref<10000x16xf32, #tpu.memory_space<hbm>>) dst(%dma_wait3A_1544 : memref<128x16xf32, #tpu.memory_space<vmem>>)
    %dma_wait3A_1551 = arith.constant 0 : i32
    %dma_wait3A_1552 = arith.constant 0 : i32
    %dma_wait3A_1553 = arith.constant 0 : i32
    %dma_wait3A_1554 = arith.constant 0 : i32
    %dma_wait3A_1555 = arith.constant 0 : i32
    %dma_wait3A_1556 = tpu.memref_slice %arg8[%dma_wait3A_1552, %dma_wait3A_1553, %dma_wait3A_1554, %dma_wait3A_1555] : memref<2x16x128x16xf32, #tpu.memory_space<vmem>> -> memref<1x1x128x16xf32, #tpu.memory_space<vmem>>
    %dma_wait3A_1557 = tpu.memref_squeeze %dma_wait3A_1556 : memref<1x1x128x16xf32, #tpu.memory_space<vmem>> -> memref<128x16xf32, #tpu.memory_space<vmem>>
    %dma_wait3A_1558 = arith.constant 0 : i32
    %dma_wait3A_1559 = tpu.memref_slice %arg6[%dma_wait3A_1551, %dma_wait3A_1558] : memref<96x128xi32, #tpu.memory_space<vmem>> -> memref<1x128xi32, #tpu.memory_space<vmem>>
    %dma_wait3A_1560 = tpu.memref_squeeze %dma_wait3A_1559 : memref<1x128xi32, #tpu.memory_space<vmem>> -> memref<128xi32, #tpu.memory_space<vmem>>
    %dma_wait3A_1561 = arith.constant 0 : i32
    %dma_wait3A_1562 = arith.constant 0 : i32
    %dma_wait3A_1563 = tpu.memref_slice %arg2[%dma_wait3A_1561, %dma_wait3A_1562] : memref<10000x16xf32, #tpu.memory_space<hbm>> -> memref<10000x16xf32, #tpu.memory_space<hbm>>
    tpu.wait_indirect_dma semaphore(%arg13 : memref<!tpu.dma_semaphore, #tpu.memory_space<semaphore_mem>>) src(%dma_wait3A_1563 : memref<10000x16xf32, #tpu.memory_space<hbm>>) dst(%dma_wait3A_1557 : memref<128x16xf32, #tpu.memory_space<vmem>>)
    %dma_wait3A_1564 = arith.constant 0 : i32
    %dma_wait3A_1565 = arith.constant 0 : i32
    %dma_wait3A_1566 = arith.constant 0 : i32
    %dma_wait3A_1567 = arith.constant 0 : i32
    %dma_wait3A_1568 = arith.constant 0 : i32
    %dma_wait3A_1569 = tpu.memref_slice %arg8[%dma_wait3A_1565, %dma_wait3A_1566, %dma_wait3A_1567, %dma_wait3A_1568] : memref<2x16x128x16xf32, #tpu.memory_space<vmem>> -> memref<1x1x128x16xf32, #tpu.memory_space<vmem>>
    %dma_wait3A_1570 = tpu.memref_squeeze %dma_wait3A_1569 : memref<1x1x128x16xf32, #tpu.memory_space<vmem>> -> memref<128x16xf32, #tpu.memory_space<vmem>>
    %dma_wait3A_1571 = arith.constant 0 : i32
    %dma_wait3A_1572 = tpu.memref_slice %arg6[%dma_wait3A_1564, %dma_wait3A_1571] : memref<96x128xi32, #tpu.memory_space<vmem>> -> memref<1x128xi32, #tpu.memory_space<vmem>>
    %dma_wait3A_1573 = tpu.memref_squeeze %dma_wait3A_1572 : memref<1x128xi32, #tpu.memory_space<vmem>> -> memref<128xi32, #tpu.memory_space<vmem>>
    %dma_wait3A_1574 = arith.constant 0 : i32
    %dma_wait3A_1575 = arith.constant 0 : i32
    %dma_wait3A_1576 = tpu.memref_slice %arg2[%dma_wait3A_1574, %dma_wait3A_1575] : memref<10000x16xf32, #tpu.memory_space<hbm>> -> memref<10000x16xf32, #tpu.memory_space<hbm>>
    tpu.wait_indirect_dma semaphore(%arg13 : memref<!tpu.dma_semaphore, #tpu.memory_space<semaphore_mem>>) src(%dma_wait3A_1576 : memref<10000x16xf32, #tpu.memory_space<hbm>>) dst(%dma_wait3A_1570 : memref<128x16xf32, #tpu.memory_space<vmem>>)
    %dma_wait3A_1577 = arith.constant 0 : i32
    %dma_wait3A_1578 = arith.constant 0 : i32
    %dma_wait3A_1579 = arith.constant 0 : i32
    %dma_wait3A_1580 = arith.constant 0 : i32
    %dma_wait3A_1581 = arith.constant 0 : i32
    %dma_wait3A_1582 = tpu.memref_slice %arg8[%dma_wait3A_1578, %dma_wait3A_1579, %dma_wait3A_1580, %dma_wait3A_1581] : memref<2x16x128x16xf32, #tpu.memory_space<vmem>> -> memref<1x1x128x16xf32, #tpu.memory_space<vmem>>
    %dma_wait3A_1583 = tpu.memref_squeeze %dma_wait3A_1582 : memref<1x1x128x16xf32, #tpu.memory_space<vmem>> -> memref<128x16xf32, #tpu.memory_space<vmem>>
    %dma_wait3A_1584 = arith.constant 0 : i32
    %dma_wait3A_1585 = tpu.memref_slice %arg6[%dma_wait3A_1577, %dma_wait3A_1584] : memref<96x128xi32, #tpu.memory_space<vmem>> -> memref<1x128xi32, #tpu.memory_space<vmem>>
    %dma_wait3A_1586 = tpu.memref_squeeze %dma_wait3A_1585 : memref<1x128xi32, #tpu.memory_space<vmem>> -> memref<128xi32, #tpu.memory_space<vmem>>
    %dma_wait3A_1587 = arith.constant 0 : i32
    %dma_wait3A_1588 = arith.constant 0 : i32
    %dma_wait3A_1589 = tpu.memref_slice %arg2[%dma_wait3A_1587, %dma_wait3A_1588] : memref<10000x16xf32, #tpu.memory_space<hbm>> -> memref<10000x16xf32, #tpu.memory_space<hbm>>
    tpu.wait_indirect_dma semaphore(%arg13 : memref<!tpu.dma_semaphore, #tpu.memory_space<semaphore_mem>>) src(%dma_wait3A_1589 : memref<10000x16xf32, #tpu.memory_space<hbm>>) dst(%dma_wait3A_1583 : memref<128x16xf32, #tpu.memory_space<vmem>>)
    %dma_wait3A_1590 = arith.constant 0 : i32
    %dma_wait3A_1591 = arith.constant 0 : i32
    %dma_wait3A_1592 = arith.constant 0 : i32
    %dma_wait3A_1593 = arith.constant 0 : i32
    %dma_wait3A_1594 = arith.constant 0 : i32
    %dma_wait3A_1595 = tpu.memref_slice %arg8[%dma_wait3A_1591, %dma_wait3A_1592, %dma_wait3A_1593, %dma_wait3A_1594] : memref<2x16x128x16xf32, #tpu.memory_space<vmem>> -> memref<1x1x128x16xf32, #tpu.memory_space<vmem>>
    %dma_wait3A_1596 = tpu.memref_squeeze %dma_wait3A_1595 : memref<1x1x128x16xf32, #tpu.memory_space<vmem>> -> memref<128x16xf32, #tpu.memory_space<vmem>>
    %dma_wait3A_1597 = arith.constant 0 : i32
    %dma_wait3A_1598 = tpu.memref_slice %arg6[%dma_wait3A_1590, %dma_wait3A_1597] : memref<96x128xi32, #tpu.memory_space<vmem>> -> memref<1x128xi32, #tpu.memory_space<vmem>>
    %dma_wait3A_1599 = tpu.memref_squeeze %dma_wait3A_1598 : memref<1x128xi32, #tpu.memory_space<vmem>> -> memref<128xi32, #tpu.memory_space<vmem>>
    %dma_wait3A_1600 = arith.constant 0 : i32
    %dma_wait3A_1601 = arith.constant 0 : i32
    %dma_wait3A_1602 = tpu.memref_slice %arg2[%dma_wait3A_1600, %dma_wait3A_1601] : memref<10000x16xf32, #tpu.memory_space<hbm>> -> memref<10000x16xf32, #tpu.memory_space<hbm>>
    tpu.wait_indirect_dma semaphore(%arg13 : memref<!tpu.dma_semaphore, #tpu.memory_space<semaphore_mem>>) src(%dma_wait3A_1602 : memref<10000x16xf32, #tpu.memory_space<hbm>>) dst(%dma_wait3A_1596 : memref<128x16xf32, #tpu.memory_space<vmem>>)
    %dma_wait3A_1603 = arith.constant 0 : i32
    %dma_wait3A_1604 = arith.constant 0 : i32
    %dma_wait3A_1605 = arith.constant 0 : i32
    %dma_wait3A_1606 = arith.constant 0 : i32
    %dma_wait3A_1607 = arith.constant 0 : i32
    %dma_wait3A_1608 = tpu.memref_slice %arg8[%dma_wait3A_1604, %dma_wait3A_1605, %dma_wait3A_1606, %dma_wait3A_1607] : memref<2x16x128x16xf32, #tpu.memory_space<vmem>> -> memref<1x1x128x16xf32, #tpu.memory_space<vmem>>
    %dma_wait3A_1609 = tpu.memref_squeeze %dma_wait3A_1608 : memref<1x1x128x16xf32, #tpu.memory_space<vmem>> -> memref<128x16xf32, #tpu.memory_space<vmem>>
    %dma_wait3A_1610 = arith.constant 0 : i32
    %dma_wait3A_1611 = tpu.memref_slice %arg6[%dma_wait3A_1603, %dma_wait3A_1610] : memref<96x128xi32, #tpu.memory_space<vmem>> -> memref<1x128xi32, #tpu.memory_space<vmem>>
    %dma_wait3A_1612 = tpu.memref_squeeze %dma_wait3A_1611 : memref<1x128xi32, #tpu.memory_space<vmem>> -> memref<128xi32, #tpu.memory_space<vmem>>
    %dma_wait3A_1613 = arith.constant 0 : i32
    %dma_wait3A_1614 = arith.constant 0 : i32
    %dma_wait3A_1615 = tpu.memref_slice %arg2[%dma_wait3A_1613, %dma_wait3A_1614] : memref<10000x16xf32, #tpu.memory_space<hbm>> -> memref<10000x16xf32, #tpu.memory_space<hbm>>
    tpu.wait_indirect_dma semaphore(%arg13 : memref<!tpu.dma_semaphore, #tpu.memory_space<semaphore_mem>>) src(%dma_wait3A_1615 : memref<10000x16xf32, #tpu.memory_space<hbm>>) dst(%dma_wait3A_1609 : memref<128x16xf32, #tpu.memory_space<vmem>>)
    %dma_wait3A_1616 = arith.constant 0 : i32
    %dma_wait3A_1617 = arith.constant 0 : i32
    %dma_wait3A_1618 = arith.constant 0 : i32
    %dma_wait3A_1619 = arith.constant 0 : i32
    %dma_wait3A_1620 = arith.constant 0 : i32
    %dma_wait3A_1621 = tpu.memref_slice %arg8[%dma_wait3A_1617, %dma_wait3A_1618, %dma_wait3A_1619, %dma_wait3A_1620] : memref<2x16x128x16xf32, #tpu.memory_space<vmem>> -> memref<1x1x128x16xf32, #tpu.memory_space<vmem>>
    %dma_wait3A_1622 = tpu.memref_squeeze %dma_wait3A_1621 : memref<1x1x128x16xf32, #tpu.memory_space<vmem>> -> memref<128x16xf32, #tpu.memory_space<vmem>>
    %dma_wait3A_1623 = arith.constant 0 : i32
    %dma_wait3A_1624 = tpu.memref_slice %arg6[%dma_wait3A_1616, %dma_wait3A_1623] : memref<96x128xi32, #tpu.memory_space<vmem>> -> memref<1x128xi32, #tpu.memory_space<vmem>>
    %dma_wait3A_1625 = tpu.memref_squeeze %dma_wait3A_1624 : memref<1x128xi32, #tpu.memory_space<vmem>> -> memref<128xi32, #tpu.memory_space<vmem>>
    %dma_wait3A_1626 = arith.constant 0 : i32
    %dma_wait3A_1627 = arith.constant 0 : i32
    %dma_wait3A_1628 = tpu.memref_slice %arg2[%dma_wait3A_1626, %dma_wait3A_1627] : memref<10000x16xf32, #tpu.memory_space<hbm>> -> memref<10000x16xf32, #tpu.memory_space<hbm>>
    tpu.wait_indirect_dma semaphore(%arg13 : memref<!tpu.dma_semaphore, #tpu.memory_space<semaphore_mem>>) src(%dma_wait3A_1628 : memref<10000x16xf32, #tpu.memory_space<hbm>>) dst(%dma_wait3A_1622 : memref<128x16xf32, #tpu.memory_space<vmem>>)
    %dma_wait3A_1629 = arith.constant 0 : i32
    %dma_wait3A_1630 = arith.constant 0 : i32
    %dma_wait3A_1631 = arith.constant 0 : i32
    %dma_wait3A_1632 = arith.constant 0 : i32
    %dma_wait3A_1633 = arith.constant 0 : i32
    %dma_wait3A_1634 = tpu.memref_slice %arg8[%dma_wait3A_1630, %dma_wait3A_1631, %dma_wait3A_1632, %dma_wait3A_1633] : memref<2x16x128x16xf32, #tpu.memory_space<vmem>> -> memref<1x1x128x16xf32, #tpu.memory_space<vmem>>
    %dma_wait3A_1635 = tpu.memref_squeeze %dma_wait3A_1634 : memref<1x1x128x16xf32, #tpu.memory_space<vmem>> -> memref<128x16xf32, #tpu.memory_space<vmem>>
    %dma_wait3A_1636 = arith.constant 0 : i32
    %dma_wait3A_1637 = tpu.memref_slice %arg6[%dma_wait3A_1629, %dma_wait3A_1636] : memref<96x128xi32, #tpu.memory_space<vmem>> -> memref<1x128xi32, #tpu.memory_space<vmem>>
    %dma_wait3A_1638 = tpu.memref_squeeze %dma_wait3A_1637 : memref<1x128xi32, #tpu.memory_space<vmem>> -> memref<128xi32, #tpu.memory_space<vmem>>
    %dma_wait3A_1639 = arith.constant 0 : i32
    %dma_wait3A_1640 = arith.constant 0 : i32
    %dma_wait3A_1641 = tpu.memref_slice %arg2[%dma_wait3A_1639, %dma_wait3A_1640] : memref<10000x16xf32, #tpu.memory_space<hbm>> -> memref<10000x16xf32, #tpu.memory_space<hbm>>
    tpu.wait_indirect_dma semaphore(%arg13 : memref<!tpu.dma_semaphore, #tpu.memory_space<semaphore_mem>>) src(%dma_wait3A_1641 : memref<10000x16xf32, #tpu.memory_space<hbm>>) dst(%dma_wait3A_1635 : memref<128x16xf32, #tpu.memory_space<vmem>>)
    %dma_wait3A_1642 = arith.constant 0 : i32
    %dma_wait3A_1643 = arith.constant 0 : i32
    %dma_wait3A_1644 = arith.constant 0 : i32
    %dma_wait3A_1645 = arith.constant 0 : i32
    %dma_wait3A_1646 = arith.constant 0 : i32
    %dma_wait3A_1647 = tpu.memref_slice %arg8[%dma_wait3A_1643, %dma_wait3A_1644, %dma_wait3A_1645, %dma_wait3A_1646] : memref<2x16x128x16xf32, #tpu.memory_space<vmem>> -> memref<1x1x128x16xf32, #tpu.memory_space<vmem>>
    %dma_wait3A_1648 = tpu.memref_squeeze %dma_wait3A_1647 : memref<1x1x128x16xf32, #tpu.memory_space<vmem>> -> memref<128x16xf32, #tpu.memory_space<vmem>>
    %dma_wait3A_1649 = arith.constant 0 : i32
    %dma_wait3A_1650 = tpu.memref_slice %arg6[%dma_wait3A_1642, %dma_wait3A_1649] : memref<96x128xi32, #tpu.memory_space<vmem>> -> memref<1x128xi32, #tpu.memory_space<vmem>>
    %dma_wait3A_1651 = tpu.memref_squeeze %dma_wait3A_1650 : memref<1x128xi32, #tpu.memory_space<vmem>> -> memref<128xi32, #tpu.memory_space<vmem>>
    %dma_wait3A_1652 = arith.constant 0 : i32
    %dma_wait3A_1653 = arith.constant 0 : i32
    %dma_wait3A_1654 = tpu.memref_slice %arg2[%dma_wait3A_1652, %dma_wait3A_1653] : memref<10000x16xf32, #tpu.memory_space<hbm>> -> memref<10000x16xf32, #tpu.memory_space<hbm>>
    tpu.wait_indirect_dma semaphore(%arg13 : memref<!tpu.dma_semaphore, #tpu.memory_space<semaphore_mem>>) src(%dma_wait3A_1654 : memref<10000x16xf32, #tpu.memory_space<hbm>>) dst(%dma_wait3A_1648 : memref<128x16xf32, #tpu.memory_space<vmem>>)
    %dma_wait3A_1655 = arith.constant 0 : i32
    %dma_wait3A_1656 = arith.constant 0 : i32
    %dma_wait3A_1657 = arith.constant 0 : i32
    %dma_wait3A_1658 = arith.constant 0 : i32
    %dma_wait3A_1659 = arith.constant 0 : i32
    %dma_wait3A_1660 = tpu.memref_slice %arg8[%dma_wait3A_1656, %dma_wait3A_1657, %dma_wait3A_1658, %dma_wait3A_1659] : memref<2x16x128x16xf32, #tpu.memory_space<vmem>> -> memref<1x1x128x16xf32, #tpu.memory_space<vmem>>
    %dma_wait3A_1661 = tpu.memref_squeeze %dma_wait3A_1660 : memref<1x1x128x16xf32, #tpu.memory_space<vmem>> -> memref<128x16xf32, #tpu.memory_space<vmem>>
    %dma_wait3A_1662 = arith.constant 0 : i32
    %dma_wait3A_1663 = tpu.memref_slice %arg6[%dma_wait3A_1655, %dma_wait3A_1662] : memref<96x128xi32, #tpu.memory_space<vmem>> -> memref<1x128xi32, #tpu.memory_space<vmem>>
    %dma_wait3A_1664 = tpu.memref_squeeze %dma_wait3A_1663 : memref<1x128xi32, #tpu.memory_space<vmem>> -> memref<128xi32, #tpu.memory_space<vmem>>
    %dma_wait3A_1665 = arith.constant 0 : i32
    %dma_wait3A_1666 = arith.constant 0 : i32
    %dma_wait3A_1667 = tpu.memref_slice %arg2[%dma_wait3A_1665, %dma_wait3A_1666] : memref<10000x16xf32, #tpu.memory_space<hbm>> -> memref<10000x16xf32, #tpu.memory_space<hbm>>
    tpu.wait_indirect_dma semaphore(%arg13 : memref<!tpu.dma_semaphore, #tpu.memory_space<semaphore_mem>>) src(%dma_wait3A_1667 : memref<10000x16xf32, #tpu.memory_space<hbm>>) dst(%dma_wait3A_1661 : memref<128x16xf32, #tpu.memory_space<vmem>>)
    %dma_wait3A_1668 = arith.constant 0 : i32
    %dma_wait3A_1669 = arith.constant 0 : i32
    %dma_wait3A_1670 = arith.constant 0 : i32
    %dma_wait3A_1671 = arith.constant 0 : i32
    %dma_wait3A_1672 = arith.constant 0 : i32
    %dma_wait3A_1673 = tpu.memref_slice %arg8[%dma_wait3A_1669, %dma_wait3A_1670, %dma_wait3A_1671, %dma_wait3A_1672] : memref<2x16x128x16xf32, #tpu.memory_space<vmem>> -> memref<1x1x128x16xf32, #tpu.memory_space<vmem>>
    %dma_wait3A_1674 = tpu.memref_squeeze %dma_wait3A_1673 : memref<1x1x128x16xf32, #tpu.memory_space<vmem>> -> memref<128x16xf32, #tpu.memory_space<vmem>>
    %dma_wait3A_1675 = arith.constant 0 : i32
    %dma_wait3A_1676 = tpu.memref_slice %arg6[%dma_wait3A_1668, %dma_wait3A_1675] : memref<96x128xi32, #tpu.memory_space<vmem>> -> memref<1x128xi32, #tpu.memory_space<vmem>>
    %dma_wait3A_1677 = tpu.memref_squeeze %dma_wait3A_1676 : memref<1x128xi32, #tpu.memory_space<vmem>> -> memref<128xi32, #tpu.memory_space<vmem>>
    %dma_wait3A_1678 = arith.constant 0 : i32
    %dma_wait3A_1679 = arith.constant 0 : i32
    %dma_wait3A_1680 = tpu.memref_slice %arg2[%dma_wait3A_1678, %dma_wait3A_1679] : memref<10000x16xf32, #tpu.memory_space<hbm>> -> memref<10000x16xf32, #tpu.memory_space<hbm>>
    tpu.wait_indirect_dma semaphore(%arg13 : memref<!tpu.dma_semaphore, #tpu.memory_space<semaphore_mem>>) src(%dma_wait3A_1680 : memref<10000x16xf32, #tpu.memory_space<hbm>>) dst(%dma_wait3A_1674 : memref<128x16xf32, #tpu.memory_space<vmem>>)
    %barrier3A_1681 = arith.constant 0 : index
    tpu.barrier barrier_id(%barrier3A_1681)
    %mul3A_1682 = arith.constant 632 : i32
    %mul3A_1683 = arith.muli %arg1, %mul3A_1682 : i32
    %mul3A_1684 = arith.constant 632 : i32
    %mul3A_1685 = arith.muli %arg1, %mul3A_1684 : i32
    "tpu.region"() ({
      %run_scoped3A = tpu.sem_alloc : memref<!tpu.dma_semaphore, #tpu.memory_space<semaphore_mem>>
      %dma_start3A_1686 = arith.constant 0 : i32
      %dma_start3A_1687 = tpu.memref_slice %arg5[%arg0, %mul3A_1685, %dma_start3A_1686] : memref<2x10112x16xf32, #tpu.memory_space<hbm>> -> memref<1x632x16xf32, #tpu.memory_space<hbm>>
      %dma_start3A_1688 = tpu.memref_squeeze %dma_start3A_1687 : memref<1x632x16xf32, #tpu.memory_space<hbm>> -> memref<632x16xf32, #tpu.memory_space<hbm>>
      %dma_start3A_1689 = arith.constant 0 : i32
      %dma_start3A_1690 = tpu.memref_slice %arg10[%mul3A_1683, %dma_start3A_1689] : memref<10112x16xf32, #tpu.memory_space<vmem_shared>> -> memref<632x16xf32, #tpu.memory_space<vmem_shared>>
      tpu.enqueue_dma source(%dma_start3A_1690 : memref<632x16xf32, #tpu.memory_space<vmem_shared>>) target(%dma_start3A_1688 : memref<632x16xf32, #tpu.memory_space<hbm>>) target_semaphore(%run_scoped3A : memref<!tpu.dma_semaphore, #tpu.memory_space<semaphore_mem>>)
      %dma_wait3A_1691 = arith.constant 0 : i32
      %dma_wait3A_1692 = tpu.memref_slice %arg5[%arg0, %mul3A_1685, %dma_wait3A_1691] : memref<2x10112x16xf32, #tpu.memory_space<hbm>> -> memref<1x632x16xf32, #tpu.memory_space<hbm>>
      %dma_wait3A_1693 = tpu.memref_squeeze %dma_wait3A_1692 : memref<1x632x16xf32, #tpu.memory_space<hbm>> -> memref<632x16xf32, #tpu.memory_space<hbm>>
      %dma_wait3A_1694 = arith.constant 0 : i32
      %dma_wait3A_1695 = tpu.memref_slice %arg10[%mul3A_1683, %dma_wait3A_1694] : memref<10112x16xf32, #tpu.memory_space<vmem_shared>> -> memref<632x16xf32, #tpu.memory_space<vmem_shared>>
      tpu.wait_dma2 semaphore(%run_scoped3A : memref<!tpu.dma_semaphore, #tpu.memory_space<semaphore_mem>>) src(%dma_wait3A_1695 : memref<632x16xf32, #tpu.memory_space<vmem_shared>>) dst(%dma_wait3A_1693 : memref<632x16xf32, #tpu.memory_space<hbm>>)
      tpu.yield
    }) : () -> ()
    return
  }
}

#map = affine_map<(d0, d1) -> (0, 0)>
module attributes {stable_mosaic.version = 14 : i64} {
  func.func @deg_k(%arg0: i32, %arg1: i32, %arg2: memref<32x12288xi32, #tpu.memory_space<hbm>>, %arg3: memref<32x10112xf32, #tpu.memory_space<hbm>>, %arg4: memref<12288xi32, #tpu.memory_space<vmem>>, %arg5: memref<10112xf32, #tpu.memory_space<vmem>>) attributes {dimension_semantics = [#tpu.dimension_semantics<core_parallel>, #tpu.dimension_semantics<subcore_parallel>], iteration_bounds = array<i64: 2, 16>, scalar_prefetch = 0 : i64, scratch_operands = 2 : i64, tpu.core_type = #tpu.core_type<sc_vector_subcore>, window_params = [{transform_indices = #map}, {transform_indices = #map}]} {
    %mul3A = arith.constant 2 : i32
    %mul3A_0 = arith.muli %arg1, %mul3A : i32
    %add3A = arith.addi %mul3A_0, %arg0 : i32
    "tpu.region"() ({
      %run_scoped3A = tpu.sem_alloc : memref<!tpu.dma_semaphore, #tpu.memory_space<semaphore_mem>>
      %dma_start3A = arith.constant 0 : i32
      %dma_start3A_15 = tpu.memref_slice %arg2[%add3A, %dma_start3A] : memref<32x12288xi32, #tpu.memory_space<hbm>> -> memref<1x12288xi32, #tpu.memory_space<hbm>>
      %dma_start3A_16 = tpu.memref_squeeze %dma_start3A_15 : memref<1x12288xi32, #tpu.memory_space<hbm>> -> memref<12288xi32, #tpu.memory_space<hbm>>
      %dma_start3A_17 = arith.constant 0 : i32
      %dma_start3A_18 = tpu.memref_slice %arg2[%add3A, %dma_start3A_17] : memref<32x12288xi32, #tpu.memory_space<hbm>> -> memref<1x12288xi32, #tpu.memory_space<hbm>>
      %dma_start3A_19 = tpu.memref_squeeze %dma_start3A_18 : memref<1x12288xi32, #tpu.memory_space<hbm>> -> memref<12288xi32, #tpu.memory_space<hbm>>
      tpu.enqueue_dma source(%dma_start3A_19 : memref<12288xi32, #tpu.memory_space<hbm>>) target(%arg4 : memref<12288xi32, #tpu.memory_space<vmem>>) target_semaphore(%run_scoped3A : memref<!tpu.dma_semaphore, #tpu.memory_space<semaphore_mem>>)
      %dma_wait3A = arith.constant 0 : i32
      %dma_wait3A_20 = tpu.memref_slice %arg2[%add3A, %dma_wait3A] : memref<32x12288xi32, #tpu.memory_space<hbm>> -> memref<1x12288xi32, #tpu.memory_space<hbm>>
      %dma_wait3A_21 = tpu.memref_squeeze %dma_wait3A_20 : memref<1x12288xi32, #tpu.memory_space<hbm>> -> memref<12288xi32, #tpu.memory_space<hbm>>
      %dma_wait3A_22 = arith.constant 0 : i32
      %dma_wait3A_23 = tpu.memref_slice %arg2[%add3A, %dma_wait3A_22] : memref<32x12288xi32, #tpu.memory_space<hbm>> -> memref<1x12288xi32, #tpu.memory_space<hbm>>
      %dma_wait3A_24 = tpu.memref_squeeze %dma_wait3A_23 : memref<1x12288xi32, #tpu.memory_space<hbm>> -> memref<12288xi32, #tpu.memory_space<hbm>>
      tpu.wait_dma2 semaphore(%run_scoped3A : memref<!tpu.dma_semaphore, #tpu.memory_space<semaphore_mem>>) src(%dma_wait3A_24 : memref<12288xi32, #tpu.memory_space<hbm>>) dst(%arg4 : memref<12288xi32, #tpu.memory_space<vmem>>)
      tpu.yield
    }) : () -> ()
    %broadcast_in_dim3A = arith.constant 0.000000e+00 : f32
    %broadcast_in_dim3A_1 = vector.broadcast %broadcast_in_dim3A : f32 to vector<16xf32>
    %scan3A = arith.constant 0 : i32
    %scan3A_2 = arith.constant 0 : i32
    %scan3A_3 = arith.constant 79 : i32
    %scan3A_4 = arith.addi %scan3A_2, %scan3A_3 : i32
    %scan3A_5 = arith.constant 1 : i32
    scf.for %scan3A_15 = %scan3A_2 to %scan3A_4 step %scan3A_5  : i32 {
      %mul3A_16 = arith.constant 8 : i32
      %mul3A_17 = arith.muli %scan3A_15, %mul3A_16 : i32
      %add3A_18 = arith.constant 0 : i32
      %add3A_19 = arith.addi %mul3A_17, %add3A_18 : i32
      %mul3A_20 = arith.constant 16 : i32
      %mul3A_21 = arith.muli %add3A_19, %mul3A_20 : i32
      %swap3A = arith.index_cast %mul3A_21 : i32 to index
      %swap3A_22 = tpu.vector_load %arg5[%swap3A] {strides = array<i32>} : memref<10112xf32, #tpu.memory_space<vmem>>, vector<16xf32>,
      tpu.vector_store %arg5[%swap3A], %broadcast_in_dim3A_1 {strides = array<i32>} : memref<10112xf32, #tpu.memory_space<vmem>>, vector<16xf32>,
      %mul3A_23 = arith.constant 8 : i32
      %mul3A_24 = arith.muli %scan3A_15, %mul3A_23 : i32
      %add3A_25 = arith.constant 1 : i32
      %add3A_26 = arith.addi %mul3A_24, %add3A_25 : i32
      %mul3A_27 = arith.constant 16 : i32
      %mul3A_28 = arith.muli %add3A_26, %mul3A_27 : i32
      %swap3A_29 = arith.index_cast %mul3A_28 : i32 to index
      %swap3A_30 = tpu.vector_load %arg5[%swap3A_29] {strides = array<i32>} : memref<10112xf32, #tpu.memory_space<vmem>>, vector<16xf32>,
      tpu.vector_store %arg5[%swap3A_29], %broadcast_in_dim3A_1 {strides = array<i32>} : memref<10112xf32, #tpu.memory_space<vmem>>, vector<16xf32>,
      %mul3A_31 = arith.constant 8 : i32
      %mul3A_32 = arith.muli %scan3A_15, %mul3A_31 : i32
      %add3A_33 = arith.constant 2 : i32
      %add3A_34 = arith.addi %mul3A_32, %add3A_33 : i32
      %mul3A_35 = arith.constant 16 : i32
      %mul3A_36 = arith.muli %add3A_34, %mul3A_35 : i32
      %swap3A_37 = arith.index_cast %mul3A_36 : i32 to index
      %swap3A_38 = tpu.vector_load %arg5[%swap3A_37] {strides = array<i32>} : memref<10112xf32, #tpu.memory_space<vmem>>, vector<16xf32>,
      tpu.vector_store %arg5[%swap3A_37], %broadcast_in_dim3A_1 {strides = array<i32>} : memref<10112xf32, #tpu.memory_space<vmem>>, vector<16xf32>,
      %mul3A_39 = arith.constant 8 : i32
      %mul3A_40 = arith.muli %scan3A_15, %mul3A_39 : i32
      %add3A_41 = arith.constant 3 : i32
      %add3A_42 = arith.addi %mul3A_40, %add3A_41 : i32
      %mul3A_43 = arith.constant 16 : i32
      %mul3A_44 = arith.muli %add3A_42, %mul3A_43 : i32
      %swap3A_45 = arith.index_cast %mul3A_44 : i32 to index
      %swap3A_46 = tpu.vector_load %arg5[%swap3A_45] {strides = array<i32>} : memref<10112xf32, #tpu.memory_space<vmem>>, vector<16xf32>,
      tpu.vector_store %arg5[%swap3A_45], %broadcast_in_dim3A_1 {strides = array<i32>} : memref<10112xf32, #tpu.memory_space<vmem>>, vector<16xf32>,
      %mul3A_47 = arith.constant 8 : i32
      %mul3A_48 = arith.muli %scan3A_15, %mul3A_47 : i32
      %add3A_49 = arith.constant 4 : i32
      %add3A_50 = arith.addi %mul3A_48, %add3A_49 : i32
      %mul3A_51 = arith.constant 16 : i32
      %mul3A_52 = arith.muli %add3A_50, %mul3A_51 : i32
      %swap3A_53 = arith.index_cast %mul3A_52 : i32 to index
      %swap3A_54 = tpu.vector_load %arg5[%swap3A_53] {strides = array<i32>} : memref<10112xf32, #tpu.memory_space<vmem>>, vector<16xf32>,
      tpu.vector_store %arg5[%swap3A_53], %broadcast_in_dim3A_1 {strides = array<i32>} : memref<10112xf32, #tpu.memory_space<vmem>>, vector<16xf32>,
      %mul3A_55 = arith.constant 8 : i32
      %mul3A_56 = arith.muli %scan3A_15, %mul3A_55 : i32
      %add3A_57 = arith.constant 5 : i32
      %add3A_58 = arith.addi %mul3A_56, %add3A_57 : i32
      %mul3A_59 = arith.constant 16 : i32
      %mul3A_60 = arith.muli %add3A_58, %mul3A_59 : i32
      %swap3A_61 = arith.index_cast %mul3A_60 : i32 to index
      %swap3A_62 = tpu.vector_load %arg5[%swap3A_61] {strides = array<i32>} : memref<10112xf32, #tpu.memory_space<vmem>>, vector<16xf32>,
      tpu.vector_store %arg5[%swap3A_61], %broadcast_in_dim3A_1 {strides = array<i32>} : memref<10112xf32, #tpu.memory_space<vmem>>, vector<16xf32>,
      %mul3A_63 = arith.constant 8 : i32
      %mul3A_64 = arith.muli %scan3A_15, %mul3A_63 : i32
      %add3A_65 = arith.constant 6 : i32
      %add3A_66 = arith.addi %mul3A_64, %add3A_65 : i32
      %mul3A_67 = arith.constant 16 : i32
      %mul3A_68 = arith.muli %add3A_66, %mul3A_67 : i32
      %swap3A_69 = arith.index_cast %mul3A_68 : i32 to index
      %swap3A_70 = tpu.vector_load %arg5[%swap3A_69] {strides = array<i32>} : memref<10112xf32, #tpu.memory_space<vmem>>, vector<16xf32>,
      tpu.vector_store %arg5[%swap3A_69], %broadcast_in_dim3A_1 {strides = array<i32>} : memref<10112xf32, #tpu.memory_space<vmem>>, vector<16xf32>,
      %mul3A_71 = arith.constant 8 : i32
      %mul3A_72 = arith.muli %scan3A_15, %mul3A_71 : i32
      %add3A_73 = arith.constant 7 : i32
      %add3A_74 = arith.addi %mul3A_72, %add3A_73 : i32
      %mul3A_75 = arith.constant 16 : i32
      %mul3A_76 = arith.muli %add3A_74, %mul3A_75 : i32
      %swap3A_77 = arith.index_cast %mul3A_76 : i32 to index
      %swap3A_78 = tpu.vector_load %arg5[%swap3A_77] {strides = array<i32>} : memref<10112xf32, #tpu.memory_space<vmem>>, vector<16xf32>,
      tpu.vector_store %arg5[%swap3A_77], %broadcast_in_dim3A_1 {strides = array<i32>} : memref<10112xf32, #tpu.memory_space<vmem>>, vector<16xf32>,
    }
    %scan3A_6 = arith.constant 79 : i32
    %broadcast_in_dim3A_7 = arith.constant 1.000000e+00 : f32
    %broadcast_in_dim3A_8 = vector.broadcast %broadcast_in_dim3A_7 : f32 to vector<16xf32>
    %scan3A_9 = arith.constant 0 : i32
    %scan3A_10 = arith.constant 0 : i32
    %scan3A_11 = arith.constant 96 : i32
    %scan3A_12 = arith.addi %scan3A_10, %scan3A_11 : i32
    %scan3A_13 = arith.constant 1 : i32
    scf.for %scan3A_15 = %scan3A_10 to %scan3A_12 step %scan3A_13  : i32 {
      %mul3A_16 = arith.constant 8 : i32
      %mul3A_17 = arith.muli %scan3A_15, %mul3A_16 : i32
      %add3A_18 = arith.constant 0 : i32
      %add3A_19 = arith.addi %mul3A_17, %add3A_18 : i32
      %mul3A_20 = arith.constant 16 : i32
      %mul3A_21 = arith.muli %add3A_19, %mul3A_20 : i32
      %get3A = arith.index_cast %mul3A_21 : i32 to index
      %get3A_22 = tpu.vector_load %arg4[%get3A] {strides = array<i32>} : memref<12288xi32, #tpu.memory_space<vmem>>, vector<16xi32>,
      tpu.vector_store_idx %arg5[%get3A_22], %broadcast_in_dim3A_8 {add = true} : memref<10112xf32, #tpu.memory_space<vmem>>[vector<16xi32>], vector<16xf32>,
      %mul3A_23 = arith.constant 8 : i32
      %mul3A_24 = arith.muli %scan3A_15, %mul3A_23 : i32
      %add3A_25 = arith.constant 1 : i32
      %add3A_26 = arith.addi %mul3A_24, %add3A_25 : i32
      %mul3A_27 = arith.constant 16 : i32
      %mul3A_28 = arith.muli %add3A_26, %mul3A_27 : i32
      %get3A_29 = arith.index_cast %mul3A_28 : i32 to index
      %get3A_30 = tpu.vector_load %arg4[%get3A_29] {strides = array<i32>} : memref<12288xi32, #tpu.memory_space<vmem>>, vector<16xi32>,
      tpu.vector_store_idx %arg5[%get3A_30], %broadcast_in_dim3A_8 {add = true} : memref<10112xf32, #tpu.memory_space<vmem>>[vector<16xi32>], vector<16xf32>,
      %mul3A_31 = arith.constant 8 : i32
      %mul3A_32 = arith.muli %scan3A_15, %mul3A_31 : i32
      %add3A_33 = arith.constant 2 : i32
      %add3A_34 = arith.addi %mul3A_32, %add3A_33 : i32
      %mul3A_35 = arith.constant 16 : i32
      %mul3A_36 = arith.muli %add3A_34, %mul3A_35 : i32
      %get3A_37 = arith.index_cast %mul3A_36 : i32 to index
      %get3A_38 = tpu.vector_load %arg4[%get3A_37] {strides = array<i32>} : memref<12288xi32, #tpu.memory_space<vmem>>, vector<16xi32>,
      tpu.vector_store_idx %arg5[%get3A_38], %broadcast_in_dim3A_8 {add = true} : memref<10112xf32, #tpu.memory_space<vmem>>[vector<16xi32>], vector<16xf32>,
      %mul3A_39 = arith.constant 8 : i32
      %mul3A_40 = arith.muli %scan3A_15, %mul3A_39 : i32
      %add3A_41 = arith.constant 3 : i32
      %add3A_42 = arith.addi %mul3A_40, %add3A_41 : i32
      %mul3A_43 = arith.constant 16 : i32
      %mul3A_44 = arith.muli %add3A_42, %mul3A_43 : i32
      %get3A_45 = arith.index_cast %mul3A_44 : i32 to index
      %get3A_46 = tpu.vector_load %arg4[%get3A_45] {strides = array<i32>} : memref<12288xi32, #tpu.memory_space<vmem>>, vector<16xi32>,
      tpu.vector_store_idx %arg5[%get3A_46], %broadcast_in_dim3A_8 {add = true} : memref<10112xf32, #tpu.memory_space<vmem>>[vector<16xi32>], vector<16xf32>,
      %mul3A_47 = arith.constant 8 : i32
      %mul3A_48 = arith.muli %scan3A_15, %mul3A_47 : i32
      %add3A_49 = arith.constant 4 : i32
      %add3A_50 = arith.addi %mul3A_48, %add3A_49 : i32
      %mul3A_51 = arith.constant 16 : i32
      %mul3A_52 = arith.muli %add3A_50, %mul3A_51 : i32
      %get3A_53 = arith.index_cast %mul3A_52 : i32 to index
      %get3A_54 = tpu.vector_load %arg4[%get3A_53] {strides = array<i32>} : memref<12288xi32, #tpu.memory_space<vmem>>, vector<16xi32>,
      tpu.vector_store_idx %arg5[%get3A_54], %broadcast_in_dim3A_8 {add = true} : memref<10112xf32, #tpu.memory_space<vmem>>[vector<16xi32>], vector<16xf32>,
      %mul3A_55 = arith.constant 8 : i32
      %mul3A_56 = arith.muli %scan3A_15, %mul3A_55 : i32
      %add3A_57 = arith.constant 5 : i32
      %add3A_58 = arith.addi %mul3A_56, %add3A_57 : i32
      %mul3A_59 = arith.constant 16 : i32
      %mul3A_60 = arith.muli %add3A_58, %mul3A_59 : i32
      %get3A_61 = arith.index_cast %mul3A_60 : i32 to index
      %get3A_62 = tpu.vector_load %arg4[%get3A_61] {strides = array<i32>} : memref<12288xi32, #tpu.memory_space<vmem>>, vector<16xi32>,
      tpu.vector_store_idx %arg5[%get3A_62], %broadcast_in_dim3A_8 {add = true} : memref<10112xf32, #tpu.memory_space<vmem>>[vector<16xi32>], vector<16xf32>,
      %mul3A_63 = arith.constant 8 : i32
      %mul3A_64 = arith.muli %scan3A_15, %mul3A_63 : i32
      %add3A_65 = arith.constant 6 : i32
      %add3A_66 = arith.addi %mul3A_64, %add3A_65 : i32
      %mul3A_67 = arith.constant 16 : i32
      %mul3A_68 = arith.muli %add3A_66, %mul3A_67 : i32
      %get3A_69 = arith.index_cast %mul3A_68 : i32 to index
      %get3A_70 = tpu.vector_load %arg4[%get3A_69] {strides = array<i32>} : memref<12288xi32, #tpu.memory_space<vmem>>, vector<16xi32>,
      tpu.vector_store_idx %arg5[%get3A_70], %broadcast_in_dim3A_8 {add = true} : memref<10112xf32, #tpu.memory_space<vmem>>[vector<16xi32>], vector<16xf32>,
      %mul3A_71 = arith.constant 8 : i32
      %mul3A_72 = arith.muli %scan3A_15, %mul3A_71 : i32
      %add3A_73 = arith.constant 7 : i32
      %add3A_74 = arith.addi %mul3A_72, %add3A_73 : i32
      %mul3A_75 = arith.constant 16 : i32
      %mul3A_76 = arith.muli %add3A_74, %mul3A_75 : i32
      %get3A_77 = arith.index_cast %mul3A_76 : i32 to index
      %get3A_78 = tpu.vector_load %arg4[%get3A_77] {strides = array<i32>} : memref<12288xi32, #tpu.memory_space<vmem>>, vector<16xi32>,
      tpu.vector_store_idx %arg5[%get3A_78], %broadcast_in_dim3A_8 {add = true} : memref<10112xf32, #tpu.memory_space<vmem>>[vector<16xi32>], vector<16xf32>,
    }
    %scan3A_14 = arith.constant 96 : i32
    "tpu.region"() ({
      %run_scoped3A = tpu.sem_alloc : memref<!tpu.dma_semaphore, #tpu.memory_space<semaphore_mem>>
      %dma_start3A = arith.constant 0 : i32
      %dma_start3A_15 = tpu.memref_slice %arg3[%add3A, %dma_start3A] : memref<32x10112xf32, #tpu.memory_space<hbm>> -> memref<1x10112xf32, #tpu.memory_space<hbm>>
      %dma_start3A_16 = tpu.memref_squeeze %dma_start3A_15 : memref<1x10112xf32, #tpu.memory_space<hbm>> -> memref<10112xf32, #tpu.memory_space<hbm>>
      %dma_start3A_17 = arith.constant 0 : i32
      %dma_start3A_18 = tpu.memref_slice %arg3[%add3A, %dma_start3A_17] : memref<32x10112xf32, #tpu.memory_space<hbm>> -> memref<1x10112xf32, #tpu.memory_space<hbm>>
      %dma_start3A_19 = tpu.memref_squeeze %dma_start3A_18 : memref<1x10112xf32, #tpu.memory_space<hbm>> -> memref<10112xf32, #tpu.memory_space<hbm>>
      tpu.enqueue_dma source(%arg5 : memref<10112xf32, #tpu.memory_space<vmem>>) target(%dma_start3A_19 : memref<10112xf32, #tpu.memory_space<hbm>>) target_semaphore(%run_scoped3A : memref<!tpu.dma_semaphore, #tpu.memory_space<semaphore_mem>>)
      %dma_wait3A = arith.constant 0 : i32
      %dma_wait3A_20 = tpu.memref_slice %arg3[%add3A, %dma_wait3A] : memref<32x10112xf32, #tpu.memory_space<hbm>> -> memref<1x10112xf32, #tpu.memory_space<hbm>>
      %dma_wait3A_21 = tpu.memref_squeeze %dma_wait3A_20 : memref<1x10112xf32, #tpu.memory_space<hbm>> -> memref<10112xf32, #tpu.memory_space<hbm>>
      %dma_wait3A_22 = arith.constant 0 : i32
      %dma_wait3A_23 = tpu.memref_slice %arg3[%add3A, %dma_wait3A_22] : memref<32x10112xf32, #tpu.memory_space<hbm>> -> memref<1x10112xf32, #tpu.memory_space<hbm>>
      %dma_wait3A_24 = tpu.memref_squeeze %dma_wait3A_23 : memref<1x10112xf32, #tpu.memory_space<hbm>> -> memref<10112xf32, #tpu.memory_space<hbm>>
      tpu.wait_dma2 semaphore(%run_scoped3A : memref<!tpu.dma_semaphore, #tpu.memory_space<semaphore_mem>>) src(%arg5 : memref<10112xf32, #tpu.memory_space<vmem>>) dst(%dma_wait3A_24 : memref<10112xf32, #tpu.memory_space<hbm>>)
      tpu.yield
    }) : () -> ()
    return
  }
}

module attributes {stable_mosaic.version = 14 : i64} {
  func.func @body(%arg0: memref<10000x128xf32, #tpu.memory_space<vmem>>, %arg1: memref<16x128xf32, #tpu.memory_space<vmem>>, %arg2: memref<32x10112xf32, #tpu.memory_space<vmem>>, %arg3: memref<10000x16xf32, #tpu.memory_space<vmem>>, %arg4: memref<10000xf32, #tpu.memory_space<vmem>>) attributes {dimension_semantics = [], scalar_prefetch = 0 : i64, scratch_operands = 0 : i64, tpu.core_type = #tpu.core_type<tc>} {
    %get3A = arith.constant 0 : index
    %get3A_0 = arith.constant 0 : index
    %get3A_1 = vector.load %arg0[%get3A, %get3A_0] : memref<10000x128xf32, #tpu.memory_space<vmem>>, vector<10000x128xf32>
    %get3A_2 = arith.constant 0 : index
    %get3A_3 = arith.constant 0 : index
    %get3A_4 = vector.load %arg1[%get3A_2, %get3A_3] : memref<16x128xf32, #tpu.memory_space<vmem>>, vector<16x128xf32>
    %dot_general3A = arith.constant dense<0.000000e+00> : vector<10000x16xf32>
    %dot_general3A_5 = tpu.matmul %get3A_1, %get3A_4, %dot_general3A {dimension_numbers = #tpu.dot_dimension_numbers<[1], [1], [0], [0], [0, 0, 1, 0], [], []>, transpose_lhs_hint = false} : vector<10000x128xf32>, vector<16x128xf32>, vector<10000x16xf32> -> vector<10000x16xf32>
    %get3A_6 = arith.constant 0 : index
    %get3A_7 = arith.constant 0 : index
    %get3A_8 = vector.load %arg2[%get3A_6, %get3A_7] : memref<32x10112xf32, #tpu.memory_space<vmem>>, vector<32x10000xf32>
    %reduce_sum3A = arith.constant dense<0.000000e+00> : vector<10000xf32>
    %reduce_sum3A_9 = vector.multi_reduction <add>, %get3A_8, %reduce_sum3A [0] : vector<32x10000xf32> to vector<10000xf32>
    %add3A = arith.constant 1.000000e+00 : f32
    %add3A_10 = vector.broadcast %add3A : f32 to vector<10000xf32>
    %add3A_11 = arith.addf %reduce_sum3A_9, %add3A_10 : vector<10000xf32>
    %rsqrt3A = math.rsqrt %add3A_11 : vector<10000xf32>
    %broadcast_in_dim3A = vector.shape_cast %rsqrt3A : vector<10000xf32> to vector<10000x1xf32>
    %mul3A = vector.broadcast %broadcast_in_dim3A : vector<10000x1xf32> to vector<10000x16xf32>
    %mul3A_12 = arith.mulf %dot_general3A_5, %mul3A : vector<10000x16xf32>
    %swap3A = arith.constant 0 : index
    %swap3A_13 = arith.constant 0 : index
    %swap3A_14 = vector.load %arg3[%swap3A, %swap3A_13] : memref<10000x16xf32, #tpu.memory_space<vmem>>, vector<10000x16xf32>
    tpu.vector_store %arg3[%swap3A, %swap3A_13], %mul3A_12 {strides = array<i32>} : memref<10000x16xf32, #tpu.memory_space<vmem>>, vector<10000x16xf32>,
    %swap3A_15 = arith.constant 0 : index
    %swap3A_16 = vector.load %arg4[%swap3A_15] : memref<10000xf32, #tpu.memory_space<vmem>>, vector<10000xf32>
    tpu.vector_store %arg4[%swap3A_15], %rsqrt3A {strides = array<i32>} : memref<10000xf32, #tpu.memory_space<vmem>>, vector<10000xf32>,
    return
  }
}

module attributes {stable_mosaic.version = 14 : i64} {
  func.func @body(%arg0: memref<2x10112x16xf32, #tpu.memory_space<vmem>>, %arg1: memref<10000x16xf32, #tpu.memory_space<vmem>>, %arg2: memref<10000xf32, #tpu.memory_space<vmem>>, %arg3: memref<16xf32, #tpu.memory_space<vmem>>, %arg4: memref<10000x16xf32, #tpu.memory_space<vmem>>) attributes {dimension_semantics = [], scalar_prefetch = 0 : i64, scratch_operands = 0 : i64, tpu.core_type = #tpu.core_type<tc>} {
    %get3A = arith.constant 0 : index
    %get3A_0 = arith.constant 0 : index
    %get3A_1 = arith.constant 0 : index
    %get3A_2 = vector.load %arg0[%get3A, %get3A_0, %get3A_1] : memref<2x10112x16xf32, #tpu.memory_space<vmem>>, vector<2x10000x16xf32>
    %reduce_sum3A = arith.constant dense<0.000000e+00> : vector<10000x16xf32>
    %reduce_sum3A_3 = vector.multi_reduction <add>, %get3A_2, %reduce_sum3A [0] : vector<2x10000x16xf32> to vector<10000x16xf32>
    %get3A_4 = arith.constant 0 : index
    %get3A_5 = arith.constant 0 : index
    %get3A_6 = vector.load %arg1[%get3A_4, %get3A_5] : memref<10000x16xf32, #tpu.memory_space<vmem>>, vector<10000x16xf32>
    %add3A = arith.addf %reduce_sum3A_3, %get3A_6 : vector<10000x16xf32>
    %get3A_7 = arith.constant 0 : index
    %get3A_8 = vector.load %arg2[%get3A_7] : memref<10000xf32, #tpu.memory_space<vmem>>, vector<10000xf32>
    %broadcast_in_dim3A = vector.shape_cast %get3A_8 : vector<10000xf32> to vector<10000x1xf32>
    %mul3A = vector.broadcast %broadcast_in_dim3A : vector<10000x1xf32> to vector<10000x16xf32>
    %mul3A_9 = arith.mulf %add3A, %mul3A : vector<10000x16xf32>
    %get3A_10 = arith.constant 0 : index
    %get3A_11 = vector.load %arg3[%get3A_10] : memref<16xf32, #tpu.memory_space<vmem>>, vector<16xf32>
    %broadcast_in_dim3A_12 = vector.shape_cast %get3A_11 : vector<16xf32> to vector<1x16xf32>
    %add3A_13 = vector.broadcast %broadcast_in_dim3A_12 : vector<1x16xf32> to vector<10000x16xf32>
    %add3A_14 = arith.addf %mul3A_9, %add3A_13 : vector<10000x16xf32>
    %max3A = arith.constant 0.000000e+00 : f32
    %max3A_15 = vector.broadcast %max3A : f32 to vector<10000x16xf32>
    %max3A_16 = arith.maximumf %add3A_14, %max3A_15 : vector<10000x16xf32>
    %swap3A = arith.constant 0 : index
    %swap3A_17 = arith.constant 0 : index
    %swap3A_18 = vector.load %arg4[%swap3A, %swap3A_17] : memref<10000x16xf32, #tpu.memory_space<vmem>>, vector<10000x16xf32>
    tpu.vector_store %arg4[%swap3A, %swap3A_17], %max3A_16 {strides = array<i32>} : memref<10000x16xf32, #tpu.memory_space<vmem>>, vector<10000x16xf32>,
    return
  }
}

</mosaic_0001>

<sc_bundles>
// kernel: kernel.6.cloned.1.call-start
scs
__scs_entry_jumppad:
0x0: {  	(pc) =	sbr.rel $0x88, $3  }
0x1: {  	(tag) =	ssettag $0x0;
	lr =	simm.s32 $0x1  }
0x2: {  	[smem:$0x3F9D] =	sst lr;
	_ =	strace $0xD0000000  }
0x3: {  	_ = 	snop  }
0x4: {  	_ = 	snop  }
0x5: {  	_ = 	snop  }
0x6: {  	_ = 	snop  }
0x7: {  	_ = 	snop  }
__scs_overlays_trampoline_lowered:
0x8: {  	[smem:$0x3FAC] =	sst s0  }
0x9: {  	[smem:$0x3FAD] =	sst s1  }
0xa: {  	[smem:$0x3FAE] =	sst s2  }
0xb: {  	[smem:$0x3FAF] =	sst s3  }
0xc: {  	[smem:$0x3FB0] =	sst s4  }
0xd: {  	[smem:$0x3FB1] =	sst s5  }
0xe: {  	[smem:$0x3FB2] =	sst s6  }
0xf: {  	[smem:$0x3FB3] =	sst s7  }
0x10: {  	[smem:$0x3FB4] =	sst s8  }
0x11: {  	[smem:$0x3FB5] =	sst s9;
	s0 =	simm.s32 @!p0 $0x0  }
0x12: {  	s1 =	sld [smem:$0x3F9B];
	s0 =	simm.s32 @p0 $0x1  }
0x13: {  	[smem:$0x3FB6] =	sst s0;
	s0 =	simm.s32 @!p1 $0x0  }
0x14: {  	s2 =	sld [smem:$0x3F9A];
	s0 =	simm.s32 @p1 $0x1  }
0x15: {  	[smem:$0x3FB7] =	sst s0;
	s0 =	simm.s32 @!p2 $0x0  }
0x16: {  	s3 =	sld [smem:$0x3FDB];
	s0 =	simm.s32 @p2 $0x1  }
0x17: {  	s4 =	simm.s32 $0x1BF5;
	[smem:$0x3FB9] =	sst s0  }
0x18: {  	s0 =	sld [smem:$0x3F9C];
	_ =	swait.ge [sflag:s4], $0x0  }
0x19: {  	s7 =	sld [smem:$0x3F9D]  }
0x1a: {  	s8 =	sadd.s32 $0xFFFFE003, lr  }
0x1b: {  	s9 =	sadd.s32 $0xFFFFFEF7, lr;
	s5 =	simm.s32 $0xFFFFFFFF;
	p2 =	slt.u32 s8, $0xFFFFF086  }
0x1c: {  	p1 =	slt.u32 s9, $0xF7A;
	s5 =	simm.s32 @!p2 $0x0  }
0x1d: {  	s5 =	simm.s32 @p1 $0x1;
	p0 =	seq.s32 s7, s2  }
0x1e: {  	s7 =	smul.u32 @!p0 $0xF7A, s2;
	p2 =	seq.s32 @!p0 s5, $0x0  }
0x1f: {  	s9 =	smul.u32 $0xF7A, s1;
	s8 =	simm.s32 @!p0 $0x1BF5;
	p2 =	por !p2, p0  }
0x20: {  	[sflag:s8] =	ssyncset.s32 @!p0 $0xFFFFF086;
	s6 =	sadd.s32 @!p0 s3, s7;
	s7 =	simm.s32 @!p0 $0x108  }
0x21: {  	s3 =	sadd.s32 s3, s9;
	s6 =	sadd.s32 @!p0 $0x88, s6;
	s7 =	simm.s32 @p2 $0x1082  }
0x22: {  	[simem:s7], [sflag:s8] =	dma.local @!p0 [hbm:s6], $0xF7A  }
0x23: {  	s9 =	sor.u32 $0xD0000000, s2;
	s6 =	simm.s32 $0x108;
	_ =	swait.ge @!p0 [sflag:s8], $0x0  }
0x24: {  	s3 =	sadd.s32 $0x88, s3;
	s6 =	simm.s32 @!p1 $0x1082;
	[sflag:s4] =	ssyncset.s32 $0xFFFFF086  }
0x25: {  	[simem:s6], [sflag:s4] =	dma.local [hbm:s3], $0xF7A  }
0x26: {  	[smem:$0x3F9D] =	sst s1;
	(tag) =	ssettag s2;
	_ =	strace s9  }
0x27: {  	s1 =	sld [smem:$0x3FAD]  }
0x28: {  	s2 =	sld [smem:$0x3FAE]  }
0x29: {  	s4 =	sld [smem:$0x3FB0]  }
0x2a: {  	p0 =	seq.s32 s5, $0x0;
	s5 =	sld [smem:$0x3FB1]  }
0x2b: {  	s6 =	sld [smem:$0x3FB2]  }
0x2c: {  	s7 =	sld [smem:$0x3FB3]  }
0x2d: {  	s3 =	simm.s32 $0x108;
	s8 =	sld [smem:$0x3FB4]  }
0x2e: {  	s3 =	simm.s32 @!p0 $0x1082;
	s9 =	sld [smem:$0x3FB5]  }
0x2f: {  	lr =	sadd.s32 s0, s3;
	s0 =	sld [smem:$0x3FAC]  }
0x30: {  	s3 =	sld [smem:$0x3FAF]  }
0x31: {  	[smem:$0x3FB8] =	sst s10  }
0x32: {  	s10 =	sld [smem:$0x3FB6];
	_ =	sdelay $0x3  }
0x33: {  	p0 =	seq.s32 s10, $0x1;
	s10 =	sld [smem:$0x3FB8];
	_ =	sdelay $0x3  }
0x34: {  	[smem:$0x3FB8] =	sst s10  }
0x35: {  	s10 =	sld [smem:$0x3FB7];
	_ =	sdelay $0x3  }
0x36: {  	p1 =	seq.s32 s10, $0x1;
	s10 =	sld [smem:$0x3FB8];
	_ =	sdelay $0x3  }
0x37: {  	[smem:$0x3FB8] =	sst s10  }
0x38: {  	s10 =	sld [smem:$0x3FB9]  }
0x39: {  	_ = 	snop;
	(pc) =	sbr.ind lr, $3  }
0x3a: {  	_ = 	snop  }
0x3b: {  	_ = 	snop  }
0x3c: {  	p2 =	seq.s32 s10, $0x1;
	s10 =	sld [smem:$0x3FB8]  }
0x3d: {  	_ =	shalt  }
0x3e: {  	_ =	shalt  }
0x3f: {  	_ =	shalt  }
0x40: {  	_ =	shalt  }
0x41: {  	_ =	shalt  }
0x42: {  	_ =	shalt  }
0x43: {  	_ =	shalt  }
0x44: {  	_ =	shalt  }
0x45: {  	_ =	shalt  }
0x46: {  	_ =	shalt  }
0x47: {  	_ =	shalt  }
0x48: {  	_ =	shalt  }
0x49: {  	_ =	shalt  }
0x4a: {  	_ =	shalt  }
0x4b: {  	_ =	shalt  }
0x4c: {  	_ =	shalt  }
0x4d: {  	_ =	shalt  }
0x4e: {  	_ =	shalt  }
0x4f: {  	_ =	shalt  }
0x50: {  	_ =	shalt  }
0x51: {  	_ =	shalt  }
0x52: {  	_ =	shalt  }
0x53: {  	_ =	shalt  }
0x54: {  	_ =	shalt  }
0x55: {  	_ =	shalt  }
0x56: {  	_ =	shalt  }
0x57: {  	_ =	shalt  }
0x58: {  	_ =	shalt  }
0x59: {  	_ =	shalt  }
0x5a: {  	_ =	shalt  }
0x5b: {  	_ =	shalt  }
0x5c: {  	_ =	shalt  }
0x5d: {  	_ =	shalt  }
0x5e: {  	_ =	shalt  }
0x5f: {  	_ =	shalt  }
0x60: {  	_ =	shalt  }
0x61: {  	_ =	shalt  }
0x62: {  	_ =	shalt  }
0x63: {  	_ =	shalt  }
0x64: {  	_ =	shalt  }
0x65: {  	_ =	shalt  }
0x66: {  	_ =	shalt  }
0x67: {  	_ =	shalt  }
0x68: {  	_ =	shalt  }
0x69: {  	_ =	shalt  }
0x6a: {  	_ =	shalt  }
0x6b: {  	_ =	shalt  }
0x6c: {  	_ =	shalt  }
0x6d: {  	_ =	shalt  }
0x6e: {  	_ =	shalt  }
0x6f: {  	_ =	shalt  }
0x70: {  	_ =	shalt  }
0x71: {  	_ =	shalt  }
0x72: {  	_ =	shalt  }
0x73: {  	_ =	shalt  }
0x74: {  	_ =	shalt  }
0x75: {  	_ =	shalt  }
0x76: {  	_ =	shalt  }
0x77: {  	_ =	shalt  }
0x78: {  	_ =	shalt  }
0x79: {  	_ =	shalt  }
0x7a: {  	_ =	shalt  }
0x7b: {  	_ =	shalt  }
0x7c: {  	_ =	shalt  }
0x7d: {  	_ =	shalt  }
0x7e: {  	_ =	shalt  }
0x7f: {  	_ =	shalt  }
0x80: {  	_ =	shalt  }
0x81: {  	_ =	shalt  }
0x82: {  	_ =	shalt  }
0x83: {  	_ =	shalt  }
0x84: {  	_ =	shalt  }
0x85: {  	_ =	shalt  }
0x86: {  	_ =	shalt  }
0x87: {  	_ =	shalt  }
.Lfunc_end0:
.L_simem_size_0:
called_computation_lowered:
.L_overlay_start_0:
0x88: {  	s2 =	sld [smem:$0x3FD9]  }
0x89: {  	s3 =	sld [smem:$0x3FFE];
	_ =	sdelay $0x1  }
0x8a: {  	s1 =	srdreg.scid  }
0x8b: {  	s0 =	sand.u32 $0x1, s1  }
0x8c: {  	s16 =	sshll.u32 s0, $0xA;
	s2 =	sadd.s32 s3, s2  }
0x8d: {  	s2 =	sadd.s32 s2, s16  }
0x8e: {  	[smem:$0x3FC4] =	sst s2  }
0x8f: {  	_ = 	snop  }
0x90: {  	(tm) =	ssettm $0x1  }
0x91: {  	s17 =	sld [smem:$0x3FFB];
	_ =	sdelay $0x3  }
0x92: {  	_ =	strace s17  }
0x93: {  	s2 =	sld [smem:$0x3FFC];
	_ =	sdelay $0x3  }
0x94: {  	_ =	strace s2  }
0x95: {  	s2 =	sld [smem:$0x3FFD];
	_ =	sdelay $0x3  }
0x96: {  	_ =	strace s2  }
0x97: {  	_ =	strace $0x8FFFFFFF  }
0x98: {  	s18 =	sld [smem:$0x3FDB];
	_ =	sdelay $0x1  }
0x99: {  	s19 =	simm.s32 $_scs_section_size  }
0x9a: {  	s4 =	simm.s32 $_size__tile_overlayer_lowered;
	s5 =	simm.s32 $_tile_overlayer_lowered  }
0x9b: {  	s22 =	simm.s32 $0x1BFF;
	s21 =	sshll.u32 s5, $0x1;
	s2 =	sadd.s32 s19, s18  }
0x9c: {  	s6 =	simm.s32 $0x0;
	s20 =	sshll.u32 s4, $0x1;
	s4 =	sadd.s32 s21, s2  }
0x9d: {  	[timem:s6], [sflag:s22] =	dma.local [hbm:s4], s20  }
0x9e: {  	_ =	swait.ge [sflag:s22], s20  }
0x9f: {  	s3 =	ssub.s32 $0x0, s20;
	[sflag:s22] =	ssyncset.done $0x0  }
0xa0: {  	[sflag:s22] =	ssyncadd.s32 s3;
	_ =	sdelay $0x1  }
0xa1: {  	s23 =	simm.s32 $0x1B8B  }
0xa2: {  	_ =	swait.ge [sflag:s23], $0x1  }
0xa3: {  	[sflag:s23] =	ssyncset.done $0x0  }
0xa4: {  	s25 =	simm.s32 $0x1B8E;
	s24 =	sld [smem:$0x3FFE];
	[sflag:s23] =	ssyncadd.s32 $0xFFFFFFFF  }
0xa5: {  	s26 =	simm.s32 $execute0_lowered;
	[smem:$0x3FD2] =	sst s25  }
0xa6: {  	s4 =	sshll.u32 s26, $0x1;
	_ =	strace $0x80000046;
	[dreg:$0x1] =	wrdreg $0xFFFFFFFF  }
0xa7: {  	s28 =	simm.s32 $_size_execute0_lowered;
	s2 =	sadd.s32 s2, s4;
	[dreg:$0x0] =	wrdreg $0x0  }
0xa8: {  	s4 =	sshll.u32 s28, $0x1;
	[dreg:$0x2] =	wrdreg s2  }
0xa9: {  	[dreg:$0x3] =	wrdreg s4  }
0xaa: {  	[dreg:$0x4] =	wrdreg $0xC0  }
0xab: {  	_ =	task [dreg:s6], $0x5FFFF  }
0xac: {  	[dreg:$0x1] =	wrdreg $0xFFFFFFFF  }
0xad: {  	[dreg:$0x0] =	wrdreg $0x60  }
0xae: {  	[dreg:$0x2] =	wrdreg s24  }
0xaf: {  	[dreg:$0x3] =	wrdreg $0x9  }
0xb0: {  	_ =	task.clear_ibuf [dreg:s6], $0x4FFFF;
	_ =	strace $0x90000046  }
0xb1: {  	s29 =	simm.s32 $0x9;
	_ =	strace $0x80000048  }
0xb2: {  	_ =	swait.ge [sflag:s29], $0x1  }
0xb3: {  	[sflag:s29] =	ssyncadd.s32 $0xFFFFFFFF  }
0xb4: {  	_ =	strace $0x90000048  }
0xb5: {  	_ =	sfence  }
0xb6: {  	s30 =	sld [smem:$0x0];
	_ =	sdelay $0x2  }
0xb7: {  	s31 =	sshll.u32 s1, $0xD;
	s1 =	sshrl.u32 s1, $0x2  }
0xb8: {  	s3 =	sand.u32 $0x4000, s31;
	s1 =	sadd.s32 s1, s30  }
0xb9: {  	s0 =	sor.u32 s3, s0;
	s1 =	sshll.u32 s1, $0x11  }
0xba: {  	s0 =	sor.u32 s1, s0  }
0xbb: {  	s0 =	sadd.s32 $0x8F2B, s0  }
0xbc: {  	[sflag:s0] =	ssyncadd.remote.s32 $0x1  }
0xbd: {  	_ =	sfence.sel $0xFFFF  }
0xbe: {  	[dreg:$0x0] =	wrdreg $0xFFFFFFFF;
	(pc) =	sbr.abs _section_cstart, $3  }
0xbf: {  	[dreg:$0x1] =	wrdreg $0xFFFFFFFF  }
0xc0: {  	_ =	task.clear_ibuf [dreg:s6], $0x2FFFF;
	_ =	strace $0x9FFFFFFF  }
0xc1: {  	(tm) =	ssettm $0x7FFFFFFF  }
tec
execute0_lowered:
.L_overlay_start_1:
0x0: {  	(tag) =	ssettag $0x1  }
0x1: {  	s3 =	rddreg [dreg:$0x0]  }
0x2: {  	s0 =	rddreg [dreg:$0x1]  }
0x3: {  	s1 =	stileid.u32;
	s2 =	simm.s32 $0x0;
	s4 =	srdreg.scid  }
0x4: {  	s9 =	simm.s32 $0x3000;
	s10 =	simm.s32 $0x0;
	s5 =	sshrl.u32 s1, $0x2  }
0x5: {  	s4 =	sand.u32 $0x1, s4;
	s6 =	sshll.u32 s1, $0x8;
	[smem:$0x7FF] =	sst s2  }
0x6: {  	s7 =	smul.u32 $0x18000, s5;
	s8 =	sshll.u32 s4, $0x7;
	s6 =	sand.u32 $0x300, s6  }
0x7: {  	s5 =	smul.u32 $0x13C00, s5;
	s4 =	ssub.s32 $0x2, s4;
	s6 =	sor.u32 s8, s6  }
0x8: {  	_ =	strace $0x80000047;
	s30 =	sshrl.u32 s4, $0x1;
	s7 =	sor.u32 s7, s6  }
0x9: {  	s8 =	simm.s32 $0x1;
	s5 =	sor.u32 s5, s6;
	s29 =	sshrl.u32 s7, $0x3  }
0xa: {  	s31 =	ssub.s32 s4, s30;
	s5 =	sshrl.u32 s5, $0x3;
	s6 =	sadd.s32 s29, s3  }
0xb: {  	s7 =	simm.s32 $0x400;
	s5 =	sadd.s32 s5, s3;
	s3 =	sadd.s32 $0xD200, s6  }
0xc: {  	v0 =	vimm.f32 $0.0e+00;
	v1 =	vimm.f32 $1.000000000e+00;
	s4 =	sadd.s32 $0x19200, s5;
	s5 =	smax.u32 s31, $0x1;
	s6 =	simm.s32 $0x80  }
.LBB2_1:
0xd: {  	[tilespmem:s2], [sflag:$0x1] =	stream.strided.gather [hbm4b:s3+s6], $0x3000, s7, s6, $0x38;
	[tilespmem:$0x5780] =	vst v63  }
0xe: {  	_ =	swait.ge [sflag:s8], $0x3000  }
0xf: {  	[sflag:s8] =	ssyncset.done $0x0  }
0x10: {  	s11 =	simm.s32 $0x0;
	s12 =	simm.s32 $0x200;
	[sflag:s8] =	ssyncadd.s32 $0xFFFFD000  }
.LBB2_2:
0x11: {  	p0 =	sne.s32 s12, $0x9C00;
	[tilespmem:s11+$0x3070] =	vst v0  }
0x12: {  	[tilespmem:s11+$0x3000] =	vst v0  }
0x13: {  	[tilespmem:s11+$0x3010] =	vst v0  }
.Ltmp0:
0x14: {  	[tilespmem:s11+$0x3020] =	vst v0;
	(pc) =	sbr.rel @p0 .LBB2_2-.Ltmp0, $4  }
0x15: {  	[tilespmem:s11+$0x3030] =	vst v0  }
0x16: {  	[tilespmem:s11+$0x3040] =	vst v0  }
0x17: {  	[tilespmem:s11+$0x3050] =	vst v0  }
0x18: {  	[tilespmem:s11+$0x3060] =	vst v0;
	s11 =	sshra.s32 s12, $0x2;
	s12 =	sadd.s32 $0x200, s12  }
0x19: {  	[tilespmem:s11+$0x3070] =	vst v0  }
0x1a: {  	[tilespmem:s11+$0x3000] =	vst v0  }
0x1b: {  	[tilespmem:s11+$0x3010] =	vst v0  }
0x1c: {  	[tilespmem:s11+$0x3020] =	vst v0  }
0x1d: {  	[tilespmem:s11+$0x3030] =	vst v0  }
0x1e: {  	[tilespmem:s11+$0x3040] =	vst v0  }
0x1f: {  	[tilespmem:s11+$0x3050] =	vst v0  }
0x20: {  	[tilespmem:s11+$0x3060] =	vst v0;
	s11 =	simm.s32 $0x0  }
.LBB2_4:
0x21: {  	s12 =	sshra.s32 s11, $0x2  }
0x22: {  	v2 =	vld [tilespmem:s12+$0x0];
	_ =	sdelay $0x7  }
0x23: {  	[tilespmem:v2+s9+$0x0] =	vst.idx.add.f32.msk $0xffff, v1  }
0x24: {  	v2 =	vld [tilespmem:s12+$0x10];
	_ =	sdelay $0x7  }
0x25: {  	[tilespmem:v2+s9+$0x0] =	vst.idx.add.f32.msk $0xffff, v1  }
0x26: {  	v2 =	vld [tilespmem:s12+$0x20];
	_ =	sdelay $0x7  }
0x27: {  	[tilespmem:v2+s9+$0x0] =	vst.idx.add.f32.msk $0xffff, v1  }
0x28: {  	v2 =	vld [tilespmem:s12+$0x30];
	_ =	sdelay $0x7  }
0x29: {  	[tilespmem:v2+s9+$0x0] =	vst.idx.add.f32.msk $0xffff, v1  }
0x2a: {  	v2 =	vld [tilespmem:s12+$0x40];
	_ =	sdelay $0x7  }
0x2b: {  	[tilespmem:v2+s9+$0x0] =	vst.idx.add.f32.msk $0xffff, v1  }
0x2c: {  	v2 =	vld [tilespmem:s12+$0x50];
	_ =	sdelay $0x7  }
0x2d: {  	[tilespmem:v2+s9+$0x0] =	vst.idx.add.f32.msk $0xffff, v1  }
0x2e: {  	v2 =	vld [tilespmem:s12+$0x60];
	_ =	sdelay $0x7  }
0x2f: {  	[tilespmem:v2+s9+$0x0] =	vst.idx.add.f32.msk $0xffff, v1  }
0x30: {  	v2 =	vld [tilespmem:s12+$0x70];
	_ =	sdelay $0x2  }
0x31: {  	p0 =	sne.s32 s11, $0xBE00  }
.Ltmp1:
0x32: {  	_ = 	snop;
	(pc) =	sbr.rel @p0 .LBB2_4-.Ltmp1, $2  }
0x33: {  	_ =	sdelay $0x2  }
0x34: {  	s11 =	sadd.s32 $0x200, s11;
	[tilespmem:v2+s9+$0x0] =	vst.idx.add.f32.msk $0xffff, v1  }
0x35: {  	s10 =	sadd.s32 $0x1, s10  }
0x36: {  	p0 =	sne.s32 s10, s5  }
.Ltmp2:
0x37: {  	_ = 	snop;
	(pc) =	sbr.rel @p0 .LBB2_1-.Ltmp2, $4  }
0x38: {  	[hbm4b:s4+s6] =	stream.strided.scatter [tilespmem:s9], [sflag:$0x1], $0x2780, s7, s6, $0x38;
	[tilespmem:$0x5780] =	vst v63  }
0x39: {  	_ =	swait.ge [sflag:s8], $0x2780  }
0x3a: {  	[sflag:s8] =	ssyncset.done $0x0  }
0x3b: {  	[sflag:s8] =	ssyncadd.s32 $0xFFFFD880  }
0x3c: {  	_ =	sfence.sel $0x180000  }
0x3d: {  	[bflag:$0x0] =	sbarrier.arrive $0xFFFF  }
0x3e: {  	p0 =	sne.s32 s1, $0x0;
	_ =	strace $0x90000047  }
0x3f: {  	s0 =	sadd.s32 @!p0 $0x100000, s0;
	[bflag:$0x2] =	sbarrier.arrive $0xFFFF  }
0x40: {  	[sflag:s0] =	ssyncadd.tile.s32 @!p0 $0x1;
	_ =	shalt  }
.Lfunc_end2:
_tile_overlayer_lowered:
.L_overlay_start_2:
0x41: {  	(tag) =	ssettag $0x2  }
0x42: {  	s0 =	rddreg [dreg:$0x0];
	s2 =	stileid.u32  }
0x43: {  	s1 =	rddreg [dreg:$0x1];
	p0 =	sne.s32 s2, $0x0  }
0x44: {  	s3 =	rddreg [dreg:$0x2];
	[bflag:$0x3] =	sbarrier.arrive $0xFFFF;
	s2 =	simm.s32 @!p0 $0x1C01  }
0x45: {  	[timem:s3], [sflag:s2] =	dma.local @!p0 [hbm:s0], s1  }
0x46: {  	s0 =	simm.s32 @!p0 $0x1  }
0x47: {  	_ =	swait.ge @!p0 [sflag:s0], s1  }
0x48: {  	s1 =	ssub.s32 @!p0 $0x0, s1;
	[sflag:s0] =	ssyncset.done @!p0 $0x0  }
0x49: {  	[sflag:s0] =	ssyncadd.s32 @!p0 s1  }
0x4a: {  	[bflag:$0x3] =	sbarrier.arrive $0xFFFF  }
0x4b: {  	_ =	shalt  }

// kernel: kernel.9.cloned.1.call-start
scs
__scs_entry_jumppad:
0x0: {  	(pc) =	sbr.rel $0x88, $3  }
0x1: {  	(tag) =	ssettag $0x0;
	lr =	simm.s32 $0x1  }
0x2: {  	[smem:$0x3F9D] =	sst lr;
	_ =	strace $0xD0000000  }
0x3: {  	_ = 	snop  }
0x4: {  	_ = 	snop  }
0x5: {  	_ = 	snop  }
0x6: {  	_ = 	snop  }
0x7: {  	_ = 	snop  }
__scs_overlays_trampoline_lowered:
0x8: {  	[smem:$0x3FAC] =	sst s0  }
0x9: {  	[smem:$0x3FAD] =	sst s1  }
0xa: {  	[smem:$0x3FAE] =	sst s2  }
0xb: {  	[smem:$0x3FAF] =	sst s3  }
0xc: {  	[smem:$0x3FB0] =	sst s4  }
0xd: {  	[smem:$0x3FB1] =	sst s5  }
0xe: {  	[smem:$0x3FB2] =	sst s6  }
0xf: {  	[smem:$0x3FB3] =	sst s7  }
0x10: {  	[smem:$0x3FB4] =	sst s8  }
0x11: {  	[smem:$0x3FB5] =	sst s9;
	s0 =	simm.s32 @!p0 $0x0  }
0x12: {  	s1 =	sld [smem:$0x3F9B];
	s0 =	simm.s32 @p0 $0x1  }
0x13: {  	[smem:$0x3FB6] =	sst s0;
	s0 =	simm.s32 @!p1 $0x0  }
0x14: {  	s2 =	sld [smem:$0x3F9A];
	s0 =	simm.s32 @p1 $0x1  }
0x15: {  	[smem:$0x3FB7] =	sst s0;
	s0 =	simm.s32 @!p2 $0x0  }
0x16: {  	s3 =	sld [smem:$0x3FDB];
	s0 =	simm.s32 @p2 $0x1  }
0x17: {  	s4 =	simm.s32 $0x1BF5;
	[smem:$0x3FB9] =	sst s0  }
0x18: {  	s0 =	sld [smem:$0x3F9C];
	_ =	swait.ge [sflag:s4], $0x0  }
0x19: {  	s7 =	sld [smem:$0x3F9D]  }
0x1a: {  	s8 =	sadd.s32 $0xFFFFE003, lr  }
0x1b: {  	s9 =	sadd.s32 $0xFFFFFEF7, lr;
	s5 =	simm.s32 $0xFFFFFFFF;
	p2 =	slt.u32 s8, $0xFFFFF086  }
0x1c: {  	p1 =	slt.u32 s9, $0xF7A;
	s5 =	simm.s32 @!p2 $0x0  }
0x1d: {  	s5 =	simm.s32 @p1 $0x1;
	p0 =	seq.s32 s7, s2  }
0x1e: {  	s7 =	smul.u32 @!p0 $0xF7A, s2;
	p2 =	seq.s32 @!p0 s5, $0x0  }
0x1f: {  	s9 =	smul.u32 $0xF7A, s1;
	s8 =	simm.s32 @!p0 $0x1BF5;
	p2 =	por !p2, p0  }
0x20: {  	[sflag:s8] =	ssyncset.s32 @!p0 $0xFFFFF086;
	s6 =	sadd.s32 @!p0 s3, s7;
	s7 =	simm.s32 @!p0 $0x108  }
0x21: {  	s3 =	sadd.s32 s3, s9;
	s6 =	sadd.s32 @!p0 $0x88, s6;
	s7 =	simm.s32 @p2 $0x1082  }
0x22: {  	[simem:s7], [sflag:s8] =	dma.local @!p0 [hbm:s6], $0xF7A  }
0x23: {  	s9 =	sor.u32 $0xD0000000, s2;
	s6 =	simm.s32 $0x108;
	_ =	swait.ge @!p0 [sflag:s8], $0x0  }
0x24: {  	s3 =	sadd.s32 $0x88, s3;
	s6 =	simm.s32 @!p1 $0x1082;
	[sflag:s4] =	ssyncset.s32 $0xFFFFF086  }
0x25: {  	[simem:s6], [sflag:s4] =	dma.local [hbm:s3], $0xF7A  }
0x26: {  	[smem:$0x3F9D] =	sst s1;
	(tag) =	ssettag s2;
	_ =	strace s9  }
0x27: {  	s1 =	sld [smem:$0x3FAD]  }
0x28: {  	s2 =	sld [smem:$0x3FAE]  }
0x29: {  	s4 =	sld [smem:$0x3FB0]  }
0x2a: {  	p0 =	seq.s32 s5, $0x0;
	s5 =	sld [smem:$0x3FB1]  }
0x2b: {  	s6 =	sld [smem:$0x3FB2]  }
0x2c: {  	s7 =	sld [smem:$0x3FB3]  }
0x2d: {  	s3 =	simm.s32 $0x108;
	s8 =	sld [smem:$0x3FB4]  }
0x2e: {  	s3 =	simm.s32 @!p0 $0x1082;
	s9 =	sld [smem:$0x3FB5]  }
0x2f: {  	lr =	sadd.s32 s0, s3;
	s0 =	sld [smem:$0x3FAC]  }
0x30: {  	s3 =	sld [smem:$0x3FAF]  }
0x31: {  	[smem:$0x3FB8] =	sst s10  }
0x32: {  	s10 =	sld [smem:$0x3FB6];
	_ =	sdelay $0x3  }
0x33: {  	p0 =	seq.s32 s10, $0x1;
	s10 =	sld [smem:$0x3FB8];
	_ =	sdelay $0x3  }
0x34: {  	[smem:$0x3FB8] =	sst s10  }
0x35: {  	s10 =	sld [smem:$0x3FB7];
	_ =	sdelay $0x3  }
0x36: {  	p1 =	seq.s32 s10, $0x1;
	s10 =	sld [smem:$0x3FB8];
	_ =	sdelay $0x3  }
0x37: {  	[smem:$0x3FB8] =	sst s10  }
0x38: {  	s10 =	sld [smem:$0x3FB9]  }
0x39: {  	_ = 	snop;
	(pc) =	sbr.ind lr, $3  }
0x3a: {  	_ = 	snop  }
0x3b: {  	_ = 	snop  }
0x3c: {  	p2 =	seq.s32 s10, $0x1;
	s10 =	sld [smem:$0x3FB8]  }
0x3d: {  	_ =	shalt  }
0x3e: {  	_ =	shalt  }
0x3f: {  	_ =	shalt  }
0x40: {  	_ =	shalt  }
0x41: {  	_ =	shalt  }
0x42: {  	_ =	shalt  }
0x43: {  	_ =	shalt  }
0x44: {  	_ =	shalt  }
0x45: {  	_ =	shalt  }
0x46: {  	_ =	shalt  }
0x47: {  	_ =	shalt  }
0x48: {  	_ =	shalt  }
0x49: {  	_ =	shalt  }
0x4a: {  	_ =	shalt  }
0x4b: {  	_ =	shalt  }
0x4c: {  	_ =	shalt  }
0x4d: {  	_ =	shalt  }
0x4e: {  	_ =	shalt  }
0x4f: {  	_ =	shalt  }
0x50: {  	_ =	shalt  }
0x51: {  	_ =	shalt  }
0x52: {  	_ =	shalt  }
0x53: {  	_ =	shalt  }
0x54: {  	_ =	shalt  }
0x55: {  	_ =	shalt  }
0x56: {  	_ =	shalt  }
0x57: {  	_ =	shalt  }
0x58: {  	_ =	shalt  }
0x59: {  	_ =	shalt  }
0x5a: {  	_ =	shalt  }
0x5b: {  	_ =	shalt  }
0x5c: {  	_ =	shalt  }
0x5d: {  	_ =	shalt  }
0x5e: {  	_ =	shalt  }
0x5f: {  	_ =	shalt  }
0x60: {  	_ =	shalt  }
0x61: {  	_ =	shalt  }
0x62: {  	_ =	shalt  }
0x63: {  	_ =	shalt  }
0x64: {  	_ =	shalt  }
0x65: {  	_ =	shalt  }
0x66: {  	_ =	shalt  }
0x67: {  	_ =	shalt  }
0x68: {  	_ =	shalt  }
0x69: {  	_ =	shalt  }
0x6a: {  	_ =	shalt  }
0x6b: {  	_ =	shalt  }
0x6c: {  	_ =	shalt  }
0x6d: {  	_ =	shalt  }
0x6e: {  	_ =	shalt  }
0x6f: {  	_ =	shalt  }
0x70: {  	_ =	shalt  }
0x71: {  	_ =	shalt  }
0x72: {  	_ =	shalt  }
0x73: {  	_ =	shalt  }
0x74: {  	_ =	shalt  }
0x75: {  	_ =	shalt  }
0x76: {  	_ =	shalt  }
0x77: {  	_ =	shalt  }
0x78: {  	_ =	shalt  }
0x79: {  	_ =	shalt  }
0x7a: {  	_ =	shalt  }
0x7b: {  	_ =	shalt  }
0x7c: {  	_ =	shalt  }
0x7d: {  	_ =	shalt  }
0x7e: {  	_ =	shalt  }
0x7f: {  	_ =	shalt  }
0x80: {  	_ =	shalt  }
0x81: {  	_ =	shalt  }
0x82: {  	_ =	shalt  }
0x83: {  	_ =	shalt  }
0x84: {  	_ =	shalt  }
0x85: {  	_ =	shalt  }
0x86: {  	_ =	shalt  }
0x87: {  	_ =	shalt  }
.Lfunc_end0:
.L_simem_size_0:
called_computation.1_lowered:
.L_overlay_start_0:
0x88: {  	s2 =	sld [smem:$0x3FD9]  }
0x89: {  	s3 =	sld [smem:$0x3FFE];
	_ =	sdelay $0x1  }
0x8a: {  	s1 =	srdreg.scid  }
0x8b: {  	s0 =	sand.u32 $0x1, s1  }
0x8c: {  	s17 =	sshll.u32 s0, $0xA;
	s2 =	sadd.s32 s3, s2  }
0x8d: {  	s2 =	sadd.s32 s2, s17  }
0x8e: {  	[smem:$0x3FC4] =	sst s2  }
0x8f: {  	_ = 	snop  }
0x90: {  	s2 =	sld [smem:$0x3FD0];
	(tm) =	ssettm $0x1  }
0x91: {  	s18 =	sld [smem:$0x3FFB];
	_ =	sdelay $0x3  }
0x92: {  	_ =	strace s18  }
0x93: {  	s3 =	sld [smem:$0x3FFC];
	_ =	sdelay $0x3  }
0x94: {  	_ =	strace s3  }
0x95: {  	s3 =	sld [smem:$0x3FFD];
	_ =	sdelay $0x3  }
0x96: {  	_ =	strace s3  }
0x97: {  	_ =	strace $0x8FFFFFFF  }
0x98: {  	s19 =	sld [smem:$0x3FDB];
	_ =	sdelay $0x1  }
0x99: {  	s4 =	simm.s32 $_scs_section_size  }
0x9a: {  	s5 =	simm.s32 $_size__tile_overlayer_lowered;
	s6 =	simm.s32 $_tile_overlayer_lowered  }
0x9b: {  	s22 =	simm.s32 $0x1BFF;
	s21 =	sshll.u32 s6, $0x1;
	s3 =	sadd.s32 s4, s19  }
0x9c: {  	s7 =	simm.s32 $0x0;
	s20 =	sshll.u32 s5, $0x1;
	s5 =	sadd.s32 s21, s3  }
0x9d: {  	[timem:s7], [sflag:s22] =	dma.local [hbm:s5], s20  }
0x9e: {  	_ =	swait.ge [sflag:s22], s20  }
0x9f: {  	s4 =	ssub.s32 $0x0, s20;
	[sflag:s22] =	ssyncset.done $0x0  }
0xa0: {  	[sflag:s22] =	ssyncadd.s32 s4;
	_ =	sdelay $0x1  }
0xa1: {  	s23 =	simm.s32 $0x1B8B  }
0xa2: {  	_ =	swait.ge [sflag:s23], $0x1  }
0xa3: {  	[sflag:s23] =	ssyncset.done $0x0  }
0xa4: {  	s25 =	simm.s32 $0x1B8E;
	s24 =	sld [smem:$0x3FFE];
	[sflag:s23] =	ssyncadd.s32 $0xFFFFFFFF  }
0xa5: {  	s26 =	simm.s32 $execute0_lowered;
	[smem:$0x3FD2] =	sst s25  }
0xa6: {  	s5 =	sshll.u32 s26, $0x1;
	_ =	strace $0x80000049;
	[dreg:$0x1] =	wrdreg $0xFFFFFFFF  }
0xa7: {  	s28 =	simm.s32 $_size_execute0_lowered;
	s3 =	sadd.s32 s3, s5;
	[dreg:$0x0] =	wrdreg $0x0  }
0xa8: {  	s5 =	sshll.u32 s28, $0x1;
	[dreg:$0x2] =	wrdreg s3  }
0xa9: {  	[dreg:$0x3] =	wrdreg s5  }
0xaa: {  	[dreg:$0x4] =	wrdreg $0xC0  }
0xab: {  	_ =	task [dreg:s7], $0x5FFFF  }
0xac: {  	[dreg:$0x1] =	wrdreg $0xFFFFFFFF  }
0xad: {  	[dreg:$0x0] =	wrdreg $0x60  }
0xae: {  	[dreg:$0x2] =	wrdreg s2  }
0xaf: {  	[dreg:$0x3] =	wrdreg s24  }
0xb0: {  	[dreg:$0x4] =	wrdreg $0x187800  }
0xb1: {  	[dreg:$0x5] =	wrdreg $0x1AF000  }
0xb2: {  	[dreg:$0x6] =	wrdreg $0x9  }
0xb3: {  	_ =	task.clear_ibuf [dreg:s7], $0x7FFFF;
	_ =	strace $0x90000049  }
0xb4: {  	s29 =	simm.s32 $0x9;
	_ =	strace $0x8000004B  }
0xb5: {  	_ =	swait.ge [sflag:s29], $0x1  }
0xb6: {  	[sflag:s29] =	ssyncadd.s32 $0xFFFFFFFF  }
0xb7: {  	_ =	strace $0x9000004B  }
0xb8: {  	_ =	sfence  }
0xb9: {  	s30 =	sld [smem:$0x0];
	_ =	sdelay $0x2  }
0xba: {  	s31 =	sshll.u32 s1, $0xD;
	s1 =	sshrl.u32 s1, $0x2  }
0xbb: {  	s3 =	sand.u32 $0x4000, s31;
	s1 =	sadd.s32 s1, s30  }
0xbc: {  	s0 =	sor.u32 s3, s0;
	s1 =	sshll.u32 s1, $0x11  }
0xbd: {  	s0 =	sor.u32 s1, s0  }
0xbe: {  	s0 =	sadd.s32 $0x8F2B, s0  }
0xbf: {  	[sflag:s0] =	ssyncadd.remote.s32 $0x1  }
0xc0: {  	_ =	sfence.sel $0xFFFF  }
0xc1: {  	[dreg:$0x0] =	wrdreg $0xFFFFFFFF;
	(pc) =	sbr.abs _section_cstart, $3  }
0xc2: {  	[dreg:$0x1] =	wrdreg $0xFFFFFFFF  }
0xc3: {  	_ =	task.clear_ibuf [dreg:s7], $0x2FFFF;
	_ =	strace $0x9FFFFFFF  }
0xc4: {  	(tm) =	ssettm $0x7FFFFFFF  }
0xc5: {  	_ =	shalt  }
tec
execute0_lowered:
.L_overlay_start_1:
0x0: {  	(tag) =	ssettag $0x1  }
0x1: {  	s0 =	rddreg [dreg:$0x0]  }
0x2: {  	s1 =	rddreg [dreg:$0x1];
	s3 =	srdreg.scid  }
0x3: {  	s8 =	stileid.u32;
	s2 =	rddreg [dreg:$0x2]  }
0x4: {  	s9 =	simm.s32 $0x0;
	s11 =	simm.s32 $0x3;
	s16 =	simm.s32 $0x80  }
0x5: {  	s13 =	simm.s32 $0x1;
	s29 =	simm.s32 $0x15000;
	s15 =	simm.s32 $0x15800  }
0x6: {  	s31 =	simm.s32 $0x2;
	s4 =	sand.u32 $0x1, s3;
	s3 =	rddreg [dreg:$0x3]  }
0x7: {  	s5 =	smul.u32 $0x2780, s8;
	s6 =	sshll.u32 s8, $0x1;
	[smem:$0x7FF] =	sst s9  }
0x8: {  	s7 =	smul.u32 $0x27800, s4;
	s6 =	sor.u32 s4, s6;
	s4 =	ssub.s32 $0x2, s4  }
0x9: {  	_ =	strace $0x8000004A;
	s6 =	smul.u32 $0x600, s6;
	s22 =	sshrl.u32 s4, $0x1  }
0xa: {  	s24 =	sadd.s32 s5, s3;
	s7 =	sadd.s32 s5, s7;
	s4 =	ssub.s32 s4, s22  }
0xb: {  	s30 =	sshrl.u32 s24, $0x3;
	s7 =	sshrl.u32 s7, $0x3;
	s6 =	sadd.s32 s6, s1  }
0xc: {  	s26 =	smax.u32 s4, $0x1;
	[dreg:$0xa] =	wrdreg s30;
	s1 =	sadd.s32 s7, s1  }
0xd: {  	s23 =	sadd.s32 $0x23000, s6;
	s6 =	sadd.s32 $0x1200, s6;
	[dreg:$0x9] =	wrdreg s26  }
0xe: {  	s7 =	sadd.s32 s5, s2;
	s5 =	sshrl.u32 s5, $0x3;
	[dreg:$0x5] =	wrdreg s23  }
0xf: {  	s28 =	sshll.u32 s8, $0x6;
	[dreg:$0x6] =	wrdreg s6;
	s0 =	sadd.s32 s0, s5  }
0x10: {  	s14 =	sor.u32 $0x1C03, s28;
	s25 =	sadd.s32 $0xD200, s1;
	[dreg:$0x7] =	wrdreg s0  }
0x11: {  	v0 =	vimm.f32 $0.0e+00;
	s5 =	simm.s32 $0x3000;
	[dreg:$0x8] =	wrdreg s25;
	s0 =	simm.s32 $0x0  }
.LBB2_1:
0x12: {  	s1 =	simm.s32 $0x0;
	s4 =	rddreg [dreg:$0x5]  }
0x13: {  	[tilespmem:s1], [sflag:$0x3] =	stream.linear.gather [hbm4b:s4+s1], $0x3000, $0x38;
	[tilespmem:$0x1D680] =	vst v63  }
0x14: {  	_ =	swait.ge [sflag:s11], $0x3000  }
0x15: {  	[sflag:s11] =	ssyncset.done $0x0  }
0x16: {  	s30 =	rddreg [dreg:$0x6];
	[sflag:s11] =	ssyncadd.s32 $0xFFFFD000  }
0x17: {  	[tilespmem:s5], [sflag:$0x3] =	stream.linear.gather [hbm4b:s30+s1], $0x3000, $0x38;
	[tilespmem:$0x1D680] =	vst v63  }
0x18: {  	_ =	swait.ge [sflag:s11], $0x3000  }
0x19: {  	[sflag:s11] =	ssyncset.done $0x0  }
0x1a: {  	s4 =	simm.s32 $0x200;
	s1 =	simm.s32 $0x0;
	[sflag:s11] =	ssyncadd.s32 $0xFFFFD000  }
.LBB2_2:
0x1b: {  	p0 =	sne.s32 s4, $0x9C00;
	[tilespmem:s1+$0x16070] =	vst v0  }
0x1c: {  	[tilespmem:s1+$0x16000] =	vst v0  }
0x1d: {  	[tilespmem:s1+$0x16010] =	vst v0  }
.Ltmp0:
0x1e: {  	[tilespmem:s1+$0x16020] =	vst v0;
	(pc) =	sbr.rel @p0 .LBB2_2-.Ltmp0, $4  }
0x1f: {  	[tilespmem:s1+$0x16030] =	vst v0  }
0x20: {  	[tilespmem:s1+$0x16040] =	vst v0  }
0x21: {  	[tilespmem:s1+$0x16050] =	vst v0  }
0x22: {  	[tilespmem:s1+$0x16060] =	vst v0;
	s1 =	sshra.s32 s4, $0x2;
	s4 =	sadd.s32 $0x200, s4  }
0x23: {  	[tilespmem:s1+$0x16070] =	vst v0  }
0x24: {  	[tilespmem:s1+$0x16000] =	vst v0  }
0x25: {  	[tilespmem:s1+$0x16010] =	vst v0  }
0x26: {  	[tilespmem:s1+$0x16020] =	vst v0  }
0x27: {  	[tilespmem:s1+$0x16030] =	vst v0  }
0x28: {  	[tilespmem:s1+$0x16040] =	vst v0  }
0x29: {  	[tilespmem:s1+$0x16050] =	vst v0  }
0x2a: {  	[tilespmem:s1+$0x16060] =	vst v0;
	s6 =	simm.s32 $0x16000  }
0x2b: {  	[spmem:s7] =	stream.linear.scatter [tilespmem:s6], [sflag:$0x3], $0x2780, $0x38;
	[tilespmem:$0x1D680] =	vst v63  }
0x2c: {  	_ =	swait.ge [sflag:s11], $0x2780  }
0x2d: {  	[sflag:s11] =	ssyncset.done $0x0;
	s8 =	rddreg [dreg:$0x7]  }
0x2e: {  	s4 =	rddreg [dreg:$0xa];
	[sflag:s11] =	ssyncadd.s32 $0xFFFFD880  }
0x2f: {  	[spmem:s4], [sflag:s14] =	dma.local [hbm:s8], $0x4F0  }
0x30: {  	_ =	swait.ge [sflag:s11], $0x4F0  }
0x31: {  	[sflag:s11] =	ssyncset.done $0x0  }
0x32: {  	[sflag:s11] =	ssyncadd.s32 $0xFFFFFB10  }
0x33: {  	s9 =	simm.s32 $0x0;
	s4 =	simm.s32 $0x6000;
	[bflag:$0x0] =	sbarrier.arrive $0xFFFF  }
0x34: {  	[tilespmem:s4], [sflag:$0x1] =	stream.indirect.gather [spmem:s3], $0x10, s9, s16, $0xb8;
	[tilespmem:$0x1D680] =	vst v63  }
0x35: {  	s1 =	simm.s32 $0x6800  }
0x36: {  	[tilespmem:s1], [sflag:$0x1] =	stream.indirect.gather [spmem:s3], $0x10, s16, s16, $0xb8;
	[tilespmem:$0x1D680] =	vst v63  }
0x37: {  	s6 =	simm.s32 $0x100;
	s8 =	simm.s32 $0x7000  }
0x38: {  	[tilespmem:s8], [sflag:$0x1] =	stream.indirect.gather [spmem:s3], $0x10, s6, s16, $0xb8;
	[tilespmem:$0x1D680] =	vst v63  }
0x39: {  	s10 =	simm.s32 $0x180;
	s9 =	simm.s32 $0x7800  }
0x3a: {  	[tilespmem:s9], [sflag:$0x1] =	stream.indirect.gather [spmem:s3], $0x10, s10, s16, $0xb8;
	[tilespmem:$0x1D680] =	vst v63  }
0x3b: {  	s12 =	simm.s32 $0x200;
	s10 =	simm.s32 $0x8000  }
0x3c: {  	[tilespmem:s10], [sflag:$0x1] =	stream.indirect.gather [spmem:s3], $0x10, s12, s16, $0xb8;
	[tilespmem:$0x1D680] =	vst v63  }
0x3d: {  	s17 =	simm.s32 $0x280;
	s12 =	simm.s32 $0x8800  }
0x3e: {  	[tilespmem:s12], [sflag:$0x1] =	stream.indirect.gather [spmem:s3], $0x10, s17, s16, $0xb8;
	[tilespmem:$0x1D680] =	vst v63  }
0x3f: {  	s18 =	simm.s32 $0x300;
	s17 =	simm.s32 $0x9000  }
0x40: {  	[tilespmem:s17], [sflag:$0x1] =	stream.indirect.gather [spmem:s3], $0x10, s18, s16, $0xb8;
	[tilespmem:$0x1D680] =	vst v63  }
0x41: {  	s19 =	simm.s32 $0x380;
	s18 =	simm.s32 $0x9800  }
0x42: {  	[tilespmem:s18], [sflag:$0x1] =	stream.indirect.gather [spmem:s3], $0x10, s19, s16, $0xb8;
	[tilespmem:$0x1D680] =	vst v63  }
0x43: {  	s20 =	simm.s32 $0x400;
	s19 =	simm.s32 $0xA000  }
0x44: {  	[tilespmem:s19], [sflag:$0x1] =	stream.indirect.gather [spmem:s3], $0x10, s20, s16, $0xb8;
	[tilespmem:$0x1D680] =	vst v63  }
0x45: {  	s21 =	simm.s32 $0x480;
	s20 =	simm.s32 $0xA800  }
0x46: {  	[tilespmem:s20], [sflag:$0x1] =	stream.indirect.gather [spmem:s3], $0x10, s21, s16, $0xb8;
	[tilespmem:$0x1D680] =	vst v63  }
0x47: {  	s22 =	simm.s32 $0x500;
	s21 =	simm.s32 $0xB000  }
0x48: {  	[tilespmem:s21], [sflag:$0x1] =	stream.indirect.gather [spmem:s3], $0x10, s22, s16, $0xb8;
	[tilespmem:$0x1D680] =	vst v63  }
0x49: {  	s23 =	simm.s32 $0x580;
	s22 =	simm.s32 $0xB800  }
0x4a: {  	[tilespmem:s22], [sflag:$0x1] =	stream.indirect.gather [spmem:s3], $0x10, s23, s16, $0xb8;
	[tilespmem:$0x1D680] =	vst v63  }
0x4b: {  	s24 =	simm.s32 $0x600;
	s23 =	simm.s32 $0xC000  }
0x4c: {  	[tilespmem:s23], [sflag:$0x1] =	stream.indirect.gather [spmem:s3], $0x10, s24, s16, $0xb8;
	[tilespmem:$0x1D680] =	vst v63  }
0x4d: {  	s25 =	simm.s32 $0x680;
	s24 =	simm.s32 $0xC800  }
0x4e: {  	[tilespmem:s24], [sflag:$0x1] =	stream.indirect.gather [spmem:s3], $0x10, s25, s16, $0xb8;
	[tilespmem:$0x1D680] =	vst v63  }
0x4f: {  	s26 =	simm.s32 $0x700;
	s25 =	simm.s32 $0xD000  }
0x50: {  	[tilespmem:s25], [sflag:$0x1] =	stream.indirect.gather [spmem:s3], $0x10, s26, s16, $0xb8;
	[tilespmem:$0x1D680] =	vst v63  }
0x51: {  	s30 =	simm.s32 $0x780;
	s26 =	simm.s32 $0xD800  }
0x52: {  	[tilespmem:s26], [sflag:$0x1] =	stream.indirect.gather [spmem:s3], $0x10, s30, s16, $0xb8;
	[tilespmem:$0x1D680] =	vst v63  }
0x53: {  	_ =	swait.ge [sflag:s13], $0x800  }
0x54: {  	[sflag:s13] =	ssyncset.done $0x0  }
0x55: {  	[sflag:s13] =	ssyncadd.s32 $0xFFFFF800  }
0x56: {  	_ =	swait.ge [sflag:s13], $0x800  }
0x57: {  	[sflag:s13] =	ssyncset.done $0x0  }
0x58: {  	[sflag:s13] =	ssyncadd.s32 $0xFFFFF800  }
0x59: {  	_ =	swait.ge [sflag:s13], $0x800  }
0x5a: {  	[sflag:s13] =	ssyncset.done $0x0  }
0x5b: {  	[sflag:s13] =	ssyncadd.s32 $0xFFFFF800  }
0x5c: {  	_ =	swait.ge [sflag:s13], $0x800  }
0x5d: {  	[sflag:s13] =	ssyncset.done $0x0  }
0x5e: {  	[sflag:s13] =	ssyncadd.s32 $0xFFFFF800  }
0x5f: {  	_ =	swait.ge [sflag:s13], $0x800  }
0x60: {  	[sflag:s13] =	ssyncset.done $0x0  }
0x61: {  	[sflag:s13] =	ssyncadd.s32 $0xFFFFF800  }
0x62: {  	_ =	swait.ge [sflag:s13], $0x800  }
0x63: {  	[sflag:s13] =	ssyncset.done $0x0  }
0x64: {  	[sflag:s13] =	ssyncadd.s32 $0xFFFFF800  }
0x65: {  	_ =	swait.ge [sflag:s13], $0x800  }
0x66: {  	[sflag:s13] =	ssyncset.done $0x0  }
0x67: {  	[sflag:s13] =	ssyncadd.s32 $0xFFFFF800  }
0x68: {  	_ =	swait.ge [sflag:s13], $0x800  }
0x69: {  	[sflag:s13] =	ssyncset.done $0x0  }
0x6a: {  	[sflag:s13] =	ssyncadd.s32 $0xFFFFF800  }
0x6b: {  	_ =	swait.ge [sflag:s13], $0x800  }
0x6c: {  	[sflag:s13] =	ssyncset.done $0x0  }
0x6d: {  	[sflag:s13] =	ssyncadd.s32 $0xFFFFF800  }
0x6e: {  	_ =	swait.ge [sflag:s13], $0x800  }
0x6f: {  	[sflag:s13] =	ssyncset.done $0x0  }
0x70: {  	[sflag:s13] =	ssyncadd.s32 $0xFFFFF800  }
0x71: {  	_ =	swait.ge [sflag:s13], $0x800  }
0x72: {  	[sflag:s13] =	ssyncset.done $0x0  }
0x73: {  	[sflag:s13] =	ssyncadd.s32 $0xFFFFF800  }
0x74: {  	_ =	swait.ge [sflag:s13], $0x800  }
0x75: {  	[sflag:s13] =	ssyncset.done $0x0  }
0x76: {  	[sflag:s13] =	ssyncadd.s32 $0xFFFFF800  }
0x77: {  	_ =	swait.ge [sflag:s13], $0x800  }
0x78: {  	[sflag:s13] =	ssyncset.done $0x0  }
0x79: {  	[sflag:s13] =	ssyncadd.s32 $0xFFFFF800  }
0x7a: {  	_ =	swait.ge [sflag:s13], $0x800  }
0x7b: {  	[sflag:s13] =	ssyncset.done $0x0  }
0x7c: {  	[sflag:s13] =	ssyncadd.s32 $0xFFFFF800  }
0x7d: {  	_ =	swait.ge [sflag:s13], $0x800  }
0x7e: {  	[sflag:s13] =	ssyncset.done $0x0  }
0x7f: {  	[sflag:s13] =	ssyncadd.s32 $0xFFFFF800  }
0x80: {  	_ =	swait.ge [sflag:s13], $0x800  }
0x81: {  	[sflag:s13] =	ssyncset.done $0x0  }
0x82: {  	[sflag:s13] =	ssyncadd.s32 $0xFFFFF800  }
0x83: {  	[spmem:s2] =	stream.indirect.scatter.add.f32 [tilespmem:s4], [sflag:$0x2], $0x10, s5, s16, $0xb8;
	[tilespmem:$0x1D680] =	vst v63  }
0x84: {  	s5 =	simm.s32 $0x3080  }
0x85: {  	[spmem:s2] =	stream.indirect.scatter.add.f32 [tilespmem:s1], [sflag:$0x2], $0x10, s5, s16, $0xb8;
	[tilespmem:$0x1D680] =	vst v63  }
0x86: {  	s6 =	simm.s32 $0x3100  }
0x87: {  	[spmem:s2] =	stream.indirect.scatter.add.f32 [tilespmem:s8], [sflag:$0x2], $0x10, s6, s16, $0xb8;
	[tilespmem:$0x1D680] =	vst v63  }
0x88: {  	s8 =	simm.s32 $0x3180  }
0x89: {  	[spmem:s2] =	stream.indirect.scatter.add.f32 [tilespmem:s9], [sflag:$0x2], $0x10, s8, s16, $0xb8;
	[tilespmem:$0x1D680] =	vst v63  }
0x8a: {  	s9 =	simm.s32 $0x3200  }
0x8b: {  	[spmem:s2] =	stream.indirect.scatter.add.f32 [tilespmem:s10], [sflag:$0x2], $0x10, s9, s16, $0xb8;
	[tilespmem:$0x1D680] =	vst v63  }
0x8c: {  	s10 =	simm.s32 $0x3280  }
0x8d: {  	[spmem:s2] =	stream.indirect.scatter.add.f32 [tilespmem:s12], [sflag:$0x2], $0x10, s10, s16, $0xb8;
	[tilespmem:$0x1D680] =	vst v63  }
0x8e: {  	s12 =	simm.s32 $0x3300  }
0x8f: {  	[spmem:s2] =	stream.indirect.scatter.add.f32 [tilespmem:s17], [sflag:$0x2], $0x10, s12, s16, $0xb8;
	[tilespmem:$0x1D680] =	vst v63  }
0x90: {  	s17 =	simm.s32 $0x3380  }
0x91: {  	[spmem:s2] =	stream.indirect.scatter.add.f32 [tilespmem:s18], [sflag:$0x2], $0x10, s17, s16, $0xb8;
	[tilespmem:$0x1D680] =	vst v63  }
0x92: {  	s18 =	simm.s32 $0x3400  }
0x93: {  	[spmem:s2] =	stream.indirect.scatter.add.f32 [tilespmem:s19], [sflag:$0x2], $0x10, s18, s16, $0xb8;
	[tilespmem:$0x1D680] =	vst v63  }
0x94: {  	s19 =	simm.s32 $0x3480  }
0x95: {  	[spmem:s2] =	stream.indirect.scatter.add.f32 [tilespmem:s20], [sflag:$0x2], $0x10, s19, s16, $0xb8;
	[tilespmem:$0x1D680] =	vst v63  }
0x96: {  	s20 =	simm.s32 $0x3500  }
0x97: {  	[spmem:s2] =	stream.indirect.scatter.add.f32 [tilespmem:s21], [sflag:$0x2], $0x10, s20, s16, $0xb8;
	[tilespmem:$0x1D680] =	vst v63  }
0x98: {  	s30 =	simm.s32 $0x3580  }
0x99: {  	[spmem:s2] =	stream.indirect.scatter.add.f32 [tilespmem:s22], [sflag:$0x2], $0x10, s30, s16, $0xb8;
	[tilespmem:$0x1D680] =	vst v63  }
0x9a: {  	s4 =	simm.s32 $0x3600  }
0x9b: {  	[spmem:s2] =	stream.indirect.scatter.add.f32 [tilespmem:s23], [sflag:$0x2], $0x10, s4, s16, $0xb8;
	[tilespmem:$0x1D680] =	vst v63  }
0x9c: {  	s5 =	simm.s32 $0x3680  }
0x9d: {  	[spmem:s2] =	stream.indirect.scatter.add.f32 [tilespmem:s24], [sflag:$0x2], $0x10, s5, s16, $0xb8;
	[tilespmem:$0x1D680] =	vst v63  }
0x9e: {  	s6 =	simm.s32 $0x3700  }
0x9f: {  	[spmem:s2] =	stream.indirect.scatter.add.f32 [tilespmem:s25], [sflag:$0x2], $0x10, s6, s16, $0xb8;
	[tilespmem:$0x1D680] =	vst v63  }
0xa0: {  	s8 =	simm.s32 $0x3780  }
0xa1: {  	[spmem:s2] =	stream.indirect.scatter.add.f32 [tilespmem:s26], [sflag:$0x2], $0x10, s8, s16, $0xb8;
	[tilespmem:$0x1D680] =	vst v63  }
0xa2: {  	s9 =	simm.s32 $0x800;
	s4 =	simm.s32 $0xE000  }
0xa3: {  	[tilespmem:s4], [sflag:$0x1] =	stream.indirect.gather [spmem:s3], $0x10, s9, s16, $0xb8;
	[tilespmem:$0x1D680] =	vst v63  }
0xa4: {  	s10 =	simm.s32 $0x880;
	s5 =	simm.s32 $0xE800  }
0xa5: {  	[tilespmem:s5], [sflag:$0x1] =	stream.indirect.gather [spmem:s3], $0x10, s10, s16, $0xb8;
	[tilespmem:$0x1D680] =	vst v63  }
0xa6: {  	s12 =	simm.s32 $0x900;
	s6 =	simm.s32 $0xF000  }
0xa7: {  	[tilespmem:s6], [sflag:$0x1] =	stream.indirect.gather [spmem:s3], $0x10, s12, s16, $0xb8;
	[tilespmem:$0x1D680] =	vst v63  }
0xa8: {  	s17 =	simm.s32 $0x980;
	s8 =	simm.s32 $0xF800  }
0xa9: {  	[tilespmem:s8], [sflag:$0x1] =	stream.indirect.gather [spmem:s3], $0x10, s17, s16, $0xb8;
	[tilespmem:$0x1D680] =	vst v63  }
0xaa: {  	s1 =	simm.s32 $0x10000;
	s18 =	simm.s32 $0xA00  }
0xab: {  	[tilespmem:s1], [sflag:$0x1] =	stream.indirect.gather [spmem:s3], $0x10, s18, s16, $0xb8;
	[tilespmem:$0x1D680] =	vst v63  }
0xac: {  	s19 =	simm.s32 $0xA80;
	s10 =	simm.s32 $0x10800  }
0xad: {  	[tilespmem:s10], [sflag:$0x1] =	stream.indirect.gather [spmem:s3], $0x10, s19, s16, $0xb8;
	[tilespmem:$0x1D680] =	vst v63  }
0xae: {  	s20 =	simm.s32 $0xB00;
	s12 =	simm.s32 $0x11000  }
0xaf: {  	[tilespmem:s12], [sflag:$0x1] =	stream.indirect.gather [spmem:s3], $0x10, s20, s16, $0xb8;
	[tilespmem:$0x1D680] =	vst v63  }
0xb0: {  	s21 =	simm.s32 $0xB80;
	s17 =	simm.s32 $0x11800  }
0xb1: {  	[tilespmem:s17], [sflag:$0x1] =	stream.indirect.gather [spmem:s3], $0x10, s21, s16, $0xb8;
	[tilespmem:$0x1D680] =	vst v63  }
0xb2: {  	s22 =	simm.s32 $0xC00;
	s18 =	simm.s32 $0x12000  }
0xb3: {  	[tilespmem:s18], [sflag:$0x1] =	stream.indirect.gather [spmem:s3], $0x10, s22, s16, $0xb8;
	[tilespmem:$0x1D680] =	vst v63  }
0xb4: {  	s23 =	simm.s32 $0xC80;
	s19 =	simm.s32 $0x12800  }
0xb5: {  	[tilespmem:s19], [sflag:$0x1] =	stream.indirect.gather [spmem:s3], $0x10, s23, s16, $0xb8;
	[tilespmem:$0x1D680] =	vst v63  }
0xb6: {  	s24 =	simm.s32 $0xD00;
	s20 =	simm.s32 $0x13000  }
0xb7: {  	[tilespmem:s20], [sflag:$0x1] =	stream.indirect.gather [spmem:s3], $0x10, s24, s16, $0xb8;
	[tilespmem:$0x1D680] =	vst v63  }
0xb8: {  	s25 =	simm.s32 $0xD80;
	s21 =	simm.s32 $0x13800  }
0xb9: {  	[tilespmem:s21], [sflag:$0x1] =	stream.indirect.gather [spmem:s3], $0x10, s25, s16, $0xb8;
	[tilespmem:$0x1D680] =	vst v63  }
0xba: {  	s26 =	simm.s32 $0xE00;
	s22 =	simm.s32 $0x14000  }
0xbb: {  	[tilespmem:s22], [sflag:$0x1] =	stream.indirect.gather [spmem:s3], $0x10, s26, s16, $0xb8;
	[tilespmem:$0x1D680] =	vst v63  }
0xbc: {  	s30 =	simm.s32 $0xE80;
	s23 =	simm.s32 $0x14800  }
0xbd: {  	[tilespmem:s23], [sflag:$0x1] =	stream.indirect.gather [spmem:s3], $0x10, s30, s16, $0xb8;
	[tilespmem:$0x1D680] =	vst v63  }
0xbe: {  	s24 =	simm.s32 $0xF00  }
0xbf: {  	[tilespmem:s29], [sflag:$0x1] =	stream.indirect.gather [spmem:s3], $0x10, s24, s16, $0xb8;
	[tilespmem:$0x1D680] =	vst v63  }
0xc0: {  	s25 =	simm.s32 $0xF80  }
0xc1: {  	[tilespmem:s15], [sflag:$0x1] =	stream.indirect.gather [spmem:s3], $0x10, s25, s16, $0xb8;
	[tilespmem:$0x1D680] =	vst v63  }
0xc2: {  	_ =	swait.ge [sflag:s13], $0x800  }
0xc3: {  	[sflag:s13] =	ssyncset.done $0x0  }
0xc4: {  	[sflag:s13] =	ssyncadd.s32 $0xFFFFF800  }
0xc5: {  	_ =	swait.ge [sflag:s13], $0x800  }
0xc6: {  	[sflag:s13] =	ssyncset.done $0x0  }
0xc7: {  	[sflag:s13] =	ssyncadd.s32 $0xFFFFF800  }
0xc8: {  	_ =	swait.ge [sflag:s13], $0x800  }
0xc9: {  	[sflag:s13] =	ssyncset.done $0x0  }
0xca: {  	[sflag:s13] =	ssyncadd.s32 $0xFFFFF800  }
0xcb: {  	_ =	swait.ge [sflag:s13], $0x800  }
0xcc: {  	[sflag:s13] =	ssyncset.done $0x0  }
0xcd: {  	[sflag:s13] =	ssyncadd.s32 $0xFFFFF800  }
0xce: {  	_ =	swait.ge [sflag:s13], $0x800  }
0xcf: {  	[sflag:s13] =	ssyncset.done $0x0  }
0xd0: {  	[sflag:s13] =	ssyncadd.s32 $0xFFFFF800  }
0xd1: {  	_ =	swait.ge [sflag:s13], $0x800  }
0xd2: {  	[sflag:s13] =	ssyncset.done $0x0  }
0xd3: {  	[sflag:s13] =	ssyncadd.s32 $0xFFFFF800  }
0xd4: {  	_ =	swait.ge [sflag:s13], $0x800  }
0xd5: {  	[sflag:s13] =	ssyncset.done $0x0  }
0xd6: {  	[sflag:s13] =	ssyncadd.s32 $0xFFFFF800  }
0xd7: {  	_ =	swait.ge [sflag:s13], $0x800  }
0xd8: {  	[sflag:s13] =	ssyncset.done $0x0  }
0xd9: {  	[sflag:s13] =	ssyncadd.s32 $0xFFFFF800  }
0xda: {  	_ =	swait.ge [sflag:s13], $0x800  }
0xdb: {  	[sflag:s13] =	ssyncset.done $0x0  }
0xdc: {  	[sflag:s13] =	ssyncadd.s32 $0xFFFFF800  }
0xdd: {  	_ =	swait.ge [sflag:s13], $0x800  }
0xde: {  	[sflag:s13] =	ssyncset.done $0x0  }
0xdf: {  	[sflag:s13] =	ssyncadd.s32 $0xFFFFF800  }
0xe0: {  	_ =	swait.ge [sflag:s13], $0x800  }
0xe1: {  	[sflag:s13] =	ssyncset.done $0x0  }
0xe2: {  	[sflag:s13] =	ssyncadd.s32 $0xFFFFF800  }
0xe3: {  	_ =	swait.ge [sflag:s13], $0x800  }
0xe4: {  	[sflag:s13] =	ssyncset.done $0x0  }
0xe5: {  	[sflag:s13] =	ssyncadd.s32 $0xFFFFF800  }
0xe6: {  	_ =	swait.ge [sflag:s13], $0x800  }
0xe7: {  	[sflag:s13] =	ssyncset.done $0x0  }
0xe8: {  	[sflag:s13] =	ssyncadd.s32 $0xFFFFF800  }
0xe9: {  	_ =	swait.ge [sflag:s13], $0x800  }
0xea: {  	[sflag:s13] =	ssyncset.done $0x0  }
0xeb: {  	[sflag:s13] =	ssyncadd.s32 $0xFFFFF800  }
0xec: {  	_ =	swait.ge [sflag:s13], $0x800  }
0xed: {  	[sflag:s13] =	ssyncset.done $0x0  }
0xee: {  	[sflag:s13] =	ssyncadd.s32 $0xFFFFF800  }
0xef: {  	_ =	swait.ge [sflag:s13], $0x800  }
0xf0: {  	[sflag:s13] =	ssyncset.done $0x0  }
0xf1: {  	s26 =	simm.s32 $0x3800;
	[sflag:s13] =	ssyncadd.s32 $0xFFFFF800  }
0xf2: {  	[spmem:s2] =	stream.indirect.scatter.add.f32 [tilespmem:s4], [sflag:$0x2], $0x10, s26, s16, $0xb8;
	[tilespmem:$0x1D680] =	vst v63  }
0xf3: {  	s30 =	simm.s32 $0x3880  }
0xf4: {  	[spmem:s2] =	stream.indirect.scatter.add.f32 [tilespmem:s5], [sflag:$0x2], $0x10, s30, s16, $0xb8;
	[tilespmem:$0x1D680] =	vst v63  }
0xf5: {  	s5 =	simm.s32 $0x3900  }
0xf6: {  	[spmem:s2] =	stream.indirect.scatter.add.f32 [tilespmem:s6], [sflag:$0x2], $0x10, s5, s16, $0xb8;
	[tilespmem:$0x1D680] =	vst v63  }
0xf7: {  	s6 =	simm.s32 $0x3980  }
0xf8: {  	[spmem:s2] =	stream.indirect.scatter.add.f32 [tilespmem:s8], [sflag:$0x2], $0x10, s6, s16, $0xb8;
	[tilespmem:$0x1D680] =	vst v63  }
0xf9: {  	s8 =	simm.s32 $0x3A00  }
0xfa: {  	[spmem:s2] =	stream.indirect.scatter.add.f32 [tilespmem:s1], [sflag:$0x2], $0x10, s8, s16, $0xb8;
	[tilespmem:$0x1D680] =	vst v63  }
0xfb: {  	s9 =	simm.s32 $0x3A80  }
0xfc: {  	[spmem:s2] =	stream.indirect.scatter.add.f32 [tilespmem:s10], [sflag:$0x2], $0x10, s9, s16, $0xb8;
	[tilespmem:$0x1D680] =	vst v63  }
0xfd: {  	s10 =	simm.s32 $0x3B00  }
0xfe: {  	[spmem:s2] =	stream.indirect.scatter.add.f32 [tilespmem:s12], [sflag:$0x2], $0x10, s10, s16, $0xb8;
	[tilespmem:$0x1D680] =	vst v63  }
0xff: {  	s12 =	simm.s32 $0x3B80  }
0x100: {  	[spmem:s2] =	stream.indirect.scatter.add.f32 [tilespmem:s17], [sflag:$0x2], $0x10, s12, s16, $0xb8;
	[tilespmem:$0x1D680] =	vst v63  }
0x101: {  	s17 =	simm.s32 $0x3C00  }
0x102: {  	[spmem:s2] =	stream.indirect.scatter.add.f32 [tilespmem:s18], [sflag:$0x2], $0x10, s17, s16, $0xb8;
	[tilespmem:$0x1D680] =	vst v63  }
0x103: {  	s18 =	simm.s32 $0x3C80  }
0x104: {  	[spmem:s2] =	stream.indirect.scatter.add.f32 [tilespmem:s19], [sflag:$0x2], $0x10, s18, s16, $0xb8;
	[tilespmem:$0x1D680] =	vst v63  }
0x105: {  	s19 =	simm.s32 $0x3D00  }
0x106: {  	[spmem:s2] =	stream.indirect.scatter.add.f32 [tilespmem:s20], [sflag:$0x2], $0x10, s19, s16, $0xb8;
	[tilespmem:$0x1D680] =	vst v63  }
0x107: {  	s24 =	simm.s32 $0x3D80  }
0x108: {  	[spmem:s2] =	stream.indirect.scatter.add.f32 [tilespmem:s21], [sflag:$0x2], $0x10, s24, s16, $0xb8;
	[tilespmem:$0x1D680] =	vst v63  }
0x109: {  	s25 =	simm.s32 $0x3E00  }
0x10a: {  	[spmem:s2] =	stream.indirect.scatter.add.f32 [tilespmem:s22], [sflag:$0x2], $0x10, s25, s16, $0xb8;
	[tilespmem:$0x1D680] =	vst v63  }
0x10b: {  	s26 =	simm.s32 $0x3E80  }
0x10c: {  	[spmem:s2] =	stream.indirect.scatter.add.f32 [tilespmem:s23], [sflag:$0x2], $0x10, s26, s16, $0xb8;
	[tilespmem:$0x1D680] =	vst v63  }
0x10d: {  	s30 =	simm.s32 $0x3F00  }
0x10e: {  	[spmem:s2] =	stream.indirect.scatter.add.f32 [tilespmem:s29], [sflag:$0x2], $0x10, s30, s16, $0xb8;
	[tilespmem:$0x1D680] =	vst v63  }
0x10f: {  	s5 =	simm.s32 $0x3F80  }
0x110: {  	[spmem:s2] =	stream.indirect.scatter.add.f32 [tilespmem:s15], [sflag:$0x2], $0x10, s5, s16, $0xb8;
	[tilespmem:$0x1D680] =	vst v63  }
0x111: {  	_ =	swait.ge [sflag:s31], $0x800  }
0x112: {  	[sflag:s31] =	ssyncset.done $0x0  }
0x113: {  	[sflag:s31] =	ssyncadd.s32 $0xFFFFF800  }
0x114: {  	_ =	swait.ge [sflag:s31], $0x800  }
0x115: {  	[sflag:s31] =	ssyncset.done $0x0  }
0x116: {  	[sflag:s31] =	ssyncadd.s32 $0xFFFFF800  }
0x117: {  	_ =	swait.ge [sflag:s31], $0x800  }
0x118: {  	[sflag:s31] =	ssyncset.done $0x0  }
0x119: {  	[sflag:s31] =	ssyncadd.s32 $0xFFFFF800  }
0x11a: {  	_ =	swait.ge [sflag:s31], $0x800  }
0x11b: {  	[sflag:s31] =	ssyncset.done $0x0  }
0x11c: {  	[sflag:s31] =	ssyncadd.s32 $0xFFFFF800  }
0x11d: {  	_ =	swait.ge [sflag:s31], $0x800  }
0x11e: {  	[sflag:s31] =	ssyncset.done $0x0  }
0x11f: {  	[sflag:s31] =	ssyncadd.s32 $0xFFFFF800  }
0x120: {  	_ =	swait.ge [sflag:s31], $0x800  }
0x121: {  	[sflag:s31] =	ssyncset.done $0x0  }
0x122: {  	[sflag:s31] =	ssyncadd.s32 $0xFFFFF800  }
0x123: {  	_ =	swait.ge [sflag:s31], $0x800  }
0x124: {  	[sflag:s31] =	ssyncset.done $0x0  }
0x125: {  	[sflag:s31] =	ssyncadd.s32 $0xFFFFF800  }
0x126: {  	_ =	swait.ge [sflag:s31], $0x800  }
0x127: {  	[sflag:s31] =	ssyncset.done $0x0  }
0x128: {  	[sflag:s31] =	ssyncadd.s32 $0xFFFFF800  }
0x129: {  	_ =	swait.ge [sflag:s31], $0x800  }
0x12a: {  	[sflag:s31] =	ssyncset.done $0x0  }
0x12b: {  	[sflag:s31] =	ssyncadd.s32 $0xFFFFF800  }
0x12c: {  	_ =	swait.ge [sflag:s31], $0x800  }
0x12d: {  	[sflag:s31] =	ssyncset.done $0x0  }
0x12e: {  	[sflag:s31] =	ssyncadd.s32 $0xFFFFF800  }
0x12f: {  	_ =	swait.ge [sflag:s31], $0x800  }
0x130: {  	[sflag:s31] =	ssyncset.done $0x0  }
0x131: {  	[sflag:s31] =	ssyncadd.s32 $0xFFFFF800  }
0x132: {  	_ =	swait.ge [sflag:s31], $0x800  }
0x133: {  	[sflag:s31] =	ssyncset.done $0x0  }
0x134: {  	[sflag:s31] =	ssyncadd.s32 $0xFFFFF800  }
0x135: {  	_ =	swait.ge [sflag:s31], $0x800  }
0x136: {  	[sflag:s31] =	ssyncset.done $0x0  }
0x137: {  	[sflag:s31] =	ssyncadd.s32 $0xFFFFF800  }
0x138: {  	_ =	swait.ge [sflag:s31], $0x800  }
0x139: {  	[sflag:s31] =	ssyncset.done $0x0  }
0x13a: {  	[sflag:s31] =	ssyncadd.s32 $0xFFFFF800  }
0x13b: {  	_ =	swait.ge [sflag:s31], $0x800  }
0x13c: {  	[sflag:s31] =	ssyncset.done $0x0  }
0x13d: {  	[sflag:s31] =	ssyncadd.s32 $0xFFFFF800  }
0x13e: {  	_ =	swait.ge [sflag:s31], $0x800  }
0x13f: {  	s24 =	sand.u32 $0x8000, s1;
	[sflag:s31] =	ssyncset.done $0x0  }
0x140: {  	s6 =	simm.s32 $0x1000;
	s1 =	sor.u32 $0x6000, s24;
	[sflag:s31] =	ssyncadd.s32 $0xFFFFF800  }
0x141: {  	[tilespmem:s1], [sflag:$0x1] =	stream.indirect.gather [spmem:s3], $0x10, s6, s16, $0xb8;
	[tilespmem:$0x1D680] =	vst v63  }
0x142: {  	s8 =	simm.s32 $0x1080;
	s4 =	sor.u32 $0x6800, s24  }
0x143: {  	[tilespmem:s4], [sflag:$0x1] =	stream.indirect.gather [spmem:s3], $0x10, s8, s16, $0xb8;
	[tilespmem:$0x1D680] =	vst v63  }
0x144: {  	s9 =	simm.s32 $0x1100;
	s5 =	sor.u32 $0x7000, s24  }
0x145: {  	[tilespmem:s5], [sflag:$0x1] =	stream.indirect.gather [spmem:s3], $0x10, s9, s16, $0xb8;
	[tilespmem:$0x1D680] =	vst v63  }
0x146: {  	s10 =	simm.s32 $0x1180;
	s6 =	sor.u32 $0x7800, s24  }
0x147: {  	[tilespmem:s6], [sflag:$0x1] =	stream.indirect.gather [spmem:s3], $0x10, s10, s16, $0xb8;
	[tilespmem:$0x1D680] =	vst v63  }
0x148: {  	s12 =	simm.s32 $0x1200;
	s8 =	sadd.s32 $0x8000, s24  }
0x149: {  	[tilespmem:s8], [sflag:$0x1] =	stream.indirect.gather [spmem:s3], $0x10, s12, s16, $0xb8;
	[tilespmem:$0x1D680] =	vst v63  }
0x14a: {  	s17 =	simm.s32 $0x1280;
	s9 =	sadd.s32 $0x8800, s24  }
0x14b: {  	[tilespmem:s9], [sflag:$0x1] =	stream.indirect.gather [spmem:s3], $0x10, s17, s16, $0xb8;
	[tilespmem:$0x1D680] =	vst v63  }
0x14c: {  	s18 =	simm.s32 $0x1300;
	s10 =	sadd.s32 $0x9000, s24  }
0x14d: {  	[tilespmem:s10], [sflag:$0x1] =	stream.indirect.gather [spmem:s3], $0x10, s18, s16, $0xb8;
	[tilespmem:$0x1D680] =	vst v63  }
0x14e: {  	s19 =	simm.s32 $0x1380;
	s12 =	sadd.s32 $0x9800, s24  }
0x14f: {  	[tilespmem:s12], [sflag:$0x1] =	stream.indirect.gather [spmem:s3], $0x10, s19, s16, $0xb8;
	[tilespmem:$0x1D680] =	vst v63  }
0x150: {  	s20 =	simm.s32 $0x1400;
	s17 =	sadd.s32 $0xA000, s24  }
0x151: {  	[tilespmem:s17], [sflag:$0x1] =	stream.indirect.gather [spmem:s3], $0x10, s20, s16, $0xb8;
	[tilespmem:$0x1D680] =	vst v63  }
0x152: {  	s21 =	simm.s32 $0x1480;
	s18 =	sadd.s32 $0xA800, s24  }
0x153: {  	[tilespmem:s18], [sflag:$0x1] =	stream.indirect.gather [spmem:s3], $0x10, s21, s16, $0xb8;
	[tilespmem:$0x1D680] =	vst v63  }
0x154: {  	s22 =	simm.s32 $0x1500;
	s19 =	sadd.s32 $0xB000, s24  }
0x155: {  	[tilespmem:s19], [sflag:$0x1] =	stream.indirect.gather [spmem:s3], $0x10, s22, s16, $0xb8;
	[tilespmem:$0x1D680] =	vst v63  }
0x156: {  	s23 =	simm.s32 $0x1580;
	s20 =	sadd.s32 $0xB800, s24  }
0x157: {  	[tilespmem:s20], [sflag:$0x1] =	stream.indirect.gather [spmem:s3], $0x10, s23, s16, $0xb8;
	[tilespmem:$0x1D680] =	vst v63  }
0x158: {  	s25 =	simm.s32 $0x1600;
	s21 =	sadd.s32 $0xC000, s24  }
0x159: {  	[tilespmem:s21], [sflag:$0x1] =	stream.indirect.gather [spmem:s3], $0x10, s25, s16, $0xb8;
	[tilespmem:$0x1D680] =	vst v63  }
0x15a: {  	s26 =	simm.s32 $0x1680;
	s22 =	sadd.s32 $0xC800, s24  }
0x15b: {  	[tilespmem:s22], [sflag:$0x1] =	stream.indirect.gather [spmem:s3], $0x10, s26, s16, $0xb8;
	[tilespmem:$0x1D680] =	vst v63  }
0x15c: {  	s30 =	simm.s32 $0x1700;
	s23 =	sadd.s32 $0xD000, s24  }
0x15d: {  	[tilespmem:s23], [sflag:$0x1] =	stream.indirect.gather [spmem:s3], $0x10, s30, s16, $0xb8;
	[tilespmem:$0x1D680] =	vst v63  }
0x15e: {  	s28 =	sadd.s32 $0xD800, s24;
	s25 =	simm.s32 $0x1780  }
0x15f: {  	[tilespmem:s28], [sflag:$0x1] =	stream.indirect.gather [spmem:s3], $0x10, s25, s16, $0xb8;
	[tilespmem:$0x1D680] =	vst v63  }
0x160: {  	_ =	swait.ge [sflag:s13], $0x800  }
0x161: {  	[sflag:s13] =	ssyncset.done $0x0  }
0x162: {  	[sflag:s13] =	ssyncadd.s32 $0xFFFFF800  }
0x163: {  	_ =	swait.ge [sflag:s13], $0x800  }
0x164: {  	[sflag:s13] =	ssyncset.done $0x0  }
0x165: {  	[sflag:s13] =	ssyncadd.s32 $0xFFFFF800  }
0x166: {  	_ =	swait.ge [sflag:s13], $0x800  }
0x167: {  	[sflag:s13] =	ssyncset.done $0x0  }
0x168: {  	[sflag:s13] =	ssyncadd.s32 $0xFFFFF800  }
0x169: {  	_ =	swait.ge [sflag:s13], $0x800  }
0x16a: {  	[sflag:s13] =	ssyncset.done $0x0  }
0x16b: {  	[sflag:s13] =	ssyncadd.s32 $0xFFFFF800  }
0x16c: {  	_ =	swait.ge [sflag:s13], $0x800  }
0x16d: {  	[sflag:s13] =	ssyncset.done $0x0  }
0x16e: {  	[sflag:s13] =	ssyncadd.s32 $0xFFFFF800  }
0x16f: {  	_ =	swait.ge [sflag:s13], $0x800  }
0x170: {  	[sflag:s13] =	ssyncset.done $0x0  }
0x171: {  	[sflag:s13] =	ssyncadd.s32 $0xFFFFF800  }
0x172: {  	_ =	swait.ge [sflag:s13], $0x800  }
0x173: {  	[sflag:s13] =	ssyncset.done $0x0  }
0x174: {  	[sflag:s13] =	ssyncadd.s32 $0xFFFFF800  }
0x175: {  	_ =	swait.ge [sflag:s13], $0x800  }
0x176: {  	[sflag:s13] =	ssyncset.done $0x0  }
0x177: {  	[sflag:s13] =	ssyncadd.s32 $0xFFFFF800  }
0x178: {  	_ =	swait.ge [sflag:s13], $0x800  }
0x179: {  	[sflag:s13] =	ssyncset.done $0x0  }
0x17a: {  	[sflag:s13] =	ssyncadd.s32 $0xFFFFF800  }
0x17b: {  	_ =	swait.ge [sflag:s13], $0x800  }
0x17c: {  	[sflag:s13] =	ssyncset.done $0x0  }
0x17d: {  	[sflag:s13] =	ssyncadd.s32 $0xFFFFF800  }
0x17e: {  	_ =	swait.ge [sflag:s13], $0x800  }
0x17f: {  	[sflag:s13] =	ssyncset.done $0x0  }
0x180: {  	[sflag:s13] =	ssyncadd.s32 $0xFFFFF800  }
0x181: {  	_ =	swait.ge [sflag:s13], $0x800  }
0x182: {  	[sflag:s13] =	ssyncset.done $0x0  }
0x183: {  	[sflag:s13] =	ssyncadd.s32 $0xFFFFF800  }
0x184: {  	_ =	swait.ge [sflag:s13], $0x800  }
0x185: {  	[sflag:s13] =	ssyncset.done $0x0  }
0x186: {  	[sflag:s13] =	ssyncadd.s32 $0xFFFFF800  }
0x187: {  	_ =	swait.ge [sflag:s13], $0x800  }
0x188: {  	[sflag:s13] =	ssyncset.done $0x0  }
0x189: {  	[sflag:s13] =	ssyncadd.s32 $0xFFFFF800  }
0x18a: {  	_ =	swait.ge [sflag:s13], $0x800  }
0x18b: {  	[sflag:s13] =	ssyncset.done $0x0  }
0x18c: {  	[sflag:s13] =	ssyncadd.s32 $0xFFFFF800  }
0x18d: {  	_ =	swait.ge [sflag:s13], $0x800  }
0x18e: {  	[sflag:s13] =	ssyncset.done $0x0  }
0x18f: {  	s26 =	simm.s32 $0x4000;
	[sflag:s13] =	ssyncadd.s32 $0xFFFFF800  }
0x190: {  	[spmem:s2] =	stream.indirect.scatter.add.f32 [tilespmem:s1], [sflag:$0x2], $0x10, s26, s16, $0xb8;
	[tilespmem:$0x1D680] =	vst v63  }
0x191: {  	s30 =	simm.s32 $0x4080  }
0x192: {  	[spmem:s2] =	stream.indirect.scatter.add.f32 [tilespmem:s4], [sflag:$0x2], $0x10, s30, s16, $0xb8;
	[tilespmem:$0x1D680] =	vst v63  }
0x193: {  	s4 =	simm.s32 $0x4100  }
0x194: {  	[spmem:s2] =	stream.indirect.scatter.add.f32 [tilespmem:s5], [sflag:$0x2], $0x10, s4, s16, $0xb8;
	[tilespmem:$0x1D680] =	vst v63  }
0x195: {  	s5 =	simm.s32 $0x4180  }
0x196: {  	[spmem:s2] =	stream.indirect.scatter.add.f32 [tilespmem:s6], [sflag:$0x2], $0x10, s5, s16, $0xb8;
	[tilespmem:$0x1D680] =	vst v63  }
0x197: {  	s6 =	simm.s32 $0x4200  }
0x198: {  	[spmem:s2] =	stream.indirect.scatter.add.f32 [tilespmem:s8], [sflag:$0x2], $0x10, s6, s16, $0xb8;
	[tilespmem:$0x1D680] =	vst v63  }
0x199: {  	s8 =	simm.s32 $0x4280  }
0x19a: {  	[spmem:s2] =	stream.indirect.scatter.add.f32 [tilespmem:s9], [sflag:$0x2], $0x10, s8, s16, $0xb8;
	[tilespmem:$0x1D680] =	vst v63  }
0x19b: {  	s9 =	simm.s32 $0x4300  }
0x19c: {  	[spmem:s2] =	stream.indirect.scatter.add.f32 [tilespmem:s10], [sflag:$0x2], $0x10, s9, s16, $0xb8;
	[tilespmem:$0x1D680] =	vst v63  }
0x19d: {  	s10 =	simm.s32 $0x4380  }
0x19e: {  	[spmem:s2] =	stream.indirect.scatter.add.f32 [tilespmem:s12], [sflag:$0x2], $0x10, s10, s16, $0xb8;
	[tilespmem:$0x1D680] =	vst v63  }
0x19f: {  	s12 =	simm.s32 $0x4400  }
0x1a0: {  	[spmem:s2] =	stream.indirect.scatter.add.f32 [tilespmem:s17], [sflag:$0x2], $0x10, s12, s16, $0xb8;
	[tilespmem:$0x1D680] =	vst v63  }
0x1a1: {  	s17 =	simm.s32 $0x4480  }
0x1a2: {  	[spmem:s2] =	stream.indirect.scatter.add.f32 [tilespmem:s18], [sflag:$0x2], $0x10, s17, s16, $0xb8;
	[tilespmem:$0x1D680] =	vst v63  }
0x1a3: {  	s18 =	simm.s32 $0x4500  }
0x1a4: {  	[spmem:s2] =	stream.indirect.scatter.add.f32 [tilespmem:s19], [sflag:$0x2], $0x10, s18, s16, $0xb8;
	[tilespmem:$0x1D680] =	vst v63  }
0x1a5: {  	s24 =	simm.s32 $0x4580  }
0x1a6: {  	[spmem:s2] =	stream.indirect.scatter.add.f32 [tilespmem:s20], [sflag:$0x2], $0x10, s24, s16, $0xb8;
	[tilespmem:$0x1D680] =	vst v63  }
0x1a7: {  	s25 =	simm.s32 $0x4600  }
0x1a8: {  	[spmem:s2] =	stream.indirect.scatter.add.f32 [tilespmem:s21], [sflag:$0x2], $0x10, s25, s16, $0xb8;
	[tilespmem:$0x1D680] =	vst v63  }
0x1a9: {  	s26 =	simm.s32 $0x4680  }
0x1aa: {  	[spmem:s2] =	stream.indirect.scatter.add.f32 [tilespmem:s22], [sflag:$0x2], $0x10, s26, s16, $0xb8;
	[tilespmem:$0x1D680] =	vst v63  }
0x1ab: {  	s30 =	simm.s32 $0x4700  }
0x1ac: {  	[spmem:s2] =	stream.indirect.scatter.add.f32 [tilespmem:s23], [sflag:$0x2], $0x10, s30, s16, $0xb8;
	[tilespmem:$0x1D680] =	vst v63  }
0x1ad: {  	s1 =	simm.s32 $0x4780;
	s19 =	simm.s32 $0x2000;
	s23 =	simm.s32 $0x18000  }
.LBB2_4:
0x1ae: {  	[spmem:s2] =	stream.indirect.scatter.add.f32 [tilespmem:s28], [sflag:$0x2], $0x10, s1, s16, $0xb8;
	[tilespmem:$0x1D680] =	vst v63  }
0x1af: {  	s1 =	smov.u32 s19  }
0x1b0: {  	p0 =	sne.s32 s19, $0x6000;
	s19 =	sadd.s32 $0x2000, s19;
	_ =	swait.ge [sflag:s31], $0x800  }
0x1b1: {  	[sflag:s31] =	ssyncset.done $0x0  }
0x1b2: {  	[sflag:s31] =	ssyncadd.s32 $0xFFFFF800  }
0x1b3: {  	_ =	swait.ge [sflag:s31], $0x800  }
0x1b4: {  	[sflag:s31] =	ssyncset.done $0x0  }
0x1b5: {  	[sflag:s31] =	ssyncadd.s32 $0xFFFFF800  }
0x1b6: {  	_ =	swait.ge [sflag:s31], $0x800  }
0x1b7: {  	[sflag:s31] =	ssyncset.done $0x0  }
0x1b8: {  	[sflag:s31] =	ssyncadd.s32 $0xFFFFF800  }
0x1b9: {  	_ =	swait.ge [sflag:s31], $0x800  }
0x1ba: {  	[sflag:s31] =	ssyncset.done $0x0  }
0x1bb: {  	[sflag:s31] =	ssyncadd.s32 $0xFFFFF800  }
0x1bc: {  	_ =	swait.ge [sflag:s31], $0x800  }
0x1bd: {  	[sflag:s31] =	ssyncset.done $0x0  }
0x1be: {  	[sflag:s31] =	ssyncadd.s32 $0xFFFFF800  }
0x1bf: {  	_ =	swait.ge [sflag:s31], $0x800  }
0x1c0: {  	[sflag:s31] =	ssyncset.done $0x0  }
0x1c1: {  	[sflag:s31] =	ssyncadd.s32 $0xFFFFF800  }
0x1c2: {  	_ =	swait.ge [sflag:s31], $0x800  }
0x1c3: {  	[sflag:s31] =	ssyncset.done $0x0  }
0x1c4: {  	[sflag:s31] =	ssyncadd.s32 $0xFFFFF800  }
0x1c5: {  	_ =	swait.ge [sflag:s31], $0x800  }
0x1c6: {  	[sflag:s31] =	ssyncset.done $0x0  }
0x1c7: {  	[sflag:s31] =	ssyncadd.s32 $0xFFFFF800  }
0x1c8: {  	_ =	swait.ge [sflag:s31], $0x800  }
0x1c9: {  	[sflag:s31] =	ssyncset.done $0x0  }
0x1ca: {  	[sflag:s31] =	ssyncadd.s32 $0xFFFFF800  }
0x1cb: {  	_ =	swait.ge [sflag:s31], $0x800  }
0x1cc: {  	[sflag:s31] =	ssyncset.done $0x0  }
0x1cd: {  	[sflag:s31] =	ssyncadd.s32 $0xFFFFF800  }
0x1ce: {  	_ =	swait.ge [sflag:s31], $0x800  }
0x1cf: {  	[sflag:s31] =	ssyncset.done $0x0  }
0x1d0: {  	[sflag:s31] =	ssyncadd.s32 $0xFFFFF800  }
0x1d1: {  	_ =	swait.ge [sflag:s31], $0x800  }
0x1d2: {  	[sflag:s31] =	ssyncset.done $0x0  }
0x1d3: {  	[sflag:s31] =	ssyncadd.s32 $0xFFFFF800  }
0x1d4: {  	_ =	swait.ge [sflag:s31], $0x800  }
0x1d5: {  	[sflag:s31] =	ssyncset.done $0x0  }
0x1d6: {  	[sflag:s31] =	ssyncadd.s32 $0xFFFFF800  }
0x1d7: {  	_ =	swait.ge [sflag:s31], $0x800  }
0x1d8: {  	[sflag:s31] =	ssyncset.done $0x0  }
0x1d9: {  	[sflag:s31] =	ssyncadd.s32 $0xFFFFF800  }
0x1da: {  	_ =	swait.ge [sflag:s31], $0x800  }
0x1db: {  	[sflag:s31] =	ssyncset.done $0x0  }
0x1dc: {  	[sflag:s31] =	ssyncadd.s32 $0xFFFFF800  }
0x1dd: {  	_ =	swait.ge [sflag:s31], $0x800  }
0x1de: {  	s28 =	sand.u32 $0x8000, s23;
	s1 =	sshra.s32 s1, $0x2;
	[sflag:s31] =	ssyncset.done $0x0  }
0x1df: {  	s21 =	sor.u32 $0x6000, s28;
	s4 =	sadd.s32 $0x1000, s1;
	[sflag:s31] =	ssyncadd.s32 $0xFFFFF800  }
0x1e0: {  	[tilespmem:s21], [sflag:$0x1] =	stream.indirect.gather [spmem:s3], $0x10, s4, s16, $0xb8;
	[tilespmem:$0x1D680] =	vst v63  }
0x1e1: {  	s30 =	sor.u32 $0x6800, s28;
	s4 =	sadd.s32 $0x1080, s1  }
0x1e2: {  	[tilespmem:s30], [sflag:$0x1] =	stream.indirect.gather [spmem:s3], $0x10, s4, s16, $0xb8;
	[tilespmem:$0x1D680] =	vst v63  }
0x1e3: {  	s25 =	sor.u32 $0x7000, s28;
	s4 =	sadd.s32 $0x1100, s1  }
0x1e4: {  	[tilespmem:s25], [sflag:$0x1] =	stream.indirect.gather [spmem:s3], $0x10, s4, s16, $0xb8;
	[tilespmem:$0x1D680] =	vst v63  }
0x1e5: {  	s5 =	sadd.s32 $0x1180, s1;
	s4 =	sor.u32 $0x7800, s28  }
0x1e6: {  	[tilespmem:s4], [sflag:$0x1] =	stream.indirect.gather [spmem:s3], $0x10, s5, s16, $0xb8;
	[tilespmem:$0x1D680] =	vst v63  }
0x1e7: {  	s12 =	sadd.s32 $0x8000, s28;
	s5 =	sadd.s32 $0x1200, s1  }
0x1e8: {  	[tilespmem:s12], [sflag:$0x1] =	stream.indirect.gather [spmem:s3], $0x10, s5, s16, $0xb8;
	[tilespmem:$0x1D680] =	vst v63  }
0x1e9: {  	s6 =	sadd.s32 $0x1280, s1;
	s5 =	sadd.s32 $0x8800, s28  }
0x1ea: {  	[tilespmem:s5], [sflag:$0x1] =	stream.indirect.gather [spmem:s3], $0x10, s6, s16, $0xb8;
	[tilespmem:$0x1D680] =	vst v63  }
0x1eb: {  	s17 =	sadd.s32 $0x9000, s28;
	s6 =	sadd.s32 $0x1300, s1  }
0x1ec: {  	[tilespmem:s17], [sflag:$0x1] =	stream.indirect.gather [spmem:s3], $0x10, s6, s16, $0xb8;
	[tilespmem:$0x1D680] =	vst v63  }
0x1ed: {  	s8 =	sadd.s32 $0x1380, s1;
	s6 =	sadd.s32 $0x9800, s28  }
0x1ee: {  	[tilespmem:s6], [sflag:$0x1] =	stream.indirect.gather [spmem:s3], $0x10, s8, s16, $0xb8;
	[tilespmem:$0x1D680] =	vst v63  }
0x1ef: {  	s18 =	sadd.s32 $0xA000, s28;
	s8 =	sadd.s32 $0x1400, s1  }
0x1f0: {  	[tilespmem:s18], [sflag:$0x1] =	stream.indirect.gather [spmem:s3], $0x10, s8, s16, $0xb8;
	[tilespmem:$0x1D680] =	vst v63  }
0x1f1: {  	s20 =	sadd.s32 $0xA800, s28;
	s8 =	sadd.s32 $0x1480, s1  }
0x1f2: {  	[tilespmem:s20], [sflag:$0x1] =	stream.indirect.gather [spmem:s3], $0x10, s8, s16, $0xb8;
	[tilespmem:$0x1D680] =	vst v63  }
0x1f3: {  	s9 =	sadd.s32 $0x1500, s1;
	s8 =	sadd.s32 $0xB000, s28  }
0x1f4: {  	[tilespmem:s8], [sflag:$0x1] =	stream.indirect.gather [spmem:s3], $0x10, s9, s16, $0xb8;
	[tilespmem:$0x1D680] =	vst v63  }
0x1f5: {  	s22 =	sadd.s32 $0xB800, s28;
	s9 =	sadd.s32 $0x1580, s1  }
0x1f6: {  	[tilespmem:s22], [sflag:$0x1] =	stream.indirect.gather [spmem:s3], $0x10, s9, s16, $0xb8;
	[tilespmem:$0x1D680] =	vst v63  }
0x1f7: {  	s10 =	sadd.s32 $0x1600, s1;
	s9 =	sadd.s32 $0xC000, s28  }
0x1f8: {  	[tilespmem:s9], [sflag:$0x1] =	stream.indirect.gather [spmem:s3], $0x10, s10, s16, $0xb8;
	[tilespmem:$0x1D680] =	vst v63  }
0x1f9: {  	s24 =	sadd.s32 $0x1680, s1;
	s10 =	sadd.s32 $0xC800, s28  }
0x1fa: {  	[tilespmem:s10], [sflag:$0x1] =	stream.indirect.gather [spmem:s3], $0x10, s24, s16, $0xb8;
	[tilespmem:$0x1D680] =	vst v63  }
0x1fb: {  	s26 =	sadd.s32 $0x1700, s1;
	s24 =	sadd.s32 $0xD000, s28  }
0x1fc: {  	[tilespmem:s24], [sflag:$0x1] =	stream.indirect.gather [spmem:s3], $0x10, s26, s16, $0xb8;
	[tilespmem:$0x1D680] =	vst v63  }
0x1fd: {  	s28 =	sadd.s32 $0xD800, s28;
	s26 =	sadd.s32 $0x1780, s1  }
0x1fe: {  	[tilespmem:s28], [sflag:$0x1] =	stream.indirect.gather [spmem:s3], $0x10, s26, s16, $0xb8;
	[tilespmem:$0x1D680] =	vst v63  }
0x1ff: {  	_ =	swait.ge [sflag:s13], $0x800  }
0x200: {  	[sflag:s13] =	ssyncset.done $0x0  }
0x201: {  	[sflag:s13] =	ssyncadd.s32 $0xFFFFF800  }
0x202: {  	_ =	swait.ge [sflag:s13], $0x800  }
0x203: {  	[sflag:s13] =	ssyncset.done $0x0  }
0x204: {  	[sflag:s13] =	ssyncadd.s32 $0xFFFFF800  }
0x205: {  	_ =	swait.ge [sflag:s13], $0x800  }
0x206: {  	[sflag:s13] =	ssyncset.done $0x0  }
0x207: {  	[sflag:s13] =	ssyncadd.s32 $0xFFFFF800  }
0x208: {  	_ =	swait.ge [sflag:s13], $0x800  }
0x209: {  	[sflag:s13] =	ssyncset.done $0x0  }
0x20a: {  	[sflag:s13] =	ssyncadd.s32 $0xFFFFF800  }
0x20b: {  	_ =	swait.ge [sflag:s13], $0x800  }
0x20c: {  	[sflag:s13] =	ssyncset.done $0x0  }
0x20d: {  	[sflag:s13] =	ssyncadd.s32 $0xFFFFF800  }
0x20e: {  	_ =	swait.ge [sflag:s13], $0x800  }
0x20f: {  	[sflag:s13] =	ssyncset.done $0x0  }
0x210: {  	[sflag:s13] =	ssyncadd.s32 $0xFFFFF800  }
0x211: {  	_ =	swait.ge [sflag:s13], $0x800  }
0x212: {  	[sflag:s13] =	ssyncset.done $0x0  }
0x213: {  	[sflag:s13] =	ssyncadd.s32 $0xFFFFF800  }
0x214: {  	_ =	swait.ge [sflag:s13], $0x800  }
0x215: {  	[sflag:s13] =	ssyncset.done $0x0  }
0x216: {  	[sflag:s13] =	ssyncadd.s32 $0xFFFFF800  }
0x217: {  	_ =	swait.ge [sflag:s13], $0x800  }
0x218: {  	[sflag:s13] =	ssyncset.done $0x0  }
0x219: {  	[sflag:s13] =	ssyncadd.s32 $0xFFFFF800  }
0x21a: {  	_ =	swait.ge [sflag:s13], $0x800  }
0x21b: {  	[sflag:s13] =	ssyncset.done $0x0  }
0x21c: {  	[sflag:s13] =	ssyncadd.s32 $0xFFFFF800  }
0x21d: {  	_ =	swait.ge [sflag:s13], $0x800  }
0x21e: {  	[sflag:s13] =	ssyncset.done $0x0  }
0x21f: {  	[sflag:s13] =	ssyncadd.s32 $0xFFFFF800  }
0x220: {  	_ =	swait.ge [sflag:s13], $0x800  }
0x221: {  	[sflag:s13] =	ssyncset.done $0x0  }
0x222: {  	[sflag:s13] =	ssyncadd.s32 $0xFFFFF800  }
0x223: {  	_ =	swait.ge [sflag:s13], $0x800  }
0x224: {  	[sflag:s13] =	ssyncset.done $0x0  }
0x225: {  	[sflag:s13] =	ssyncadd.s32 $0xFFFFF800  }
0x226: {  	_ =	swait.ge [sflag:s13], $0x800  }
0x227: {  	[sflag:s13] =	ssyncset.done $0x0  }
0x228: {  	[sflag:s13] =	ssyncadd.s32 $0xFFFFF800  }
0x229: {  	_ =	swait.ge [sflag:s13], $0x800  }
0x22a: {  	[sflag:s13] =	ssyncset.done $0x0  }
0x22b: {  	[sflag:s13] =	ssyncadd.s32 $0xFFFFF800  }
0x22c: {  	_ =	swait.ge [sflag:s13], $0x800  }
0x22d: {  	[sflag:s13] =	ssyncset.done $0x0  }
0x22e: {  	s26 =	sadd.s32 $0x4000, s1;
	[sflag:s13] =	ssyncadd.s32 $0xFFFFF800  }
0x22f: {  	[spmem:s2] =	stream.indirect.scatter.add.f32 [tilespmem:s21], [sflag:$0x2], $0x10, s26, s16, $0xb8;
	[tilespmem:$0x1D680] =	vst v63  }
0x230: {  	s21 =	sadd.s32 $0x4080, s1  }
0x231: {  	[spmem:s2] =	stream.indirect.scatter.add.f32 [tilespmem:s30], [sflag:$0x2], $0x10, s21, s16, $0xb8;
	[tilespmem:$0x1D680] =	vst v63  }
0x232: {  	s21 =	sadd.s32 $0x4100, s1  }
0x233: {  	[spmem:s2] =	stream.indirect.scatter.add.f32 [tilespmem:s25], [sflag:$0x2], $0x10, s21, s16, $0xb8;
	[tilespmem:$0x1D680] =	vst v63  }
0x234: {  	s21 =	sadd.s32 $0x4180, s1  }
0x235: {  	[spmem:s2] =	stream.indirect.scatter.add.f32 [tilespmem:s4], [sflag:$0x2], $0x10, s21, s16, $0xb8;
	[tilespmem:$0x1D680] =	vst v63  }
0x236: {  	s4 =	sadd.s32 $0x4200, s1  }
0x237: {  	[spmem:s2] =	stream.indirect.scatter.add.f32 [tilespmem:s12], [sflag:$0x2], $0x10, s4, s16, $0xb8;
	[tilespmem:$0x1D680] =	vst v63  }
0x238: {  	s4 =	sadd.s32 $0x4280, s1  }
0x239: {  	[spmem:s2] =	stream.indirect.scatter.add.f32 [tilespmem:s5], [sflag:$0x2], $0x10, s4, s16, $0xb8;
	[tilespmem:$0x1D680] =	vst v63  }
0x23a: {  	s4 =	sadd.s32 $0x4300, s1  }
0x23b: {  	[spmem:s2] =	stream.indirect.scatter.add.f32 [tilespmem:s17], [sflag:$0x2], $0x10, s4, s16, $0xb8;
	[tilespmem:$0x1D680] =	vst v63  }
0x23c: {  	s4 =	sadd.s32 $0x4380, s1  }
0x23d: {  	[spmem:s2] =	stream.indirect.scatter.add.f32 [tilespmem:s6], [sflag:$0x2], $0x10, s4, s16, $0xb8;
	[tilespmem:$0x1D680] =	vst v63  }
0x23e: {  	s4 =	sadd.s32 $0x4400, s1  }
0x23f: {  	[spmem:s2] =	stream.indirect.scatter.add.f32 [tilespmem:s18], [sflag:$0x2], $0x10, s4, s16, $0xb8;
	[tilespmem:$0x1D680] =	vst v63  }
0x240: {  	s4 =	sadd.s32 $0x4480, s1  }
0x241: {  	[spmem:s2] =	stream.indirect.scatter.add.f32 [tilespmem:s20], [sflag:$0x2], $0x10, s4, s16, $0xb8;
	[tilespmem:$0x1D680] =	vst v63  }
0x242: {  	s4 =	sadd.s32 $0x4500, s1  }
0x243: {  	[spmem:s2] =	stream.indirect.scatter.add.f32 [tilespmem:s8], [sflag:$0x2], $0x10, s4, s16, $0xb8;
	[tilespmem:$0x1D680] =	vst v63  }
0x244: {  	s4 =	sadd.s32 $0x4580, s1  }
0x245: {  	[spmem:s2] =	stream.indirect.scatter.add.f32 [tilespmem:s22], [sflag:$0x2], $0x10, s4, s16, $0xb8;
	[tilespmem:$0x1D680] =	vst v63  }
0x246: {  	s4 =	sadd.s32 $0x4600, s1  }
0x247: {  	[spmem:s2] =	stream.indirect.scatter.add.f32 [tilespmem:s9], [sflag:$0x2], $0x10, s4, s16, $0xb8;
	[tilespmem:$0x1D680] =	vst v63  }
.Ltmp1:
0x248: {  	s4 =	sadd.s32 $0x4680, s1;
	(pc) =	sbr.rel @p0 .LBB2_4-.Ltmp1, $4  }
0x249: {  	[spmem:s2] =	stream.indirect.scatter.add.f32 [tilespmem:s10], [sflag:$0x2], $0x10, s4, s16, $0xb8;
	[tilespmem:$0x1D680] =	vst v63  }
0x24a: {  	s4 =	sadd.s32 $0x4700, s1  }
0x24b: {  	[spmem:s2] =	stream.indirect.scatter.add.f32 [tilespmem:s24], [sflag:$0x2], $0x10, s4, s16, $0xb8;
	[tilespmem:$0x1D680] =	vst v63  }
0x24c: {  	s23 =	sadd.s32 $0x8000, s23;
	s1 =	sadd.s32 $0x4780, s1  }
0x24d: {  	[spmem:s2] =	stream.indirect.scatter.add.f32 [tilespmem:s28], [sflag:$0x2], $0x10, s1, s16, $0xb8;
	[tilespmem:$0x1D680] =	vst v63  }
0x24e: {  	_ =	swait.ge [sflag:s31], $0x800  }
0x24f: {  	[sflag:s31] =	ssyncset.done $0x0  }
0x250: {  	[sflag:s31] =	ssyncadd.s32 $0xFFFFF800  }
0x251: {  	_ =	swait.ge [sflag:s31], $0x800  }
0x252: {  	[sflag:s31] =	ssyncset.done $0x0  }
0x253: {  	[sflag:s31] =	ssyncadd.s32 $0xFFFFF800  }
0x254: {  	_ =	swait.ge [sflag:s31], $0x800  }
0x255: {  	[sflag:s31] =	ssyncset.done $0x0  }
0x256: {  	[sflag:s31] =	ssyncadd.s32 $0xFFFFF800  }
0x257: {  	_ =	swait.ge [sflag:s31], $0x800  }
0x258: {  	[sflag:s31] =	ssyncset.done $0x0  }
0x259: {  	[sflag:s31] =	ssyncadd.s32 $0xFFFFF800  }
0x25a: {  	_ =	swait.ge [sflag:s31], $0x800  }
0x25b: {  	[sflag:s31] =	ssyncset.done $0x0  }
0x25c: {  	[sflag:s31] =	ssyncadd.s32 $0xFFFFF800  }
0x25d: {  	_ =	swait.ge [sflag:s31], $0x800  }
0x25e: {  	[sflag:s31] =	ssyncset.done $0x0  }
0x25f: {  	[sflag:s31] =	ssyncadd.s32 $0xFFFFF800  }
0x260: {  	_ =	swait.ge [sflag:s31], $0x800  }
0x261: {  	[sflag:s31] =	ssyncset.done $0x0  }
0x262: {  	[sflag:s31] =	ssyncadd.s32 $0xFFFFF800  }
0x263: {  	_ =	swait.ge [sflag:s31], $0x800  }
0x264: {  	[sflag:s31] =	ssyncset.done $0x0  }
0x265: {  	[sflag:s31] =	ssyncadd.s32 $0xFFFFF800  }
0x266: {  	_ =	swait.ge [sflag:s31], $0x800  }
0x267: {  	[sflag:s31] =	ssyncset.done $0x0  }
0x268: {  	[sflag:s31] =	ssyncadd.s32 $0xFFFFF800  }
0x269: {  	_ =	swait.ge [sflag:s31], $0x800  }
0x26a: {  	[sflag:s31] =	ssyncset.done $0x0  }
0x26b: {  	[sflag:s31] =	ssyncadd.s32 $0xFFFFF800  }
0x26c: {  	_ =	swait.ge [sflag:s31], $0x800  }
0x26d: {  	[sflag:s31] =	ssyncset.done $0x0  }
0x26e: {  	[sflag:s31] =	ssyncadd.s32 $0xFFFFF800  }
0x26f: {  	_ =	swait.ge [sflag:s31], $0x800  }
0x270: {  	[sflag:s31] =	ssyncset.done $0x0  }
0x271: {  	[sflag:s31] =	ssyncadd.s32 $0xFFFFF800  }
0x272: {  	_ =	swait.ge [sflag:s31], $0x800  }
0x273: {  	[sflag:s31] =	ssyncset.done $0x0  }
0x274: {  	[sflag:s31] =	ssyncadd.s32 $0xFFFFF800  }
0x275: {  	_ =	swait.ge [sflag:s31], $0x800  }
0x276: {  	[sflag:s31] =	ssyncset.done $0x0  }
0x277: {  	[sflag:s31] =	ssyncadd.s32 $0xFFFFF800  }
0x278: {  	_ =	swait.ge [sflag:s31], $0x800  }
0x279: {  	[sflag:s31] =	ssyncset.done $0x0  }
0x27a: {  	[sflag:s31] =	ssyncadd.s32 $0xFFFFF800  }
0x27b: {  	_ =	swait.ge [sflag:s31], $0x800  }
0x27c: {  	[sflag:s31] =	ssyncset.done $0x0  }
0x27d: {  	[sflag:s31] =	ssyncadd.s32 $0xFFFFF800  }
0x27e: {  	_ =	swait.ge [sflag:s31], $0x800  }
0x27f: {  	[sflag:s31] =	ssyncset.done $0x0  }
0x280: {  	[sflag:s31] =	ssyncadd.s32 $0xFFFFF800  }
0x281: {  	_ =	swait.ge [sflag:s31], $0x800  }
0x282: {  	[sflag:s31] =	ssyncset.done $0x0  }
0x283: {  	[sflag:s31] =	ssyncadd.s32 $0xFFFFF800  }
0x284: {  	_ =	swait.ge [sflag:s31], $0x800  }
0x285: {  	[sflag:s31] =	ssyncset.done $0x0  }
0x286: {  	[sflag:s31] =	ssyncadd.s32 $0xFFFFF800  }
0x287: {  	_ =	swait.ge [sflag:s31], $0x800  }
0x288: {  	[sflag:s31] =	ssyncset.done $0x0  }
0x289: {  	[sflag:s31] =	ssyncadd.s32 $0xFFFFF800  }
0x28a: {  	_ =	swait.ge [sflag:s31], $0x800  }
0x28b: {  	[sflag:s31] =	ssyncset.done $0x0  }
0x28c: {  	[sflag:s31] =	ssyncadd.s32 $0xFFFFF800  }
0x28d: {  	_ =	swait.ge [sflag:s31], $0x800  }
0x28e: {  	[sflag:s31] =	ssyncset.done $0x0  }
0x28f: {  	[sflag:s31] =	ssyncadd.s32 $0xFFFFF800  }
0x290: {  	_ =	swait.ge [sflag:s31], $0x800  }
0x291: {  	[sflag:s31] =	ssyncset.done $0x0  }
0x292: {  	[sflag:s31] =	ssyncadd.s32 $0xFFFFF800  }
0x293: {  	_ =	swait.ge [sflag:s31], $0x800  }
0x294: {  	[sflag:s31] =	ssyncset.done $0x0  }
0x295: {  	[sflag:s31] =	ssyncadd.s32 $0xFFFFF800  }
0x296: {  	_ =	swait.ge [sflag:s31], $0x800  }
0x297: {  	[sflag:s31] =	ssyncset.done $0x0  }
0x298: {  	[sflag:s31] =	ssyncadd.s32 $0xFFFFF800  }
0x299: {  	_ =	swait.ge [sflag:s31], $0x800  }
0x29a: {  	[sflag:s31] =	ssyncset.done $0x0  }
0x29b: {  	[sflag:s31] =	ssyncadd.s32 $0xFFFFF800  }
0x29c: {  	_ =	swait.ge [sflag:s31], $0x800  }
0x29d: {  	[sflag:s31] =	ssyncset.done $0x0  }
0x29e: {  	[sflag:s31] =	ssyncadd.s32 $0xFFFFF800  }
0x29f: {  	_ =	swait.ge [sflag:s31], $0x800  }
0x2a0: {  	[sflag:s31] =	ssyncset.done $0x0  }
0x2a1: {  	[sflag:s31] =	ssyncadd.s32 $0xFFFFF800  }
0x2a2: {  	_ =	swait.ge [sflag:s31], $0x800  }
0x2a3: {  	[sflag:s31] =	ssyncset.done $0x0  }
0x2a4: {  	[sflag:s31] =	ssyncadd.s32 $0xFFFFF800  }
0x2a5: {  	_ =	swait.ge [sflag:s31], $0x800  }
0x2a6: {  	[sflag:s31] =	ssyncset.done $0x0  }
0x2a7: {  	[sflag:s31] =	ssyncadd.s32 $0xFFFFF800  }
0x2a8: {  	_ =	swait.ge [sflag:s31], $0x800  }
0x2a9: {  	[sflag:s31] =	ssyncset.done $0x0  }
0x2aa: {  	[sflag:s31] =	ssyncadd.s32 $0xFFFFF800  }
0x2ab: {  	_ =	swait.ge [sflag:s31], $0x800  }
0x2ac: {  	[sflag:s31] =	ssyncset.done $0x0  }
0x2ad: {  	[sflag:s31] =	ssyncadd.s32 $0xFFFFF800  }
0x2ae: {  	[bflag:$0x0] =	sbarrier.arrive $0xFFFF  }
0x2af: {  	s28 =	sshrl.u32 s7, $0x3;
	s4 =	rddreg [dreg:$0x8]  }
0x2b0: {  	[hbm:s4], [sflag:s14] =	dma.local [spmem:s28], $0x4F0  }
0x2b1: {  	_ =	swait.ge [sflag:s11], $0x4F0  }
0x2b2: {  	s0 =	sadd.s32 $0x1, s0;
	s30 =	rddreg [dreg:$0x9]  }
0x2b3: {  	p0 =	sne.s32 s0, s30  }
.Ltmp2:
0x2b4: {  	_ = 	snop;
	(pc) =	sbr.rel @p0 .LBB2_1-.Ltmp2, $3  }
0x2b5: {  	_ =	sdelay $0x1  }
0x2b6: {  	[sflag:s11] =	ssyncset.done $0x0  }
0x2b7: {  	s5 =	simm.s32 $0x3000;
	[sflag:s11] =	ssyncadd.s32 $0xFFFFFB10  }
0x2b8: {  	_ =	sfence.sel $0x180000  }
0x2b9: {  	[bflag:$0x0] =	sbarrier.arrive $0xFFFF  }
0x2ba: {  	_ =	strace $0x9000004A  }
0x2bb: {  	s0 =	stileid.u32;
	[bflag:$0x2] =	sbarrier.arrive $0xFFFF  }
0x2bc: {  	p0 =	sne.s32 s0, $0x0;
	s0 =	rddreg [dreg:$0x4]  }
0x2bd: {  	s0 =	sadd.s32 @!p0 $0x100000, s0  }
0x2be: {  	[sflag:s0] =	ssyncadd.tile.s32 @!p0 $0x1;
	_ =	shalt  }
.Lfunc_end2:
_tile_overlayer_lowered:
.L_overlay_start_2:
0x2bf: {  	(tag) =	ssettag $0x2  }
0x2c0: {  	s0 =	rddreg [dreg:$0x0];
	s2 =	stileid.u32  }
0x2c1: {  	s1 =	rddreg [dreg:$0x1];
	p0 =	sne.s32 s2, $0x0  }
0x2c2: {  	s3 =	rddreg [dreg:$0x2];
	[bflag:$0x3] =	sbarrier.arrive $0xFFFF;
	s2 =	simm.s32 @!p0 $0x1C03  }
0x2c3: {  	[timem:s3], [sflag:s2] =	dma.local @!p0 [hbm:s0], s1  }
0x2c4: {  	s0 =	simm.s32 @!p0 $0x3  }
0x2c5: {  	_ =	swait.ge @!p0 [sflag:s0], s1  }
0x2c6: {  	s1 =	ssub.s32 @!p0 $0x0, s1;
	[sflag:s0] =	ssyncset.done @!p0 $0x0  }
0x2c7: {  	[sflag:s0] =	ssyncadd.s32 @!p0 s1  }
0x2c8: {  	[bflag:$0x3] =	sbarrier.arrive $0xFFFF  }
0x2c9: {  	_ =	shalt  }

</sc_bundles>
